<compile_context>
chip_gen: v7x
topology: tpu7x:2x2x1
jax: 0.10.2.dev20260603
libtpu: 0.0.44.dev20260713+nightly
codegen_flags: <defaults>
</compile_context>

<pallas_src>
import functools

import jax
import jax.numpy as jnp
from jax import lax
from jax.experimental import pallas as pl
from jax.experimental.pallas import tpu as pltpu
from jax.experimental.pallas import tpu_sc as plsc

_VOCAB = 1000000
_D = 64
_B = 16384
_K = 20
_NC = 2
_NS = 16
_NW = _NC * _NS
_BPW = _B // _NW
_CH = 32
_NR = _BPW // _CH
_NCHUNK = _NW * _NR
_NEG_CH = _CH * _K
_NIDX_ROWS = _NEG_CH // 128
_POS_ROWS = _B * 16 // 128
_NEG_ROWS = _B * _K * 16 // 128


def _sc_scores(cc, negio, ine2, oute2):
    mesh = plsc.VectorSubcoreMesh(core_axis_name="c", subcore_axis_name="s")

    @functools.partial(
        pl.kernel,
        mesh=mesh,
        out_type=[
            jax.ShapeDtypeStruct((_POS_ROWS, 128), jnp.float32),
            jax.ShapeDtypeStruct((_NEG_ROWS, 128), jnp.float32),
        ],
        scratch_types=[
            pltpu.VMEM((_NR * 128,), jnp.int32),
            pltpu.VMEM((2 * 2 * _NEG_CH + 16,), jnp.int32),
            pltpu.VMEM((_CH, 128), jnp.float32),
            pltpu.VMEM((_CH, 128), jnp.float32),
            pltpu.VMEM((_NEG_CH, 128), jnp.float32),
            pltpu.VMEM((_BPW // 8, 128), jnp.float32),
            pltpu.VMEM((2 * (_NEG_CH // 8), 128), jnp.float32),
            pltpu.SemaphoreType.DMA,
            pltpu.SemaphoreType.DMA,
            pltpu.SemaphoreType.DMA,
        ],
    )
    def k(cc_hbm, neg_hbm, ine_hbm, oute_hbm,
          pos_out, neg_out,
          cc_i, neg_i, cen_r, ctx_r, neg_r, pos_p, neg_p, sem, sem2, sem3):
        wid = lax.axis_index("s") * _NC + lax.axis_index("c")
        pltpu.sync_copy(cc_hbm.at[wid, 0], cc_i)
        pltpu.sync_copy(neg_hbm.at[wid * _NR, 0],
                        neg_i.at[pl.ds(0, 2 * _NEG_CH)])

        def round_body(r, carry):
            c = wid * _NR + r
            cbase = r * 128
            nbase = pl.multiple_of((r % 2) * (2 * _NEG_CH), 128)
            pbase = pl.multiple_of(((r + 1) % 2) * (2 * _NEG_CH), 128)

            @pl.when(r + 1 < _NR)
            def _():
                pltpu.async_copy(neg_hbm.at[c + 1, 0],
                                 neg_i.at[pl.ds(pbase, 2 * _NEG_CH)], sem2)

            cp1 = pltpu.async_copy(
                ine_hbm.at[cc_i.at[pl.ds(cbase, 32)]], cen_r, sem)
            cp2 = pltpu.async_copy(
                oute_hbm.at[cc_i.at[pl.ds(cbase + 64, 32)]], ctx_r, sem)
            cps = [
                pltpu.async_copy(
                    oute_hbm.at[neg_i.at[pl.ds(nbase + j * 128, 128)]],
                    neg_r.at[pl.ds(j * 128, 128)], sem)
                for j in range(_NIDX_ROWS)
            ]
            cp1.wait()
            cp2.wait()
            for cp in cps[:3]:
                cp.wait()

            nboff = pl.multiple_of((r % 2) * (_NEG_CH // 8), 8)

            @pl.when(r >= 2)
            def _():
                pltpu.make_async_copy(
                    neg_p.at[pl.ds(nboff, _NEG_CH // 8)],
                    neg_out.at[pl.ds(0, _NEG_CH // 8)], sem3).wait()

            def b_body(b, carry2):
                oc = cc_i[pl.ds(cbase + 32 + b, 16)][0]
                ox = cc_i[pl.ds(cbase + 96 + b, 16)][0]
                c0 = cen_r[b, pl.ds(oc, 16)]
                c1 = cen_r[b, pl.ds(oc + 16, 16)]
                c2 = cen_r[b, pl.ds(oc + 32, 16)]
                c3 = cen_r[b, pl.ds(oc + 48, 16)]
                x0 = ctx_r[b, pl.ds(ox, 16)]
                x1 = ctx_r[b, pl.ds(ox + 16, 16)]
                x2 = ctx_r[b, pl.ds(ox + 32, 16)]
                x3 = ctx_r[b, pl.ds(ox + 48, 16)]
                m = r * _CH + b
                pos_p[m // 8, pl.ds((m % 8) * 16, 16)] = (
                    c0 * x0 + c1 * x1 + c2 * x2 + c3 * x3)
                nb = b * _K
                for kk in range(_K):
                    n = nb + kk
                    on = neg_i[pl.ds(nbase + _NEG_CH + n, 16)][0]
                    n0 = neg_r[n, pl.ds(on, 16)]
                    n1 = neg_r[n, pl.ds(on + 16, 16)]
                    n2 = neg_r[n, pl.ds(on + 32, 16)]
                    n3 = neg_r[n, pl.ds(on + 48, 16)]
                    neg_p[nboff + n // 8, pl.ds((n % 8) * 16, 16)] = (
                        c0 * n0 + c1 * n1 + c2 * n2 + c3 * n3)
                return carry2

            lax.fori_loop(0, 19, b_body, 0)
            for cp in cps[3:]:
                cp.wait()
            lax.fori_loop(19, _CH, b_body, 0)
            pltpu.async_copy(
                neg_p.at[pl.ds(nboff, _NEG_CH // 8)],
                neg_out.at[pl.ds(c * (_NEG_CH // 8), _NEG_CH // 8)], sem3)

            @pl.when(r + 1 < _NR)
            def _():
                pltpu.make_async_copy(
                    neg_hbm.at[c + 1, 0],
                    neg_i.at[pl.ds(pbase, 2 * _NEG_CH)], sem2).wait()

            return carry

        lax.fori_loop(0, _NR, round_body, 0)
        for _i in range(2):
            pltpu.make_async_copy(
                neg_p.at[pl.ds(0, _NEG_CH // 8)],
                neg_out.at[pl.ds(0, _NEG_CH // 8)], sem3).wait()
        cpp = pltpu.async_copy(
            pos_p, pos_out.at[pl.ds(wid * (_BPW // 8), _BPW // 8)], sem)
        cpp.wait()

    return k(cc, negio, ine2, oute2)


def _tc_loss(pos_p, neg_p):
    grid = 16
    pos_blk = _POS_ROWS // grid
    neg_blk = _NEG_ROWS // grid

    def body(p_ref, n_ref, o_ref):
        sel = (jax.lax.broadcasted_iota(jnp.int32, (128, 8), 0) // 16
               == jax.lax.broadcasted_iota(jnp.int32, (128, 8), 1)
               ).astype(jnp.float32)
        ps = jnp.dot(p_ref[...], sel, preferred_element_type=jnp.float32)
        ns = jnp.dot(n_ref[...], sel, preferred_element_type=jnp.float32)
        lsp = jnp.minimum(ps, 0.0) - jnp.log1p(jnp.exp(-jnp.abs(ps)))
        lsn = jnp.minimum(-ns, 0.0) - jnp.log1p(jnp.exp(-jnp.abs(ns)))
        partial = jnp.sum(lsp) + jnp.sum(lsn)

        @pl.when(pl.program_id(0) == 0)
        def _():
            o_ref[...] = jnp.zeros((1, 1), jnp.float32)

        o_ref[...] += jnp.reshape(-partial / _B, (1, 1))

    out = pl.pallas_call(
        body,
        grid=(grid,),
        in_specs=[
            pl.BlockSpec((pos_blk, 128), lambda i: (i, 0)),
            pl.BlockSpec((neg_blk, 128), lambda i: (i, 0)),
        ],
        out_specs=pl.BlockSpec((1, 1), lambda i: (0, 0)),
        out_shape=jax.ShapeDtypeStruct((1, 1), jnp.float32),
    )(pos_p, neg_p)
    return out[0, 0]


def kernel(centers, contexts, negatives, in_embed, out_embed):
    cen = centers.astype(jnp.int32)
    ctx = contexts.astype(jnp.int32)
    neg = negatives.astype(jnp.int32).reshape(_B * _K)
    cc = jnp.concatenate(
        [(cen >> 1).reshape(_NCHUNK, _CH),
         ((cen & 1) * _D).reshape(_NCHUNK, _CH),
         (ctx >> 1).reshape(_NCHUNK, _CH),
         ((ctx & 1) * _D).reshape(_NCHUNK, _CH)],
        axis=1).reshape(_NW, 1, _NR * 128)
    negio = jnp.concatenate(
        [(neg >> 1).reshape(_NCHUNK, _NEG_CH),
         ((neg & 1) * _D).reshape(_NCHUNK, _NEG_CH)],
        axis=1).reshape(_NCHUNK, 1, 2 * _NEG_CH)
    ine2 = in_embed.reshape(_VOCAB // 2, 128)
    oute2 = out_embed.reshape(_VOCAB // 2, 128)
    pos_p, neg_p = _sc_scores(cc, negio, ine2, oute2)
    return _tc_loss(pos_p, neg_p)

# --- scband reference (transcript-rebuilt; emitter-appended) ---
"""Pipeline reference for scband-skip-gram-model-28544352649788 (READ-ONLY COPY).

The authoritative reference and input builder live on the scoring server;
editing this copy changes nothing except your own understanding.
"""

import jax, jax.numpy as jnp
import numpy as np

VOCAB_SIZE = 1000000
EMBED_DIM = 64
BATCH = 16384
N_NEG = 20


def setup_inputs(seed: int = 0) -> dict:
    key = jax.random.key(seed)
    k1, k2, k3, k4, k5 = jax.random.split(key, 5)
    centers = jax.random.randint(k1, (BATCH,), 0, VOCAB_SIZE, dtype=jnp.int32).astype(jnp.int64)
    contexts = jax.random.randint(k2, (BATCH,), 0, VOCAB_SIZE, dtype=jnp.int32).astype(jnp.int64)
    negatives = jax.random.randint(k3, (BATCH, N_NEG), 0, VOCAB_SIZE, dtype=jnp.int32).astype(jnp.int64)
    bound = 0.5 / EMBED_DIM
    in_embed = jax.random.uniform(k4, (VOCAB_SIZE, EMBED_DIM), dtype=jnp.float32, minval=-bound, maxval=bound)
    out_embed = jax.random.uniform(k5, (VOCAB_SIZE, EMBED_DIM), dtype=jnp.float32, minval=-bound, maxval=bound)
    return {"centers": centers, "contexts": contexts, "negatives": negatives, "in_embed": in_embed, "out_embed": out_embed}


def reference(centers, contexts, negatives, in_embed, out_embed):
    # Embedding lookups (gather)
    center_emb = jnp.take(in_embed, centers, axis=0)        # [B, D]
    context_emb = jnp.take(out_embed, contexts, axis=0)     # [B, D]
    negative_emb = jnp.take(out_embed, negatives, axis=0)   # [B, K, D]
    # Positive score: dot(center, context)
    pos_score = jnp.sum(center_emb * context_emb, axis=1)   # [B]
    pos_loss = jax.nn.log_sigmoid(pos_score)                # [B]
    # Negative scores: bmm(negative_emb, center_emb.unsqueeze(2)).squeeze(2)
    neg_score = jnp.einsum('bkd,bd->bk', negative_emb, center_emb)  # [B, K]
    neg_loss = jnp.sum(jax.nn.log_sigmoid(-neg_score), axis=1)       # [B]
    return -jnp.mean(pos_loss + neg_loss)

if __name__ == "__main__":
    import jax
    _d = setup_inputs()
    print(jax.jit(kernel)(*tuple(_d.values())))

</pallas_src>

<mosaic_0001>
#map = affine_map<(d0, d1) -> (0, 0, 0)>
#map1 = affine_map<(d0, d1) -> (0, 0)>
module attributes {stable_mosaic.version = 14 : i64} {
  func.func @k(%arg0: i32, %arg1: i32, %arg2: memref<32x1x2048xi32, #tpu.memory_space<hbm>>, %arg3: memref<512x1x1280xi32, #tpu.memory_space<hbm>>, %arg4: memref<500000x128xf32, #tpu.memory_space<hbm>>, %arg5: memref<500000x128xf32, #tpu.memory_space<hbm>>, %arg6: memref<2048x128xf32, #tpu.memory_space<hbm>>, %arg7: memref<40960x128xf32, #tpu.memory_space<hbm>>, %arg8: memref<2048xi32, #tpu.memory_space<vmem>>, %arg9: memref<2576xi32, #tpu.memory_space<vmem>>, %arg10: memref<32x128xf32, #tpu.memory_space<vmem>>, %arg11: memref<32x128xf32, #tpu.memory_space<vmem>>, %arg12: memref<640x128xf32, #tpu.memory_space<vmem>>, %arg13: memref<64x128xf32, #tpu.memory_space<vmem>>, %arg14: memref<160x128xf32, #tpu.memory_space<vmem>>, %arg15: memref<!tpu.dma_semaphore, #tpu.memory_space<semaphore_mem>>, %arg16: memref<!tpu.dma_semaphore, #tpu.memory_space<semaphore_mem>>, %arg17: memref<!tpu.dma_semaphore, #tpu.memory_space<semaphore_mem>>) attributes {dimension_semantics = [#tpu.dimension_semantics<core_parallel>, #tpu.dimension_semantics<subcore_parallel>], iteration_bounds = array<i64: 2, 16>, scalar_prefetch = 0 : i64, scratch_operands = 10 : i64, tpu.core_type = #tpu.core_type<sc_vector_subcore>, window_params = [{transform_indices = #map}, {transform_indices = #map}, {transform_indices = #map1}, {transform_indices = #map1}, {transform_indices = #map1}, {transform_indices = #map1}]} {
    %mul3A = arith.constant 2 : i32
    %mul3A_0 = arith.muli %arg1, %mul3A : i32
    %add3A = arith.addi %mul3A_0, %arg0 : i32
    %run_scoped3A = arith.constant 0 : i32
    "tpu.region"() ({
      %run_scoped3A_41 = tpu.sem_alloc : memref<!tpu.dma_semaphore, #tpu.memory_space<semaphore_mem>>
      %dma_start3A_42 = arith.constant 0 : i32
      %dma_start3A_43 = tpu.memref_slice %arg2[%add3A, %run_scoped3A, %dma_start3A_42] : memref<32x1x2048xi32, #tpu.memory_space<hbm>> -> memref<1x1x2048xi32, #tpu.memory_space<hbm>>
      %dma_start3A_44 = tpu.memref_squeeze %dma_start3A_43 : memref<1x1x2048xi32, #tpu.memory_space<hbm>> -> memref<2048xi32, #tpu.memory_space<hbm>>
      %dma_start3A_45 = arith.constant 0 : i32
      %dma_start3A_46 = tpu.memref_slice %arg2[%add3A, %run_scoped3A, %dma_start3A_45] : memref<32x1x2048xi32, #tpu.memory_space<hbm>> -> memref<1x1x2048xi32, #tpu.memory_space<hbm>>
      %dma_start3A_47 = tpu.memref_squeeze %dma_start3A_46 : memref<1x1x2048xi32, #tpu.memory_space<hbm>> -> memref<2048xi32, #tpu.memory_space<hbm>>
      tpu.enqueue_dma source(%dma_start3A_47 : memref<2048xi32, #tpu.memory_space<hbm>>) target(%arg8 : memref<2048xi32, #tpu.memory_space<vmem>>) target_semaphore(%run_scoped3A_41 : memref<!tpu.dma_semaphore, #tpu.memory_space<semaphore_mem>>)
      %dma_wait3A_48 = arith.constant 0 : i32
      %dma_wait3A_49 = tpu.memref_slice %arg2[%add3A, %run_scoped3A, %dma_wait3A_48] : memref<32x1x2048xi32, #tpu.memory_space<hbm>> -> memref<1x1x2048xi32, #tpu.memory_space<hbm>>
      %dma_wait3A_50 = tpu.memref_squeeze %dma_wait3A_49 : memref<1x1x2048xi32, #tpu.memory_space<hbm>> -> memref<2048xi32, #tpu.memory_space<hbm>>
      %dma_wait3A_51 = arith.constant 0 : i32
      %dma_wait3A_52 = tpu.memref_slice %arg2[%add3A, %run_scoped3A, %dma_wait3A_51] : memref<32x1x2048xi32, #tpu.memory_space<hbm>> -> memref<1x1x2048xi32, #tpu.memory_space<hbm>>
      %dma_wait3A_53 = tpu.memref_squeeze %dma_wait3A_52 : memref<1x1x2048xi32, #tpu.memory_space<hbm>> -> memref<2048xi32, #tpu.memory_space<hbm>>
      tpu.wait_dma2 semaphore(%run_scoped3A_41 : memref<!tpu.dma_semaphore, #tpu.memory_space<semaphore_mem>>) src(%dma_wait3A_53 : memref<2048xi32, #tpu.memory_space<hbm>>) dst(%arg8 : memref<2048xi32, #tpu.memory_space<vmem>>)
      tpu.yield
    }) : () -> ()
    %mul3A_1 = arith.constant 16 : i32
    %mul3A_2 = arith.muli %add3A, %mul3A_1 : i32
    %run_scoped3A_3 = arith.constant 0 : i32
    "tpu.region"() ({
      %run_scoped3A_41 = tpu.sem_alloc : memref<!tpu.dma_semaphore, #tpu.memory_space<semaphore_mem>>
      %dma_start3A_42 = arith.constant 0 : i32
      %dma_start3A_43 = tpu.memref_slice %arg9[%dma_start3A_42] : memref<2576xi32, #tpu.memory_space<vmem>> -> memref<1280xi32, #tpu.memory_space<vmem>>
      %dma_start3A_44 = arith.constant 0 : i32
      %dma_start3A_45 = tpu.memref_slice %arg3[%mul3A_2, %run_scoped3A_3, %dma_start3A_44] : memref<512x1x1280xi32, #tpu.memory_space<hbm>> -> memref<1x1x1280xi32, #tpu.memory_space<hbm>>
      %dma_start3A_46 = tpu.memref_squeeze %dma_start3A_45 : memref<1x1x1280xi32, #tpu.memory_space<hbm>> -> memref<1280xi32, #tpu.memory_space<hbm>>
      %dma_start3A_47 = arith.constant 0 : i32
      %dma_start3A_48 = tpu.memref_slice %arg9[%dma_start3A_47] : memref<2576xi32, #tpu.memory_space<vmem>> -> memref<1280xi32, #tpu.memory_space<vmem>>
      %dma_start3A_49 = arith.constant 0 : i32
      %dma_start3A_50 = tpu.memref_slice %arg3[%mul3A_2, %run_scoped3A_3, %dma_start3A_49] : memref<512x1x1280xi32, #tpu.memory_space<hbm>> -> memref<1x1x1280xi32, #tpu.memory_space<hbm>>
      %dma_start3A_51 = tpu.memref_squeeze %dma_start3A_50 : memref<1x1x1280xi32, #tpu.memory_space<hbm>> -> memref<1280xi32, #tpu.memory_space<hbm>>
      tpu.enqueue_dma source(%dma_start3A_51 : memref<1280xi32, #tpu.memory_space<hbm>>) target(%dma_start3A_48 : memref<1280xi32, #tpu.memory_space<vmem>>) target_semaphore(%run_scoped3A_41 : memref<!tpu.dma_semaphore, #tpu.memory_space<semaphore_mem>>)
      %dma_wait3A_52 = arith.constant 0 : i32
      %dma_wait3A_53 = tpu.memref_slice %arg9[%dma_wait3A_52] : memref<2576xi32, #tpu.memory_space<vmem>> -> memref<1280xi32, #tpu.memory_space<vmem>>
      %dma_wait3A_54 = arith.constant 0 : i32
      %dma_wait3A_55 = tpu.memref_slice %arg3[%mul3A_2, %run_scoped3A_3, %dma_wait3A_54] : memref<512x1x1280xi32, #tpu.memory_space<hbm>> -> memref<1x1x1280xi32, #tpu.memory_space<hbm>>
      %dma_wait3A_56 = tpu.memref_squeeze %dma_wait3A_55 : memref<1x1x1280xi32, #tpu.memory_space<hbm>> -> memref<1280xi32, #tpu.memory_space<hbm>>
      %dma_wait3A_57 = arith.constant 0 : i32
      %dma_wait3A_58 = tpu.memref_slice %arg9[%dma_wait3A_57] : memref<2576xi32, #tpu.memory_space<vmem>> -> memref<1280xi32, #tpu.memory_space<vmem>>
      %dma_wait3A_59 = arith.constant 0 : i32
      %dma_wait3A_60 = tpu.memref_slice %arg3[%mul3A_2, %run_scoped3A_3, %dma_wait3A_59] : memref<512x1x1280xi32, #tpu.memory_space<hbm>> -> memref<1x1x1280xi32, #tpu.memory_space<hbm>>
      %dma_wait3A_61 = tpu.memref_squeeze %dma_wait3A_60 : memref<1x1x1280xi32, #tpu.memory_space<hbm>> -> memref<1280xi32, #tpu.memory_space<hbm>>
      tpu.wait_dma2 semaphore(%run_scoped3A_41 : memref<!tpu.dma_semaphore, #tpu.memory_space<semaphore_mem>>) src(%dma_wait3A_61 : memref<1280xi32, #tpu.memory_space<hbm>>) dst(%dma_wait3A_58 : memref<1280xi32, #tpu.memory_space<vmem>>)
      tpu.yield
    }) : () -> ()
    %scan3A = arith.constant 0 : i32
    %scan3A_4 = arith.constant 0 : i32
    %scan3A_5 = arith.constant 16 : i32
    %scan3A_6 = arith.addi %scan3A_4, %scan3A_5 : i32
    %scan3A_7 = arith.constant 1 : i32
    scf.for %scan3A_41 = %scan3A_4 to %scan3A_6 step %scan3A_7  : i32 {
      %mul3A_42 = arith.constant 16 : i32
      %mul3A_43 = arith.muli %add3A, %mul3A_42 : i32
      %add3A_44 = arith.addi %mul3A_43, %scan3A_41 : i32
      %mul3A_45 = arith.constant 128 : i32
      %mul3A_46 = arith.muli %scan3A_41, %mul3A_45 : i32
      %jit3A = arith.constant 2 : i32
      %eq3A = arith.constant 0 : i32
      %eq3A_47 = arith.cmpi eq, %jit3A, %eq3A : i32
      %jit3A_48 = arith.constant 1 : i32
      %select_n3A = arith.select %eq3A_47, %jit3A_48, %jit3A : i32
      %rem3A = arith.remsi %scan3A_41, %select_n3A : i32
      %ne3A = arith.constant 0 : i32
      %ne3A_49 = arith.cmpi ne, %rem3A, %ne3A : i32
      %lt3A = arith.constant 0 : i32
      %lt3A_50 = arith.cmpi slt, %rem3A, %lt3A : i32
      %lt3A_51 = arith.constant 0 : i32
      %lt3A_52 = arith.cmpi slt, %select_n3A, %lt3A_51 : i32
      %ne3A_53 = arith.xori %lt3A_50, %lt3A_52 : i1
      %and3A = arith.andi %ne3A_53, %ne3A_49 : i1
      %add3A_54 = arith.addi %rem3A, %select_n3A : i32
      %select_n3A_55 = arith.select %and3A, %add3A_54, %rem3A : i32
      %mul3A_56 = arith.constant 1280 : i32
      %mul3A_57 = arith.muli %select_n3A_55, %mul3A_56 : i32
      %multiple_of3A = tpu.assume_multiple %mul3A_57, 128 : i32
      %add3A_58 = arith.constant 1 : i32
      %add3A_59 = arith.addi %scan3A_41, %add3A_58 : i32
      %jit3A_60 = arith.constant 2 : i32
      %eq3A_61 = arith.constant 0 : i32
      %eq3A_62 = arith.cmpi eq, %jit3A_60, %eq3A_61 : i32
      %jit3A_63 = arith.constant 1 : i32
      %select_n3A_64 = arith.select %eq3A_62, %jit3A_63, %jit3A_60 : i32
      %rem3A_65 = arith.remsi %add3A_59, %select_n3A_64 : i32
      %ne3A_66 = arith.constant 0 : i32
      %ne3A_67 = arith.cmpi ne, %rem3A_65, %ne3A_66 : i32
      %lt3A_68 = arith.constant 0 : i32
      %lt3A_69 = arith.cmpi slt, %rem3A_65, %lt3A_68 : i32
      %lt3A_70 = arith.constant 0 : i32
      %lt3A_71 = arith.cmpi slt, %select_n3A_64, %lt3A_70 : i32
      %ne3A_72 = arith.xori %lt3A_69, %lt3A_71 : i1
      %and3A_73 = arith.andi %ne3A_72, %ne3A_67 : i1
      %add3A_74 = arith.addi %rem3A_65, %select_n3A_64 : i32
      %select_n3A_75 = arith.select %and3A_73, %add3A_74, %rem3A_65 : i32
      %mul3A_76 = arith.constant 1280 : i32
      %mul3A_77 = arith.muli %select_n3A_75, %mul3A_76 : i32
      %multiple_of3A_78 = tpu.assume_multiple %mul3A_77, 128 : i32
      %add3A_79 = arith.constant 1 : i32
      %add3A_80 = arith.addi %scan3A_41, %add3A_79 : i32
      %lt3A_81 = arith.constant 16 : i32
      %lt3A_82 = arith.cmpi slt, %add3A_80, %lt3A_81 : i32
      %convert_element_type3A = arith.extui %lt3A_82 : i1 to i32
      %cond3A = arith.constant 0 : i32
      %cond3A_83 = arith.cmpi ne, %convert_element_type3A, %cond3A : i32
      scf.if %cond3A_83 {
        %add3A_234 = arith.constant 1 : i32
        %add3A_235 = arith.addi %add3A_44, %add3A_234 : i32
        %dma_start3A_236 = arith.constant 0 : i32
        %dma_start3A_237 = tpu.memref_slice %arg9[%multiple_of3A_78] : memref<2576xi32, #tpu.memory_space<vmem>> -> memref<1280xi32, #tpu.memory_space<vmem>>
        %dma_start3A_238 = arith.constant 0 : i32
        %dma_start3A_239 = tpu.memref_slice %arg3[%add3A_235, %dma_start3A_236, %dma_start3A_238] : memref<512x1x1280xi32, #tpu.memory_space<hbm>> -> memref<1x1x1280xi32, #tpu.memory_space<hbm>>
        %dma_start3A_240 = tpu.memref_squeeze %dma_start3A_239 : memref<1x1x1280xi32, #tpu.memory_space<hbm>> -> memref<1280xi32, #tpu.memory_space<hbm>>
        %dma_start3A_241 = tpu.memref_slice %arg9[%multiple_of3A_78] : memref<2576xi32, #tpu.memory_space<vmem>> -> memref<1280xi32, #tpu.memory_space<vmem>>
        %dma_start3A_242 = arith.constant 0 : i32
        %dma_start3A_243 = tpu.memref_slice %arg3[%add3A_235, %dma_start3A_236, %dma_start3A_242] : memref<512x1x1280xi32, #tpu.memory_space<hbm>> -> memref<1x1x1280xi32, #tpu.memory_space<hbm>>
        %dma_start3A_244 = tpu.memref_squeeze %dma_start3A_243 : memref<1x1x1280xi32, #tpu.memory_space<hbm>> -> memref<1280xi32, #tpu.memory_space<hbm>>
        tpu.enqueue_dma source(%dma_start3A_244 : memref<1280xi32, #tpu.memory_space<hbm>>) target(%dma_start3A_241 : memref<1280xi32, #tpu.memory_space<vmem>>) target_semaphore(%arg16 : memref<!tpu.dma_semaphore, #tpu.memory_space<semaphore_mem>>)
      } else {
      }
      %dma_start3A_84 = tpu.memref_slice %arg8[%mul3A_46] : memref<2048xi32, #tpu.memory_space<vmem>> -> memref<32xi32, #tpu.memory_space<vmem>>
      %dma_start3A_85 = arith.constant 0 : i32
      %dma_start3A_86 = arith.constant 0 : i32
      %dma_start3A_87 = tpu.memref_slice %arg4[%dma_start3A_85, %dma_start3A_86] : memref<500000x128xf32, #tpu.memory_space<hbm>> -> memref<500000x128xf32, #tpu.memory_space<hbm>>
      tpu.enqueue_indirect_dma source(%dma_start3A_87 : memref<500000x128xf32, #tpu.memory_space<hbm>>) target(%arg10 : memref<32x128xf32, #tpu.memory_space<vmem>>) offsets(%dma_start3A_84 : memref<32xi32, #tpu.memory_space<vmem>>) semaphore(%arg15 : memref<!tpu.dma_semaphore, #tpu.memory_space<semaphore_mem>>)
      %add3A_88 = arith.constant 64 : i32
      %add3A_89 = arith.addi %mul3A_46, %add3A_88 : i32
      %dma_start3A_90 = tpu.memref_slice %arg8[%add3A_89] : memref<2048xi32, #tpu.memory_space<vmem>> -> memref<32xi32, #tpu.memory_space<vmem>>
      %dma_start3A_91 = arith.constant 0 : i32
      %dma_start3A_92 = arith.constant 0 : i32
      %dma_start3A_93 = tpu.memref_slice %arg5[%dma_start3A_91, %dma_start3A_92] : memref<500000x128xf32, #tpu.memory_space<hbm>> -> memref<500000x128xf32, #tpu.memory_space<hbm>>
      tpu.enqueue_indirect_dma source(%dma_start3A_93 : memref<500000x128xf32, #tpu.memory_space<hbm>>) target(%arg11 : memref<32x128xf32, #tpu.memory_space<vmem>>) offsets(%dma_start3A_90 : memref<32xi32, #tpu.memory_space<vmem>>) semaphore(%arg15 : memref<!tpu.dma_semaphore, #tpu.memory_space<semaphore_mem>>)
      %add3A_94 = arith.constant 0 : i32
      %add3A_95 = arith.addi %multiple_of3A, %add3A_94 : i32
      %dma_start3A_96 = arith.constant 0 : i32
      %dma_start3A_97 = arith.constant 0 : i32
      %dma_start3A_98 = tpu.memref_slice %arg12[%dma_start3A_96, %dma_start3A_97] : memref<640x128xf32, #tpu.memory_space<vmem>> -> memref<128x128xf32, #tpu.memory_space<vmem>>
      %dma_start3A_99 = tpu.memref_slice %arg9[%add3A_95] : memref<2576xi32, #tpu.memory_space<vmem>> -> memref<128xi32, #tpu.memory_space<vmem>>
      %dma_start3A_100 = arith.constant 0 : i32
      %dma_start3A_101 = arith.constant 0 : i32
      %dma_start3A_102 = tpu.memref_slice %arg5[%dma_start3A_100, %dma_start3A_101] : memref<500000x128xf32, #tpu.memory_space<hbm>> -> memref<500000x128xf32, #tpu.memory_space<hbm>>
      tpu.enqueue_indirect_dma source(%dma_start3A_102 : memref<500000x128xf32, #tpu.memory_space<hbm>>) target(%dma_start3A_98 : memref<128x128xf32, #tpu.memory_space<vmem>>) offsets(%dma_start3A_99 : memref<128xi32, #tpu.memory_space<vmem>>) semaphore(%arg15 : memref<!tpu.dma_semaphore, #tpu.memory_space<semaphore_mem>>)
      %add3A_103 = arith.constant 128 : i32
      %add3A_104 = arith.addi %multiple_of3A, %add3A_103 : i32
      %dma_start3A_105 = arith.constant 128 : i32
      %dma_start3A_106 = arith.constant 0 : i32
      %dma_start3A_107 = tpu.memref_slice %arg12[%dma_start3A_105, %dma_start3A_106] : memref<640x128xf32, #tpu.memory_space<vmem>> -> memref<128x128xf32, #tpu.memory_space<vmem>>
      %dma_start3A_108 = tpu.memref_slice %arg9[%add3A_104] : memref<2576xi32, #tpu.memory_space<vmem>> -> memref<128xi32, #tpu.memory_space<vmem>>
      %dma_start3A_109 = arith.constant 0 : i32
      %dma_start3A_110 = arith.constant 0 : i32
      %dma_start3A_111 = tpu.memref_slice %arg5[%dma_start3A_109, %dma_start3A_110] : memref<500000x128xf32, #tpu.memory_space<hbm>> -> memref<500000x128xf32, #tpu.memory_space<hbm>>
      tpu.enqueue_indirect_dma source(%dma_start3A_111 : memref<500000x128xf32, #tpu.memory_space<hbm>>) target(%dma_start3A_107 : memref<128x128xf32, #tpu.memory_space<vmem>>) offsets(%dma_start3A_108 : memref<128xi32, #tpu.memory_space<vmem>>) semaphore(%arg15 : memref<!tpu.dma_semaphore, #tpu.memory_space<semaphore_mem>>)
      %add3A_112 = arith.constant 256 : i32
      %add3A_113 = arith.addi %multiple_of3A, %add3A_112 : i32
      %dma_start3A_114 = arith.constant 256 : i32
      %dma_start3A_115 = arith.constant 0 : i32
      %dma_start3A_116 = tpu.memref_slice %arg12[%dma_start3A_114, %dma_start3A_115] : memref<640x128xf32, #tpu.memory_space<vmem>> -> memref<128x128xf32, #tpu.memory_space<vmem>>
      %dma_start3A_117 = tpu.memref_slice %arg9[%add3A_113] : memref<2576xi32, #tpu.memory_space<vmem>> -> memref<128xi32, #tpu.memory_space<vmem>>
      %dma_start3A_118 = arith.constant 0 : i32
      %dma_start3A_119 = arith.constant 0 : i32
      %dma_start3A_120 = tpu.memref_slice %arg5[%dma_start3A_118, %dma_start3A_119] : memref<500000x128xf32, #tpu.memory_space<hbm>> -> memref<500000x128xf32, #tpu.memory_space<hbm>>
      tpu.enqueue_indirect_dma source(%dma_start3A_120 : memref<500000x128xf32, #tpu.memory_space<hbm>>) target(%dma_start3A_116 : memref<128x128xf32, #tpu.memory_space<vmem>>) offsets(%dma_start3A_117 : memref<128xi32, #tpu.memory_space<vmem>>) semaphore(%arg15 : memref<!tpu.dma_semaphore, #tpu.memory_space<semaphore_mem>>)
      %add3A_121 = arith.constant 384 : i32
      %add3A_122 = arith.addi %multiple_of3A, %add3A_121 : i32
      %dma_start3A_123 = arith.constant 384 : i32
      %dma_start3A_124 = arith.constant 0 : i32
      %dma_start3A_125 = tpu.memref_slice %arg12[%dma_start3A_123, %dma_start3A_124] : memref<640x128xf32, #tpu.memory_space<vmem>> -> memref<128x128xf32, #tpu.memory_space<vmem>>
      %dma_start3A_126 = tpu.memref_slice %arg9[%add3A_122] : memref<2576xi32, #tpu.memory_space<vmem>> -> memref<128xi32, #tpu.memory_space<vmem>>
      %dma_start3A_127 = arith.constant 0 : i32
      %dma_start3A_128 = arith.constant 0 : i32
      %dma_start3A_129 = tpu.memref_slice %arg5[%dma_start3A_127, %dma_start3A_128] : memref<500000x128xf32, #tpu.memory_space<hbm>> -> memref<500000x128xf32, #tpu.memory_space<hbm>>
      tpu.enqueue_indirect_dma source(%dma_start3A_129 : memref<500000x128xf32, #tpu.memory_space<hbm>>) target(%dma_start3A_125 : memref<128x128xf32, #tpu.memory_space<vmem>>) offsets(%dma_start3A_126 : memref<128xi32, #tpu.memory_space<vmem>>) semaphore(%arg15 : memref<!tpu.dma_semaphore, #tpu.memory_space<semaphore_mem>>)
      %add3A_130 = arith.constant 512 : i32
      %add3A_131 = arith.addi %multiple_of3A, %add3A_130 : i32
      %dma_start3A_132 = arith.constant 512 : i32
      %dma_start3A_133 = arith.constant 0 : i32
      %dma_start3A_134 = tpu.memref_slice %arg12[%dma_start3A_132, %dma_start3A_133] : memref<640x128xf32, #tpu.memory_space<vmem>> -> memref<128x128xf32, #tpu.memory_space<vmem>>
      %dma_start3A_135 = tpu.memref_slice %arg9[%add3A_131] : memref<2576xi32, #tpu.memory_space<vmem>> -> memref<128xi32, #tpu.memory_space<vmem>>
      %dma_start3A_136 = arith.constant 0 : i32
      %dma_start3A_137 = arith.constant 0 : i32
      %dma_start3A_138 = tpu.memref_slice %arg5[%dma_start3A_136, %dma_start3A_137] : memref<500000x128xf32, #tpu.memory_space<hbm>> -> memref<500000x128xf32, #tpu.memory_space<hbm>>
      tpu.enqueue_indirect_dma source(%dma_start3A_138 : memref<500000x128xf32, #tpu.memory_space<hbm>>) target(%dma_start3A_134 : memref<128x128xf32, #tpu.memory_space<vmem>>) offsets(%dma_start3A_135 : memref<128xi32, #tpu.memory_space<vmem>>) semaphore(%arg15 : memref<!tpu.dma_semaphore, #tpu.memory_space<semaphore_mem>>)
      %dma_wait3A_139 = tpu.memref_slice %arg8[%mul3A_46] : memref<2048xi32, #tpu.memory_space<vmem>> -> memref<32xi32, #tpu.memory_space<vmem>>
      %dma_wait3A_140 = arith.constant 0 : i32
      %dma_wait3A_141 = arith.constant 0 : i32
      %dma_wait3A_142 = tpu.memref_slice %arg4[%dma_wait3A_140, %dma_wait3A_141] : memref<500000x128xf32, #tpu.memory_space<hbm>> -> memref<500000x128xf32, #tpu.memory_space<hbm>>
      tpu.wait_indirect_dma semaphore(%arg15 : memref<!tpu.dma_semaphore, #tpu.memory_space<semaphore_mem>>) src(%dma_wait3A_142 : memref<500000x128xf32, #tpu.memory_space<hbm>>) dst(%arg10 : memref<32x128xf32, #tpu.memory_space<vmem>>)
      %dma_wait3A_143 = tpu.memref_slice %arg8[%add3A_89] : memref<2048xi32, #tpu.memory_space<vmem>> -> memref<32xi32, #tpu.memory_space<vmem>>
      %dma_wait3A_144 = arith.constant 0 : i32
      %dma_wait3A_145 = arith.constant 0 : i32
      %dma_wait3A_146 = tpu.memref_slice %arg5[%dma_wait3A_144, %dma_wait3A_145] : memref<500000x128xf32, #tpu.memory_space<hbm>> -> memref<500000x128xf32, #tpu.memory_space<hbm>>
      tpu.wait_indirect_dma semaphore(%arg15 : memref<!tpu.dma_semaphore, #tpu.memory_space<semaphore_mem>>) src(%dma_wait3A_146 : memref<500000x128xf32, #tpu.memory_space<hbm>>) dst(%arg11 : memref<32x128xf32, #tpu.memory_space<vmem>>)
      %dma_wait3A_147 = arith.constant 0 : i32
      %dma_wait3A_148 = arith.constant 0 : i32
      %dma_wait3A_149 = tpu.memref_slice %arg12[%dma_wait3A_147, %dma_wait3A_148] : memref<640x128xf32, #tpu.memory_space<vmem>> -> memref<128x128xf32, #tpu.memory_space<vmem>>
      %dma_wait3A_150 = tpu.memref_slice %arg9[%add3A_95] : memref<2576xi32, #tpu.memory_space<vmem>> -> memref<128xi32, #tpu.memory_space<vmem>>
      %dma_wait3A_151 = arith.constant 0 : i32
      %dma_wait3A_152 = arith.constant 0 : i32
      %dma_wait3A_153 = tpu.memref_slice %arg5[%dma_wait3A_151, %dma_wait3A_152] : memref<500000x128xf32, #tpu.memory_space<hbm>> -> memref<500000x128xf32, #tpu.memory_space<hbm>>
      tpu.wait_indirect_dma semaphore(%arg15 : memref<!tpu.dma_semaphore, #tpu.memory_space<semaphore_mem>>) src(%dma_wait3A_153 : memref<500000x128xf32, #tpu.memory_space<hbm>>) dst(%dma_wait3A_149 : memref<128x128xf32, #tpu.memory_space<vmem>>)
      %dma_wait3A_154 = arith.constant 128 : i32
      %dma_wait3A_155 = arith.constant 0 : i32
      %dma_wait3A_156 = tpu.memref_slice %arg12[%dma_wait3A_154, %dma_wait3A_155] : memref<640x128xf32, #tpu.memory_space<vmem>> -> memref<128x128xf32, #tpu.memory_space<vmem>>
      %dma_wait3A_157 = tpu.memref_slice %arg9[%add3A_104] : memref<2576xi32, #tpu.memory_space<vmem>> -> memref<128xi32, #tpu.memory_space<vmem>>
      %dma_wait3A_158 = arith.constant 0 : i32
      %dma_wait3A_159 = arith.constant 0 : i32
      %dma_wait3A_160 = tpu.memref_slice %arg5[%dma_wait3A_158, %dma_wait3A_159] : memref<500000x128xf32, #tpu.memory_space<hbm>> -> memref<500000x128xf32, #tpu.memory_space<hbm>>
      tpu.wait_indirect_dma semaphore(%arg15 : memref<!tpu.dma_semaphore, #tpu.memory_space<semaphore_mem>>) src(%dma_wait3A_160 : memref<500000x128xf32, #tpu.memory_space<hbm>>) dst(%dma_wait3A_156 : memref<128x128xf32, #tpu.memory_space<vmem>>)
      %dma_wait3A_161 = arith.constant 256 : i32
      %dma_wait3A_162 = arith.constant 0 : i32
      %dma_wait3A_163 = tpu.memref_slice %arg12[%dma_wait3A_161, %dma_wait3A_162] : memref<640x128xf32, #tpu.memory_space<vmem>> -> memref<128x128xf32, #tpu.memory_space<vmem>>
      %dma_wait3A_164 = tpu.memref_slice %arg9[%add3A_113] : memref<2576xi32, #tpu.memory_space<vmem>> -> memref<128xi32, #tpu.memory_space<vmem>>
      %dma_wait3A_165 = arith.constant 0 : i32
      %dma_wait3A_166 = arith.constant 0 : i32
      %dma_wait3A_167 = tpu.memref_slice %arg5[%dma_wait3A_165, %dma_wait3A_166] : memref<500000x128xf32, #tpu.memory_space<hbm>> -> memref<500000x128xf32, #tpu.memory_space<hbm>>
      tpu.wait_indirect_dma semaphore(%arg15 : memref<!tpu.dma_semaphore, #tpu.memory_space<semaphore_mem>>) src(%dma_wait3A_167 : memref<500000x128xf32, #tpu.memory_space<hbm>>) dst(%dma_wait3A_163 : memref<128x128xf32, #tpu.memory_space<vmem>>)
      %jit3A_168 = arith.constant 2 : i32
      %eq3A_169 = arith.constant 0 : i32
      %eq3A_170 = arith.cmpi eq, %jit3A_168, %eq3A_169 : i32
      %jit3A_171 = arith.constant 1 : i32
      %select_n3A_172 = arith.select %eq3A_170, %jit3A_171, %jit3A_168 : i32
      %rem3A_173 = arith.remsi %scan3A_41, %select_n3A_172 : i32
      %ne3A_174 = arith.constant 0 : i32
      %ne3A_175 = arith.cmpi ne, %rem3A_173, %ne3A_174 : i32
      %lt3A_176 = arith.constant 0 : i32
      %lt3A_177 = arith.cmpi slt, %rem3A_173, %lt3A_176 : i32
      %lt3A_178 = arith.constant 0 : i32
      %lt3A_179 = arith.cmpi slt, %select_n3A_172, %lt3A_178 : i32
      %ne3A_180 = arith.xori %lt3A_177, %lt3A_179 : i1
      %and3A_181 = arith.andi %ne3A_180, %ne3A_175 : i1
      %add3A_182 = arith.addi %rem3A_173, %select_n3A_172 : i32
      %select_n3A_183 = arith.select %and3A_181, %add3A_182, %rem3A_173 : i32
      %mul3A_184 = arith.constant 80 : i32
      %mul3A_185 = arith.muli %select_n3A_183, %mul3A_184 : i32
      %multiple_of3A_186 = tpu.assume_multiple %mul3A_185, 8 : i32
      %ge3A = arith.constant 2 : i32
      %ge3A_187 = arith.cmpi sge, %scan3A_41, %ge3A : i32
      %convert_element_type3A_188 = arith.extui %ge3A_187 : i1 to i32
      %cond3A_189 = arith.constant 0 : i32
      %cond3A_190 = arith.cmpi ne, %convert_element_type3A_188, %cond3A_189 : i32
      scf.if %cond3A_190 {
        %dma_wait3A_234 = arith.constant 0 : i32
        %dma_wait3A_235 = tpu.memref_slice %arg14[%multiple_of3A_186, %dma_wait3A_234] : memref<160x128xf32, #tpu.memory_space<vmem>> -> memref<80x128xf32, #tpu.memory_space<vmem>>
        %dma_wait3A_236 = arith.constant 0 : i32
        %dma_wait3A_237 = arith.constant 0 : i32
        %dma_wait3A_238 = tpu.memref_slice %arg7[%dma_wait3A_236, %dma_wait3A_237] : memref<40960x128xf32, #tpu.memory_space<hbm>> -> memref<80x128xf32, #tpu.memory_space<hbm>>
        %dma_wait3A_239 = arith.constant 0 : i32
        %dma_wait3A_240 = arith.constant 0 : i32
        %dma_wait3A_241 = tpu.memref_slice %arg7[%dma_wait3A_239, %dma_wait3A_240] : memref<40960x128xf32, #tpu.memory_space<hbm>> -> memref<80x128xf32, #tpu.memory_space<hbm>>
        %dma_wait3A_242 = arith.constant 0 : i32
        %dma_wait3A_243 = tpu.memref_slice %arg14[%multiple_of3A_186, %dma_wait3A_242] : memref<160x128xf32, #tpu.memory_space<vmem>> -> memref<80x128xf32, #tpu.memory_space<vmem>>
        tpu.wait_dma2 semaphore(%arg17 : memref<!tpu.dma_semaphore, #tpu.memory_space<semaphore_mem>>) src(%dma_wait3A_243 : memref<80x128xf32, #tpu.memory_space<vmem>>) dst(%dma_wait3A_241 : memref<80x128xf32, #tpu.memory_space<hbm>>)
      } else {
      }
      %scan3A_191 = arith.constant 0 : i32
      %scan3A_192 = arith.constant 0 : i32
      %scan3A_193 = arith.constant 19 : i32
      %scan3A_194 = arith.addi %scan3A_192, %scan3A_193 : i32
      %scan3A_195 = arith.constant 1 : i32
      scf.for %scan3A_234 = %scan3A_192 to %scan3A_194 step %scan3A_195  : i32 {
        %add3A_235 = arith.constant 32 : i32
        %add3A_236 = arith.addi %mul3A_46, %add3A_235 : i32
        %add3A_237 = arith.addi %add3A_236, %scan3A_234 : i32
        %get3A = arith.index_cast %add3A_237 : i32 to index
        %get3A_238 = tpu.vector_load %arg8[%get3A] {strides = array<i32>} : memref<2048xi32, #tpu.memory_space<vmem>>, vector<16xi32>,
        %get3A_239 = vector.shape_cast %get3A_238 : vector<16xi32> to vector<16xi32>
        %slice3A = vector.extract_strided_slice %get3A_239 {offsets = [0], sizes = [1], strides = [1]} : vector<16xi32> to vector<1xi32>
        %squeeze3A = vector.extract %slice3A[0] : i32 from vector<1xi32>
        %add3A_240 = arith.constant 96 : i32
        %add3A_241 = arith.addi %mul3A_46, %add3A_240 : i32
        %add3A_242 = arith.addi %add3A_241, %scan3A_234 : i32
        %get3A_243 = arith.index_cast %add3A_242 : i32 to index
        %get3A_244 = tpu.vector_load %arg8[%get3A_243] {strides = array<i32>} : memref<2048xi32, #tpu.memory_space<vmem>>, vector<16xi32>,
        %get3A_245 = vector.shape_cast %get3A_244 : vector<16xi32> to vector<16xi32>
        %slice3A_246 = vector.extract_strided_slice %get3A_245 {offsets = [0], sizes = [1], strides = [1]} : vector<16xi32> to vector<1xi32>
        %squeeze3A_247 = vector.extract %slice3A_246[0] : i32 from vector<1xi32>
        %get3A_248 = arith.index_cast %scan3A_234 : i32 to index
        %get3A_249 = arith.index_cast %squeeze3A : i32 to index
        %get3A_250 = tpu.vector_load %arg10[%get3A_248, %get3A_249] {strides = array<i32>} : memref<32x128xf32, #tpu.memory_space<vmem>>, vector<1x16xf32>,
        %get3A_251 = vector.shape_cast %get3A_250 : vector<1x16xf32> to vector<16xf32>
        %add3A_252 = arith.constant 16 : i32
        %add3A_253 = arith.addi %squeeze3A, %add3A_252 : i32
        %get3A_254 = arith.index_cast %scan3A_234 : i32 to index
        %get3A_255 = arith.index_cast %add3A_253 : i32 to index
        %get3A_256 = tpu.vector_load %arg10[%get3A_254, %get3A_255] {strides = array<i32>} : memref<32x128xf32, #tpu.memory_space<vmem>>, vector<1x16xf32>,
        %get3A_257 = vector.shape_cast %get3A_256 : vector<1x16xf32> to vector<16xf32>
        %add3A_258 = arith.constant 32 : i32
        %add3A_259 = arith.addi %squeeze3A, %add3A_258 : i32
        %get3A_260 = arith.index_cast %scan3A_234 : i32 to index
        %get3A_261 = arith.index_cast %add3A_259 : i32 to index
        %get3A_262 = tpu.vector_load %arg10[%get3A_260, %get3A_261] {strides = array<i32>} : memref<32x128xf32, #tpu.memory_space<vmem>>, vector<1x16xf32>,
        %get3A_263 = vector.shape_cast %get3A_262 : vector<1x16xf32> to vector<16xf32>
        %add3A_264 = arith.constant 48 : i32
        %add3A_265 = arith.addi %squeeze3A, %add3A_264 : i32
        %get3A_266 = arith.index_cast %scan3A_234 : i32 to index
        %get3A_267 = arith.index_cast %add3A_265 : i32 to index
        %get3A_268 = tpu.vector_load %arg10[%get3A_266, %get3A_267] {strides = array<i32>} : memref<32x128xf32, #tpu.memory_space<vmem>>, vector<1x16xf32>,
        %get3A_269 = vector.shape_cast %get3A_268 : vector<1x16xf32> to vector<16xf32>
        %get3A_270 = arith.index_cast %scan3A_234 : i32 to index
        %get3A_271 = arith.index_cast %squeeze3A_247 : i32 to index
        %get3A_272 = tpu.vector_load %arg11[%get3A_270, %get3A_271] {strides = array<i32>} : memref<32x128xf32, #tpu.memory_space<vmem>>, vector<1x16xf32>,
        %get3A_273 = vector.shape_cast %get3A_272 : vector<1x16xf32> to vector<16xf32>
        %add3A_274 = arith.constant 16 : i32
        %add3A_275 = arith.addi %squeeze3A_247, %add3A_274 : i32
        %get3A_276 = arith.index_cast %scan3A_234 : i32 to index
        %get3A_277 = arith.index_cast %add3A_275 : i32 to index
        %get3A_278 = tpu.vector_load %arg11[%get3A_276, %get3A_277] {strides = array<i32>} : memref<32x128xf32, #tpu.memory_space<vmem>>, vector<1x16xf32>,
        %get3A_279 = vector.shape_cast %get3A_278 : vector<1x16xf32> to vector<16xf32>
        %add3A_280 = arith.constant 32 : i32
        %add3A_281 = arith.addi %squeeze3A_247, %add3A_280 : i32
        %get3A_282 = arith.index_cast %scan3A_234 : i32 to index
        %get3A_283 = arith.index_cast %add3A_281 : i32 to index
        %get3A_284 = tpu.vector_load %arg11[%get3A_282, %get3A_283] {strides = array<i32>} : memref<32x128xf32, #tpu.memory_space<vmem>>, vector<1x16xf32>,
        %get3A_285 = vector.shape_cast %get3A_284 : vector<1x16xf32> to vector<16xf32>
        %add3A_286 = arith.constant 48 : i32
        %add3A_287 = arith.addi %squeeze3A_247, %add3A_286 : i32
        %get3A_288 = arith.index_cast %scan3A_234 : i32 to index
        %get3A_289 = arith.index_cast %add3A_287 : i32 to index
        %get3A_290 = tpu.vector_load %arg11[%get3A_288, %get3A_289] {strides = array<i32>} : memref<32x128xf32, #tpu.memory_space<vmem>>, vector<1x16xf32>,
        %get3A_291 = vector.shape_cast %get3A_290 : vector<1x16xf32> to vector<16xf32>
        %mul3A_292 = arith.constant 32 : i32
        %mul3A_293 = arith.muli %scan3A_41, %mul3A_292 : i32
        %add3A_294 = arith.addi %mul3A_293, %scan3A_234 : i32
        %mul3A_295 = arith.mulf %get3A_251, %get3A_273 : vector<16xf32>
        %mul3A_296 = arith.mulf %get3A_257, %get3A_279 : vector<16xf32>
        %add3A_297 = arith.addf %mul3A_295, %mul3A_296 : vector<16xf32>
        %mul3A_298 = arith.mulf %get3A_263, %get3A_285 : vector<16xf32>
        %add3A_299 = arith.addf %add3A_297, %mul3A_298 : vector<16xf32>
        %mul3A_300 = arith.mulf %get3A_269, %get3A_291 : vector<16xf32>
        %add3A_301 = arith.addf %add3A_299, %mul3A_300 : vector<16xf32>
        %jit3A_302 = arith.constant 8 : i32
        %div3A = arith.divsi %add3A_294, %jit3A_302 : i32
        %sign3A = arith.constant 0 : i32
        %sign3A_303 = arith.cmpi sgt, %add3A_294, %sign3A : i32
        %sign3A_304 = arith.extui %sign3A_303 : i1 to i32
        %sign3A_305 = arith.constant 0 : i32
        %sign3A_306 = arith.cmpi slt, %add3A_294, %sign3A_305 : i32
        %sign3A_307 = arith.extui %sign3A_306 : i1 to i32
        %sign3A_308 = arith.subi %sign3A_304, %sign3A_307 : i32
        %sign3A_309 = arith.constant 0 : i32
        %sign3A_310 = arith.cmpi sgt, %jit3A_302, %sign3A_309 : i32
        %sign3A_311 = arith.extui %sign3A_310 : i1 to i32
        %sign3A_312 = arith.constant 0 : i32
        %sign3A_313 = arith.cmpi slt, %jit3A_302, %sign3A_312 : i32
        %sign3A_314 = arith.extui %sign3A_313 : i1 to i32
        %sign3A_315 = arith.subi %sign3A_311, %sign3A_314 : i32
        %ne3A_316 = arith.cmpi ne, %sign3A_308, %sign3A_315 : i32
        %rem3A_317 = arith.remsi %add3A_294, %jit3A_302 : i32
        %ne3A_318 = arith.constant 0 : i32
        %ne3A_319 = arith.cmpi ne, %rem3A_317, %ne3A_318 : i32
        %and3A_320 = arith.andi %ne3A_316, %ne3A_319 : i1
        %sub3A = arith.constant 1 : i32
        %sub3A_321 = arith.subi %div3A, %sub3A : i32
        %select_n3A_322 = arith.select %and3A_320, %sub3A_321, %div3A : i32
        %jit3A_323 = arith.constant 8 : i32
        %eq3A_324 = arith.constant 0 : i32
        %eq3A_325 = arith.cmpi eq, %jit3A_323, %eq3A_324 : i32
        %jit3A_326 = arith.constant 1 : i32
        %select_n3A_327 = arith.select %eq3A_325, %jit3A_326, %jit3A_323 : i32
        %rem3A_328 = arith.remsi %add3A_294, %select_n3A_327 : i32
        %ne3A_329 = arith.constant 0 : i32
        %ne3A_330 = arith.cmpi ne, %rem3A_328, %ne3A_329 : i32
        %lt3A_331 = arith.constant 0 : i32
        %lt3A_332 = arith.cmpi slt, %rem3A_328, %lt3A_331 : i32
        %lt3A_333 = arith.constant 0 : i32
        %lt3A_334 = arith.cmpi slt, %select_n3A_327, %lt3A_333 : i32
        %ne3A_335 = arith.xori %lt3A_332, %lt3A_334 : i1
        %and3A_336 = arith.andi %ne3A_335, %ne3A_330 : i1
        %add3A_337 = arith.addi %rem3A_328, %select_n3A_327 : i32
        %select_n3A_338 = arith.select %and3A_336, %add3A_337, %rem3A_328 : i32
        %mul3A_339 = arith.constant 16 : i32
        %mul3A_340 = arith.muli %select_n3A_338, %mul3A_339 : i32
        %swap3A = arith.index_cast %select_n3A_322 : i32 to index
        %swap3A_341 = arith.index_cast %mul3A_340 : i32 to index
        %swap3A_342 = tpu.vector_load %arg13[%swap3A, %swap3A_341] {strides = array<i32>} : memref<64x128xf32, #tpu.memory_space<vmem>>, vector<1x16xf32>,
        %swap3A_343 = vector.shape_cast %swap3A_342 : vector<1x16xf32> to vector<16xf32>
        %swap3A_344 = vector.shape_cast %add3A_301 : vector<16xf32> to vector<1x16xf32>
        tpu.vector_store %arg13[%swap3A, %swap3A_341], %swap3A_344 {strides = array<i32>} : memref<64x128xf32, #tpu.memory_space<vmem>>, vector<1x16xf32>,
        %mul3A_345 = arith.constant 20 : i32
        %mul3A_346 = arith.muli %scan3A_234, %mul3A_345 : i32
        %add3A_347 = arith.constant 0 : i32
        %add3A_348 = arith.addi %mul3A_346, %add3A_347 : i32
        %add3A_349 = arith.constant 640 : i32
        %add3A_350 = arith.addi %multiple_of3A, %add3A_349 : i32
        %add3A_351 = arith.addi %add3A_350, %add3A_348 : i32
        %get3A_352 = arith.index_cast %add3A_351 : i32 to index
        %get3A_353 = tpu.vector_load %arg9[%get3A_352] {strides = array<i32>} : memref<2576xi32, #tpu.memory_space<vmem>>, vector<16xi32>,
        %get3A_354 = vector.shape_cast %get3A_353 : vector<16xi32> to vector<16xi32>
        %slice3A_355 = vector.extract_strided_slice %get3A_354 {offsets = [0], sizes = [1], strides = [1]} : vector<16xi32> to vector<1xi32>
        %squeeze3A_356 = vector.extract %slice3A_355[0] : i32 from vector<1xi32>
        %get3A_357 = arith.index_cast %add3A_348 : i32 to index
        %get3A_358 = arith.index_cast %squeeze3A_356 : i32 to index
        %get3A_359 = tpu.vector_load %arg12[%get3A_357, %get3A_358] {strides = array<i32>} : memref<640x128xf32, #tpu.memory_space<vmem>>, vector<1x16xf32>,
        %get3A_360 = vector.shape_cast %get3A_359 : vector<1x16xf32> to vector<16xf32>
        %add3A_361 = arith.constant 16 : i32
        %add3A_362 = arith.addi %squeeze3A_356, %add3A_361 : i32
        %get3A_363 = arith.index_cast %add3A_348 : i32 to index
        %get3A_364 = arith.index_cast %add3A_362 : i32 to index
        %get3A_365 = tpu.vector_load %arg12[%get3A_363, %get3A_364] {strides = array<i32>} : memref<640x128xf32, #tpu.memory_space<vmem>>, vector<1x16xf32>,
        %get3A_366 = vector.shape_cast %get3A_365 : vector<1x16xf32> to vector<16xf32>
        %add3A_367 = arith.constant 32 : i32
        %add3A_368 = arith.addi %squeeze3A_356, %add3A_367 : i32
        %get3A_369 = arith.index_cast %add3A_348 : i32 to index
        %get3A_370 = arith.index_cast %add3A_368 : i32 to index
        %get3A_371 = tpu.vector_load %arg12[%get3A_369, %get3A_370] {strides = array<i32>} : memref<640x128xf32, #tpu.memory_space<vmem>>, vector<1x16xf32>,
        %get3A_372 = vector.shape_cast %get3A_371 : vector<1x16xf32> to vector<16xf32>
        %add3A_373 = arith.constant 48 : i32
        %add3A_374 = arith.addi %squeeze3A_356, %add3A_373 : i32
        %get3A_375 = arith.index_cast %add3A_348 : i32 to index
        %get3A_376 = arith.index_cast %add3A_374 : i32 to index
        %get3A_377 = tpu.vector_load %arg12[%get3A_375, %get3A_376] {strides = array<i32>} : memref<640x128xf32, #tpu.memory_space<vmem>>, vector<1x16xf32>,
        %get3A_378 = vector.shape_cast %get3A_377 : vector<1x16xf32> to vector<16xf32>
        %mul3A_379 = arith.mulf %get3A_251, %get3A_360 : vector<16xf32>
        %mul3A_380 = arith.mulf %get3A_257, %get3A_366 : vector<16xf32>
        %add3A_381 = arith.addf %mul3A_379, %mul3A_380 : vector<16xf32>
        %mul3A_382 = arith.mulf %get3A_263, %get3A_372 : vector<16xf32>
        %add3A_383 = arith.addf %add3A_381, %mul3A_382 : vector<16xf32>
        %mul3A_384 = arith.mulf %get3A_269, %get3A_378 : vector<16xf32>
        %add3A_385 = arith.addf %add3A_383, %mul3A_384 : vector<16xf32>
        %jit3A_386 = arith.constant 8 : i32
        %div3A_387 = arith.divsi %add3A_348, %jit3A_386 : i32
        %sign3A_388 = arith.constant 0 : i32
        %sign3A_389 = arith.cmpi sgt, %add3A_348, %sign3A_388 : i32
        %sign3A_390 = arith.extui %sign3A_389 : i1 to i32
        %sign3A_391 = arith.constant 0 : i32
        %sign3A_392 = arith.cmpi slt, %add3A_348, %sign3A_391 : i32
        %sign3A_393 = arith.extui %sign3A_392 : i1 to i32
        %sign3A_394 = arith.subi %sign3A_390, %sign3A_393 : i32
        %sign3A_395 = arith.constant 0 : i32
        %sign3A_396 = arith.cmpi sgt, %jit3A_386, %sign3A_395 : i32
        %sign3A_397 = arith.extui %sign3A_396 : i1 to i32
        %sign3A_398 = arith.constant 0 : i32
        %sign3A_399 = arith.cmpi slt, %jit3A_386, %sign3A_398 : i32
        %sign3A_400 = arith.extui %sign3A_399 : i1 to i32
        %sign3A_401 = arith.subi %sign3A_397, %sign3A_400 : i32
        %ne3A_402 = arith.cmpi ne, %sign3A_394, %sign3A_401 : i32
        %rem3A_403 = arith.remsi %add3A_348, %jit3A_386 : i32
        %ne3A_404 = arith.constant 0 : i32
        %ne3A_405 = arith.cmpi ne, %rem3A_403, %ne3A_404 : i32
        %and3A_406 = arith.andi %ne3A_402, %ne3A_405 : i1
        %sub3A_407 = arith.constant 1 : i32
        %sub3A_408 = arith.subi %div3A_387, %sub3A_407 : i32
        %select_n3A_409 = arith.select %and3A_406, %sub3A_408, %div3A_387 : i32
        %add3A_410 = arith.addi %multiple_of3A_186, %select_n3A_409 : i32
        %jit3A_411 = arith.constant 8 : i32
        %eq3A_412 = arith.constant 0 : i32
        %eq3A_413 = arith.cmpi eq, %jit3A_411, %eq3A_412 : i32
        %jit3A_414 = arith.constant 1 : i32
        %select_n3A_415 = arith.select %eq3A_413, %jit3A_414, %jit3A_411 : i32
        %rem3A_416 = arith.remsi %add3A_348, %select_n3A_415 : i32
        %ne3A_417 = arith.constant 0 : i32
        %ne3A_418 = arith.cmpi ne, %rem3A_416, %ne3A_417 : i32
        %lt3A_419 = arith.constant 0 : i32
        %lt3A_420 = arith.cmpi slt, %rem3A_416, %lt3A_419 : i32
        %lt3A_421 = arith.constant 0 : i32
        %lt3A_422 = arith.cmpi slt, %select_n3A_415, %lt3A_421 : i32
        %ne3A_423 = arith.xori %lt3A_420, %lt3A_422 : i1
        %and3A_424 = arith.andi %ne3A_423, %ne3A_418 : i1
        %add3A_425 = arith.addi %rem3A_416, %select_n3A_415 : i32
        %select_n3A_426 = arith.select %and3A_424, %add3A_425, %rem3A_416 : i32
        %mul3A_427 = arith.constant 16 : i32
        %mul3A_428 = arith.muli %select_n3A_426, %mul3A_427 : i32
        %swap3A_429 = arith.index_cast %add3A_410 : i32 to index
        %swap3A_430 = arith.index_cast %mul3A_428 : i32 to index
        %swap3A_431 = tpu.vector_load %arg14[%swap3A_429, %swap3A_430] {strides = array<i32>} : memref<160x128xf32, #tpu.memory_space<vmem>>, vector<1x16xf32>,
        %swap3A_432 = vector.shape_cast %swap3A_431 : vector<1x16xf32> to vector<16xf32>
        %swap3A_433 = vector.shape_cast %add3A_385 : vector<16xf32> to vector<1x16xf32>
        tpu.vector_store %arg14[%swap3A_429, %swap3A_430], %swap3A_433 {strides = array<i32>} : memref<160x128xf32, #tpu.memory_space<vmem>>, vector<1x16xf32>,
        %add3A_434 = arith.constant 1 : i32
        %add3A_435 = arith.addi %mul3A_346, %add3A_434 : i32
        %add3A_436 = arith.constant 640 : i32
        %add3A_437 = arith.addi %multiple_of3A, %add3A_436 : i32
        %add3A_438 = arith.addi %add3A_437, %add3A_435 : i32
        %get3A_439 = arith.index_cast %add3A_438 : i32 to index
        %get3A_440 = tpu.vector_load %arg9[%get3A_439] {strides = array<i32>} : memref<2576xi32, #tpu.memory_space<vmem>>, vector<16xi32>,
        %get3A_441 = vector.shape_cast %get3A_440 : vector<16xi32> to vector<16xi32>
        %slice3A_442 = vector.extract_strided_slice %get3A_441 {offsets = [0], sizes = [1], strides = [1]} : vector<16xi32> to vector<1xi32>
        %squeeze3A_443 = vector.extract %slice3A_442[0] : i32 from vector<1xi32>
        %get3A_444 = arith.index_cast %add3A_435 : i32 to index
        %get3A_445 = arith.index_cast %squeeze3A_443 : i32 to index
        %get3A_446 = tpu.vector_load %arg12[%get3A_444, %get3A_445] {strides = array<i32>} : memref<640x128xf32, #tpu.memory_space<vmem>>, vector<1x16xf32>,
        %get3A_447 = vector.shape_cast %get3A_446 : vector<1x16xf32> to vector<16xf32>
        %add3A_448 = arith.constant 16 : i32
        %add3A_449 = arith.addi %squeeze3A_443, %add3A_448 : i32
        %get3A_450 = arith.index_cast %add3A_435 : i32 to index
        %get3A_451 = arith.index_cast %add3A_449 : i32 to index
        %get3A_452 = tpu.vector_load %arg12[%get3A_450, %get3A_451] {strides = array<i32>} : memref<640x128xf32, #tpu.memory_space<vmem>>, vector<1x16xf32>,
        %get3A_453 = vector.shape_cast %get3A_452 : vector<1x16xf32> to vector<16xf32>
        %add3A_454 = arith.constant 32 : i32
        %add3A_455 = arith.addi %squeeze3A_443, %add3A_454 : i32
        %get3A_456 = arith.index_cast %add3A_435 : i32 to index
        %get3A_457 = arith.index_cast %add3A_455 : i32 to index
        %get3A_458 = tpu.vector_load %arg12[%get3A_456, %get3A_457] {strides = array<i32>} : memref<640x128xf32, #tpu.memory_space<vmem>>, vector<1x16xf32>,
        %get3A_459 = vector.shape_cast %get3A_458 : vector<1x16xf32> to vector<16xf32>
        %add3A_460 = arith.constant 48 : i32
        %add3A_461 = arith.addi %squeeze3A_443, %add3A_460 : i32
        %get3A_462 = arith.index_cast %add3A_435 : i32 to index
        %get3A_463 = arith.index_cast %add3A_461 : i32 to index
        %get3A_464 = tpu.vector_load %arg12[%get3A_462, %get3A_463] {strides = array<i32>} : memref<640x128xf32, #tpu.memory_space<vmem>>, vector<1x16xf32>,
        %get3A_465 = vector.shape_cast %get3A_464 : vector<1x16xf32> to vector<16xf32>
        %mul3A_466 = arith.mulf %get3A_251, %get3A_447 : vector<16xf32>
        %mul3A_467 = arith.mulf %get3A_257, %get3A_453 : vector<16xf32>
        %add3A_468 = arith.addf %mul3A_466, %mul3A_467 : vector<16xf32>
        %mul3A_469 = arith.mulf %get3A_263, %get3A_459 : vector<16xf32>
        %add3A_470 = arith.addf %add3A_468, %mul3A_469 : vector<16xf32>
        %mul3A_471 = arith.mulf %get3A_269, %get3A_465 : vector<16xf32>
        %add3A_472 = arith.addf %add3A_470, %mul3A_471 : vector<16xf32>
        %jit3A_473 = arith.constant 8 : i32
        %div3A_474 = arith.divsi %add3A_435, %jit3A_473 : i32
        %sign3A_475 = arith.constant 0 : i32
        %sign3A_476 = arith.cmpi sgt, %add3A_435, %sign3A_475 : i32
        %sign3A_477 = arith.extui %sign3A_476 : i1 to i32
        %sign3A_478 = arith.constant 0 : i32
        %sign3A_479 = arith.cmpi slt, %add3A_435, %sign3A_478 : i32
        %sign3A_480 = arith.extui %sign3A_479 : i1 to i32
        %sign3A_481 = arith.subi %sign3A_477, %sign3A_480 : i32
        %sign3A_482 = arith.constant 0 : i32
        %sign3A_483 = arith.cmpi sgt, %jit3A_473, %sign3A_482 : i32
        %sign3A_484 = arith.extui %sign3A_483 : i1 to i32
        %sign3A_485 = arith.constant 0 : i32
        %sign3A_486 = arith.cmpi slt, %jit3A_473, %sign3A_485 : i32
        %sign3A_487 = arith.extui %sign3A_486 : i1 to i32
        %sign3A_488 = arith.subi %sign3A_484, %sign3A_487 : i32
        %ne3A_489 = arith.cmpi ne, %sign3A_481, %sign3A_488 : i32
        %rem3A_490 = arith.remsi %add3A_435, %jit3A_473 : i32
        %ne3A_491 = arith.constant 0 : i32
        %ne3A_492 = arith.cmpi ne, %rem3A_490, %ne3A_491 : i32
        %and3A_493 = arith.andi %ne3A_489, %ne3A_492 : i1
        %sub3A_494 = arith.constant 1 : i32
        %sub3A_495 = arith.subi %div3A_474, %sub3A_494 : i32
        %select_n3A_496 = arith.select %and3A_493, %sub3A_495, %div3A_474 : i32
        %add3A_497 = arith.addi %multiple_of3A_186, %select_n3A_496 : i32
        %jit3A_498 = arith.constant 8 : i32
        %eq3A_499 = arith.constant 0 : i32
        %eq3A_500 = arith.cmpi eq, %jit3A_498, %eq3A_499 : i32
        %jit3A_501 = arith.constant 1 : i32
        %select_n3A_502 = arith.select %eq3A_500, %jit3A_501, %jit3A_498 : i32
        %rem3A_503 = arith.remsi %add3A_435, %select_n3A_502 : i32
        %ne3A_504 = arith.constant 0 : i32
        %ne3A_505 = arith.cmpi ne, %rem3A_503, %ne3A_504 : i32
        %lt3A_506 = arith.constant 0 : i32
        %lt3A_507 = arith.cmpi slt, %rem3A_503, %lt3A_506 : i32
        %lt3A_508 = arith.constant 0 : i32
        %lt3A_509 = arith.cmpi slt, %select_n3A_502, %lt3A_508 : i32
        %ne3A_510 = arith.xori %lt3A_507, %lt3A_509 : i1
        %and3A_511 = arith.andi %ne3A_510, %ne3A_505 : i1
        %add3A_512 = arith.addi %rem3A_503, %select_n3A_502 : i32
        %select_n3A_513 = arith.select %and3A_511, %add3A_512, %rem3A_503 : i32
        %mul3A_514 = arith.constant 16 : i32
        %mul3A_515 = arith.muli %select_n3A_513, %mul3A_514 : i32
        %swap3A_516 = arith.index_cast %add3A_497 : i32 to index
        %swap3A_517 = arith.index_cast %mul3A_515 : i32 to index
        %swap3A_518 = tpu.vector_load %arg14[%swap3A_516, %swap3A_517] {strides = array<i32>} : memref<160x128xf32, #tpu.memory_space<vmem>>, vector<1x16xf32>,
        %swap3A_519 = vector.shape_cast %swap3A_518 : vector<1x16xf32> to vector<16xf32>
        %swap3A_520 = vector.shape_cast %add3A_472 : vector<16xf32> to vector<1x16xf32>
        tpu.vector_store %arg14[%swap3A_516, %swap3A_517], %swap3A_520 {strides = array<i32>} : memref<160x128xf32, #tpu.memory_space<vmem>>, vector<1x16xf32>,
        %add3A_521 = arith.constant 2 : i32
        %add3A_522 = arith.addi %mul3A_346, %add3A_521 : i32
        %add3A_523 = arith.constant 640 : i32
        %add3A_524 = arith.addi %multiple_of3A, %add3A_523 : i32
        %add3A_525 = arith.addi %add3A_524, %add3A_522 : i32
        %get3A_526 = arith.index_cast %add3A_525 : i32 to index
        %get3A_527 = tpu.vector_load %arg9[%get3A_526] {strides = array<i32>} : memref<2576xi32, #tpu.memory_space<vmem>>, vector<16xi32>,
        %get3A_528 = vector.shape_cast %get3A_527 : vector<16xi32> to vector<16xi32>
        %slice3A_529 = vector.extract_strided_slice %get3A_528 {offsets = [0], sizes = [1], strides = [1]} : vector<16xi32> to vector<1xi32>
        %squeeze3A_530 = vector.extract %slice3A_529[0] : i32 from vector<1xi32>
        %get3A_531 = arith.index_cast %add3A_522 : i32 to index
        %get3A_532 = arith.index_cast %squeeze3A_530 : i32 to index
        %get3A_533 = tpu.vector_load %arg12[%get3A_531, %get3A_532] {strides = array<i32>} : memref<640x128xf32, #tpu.memory_space<vmem>>, vector<1x16xf32>,
        %get3A_534 = vector.shape_cast %get3A_533 : vector<1x16xf32> to vector<16xf32>
        %add3A_535 = arith.constant 16 : i32
        %add3A_536 = arith.addi %squeeze3A_530, %add3A_535 : i32
        %get3A_537 = arith.index_cast %add3A_522 : i32 to index
        %get3A_538 = arith.index_cast %add3A_536 : i32 to index
        %get3A_539 = tpu.vector_load %arg12[%get3A_537, %get3A_538] {strides = array<i32>} : memref<640x128xf32, #tpu.memory_space<vmem>>, vector<1x16xf32>,
        %get3A_540 = vector.shape_cast %get3A_539 : vector<1x16xf32> to vector<16xf32>
        %add3A_541 = arith.constant 32 : i32
        %add3A_542 = arith.addi %squeeze3A_530, %add3A_541 : i32
        %get3A_543 = arith.index_cast %add3A_522 : i32 to index
        %get3A_544 = arith.index_cast %add3A_542 : i32 to index
        %get3A_545 = tpu.vector_load %arg12[%get3A_543, %get3A_544] {strides = array<i32>} : memref<640x128xf32, #tpu.memory_space<vmem>>, vector<1x16xf32>,
        %get3A_546 = vector.shape_cast %get3A_545 : vector<1x16xf32> to vector<16xf32>
        %add3A_547 = arith.constant 48 : i32
        %add3A_548 = arith.addi %squeeze3A_530, %add3A_547 : i32
        %get3A_549 = arith.index_cast %add3A_522 : i32 to index
        %get3A_550 = arith.index_cast %add3A_548 : i32 to index
        %get3A_551 = tpu.vector_load %arg12[%get3A_549, %get3A_550] {strides = array<i32>} : memref<640x128xf32, #tpu.memory_space<vmem>>, vector<1x16xf32>,
        %get3A_552 = vector.shape_cast %get3A_551 : vector<1x16xf32> to vector<16xf32>
        %mul3A_553 = arith.mulf %get3A_251, %get3A_534 : vector<16xf32>
        %mul3A_554 = arith.mulf %get3A_257, %get3A_540 : vector<16xf32>
        %add3A_555 = arith.addf %mul3A_553, %mul3A_554 : vector<16xf32>
        %mul3A_556 = arith.mulf %get3A_263, %get3A_546 : vector<16xf32>
        %add3A_557 = arith.addf %add3A_555, %mul3A_556 : vector<16xf32>
        %mul3A_558 = arith.mulf %get3A_269, %get3A_552 : vector<16xf32>
        %add3A_559 = arith.addf %add3A_557, %mul3A_558 : vector<16xf32>
        %jit3A_560 = arith.constant 8 : i32
        %div3A_561 = arith.divsi %add3A_522, %jit3A_560 : i32
        %sign3A_562 = arith.constant 0 : i32
        %sign3A_563 = arith.cmpi sgt, %add3A_522, %sign3A_562 : i32
        %sign3A_564 = arith.extui %sign3A_563 : i1 to i32
        %sign3A_565 = arith.constant 0 : i32
        %sign3A_566 = arith.cmpi slt, %add3A_522, %sign3A_565 : i32
        %sign3A_567 = arith.extui %sign3A_566 : i1 to i32
        %sign3A_568 = arith.subi %sign3A_564, %sign3A_567 : i32
        %sign3A_569 = arith.constant 0 : i32
        %sign3A_570 = arith.cmpi sgt, %jit3A_560, %sign3A_569 : i32
        %sign3A_571 = arith.extui %sign3A_570 : i1 to i32
        %sign3A_572 = arith.constant 0 : i32
        %sign3A_573 = arith.cmpi slt, %jit3A_560, %sign3A_572 : i32
        %sign3A_574 = arith.extui %sign3A_573 : i1 to i32
        %sign3A_575 = arith.subi %sign3A_571, %sign3A_574 : i32
        %ne3A_576 = arith.cmpi ne, %sign3A_568, %sign3A_575 : i32
        %rem3A_577 = arith.remsi %add3A_522, %jit3A_560 : i32
        %ne3A_578 = arith.constant 0 : i32
        %ne3A_579 = arith.cmpi ne, %rem3A_577, %ne3A_578 : i32
        %and3A_580 = arith.andi %ne3A_576, %ne3A_579 : i1
        %sub3A_581 = arith.constant 1 : i32
        %sub3A_582 = arith.subi %div3A_561, %sub3A_581 : i32
        %select_n3A_583 = arith.select %and3A_580, %sub3A_582, %div3A_561 : i32
        %add3A_584 = arith.addi %multiple_of3A_186, %select_n3A_583 : i32
        %jit3A_585 = arith.constant 8 : i32
        %eq3A_586 = arith.constant 0 : i32
        %eq3A_587 = arith.cmpi eq, %jit3A_585, %eq3A_586 : i32
        %jit3A_588 = arith.constant 1 : i32
        %select_n3A_589 = arith.select %eq3A_587, %jit3A_588, %jit3A_585 : i32
        %rem3A_590 = arith.remsi %add3A_522, %select_n3A_589 : i32
        %ne3A_591 = arith.constant 0 : i32
        %ne3A_592 = arith.cmpi ne, %rem3A_590, %ne3A_591 : i32
        %lt3A_593 = arith.constant 0 : i32
        %lt3A_594 = arith.cmpi slt, %rem3A_590, %lt3A_593 : i32
        %lt3A_595 = arith.constant 0 : i32
        %lt3A_596 = arith.cmpi slt, %select_n3A_589, %lt3A_595 : i32
        %ne3A_597 = arith.xori %lt3A_594, %lt3A_596 : i1
        %and3A_598 = arith.andi %ne3A_597, %ne3A_592 : i1
        %add3A_599 = arith.addi %rem3A_590, %select_n3A_589 : i32
        %select_n3A_600 = arith.select %and3A_598, %add3A_599, %rem3A_590 : i32
        %mul3A_601 = arith.constant 16 : i32
        %mul3A_602 = arith.muli %select_n3A_600, %mul3A_601 : i32
        %swap3A_603 = arith.index_cast %add3A_584 : i32 to index
        %swap3A_604 = arith.index_cast %mul3A_602 : i32 to index
        %swap3A_605 = tpu.vector_load %arg14[%swap3A_603, %swap3A_604] {strides = array<i32>} : memref<160x128xf32, #tpu.memory_space<vmem>>, vector<1x16xf32>,
        %swap3A_606 = vector.shape_cast %swap3A_605 : vector<1x16xf32> to vector<16xf32>
        %swap3A_607 = vector.shape_cast %add3A_559 : vector<16xf32> to vector<1x16xf32>
        tpu.vector_store %arg14[%swap3A_603, %swap3A_604], %swap3A_607 {strides = array<i32>} : memref<160x128xf32, #tpu.memory_space<vmem>>, vector<1x16xf32>,
        %add3A_608 = arith.constant 3 : i32
        %add3A_609 = arith.addi %mul3A_346, %add3A_608 : i32
        %add3A_610 = arith.constant 640 : i32
        %add3A_611 = arith.addi %multiple_of3A, %add3A_610 : i32
        %add3A_612 = arith.addi %add3A_611, %add3A_609 : i32
        %get3A_613 = arith.index_cast %add3A_612 : i32 to index
        %get3A_614 = tpu.vector_load %arg9[%get3A_613] {strides = array<i32>} : memref<2576xi32, #tpu.memory_space<vmem>>, vector<16xi32>,
        %get3A_615 = vector.shape_cast %get3A_614 : vector<16xi32> to vector<16xi32>
        %slice3A_616 = vector.extract_strided_slice %get3A_615 {offsets = [0], sizes = [1], strides = [1]} : vector<16xi32> to vector<1xi32>
        %squeeze3A_617 = vector.extract %slice3A_616[0] : i32 from vector<1xi32>
        %get3A_618 = arith.index_cast %add3A_609 : i32 to index
        %get3A_619 = arith.index_cast %squeeze3A_617 : i32 to index
        %get3A_620 = tpu.vector_load %arg12[%get3A_618, %get3A_619] {strides = array<i32>} : memref<640x128xf32, #tpu.memory_space<vmem>>, vector<1x16xf32>,
        %get3A_621 = vector.shape_cast %get3A_620 : vector<1x16xf32> to vector<16xf32>
        %add3A_622 = arith.constant 16 : i32
        %add3A_623 = arith.addi %squeeze3A_617, %add3A_622 : i32
        %get3A_624 = arith.index_cast %add3A_609 : i32 to index
        %get3A_625 = arith.index_cast %add3A_623 : i32 to index
        %get3A_626 = tpu.vector_load %arg12[%get3A_624, %get3A_625] {strides = array<i32>} : memref<640x128xf32, #tpu.memory_space<vmem>>, vector<1x16xf32>,
        %get3A_627 = vector.shape_cast %get3A_626 : vector<1x16xf32> to vector<16xf32>
        %add3A_628 = arith.constant 32 : i32
        %add3A_629 = arith.addi %squeeze3A_617, %add3A_628 : i32
        %get3A_630 = arith.index_cast %add3A_609 : i32 to index
        %get3A_631 = arith.index_cast %add3A_629 : i32 to index
        %get3A_632 = tpu.vector_load %arg12[%get3A_630, %get3A_631] {strides = array<i32>} : memref<640x128xf32, #tpu.memory_space<vmem>>, vector<1x16xf32>,
        %get3A_633 = vector.shape_cast %get3A_632 : vector<1x16xf32> to vector<16xf32>
        %add3A_634 = arith.constant 48 : i32
        %add3A_635 = arith.addi %squeeze3A_617, %add3A_634 : i32
        %get3A_636 = arith.index_cast %add3A_609 : i32 to index
        %get3A_637 = arith.index_cast %add3A_635 : i32 to index
        %get3A_638 = tpu.vector_load %arg12[%get3A_636, %get3A_637] {strides = array<i32>} : memref<640x128xf32, #tpu.memory_space<vmem>>, vector<1x16xf32>,
        %get3A_639 = vector.shape_cast %get3A_638 : vector<1x16xf32> to vector<16xf32>
        %mul3A_640 = arith.mulf %get3A_251, %get3A_621 : vector<16xf32>
        %mul3A_641 = arith.mulf %get3A_257, %get3A_627 : vector<16xf32>
        %add3A_642 = arith.addf %mul3A_640, %mul3A_641 : vector<16xf32>
        %mul3A_643 = arith.mulf %get3A_263, %get3A_633 : vector<16xf32>
        %add3A_644 = arith.addf %add3A_642, %mul3A_643 : vector<16xf32>
        %mul3A_645 = arith.mulf %get3A_269, %get3A_639 : vector<16xf32>
        %add3A_646 = arith.addf %add3A_644, %mul3A_645 : vector<16xf32>
        %jit3A_647 = arith.constant 8 : i32
        %div3A_648 = arith.divsi %add3A_609, %jit3A_647 : i32
        %sign3A_649 = arith.constant 0 : i32
        %sign3A_650 = arith.cmpi sgt, %add3A_609, %sign3A_649 : i32
        %sign3A_651 = arith.extui %sign3A_650 : i1 to i32
        %sign3A_652 = arith.constant 0 : i32
        %sign3A_653 = arith.cmpi slt, %add3A_609, %sign3A_652 : i32
        %sign3A_654 = arith.extui %sign3A_653 : i1 to i32
        %sign3A_655 = arith.subi %sign3A_651, %sign3A_654 : i32
        %sign3A_656 = arith.constant 0 : i32
        %sign3A_657 = arith.cmpi sgt, %jit3A_647, %sign3A_656 : i32
        %sign3A_658 = arith.extui %sign3A_657 : i1 to i32
        %sign3A_659 = arith.constant 0 : i32
        %sign3A_660 = arith.cmpi slt, %jit3A_647, %sign3A_659 : i32
        %sign3A_661 = arith.extui %sign3A_660 : i1 to i32
        %sign3A_662 = arith.subi %sign3A_658, %sign3A_661 : i32
        %ne3A_663 = arith.cmpi ne, %sign3A_655, %sign3A_662 : i32
        %rem3A_664 = arith.remsi %add3A_609, %jit3A_647 : i32
        %ne3A_665 = arith.constant 0 : i32
        %ne3A_666 = arith.cmpi ne, %rem3A_664, %ne3A_665 : i32
        %and3A_667 = arith.andi %ne3A_663, %ne3A_666 : i1
        %sub3A_668 = arith.constant 1 : i32
        %sub3A_669 = arith.subi %div3A_648, %sub3A_668 : i32
        %select_n3A_670 = arith.select %and3A_667, %sub3A_669, %div3A_648 : i32
        %add3A_671 = arith.addi %multiple_of3A_186, %select_n3A_670 : i32
        %jit3A_672 = arith.constant 8 : i32
        %eq3A_673 = arith.constant 0 : i32
        %eq3A_674 = arith.cmpi eq, %jit3A_672, %eq3A_673 : i32
        %jit3A_675 = arith.constant 1 : i32
        %select_n3A_676 = arith.select %eq3A_674, %jit3A_675, %jit3A_672 : i32
        %rem3A_677 = arith.remsi %add3A_609, %select_n3A_676 : i32
        %ne3A_678 = arith.constant 0 : i32
        %ne3A_679 = arith.cmpi ne, %rem3A_677, %ne3A_678 : i32
        %lt3A_680 = arith.constant 0 : i32
        %lt3A_681 = arith.cmpi slt, %rem3A_677, %lt3A_680 : i32
        %lt3A_682 = arith.constant 0 : i32
        %lt3A_683 = arith.cmpi slt, %select_n3A_676, %lt3A_682 : i32
        %ne3A_684 = arith.xori %lt3A_681, %lt3A_683 : i1
        %and3A_685 = arith.andi %ne3A_684, %ne3A_679 : i1
        %add3A_686 = arith.addi %rem3A_677, %select_n3A_676 : i32
        %select_n3A_687 = arith.select %and3A_685, %add3A_686, %rem3A_677 : i32
        %mul3A_688 = arith.constant 16 : i32
        %mul3A_689 = arith.muli %select_n3A_687, %mul3A_688 : i32
        %swap3A_690 = arith.index_cast %add3A_671 : i32 to index
        %swap3A_691 = arith.index_cast %mul3A_689 : i32 to index
        %swap3A_692 = tpu.vector_load %arg14[%swap3A_690, %swap3A_691] {strides = array<i32>} : memref<160x128xf32, #tpu.memory_space<vmem>>, vector<1x16xf32>,
        %swap3A_693 = vector.shape_cast %swap3A_692 : vector<1x16xf32> to vector<16xf32>
        %swap3A_694 = vector.shape_cast %add3A_646 : vector<16xf32> to vector<1x16xf32>
        tpu.vector_store %arg14[%swap3A_690, %swap3A_691], %swap3A_694 {strides = array<i32>} : memref<160x128xf32, #tpu.memory_space<vmem>>, vector<1x16xf32>,
        %add3A_695 = arith.constant 4 : i32
        %add3A_696 = arith.addi %mul3A_346, %add3A_695 : i32
        %add3A_697 = arith.constant 640 : i32
        %add3A_698 = arith.addi %multiple_of3A, %add3A_697 : i32
        %add3A_699 = arith.addi %add3A_698, %add3A_696 : i32
        %get3A_700 = arith.index_cast %add3A_699 : i32 to index
        %get3A_701 = tpu.vector_load %arg9[%get3A_700] {strides = array<i32>} : memref<2576xi32, #tpu.memory_space<vmem>>, vector<16xi32>,
        %get3A_702 = vector.shape_cast %get3A_701 : vector<16xi32> to vector<16xi32>
        %slice3A_703 = vector.extract_strided_slice %get3A_702 {offsets = [0], sizes = [1], strides = [1]} : vector<16xi32> to vector<1xi32>
        %squeeze3A_704 = vector.extract %slice3A_703[0] : i32 from vector<1xi32>
        %get3A_705 = arith.index_cast %add3A_696 : i32 to index
        %get3A_706 = arith.index_cast %squeeze3A_704 : i32 to index
        %get3A_707 = tpu.vector_load %arg12[%get3A_705, %get3A_706] {strides = array<i32>} : memref<640x128xf32, #tpu.memory_space<vmem>>, vector<1x16xf32>,
        %get3A_708 = vector.shape_cast %get3A_707 : vector<1x16xf32> to vector<16xf32>
        %add3A_709 = arith.constant 16 : i32
        %add3A_710 = arith.addi %squeeze3A_704, %add3A_709 : i32
        %get3A_711 = arith.index_cast %add3A_696 : i32 to index
        %get3A_712 = arith.index_cast %add3A_710 : i32 to index
        %get3A_713 = tpu.vector_load %arg12[%get3A_711, %get3A_712] {strides = array<i32>} : memref<640x128xf32, #tpu.memory_space<vmem>>, vector<1x16xf32>,
        %get3A_714 = vector.shape_cast %get3A_713 : vector<1x16xf32> to vector<16xf32>
        %add3A_715 = arith.constant 32 : i32
        %add3A_716 = arith.addi %squeeze3A_704, %add3A_715 : i32
        %get3A_717 = arith.index_cast %add3A_696 : i32 to index
        %get3A_718 = arith.index_cast %add3A_716 : i32 to index
        %get3A_719 = tpu.vector_load %arg12[%get3A_717, %get3A_718] {strides = array<i32>} : memref<640x128xf32, #tpu.memory_space<vmem>>, vector<1x16xf32>,
        %get3A_720 = vector.shape_cast %get3A_719 : vector<1x16xf32> to vector<16xf32>
        %add3A_721 = arith.constant 48 : i32
        %add3A_722 = arith.addi %squeeze3A_704, %add3A_721 : i32
        %get3A_723 = arith.index_cast %add3A_696 : i32 to index
        %get3A_724 = arith.index_cast %add3A_722 : i32 to index
        %get3A_725 = tpu.vector_load %arg12[%get3A_723, %get3A_724] {strides = array<i32>} : memref<640x128xf32, #tpu.memory_space<vmem>>, vector<1x16xf32>,
        %get3A_726 = vector.shape_cast %get3A_725 : vector<1x16xf32> to vector<16xf32>
        %mul3A_727 = arith.mulf %get3A_251, %get3A_708 : vector<16xf32>
        %mul3A_728 = arith.mulf %get3A_257, %get3A_714 : vector<16xf32>
        %add3A_729 = arith.addf %mul3A_727, %mul3A_728 : vector<16xf32>
        %mul3A_730 = arith.mulf %get3A_263, %get3A_720 : vector<16xf32>
        %add3A_731 = arith.addf %add3A_729, %mul3A_730 : vector<16xf32>
        %mul3A_732 = arith.mulf %get3A_269, %get3A_726 : vector<16xf32>
        %add3A_733 = arith.addf %add3A_731, %mul3A_732 : vector<16xf32>
        %jit3A_734 = arith.constant 8 : i32
        %div3A_735 = arith.divsi %add3A_696, %jit3A_734 : i32
        %sign3A_736 = arith.constant 0 : i32
        %sign3A_737 = arith.cmpi sgt, %add3A_696, %sign3A_736 : i32
        %sign3A_738 = arith.extui %sign3A_737 : i1 to i32
        %sign3A_739 = arith.constant 0 : i32
        %sign3A_740 = arith.cmpi slt, %add3A_696, %sign3A_739 : i32
        %sign3A_741 = arith.extui %sign3A_740 : i1 to i32
        %sign3A_742 = arith.subi %sign3A_738, %sign3A_741 : i32
        %sign3A_743 = arith.constant 0 : i32
        %sign3A_744 = arith.cmpi sgt, %jit3A_734, %sign3A_743 : i32
        %sign3A_745 = arith.extui %sign3A_744 : i1 to i32
        %sign3A_746 = arith.constant 0 : i32
        %sign3A_747 = arith.cmpi slt, %jit3A_734, %sign3A_746 : i32
        %sign3A_748 = arith.extui %sign3A_747 : i1 to i32
        %sign3A_749 = arith.subi %sign3A_745, %sign3A_748 : i32
        %ne3A_750 = arith.cmpi ne, %sign3A_742, %sign3A_749 : i32
        %rem3A_751 = arith.remsi %add3A_696, %jit3A_734 : i32
        %ne3A_752 = arith.constant 0 : i32
        %ne3A_753 = arith.cmpi ne, %rem3A_751, %ne3A_752 : i32
        %and3A_754 = arith.andi %ne3A_750, %ne3A_753 : i1
        %sub3A_755 = arith.constant 1 : i32
        %sub3A_756 = arith.subi %div3A_735, %sub3A_755 : i32
        %select_n3A_757 = arith.select %and3A_754, %sub3A_756, %div3A_735 : i32
        %add3A_758 = arith.addi %multiple_of3A_186, %select_n3A_757 : i32
        %jit3A_759 = arith.constant 8 : i32
        %eq3A_760 = arith.constant 0 : i32
        %eq3A_761 = arith.cmpi eq, %jit3A_759, %eq3A_760 : i32
        %jit3A_762 = arith.constant 1 : i32
        %select_n3A_763 = arith.select %eq3A_761, %jit3A_762, %jit3A_759 : i32
        %rem3A_764 = arith.remsi %add3A_696, %select_n3A_763 : i32
        %ne3A_765 = arith.constant 0 : i32
        %ne3A_766 = arith.cmpi ne, %rem3A_764, %ne3A_765 : i32
        %lt3A_767 = arith.constant 0 : i32
        %lt3A_768 = arith.cmpi slt, %rem3A_764, %lt3A_767 : i32
        %lt3A_769 = arith.constant 0 : i32
        %lt3A_770 = arith.cmpi slt, %select_n3A_763, %lt3A_769 : i32
        %ne3A_771 = arith.xori %lt3A_768, %lt3A_770 : i1
        %and3A_772 = arith.andi %ne3A_771, %ne3A_766 : i1
        %add3A_773 = arith.addi %rem3A_764, %select_n3A_763 : i32
        %select_n3A_774 = arith.select %and3A_772, %add3A_773, %rem3A_764 : i32
        %mul3A_775 = arith.constant 16 : i32
        %mul3A_776 = arith.muli %select_n3A_774, %mul3A_775 : i32
        %swap3A_777 = arith.index_cast %add3A_758 : i32 to index
        %swap3A_778 = arith.index_cast %mul3A_776 : i32 to index
        %swap3A_779 = tpu.vector_load %arg14[%swap3A_777, %swap3A_778] {strides = array<i32>} : memref<160x128xf32, #tpu.memory_space<vmem>>, vector<1x16xf32>,
        %swap3A_780 = vector.shape_cast %swap3A_779 : vector<1x16xf32> to vector<16xf32>
        %swap3A_781 = vector.shape_cast %add3A_733 : vector<16xf32> to vector<1x16xf32>
        tpu.vector_store %arg14[%swap3A_777, %swap3A_778], %swap3A_781 {strides = array<i32>} : memref<160x128xf32, #tpu.memory_space<vmem>>, vector<1x16xf32>,
        %add3A_782 = arith.constant 5 : i32
        %add3A_783 = arith.addi %mul3A_346, %add3A_782 : i32
        %add3A_784 = arith.constant 640 : i32
        %add3A_785 = arith.addi %multiple_of3A, %add3A_784 : i32
        %add3A_786 = arith.addi %add3A_785, %add3A_783 : i32
        %get3A_787 = arith.index_cast %add3A_786 : i32 to index
        %get3A_788 = tpu.vector_load %arg9[%get3A_787] {strides = array<i32>} : memref<2576xi32, #tpu.memory_space<vmem>>, vector<16xi32>,
        %get3A_789 = vector.shape_cast %get3A_788 : vector<16xi32> to vector<16xi32>
        %slice3A_790 = vector.extract_strided_slice %get3A_789 {offsets = [0], sizes = [1], strides = [1]} : vector<16xi32> to vector<1xi32>
        %squeeze3A_791 = vector.extract %slice3A_790[0] : i32 from vector<1xi32>
        %get3A_792 = arith.index_cast %add3A_783 : i32 to index
        %get3A_793 = arith.index_cast %squeeze3A_791 : i32 to index
        %get3A_794 = tpu.vector_load %arg12[%get3A_792, %get3A_793] {strides = array<i32>} : memref<640x128xf32, #tpu.memory_space<vmem>>, vector<1x16xf32>,
        %get3A_795 = vector.shape_cast %get3A_794 : vector<1x16xf32> to vector<16xf32>
        %add3A_796 = arith.constant 16 : i32
        %add3A_797 = arith.addi %squeeze3A_791, %add3A_796 : i32
        %get3A_798 = arith.index_cast %add3A_783 : i32 to index
        %get3A_799 = arith.index_cast %add3A_797 : i32 to index
        %get3A_800 = tpu.vector_load %arg12[%get3A_798, %get3A_799] {strides = array<i32>} : memref<640x128xf32, #tpu.memory_space<vmem>>, vector<1x16xf32>,
        %get3A_801 = vector.shape_cast %get3A_800 : vector<1x16xf32> to vector<16xf32>
        %add3A_802 = arith.constant 32 : i32
        %add3A_803 = arith.addi %squeeze3A_791, %add3A_802 : i32
        %get3A_804 = arith.index_cast %add3A_783 : i32 to index
        %get3A_805 = arith.index_cast %add3A_803 : i32 to index
        %get3A_806 = tpu.vector_load %arg12[%get3A_804, %get3A_805] {strides = array<i32>} : memref<640x128xf32, #tpu.memory_space<vmem>>, vector<1x16xf32>,
        %get3A_807 = vector.shape_cast %get3A_806 : vector<1x16xf32> to vector<16xf32>
        %add3A_808 = arith.constant 48 : i32
        %add3A_809 = arith.addi %squeeze3A_791, %add3A_808 : i32
        %get3A_810 = arith.index_cast %add3A_783 : i32 to index
        %get3A_811 = arith.index_cast %add3A_809 : i32 to index
        %get3A_812 = tpu.vector_load %arg12[%get3A_810, %get3A_811] {strides = array<i32>} : memref<640x128xf32, #tpu.memory_space<vmem>>, vector<1x16xf32>,
        %get3A_813 = vector.shape_cast %get3A_812 : vector<1x16xf32> to vector<16xf32>
        %mul3A_814 = arith.mulf %get3A_251, %get3A_795 : vector<16xf32>
        %mul3A_815 = arith.mulf %get3A_257, %get3A_801 : vector<16xf32>
        %add3A_816 = arith.addf %mul3A_814, %mul3A_815 : vector<16xf32>
        %mul3A_817 = arith.mulf %get3A_263, %get3A_807 : vector<16xf32>
        %add3A_818 = arith.addf %add3A_816, %mul3A_817 : vector<16xf32>
        %mul3A_819 = arith.mulf %get3A_269, %get3A_813 : vector<16xf32>
        %add3A_820 = arith.addf %add3A_818, %mul3A_819 : vector<16xf32>
        %jit3A_821 = arith.constant 8 : i32
        %div3A_822 = arith.divsi %add3A_783, %jit3A_821 : i32
        %sign3A_823 = arith.constant 0 : i32
        %sign3A_824 = arith.cmpi sgt, %add3A_783, %sign3A_823 : i32
        %sign3A_825 = arith.extui %sign3A_824 : i1 to i32
        %sign3A_826 = arith.constant 0 : i32
        %sign3A_827 = arith.cmpi slt, %add3A_783, %sign3A_826 : i32
        %sign3A_828 = arith.extui %sign3A_827 : i1 to i32
        %sign3A_829 = arith.subi %sign3A_825, %sign3A_828 : i32
        %sign3A_830 = arith.constant 0 : i32
        %sign3A_831 = arith.cmpi sgt, %jit3A_821, %sign3A_830 : i32
        %sign3A_832 = arith.extui %sign3A_831 : i1 to i32
        %sign3A_833 = arith.constant 0 : i32
        %sign3A_834 = arith.cmpi slt, %jit3A_821, %sign3A_833 : i32
        %sign3A_835 = arith.extui %sign3A_834 : i1 to i32
        %sign3A_836 = arith.subi %sign3A_832, %sign3A_835 : i32
        %ne3A_837 = arith.cmpi ne, %sign3A_829, %sign3A_836 : i32
        %rem3A_838 = arith.remsi %add3A_783, %jit3A_821 : i32
        %ne3A_839 = arith.constant 0 : i32
        %ne3A_840 = arith.cmpi ne, %rem3A_838, %ne3A_839 : i32
        %and3A_841 = arith.andi %ne3A_837, %ne3A_840 : i1
        %sub3A_842 = arith.constant 1 : i32
        %sub3A_843 = arith.subi %div3A_822, %sub3A_842 : i32
        %select_n3A_844 = arith.select %and3A_841, %sub3A_843, %div3A_822 : i32
        %add3A_845 = arith.addi %multiple_of3A_186, %select_n3A_844 : i32
        %jit3A_846 = arith.constant 8 : i32
        %eq3A_847 = arith.constant 0 : i32
        %eq3A_848 = arith.cmpi eq, %jit3A_846, %eq3A_847 : i32
        %jit3A_849 = arith.constant 1 : i32
        %select_n3A_850 = arith.select %eq3A_848, %jit3A_849, %jit3A_846 : i32
        %rem3A_851 = arith.remsi %add3A_783, %select_n3A_850 : i32
        %ne3A_852 = arith.constant 0 : i32
        %ne3A_853 = arith.cmpi ne, %rem3A_851, %ne3A_852 : i32
        %lt3A_854 = arith.constant 0 : i32
        %lt3A_855 = arith.cmpi slt, %rem3A_851, %lt3A_854 : i32
        %lt3A_856 = arith.constant 0 : i32
        %lt3A_857 = arith.cmpi slt, %select_n3A_850, %lt3A_856 : i32
        %ne3A_858 = arith.xori %lt3A_855, %lt3A_857 : i1
        %and3A_859 = arith.andi %ne3A_858, %ne3A_853 : i1
        %add3A_860 = arith.addi %rem3A_851, %select_n3A_850 : i32
        %select_n3A_861 = arith.select %and3A_859, %add3A_860, %rem3A_851 : i32
        %mul3A_862 = arith.constant 16 : i32
        %mul3A_863 = arith.muli %select_n3A_861, %mul3A_862 : i32
        %swap3A_864 = arith.index_cast %add3A_845 : i32 to index
        %swap3A_865 = arith.index_cast %mul3A_863 : i32 to index
        %swap3A_866 = tpu.vector_load %arg14[%swap3A_864, %swap3A_865] {strides = array<i32>} : memref<160x128xf32, #tpu.memory_space<vmem>>, vector<1x16xf32>,
        %swap3A_867 = vector.shape_cast %swap3A_866 : vector<1x16xf32> to vector<16xf32>
        %swap3A_868 = vector.shape_cast %add3A_820 : vector<16xf32> to vector<1x16xf32>
        tpu.vector_store %arg14[%swap3A_864, %swap3A_865], %swap3A_868 {strides = array<i32>} : memref<160x128xf32, #tpu.memory_space<vmem>>, vector<1x16xf32>,
        %add3A_869 = arith.constant 6 : i32
        %add3A_870 = arith.addi %mul3A_346, %add3A_869 : i32
        %add3A_871 = arith.constant 640 : i32
        %add3A_872 = arith.addi %multiple_of3A, %add3A_871 : i32
        %add3A_873 = arith.addi %add3A_872, %add3A_870 : i32
        %get3A_874 = arith.index_cast %add3A_873 : i32 to index
        %get3A_875 = tpu.vector_load %arg9[%get3A_874] {strides = array<i32>} : memref<2576xi32, #tpu.memory_space<vmem>>, vector<16xi32>,
        %get3A_876 = vector.shape_cast %get3A_875 : vector<16xi32> to vector<16xi32>
        %slice3A_877 = vector.extract_strided_slice %get3A_876 {offsets = [0], sizes = [1], strides = [1]} : vector<16xi32> to vector<1xi32>
        %squeeze3A_878 = vector.extract %slice3A_877[0] : i32 from vector<1xi32>
        %get3A_879 = arith.index_cast %add3A_870 : i32 to index
        %get3A_880 = arith.index_cast %squeeze3A_878 : i32 to index
        %get3A_881 = tpu.vector_load %arg12[%get3A_879, %get3A_880] {strides = array<i32>} : memref<640x128xf32, #tpu.memory_space<vmem>>, vector<1x16xf32>,
        %get3A_882 = vector.shape_cast %get3A_881 : vector<1x16xf32> to vector<16xf32>
        %add3A_883 = arith.constant 16 : i32
        %add3A_884 = arith.addi %squeeze3A_878, %add3A_883 : i32
        %get3A_885 = arith.index_cast %add3A_870 : i32 to index
        %get3A_886 = arith.index_cast %add3A_884 : i32 to index
        %get3A_887 = tpu.vector_load %arg12[%get3A_885, %get3A_886] {strides = array<i32>} : memref<640x128xf32, #tpu.memory_space<vmem>>, vector<1x16xf32>,
        %get3A_888 = vector.shape_cast %get3A_887 : vector<1x16xf32> to vector<16xf32>
        %add3A_889 = arith.constant 32 : i32
        %add3A_890 = arith.addi %squeeze3A_878, %add3A_889 : i32
        %get3A_891 = arith.index_cast %add3A_870 : i32 to index
        %get3A_892 = arith.index_cast %add3A_890 : i32 to index
        %get3A_893 = tpu.vector_load %arg12[%get3A_891, %get3A_892] {strides = array<i32>} : memref<640x128xf32, #tpu.memory_space<vmem>>, vector<1x16xf32>,
        %get3A_894 = vector.shape_cast %get3A_893 : vector<1x16xf32> to vector<16xf32>
        %add3A_895 = arith.constant 48 : i32
        %add3A_896 = arith.addi %squeeze3A_878, %add3A_895 : i32
        %get3A_897 = arith.index_cast %add3A_870 : i32 to index
        %get3A_898 = arith.index_cast %add3A_896 : i32 to index
        %get3A_899 = tpu.vector_load %arg12[%get3A_897, %get3A_898] {strides = array<i32>} : memref<640x128xf32, #tpu.memory_space<vmem>>, vector<1x16xf32>,
        %get3A_900 = vector.shape_cast %get3A_899 : vector<1x16xf32> to vector<16xf32>
        %mul3A_901 = arith.mulf %get3A_251, %get3A_882 : vector<16xf32>
        %mul3A_902 = arith.mulf %get3A_257, %get3A_888 : vector<16xf32>
        %add3A_903 = arith.addf %mul3A_901, %mul3A_902 : vector<16xf32>
        %mul3A_904 = arith.mulf %get3A_263, %get3A_894 : vector<16xf32>
        %add3A_905 = arith.addf %add3A_903, %mul3A_904 : vector<16xf32>
        %mul3A_906 = arith.mulf %get3A_269, %get3A_900 : vector<16xf32>
        %add3A_907 = arith.addf %add3A_905, %mul3A_906 : vector<16xf32>
        %jit3A_908 = arith.constant 8 : i32
        %div3A_909 = arith.divsi %add3A_870, %jit3A_908 : i32
        %sign3A_910 = arith.constant 0 : i32
        %sign3A_911 = arith.cmpi sgt, %add3A_870, %sign3A_910 : i32
        %sign3A_912 = arith.extui %sign3A_911 : i1 to i32
        %sign3A_913 = arith.constant 0 : i32
        %sign3A_914 = arith.cmpi slt, %add3A_870, %sign3A_913 : i32
        %sign3A_915 = arith.extui %sign3A_914 : i1 to i32
        %sign3A_916 = arith.subi %sign3A_912, %sign3A_915 : i32
        %sign3A_917 = arith.constant 0 : i32
        %sign3A_918 = arith.cmpi sgt, %jit3A_908, %sign3A_917 : i32
        %sign3A_919 = arith.extui %sign3A_918 : i1 to i32
        %sign3A_920 = arith.constant 0 : i32
        %sign3A_921 = arith.cmpi slt, %jit3A_908, %sign3A_920 : i32
        %sign3A_922 = arith.extui %sign3A_921 : i1 to i32
        %sign3A_923 = arith.subi %sign3A_919, %sign3A_922 : i32
        %ne3A_924 = arith.cmpi ne, %sign3A_916, %sign3A_923 : i32
        %rem3A_925 = arith.remsi %add3A_870, %jit3A_908 : i32
        %ne3A_926 = arith.constant 0 : i32
        %ne3A_927 = arith.cmpi ne, %rem3A_925, %ne3A_926 : i32
        %and3A_928 = arith.andi %ne3A_924, %ne3A_927 : i1
        %sub3A_929 = arith.constant 1 : i32
        %sub3A_930 = arith.subi %div3A_909, %sub3A_929 : i32
        %select_n3A_931 = arith.select %and3A_928, %sub3A_930, %div3A_909 : i32
        %add3A_932 = arith.addi %multiple_of3A_186, %select_n3A_931 : i32
        %jit3A_933 = arith.constant 8 : i32
        %eq3A_934 = arith.constant 0 : i32
        %eq3A_935 = arith.cmpi eq, %jit3A_933, %eq3A_934 : i32
        %jit3A_936 = arith.constant 1 : i32
        %select_n3A_937 = arith.select %eq3A_935, %jit3A_936, %jit3A_933 : i32
        %rem3A_938 = arith.remsi %add3A_870, %select_n3A_937 : i32
        %ne3A_939 = arith.constant 0 : i32
        %ne3A_940 = arith.cmpi ne, %rem3A_938, %ne3A_939 : i32
        %lt3A_941 = arith.constant 0 : i32
        %lt3A_942 = arith.cmpi slt, %rem3A_938, %lt3A_941 : i32
        %lt3A_943 = arith.constant 0 : i32
        %lt3A_944 = arith.cmpi slt, %select_n3A_937, %lt3A_943 : i32
        %ne3A_945 = arith.xori %lt3A_942, %lt3A_944 : i1
        %and3A_946 = arith.andi %ne3A_945, %ne3A_940 : i1
        %add3A_947 = arith.addi %rem3A_938, %select_n3A_937 : i32
        %select_n3A_948 = arith.select %and3A_946, %add3A_947, %rem3A_938 : i32
        %mul3A_949 = arith.constant 16 : i32
        %mul3A_950 = arith.muli %select_n3A_948, %mul3A_949 : i32
        %swap3A_951 = arith.index_cast %add3A_932 : i32 to index
        %swap3A_952 = arith.index_cast %mul3A_950 : i32 to index
        %swap3A_953 = tpu.vector_load %arg14[%swap3A_951, %swap3A_952] {strides = array<i32>} : memref<160x128xf32, #tpu.memory_space<vmem>>, vector<1x16xf32>,
        %swap3A_954 = vector.shape_cast %swap3A_953 : vector<1x16xf32> to vector<16xf32>
        %swap3A_955 = vector.shape_cast %add3A_907 : vector<16xf32> to vector<1x16xf32>
        tpu.vector_store %arg14[%swap3A_951, %swap3A_952], %swap3A_955 {strides = array<i32>} : memref<160x128xf32, #tpu.memory_space<vmem>>, vector<1x16xf32>,
        %add3A_956 = arith.constant 7 : i32
        %add3A_957 = arith.addi %mul3A_346, %add3A_956 : i32
        %add3A_958 = arith.constant 640 : i32
        %add3A_959 = arith.addi %multiple_of3A, %add3A_958 : i32
        %add3A_960 = arith.addi %add3A_959, %add3A_957 : i32
        %get3A_961 = arith.index_cast %add3A_960 : i32 to index
        %get3A_962 = tpu.vector_load %arg9[%get3A_961] {strides = array<i32>} : memref<2576xi32, #tpu.memory_space<vmem>>, vector<16xi32>,
        %get3A_963 = vector.shape_cast %get3A_962 : vector<16xi32> to vector<16xi32>
        %slice3A_964 = vector.extract_strided_slice %get3A_963 {offsets = [0], sizes = [1], strides = [1]} : vector<16xi32> to vector<1xi32>
        %squeeze3A_965 = vector.extract %slice3A_964[0] : i32 from vector<1xi32>
        %get3A_966 = arith.index_cast %add3A_957 : i32 to index
        %get3A_967 = arith.index_cast %squeeze3A_965 : i32 to index
        %get3A_968 = tpu.vector_load %arg12[%get3A_966, %get3A_967] {strides = array<i32>} : memref<640x128xf32, #tpu.memory_space<vmem>>, vector<1x16xf32>,
        %get3A_969 = vector.shape_cast %get3A_968 : vector<1x16xf32> to vector<16xf32>
        %add3A_970 = arith.constant 16 : i32
        %add3A_971 = arith.addi %squeeze3A_965, %add3A_970 : i32
        %get3A_972 = arith.index_cast %add3A_957 : i32 to index
        %get3A_973 = arith.index_cast %add3A_971 : i32 to index
        %get3A_974 = tpu.vector_load %arg12[%get3A_972, %get3A_973] {strides = array<i32>} : memref<640x128xf32, #tpu.memory_space<vmem>>, vector<1x16xf32>,
        %get3A_975 = vector.shape_cast %get3A_974 : vector<1x16xf32> to vector<16xf32>
        %add3A_976 = arith.constant 32 : i32
        %add3A_977 = arith.addi %squeeze3A_965, %add3A_976 : i32
        %get3A_978 = arith.index_cast %add3A_957 : i32 to index
        %get3A_979 = arith.index_cast %add3A_977 : i32 to index
        %get3A_980 = tpu.vector_load %arg12[%get3A_978, %get3A_979] {strides = array<i32>} : memref<640x128xf32, #tpu.memory_space<vmem>>, vector<1x16xf32>,
        %get3A_981 = vector.shape_cast %get3A_980 : vector<1x16xf32> to vector<16xf32>
        %add3A_982 = arith.constant 48 : i32
        %add3A_983 = arith.addi %squeeze3A_965, %add3A_982 : i32
        %get3A_984 = arith.index_cast %add3A_957 : i32 to index
        %get3A_985 = arith.index_cast %add3A_983 : i32 to index
        %get3A_986 = tpu.vector_load %arg12[%get3A_984, %get3A_985] {strides = array<i32>} : memref<640x128xf32, #tpu.memory_space<vmem>>, vector<1x16xf32>,
        %get3A_987 = vector.shape_cast %get3A_986 : vector<1x16xf32> to vector<16xf32>
        %mul3A_988 = arith.mulf %get3A_251, %get3A_969 : vector<16xf32>
        %mul3A_989 = arith.mulf %get3A_257, %get3A_975 : vector<16xf32>
        %add3A_990 = arith.addf %mul3A_988, %mul3A_989 : vector<16xf32>
        %mul3A_991 = arith.mulf %get3A_263, %get3A_981 : vector<16xf32>
        %add3A_992 = arith.addf %add3A_990, %mul3A_991 : vector<16xf32>
        %mul3A_993 = arith.mulf %get3A_269, %get3A_987 : vector<16xf32>
        %add3A_994 = arith.addf %add3A_992, %mul3A_993 : vector<16xf32>
        %jit3A_995 = arith.constant 8 : i32
        %div3A_996 = arith.divsi %add3A_957, %jit3A_995 : i32
        %sign3A_997 = arith.constant 0 : i32
        %sign3A_998 = arith.cmpi sgt, %add3A_957, %sign3A_997 : i32
        %sign3A_999 = arith.extui %sign3A_998 : i1 to i32
        %sign3A_1000 = arith.constant 0 : i32
        %sign3A_1001 = arith.cmpi slt, %add3A_957, %sign3A_1000 : i32
        %sign3A_1002 = arith.extui %sign3A_1001 : i1 to i32
        %sign3A_1003 = arith.subi %sign3A_999, %sign3A_1002 : i32
        %sign3A_1004 = arith.constant 0 : i32
        %sign3A_1005 = arith.cmpi sgt, %jit3A_995, %sign3A_1004 : i32
        %sign3A_1006 = arith.extui %sign3A_1005 : i1 to i32
        %sign3A_1007 = arith.constant 0 : i32
        %sign3A_1008 = arith.cmpi slt, %jit3A_995, %sign3A_1007 : i32
        %sign3A_1009 = arith.extui %sign3A_1008 : i1 to i32
        %sign3A_1010 = arith.subi %sign3A_1006, %sign3A_1009 : i32
        %ne3A_1011 = arith.cmpi ne, %sign3A_1003, %sign3A_1010 : i32
        %rem3A_1012 = arith.remsi %add3A_957, %jit3A_995 : i32
        %ne3A_1013 = arith.constant 0 : i32
        %ne3A_1014 = arith.cmpi ne, %rem3A_1012, %ne3A_1013 : i32
        %and3A_1015 = arith.andi %ne3A_1011, %ne3A_1014 : i1
        %sub3A_1016 = arith.constant 1 : i32
        %sub3A_1017 = arith.subi %div3A_996, %sub3A_1016 : i32
        %select_n3A_1018 = arith.select %and3A_1015, %sub3A_1017, %div3A_996 : i32
        %add3A_1019 = arith.addi %multiple_of3A_186, %select_n3A_1018 : i32
        %jit3A_1020 = arith.constant 8 : i32
        %eq3A_1021 = arith.constant 0 : i32
        %eq3A_1022 = arith.cmpi eq, %jit3A_1020, %eq3A_1021 : i32
        %jit3A_1023 = arith.constant 1 : i32
        %select_n3A_1024 = arith.select %eq3A_1022, %jit3A_1023, %jit3A_1020 : i32
        %rem3A_1025 = arith.remsi %add3A_957, %select_n3A_1024 : i32
        %ne3A_1026 = arith.constant 0 : i32
        %ne3A_1027 = arith.cmpi ne, %rem3A_1025, %ne3A_1026 : i32
        %lt3A_1028 = arith.constant 0 : i32
        %lt3A_1029 = arith.cmpi slt, %rem3A_1025, %lt3A_1028 : i32
        %lt3A_1030 = arith.constant 0 : i32
        %lt3A_1031 = arith.cmpi slt, %select_n3A_1024, %lt3A_1030 : i32
        %ne3A_1032 = arith.xori %lt3A_1029, %lt3A_1031 : i1
        %and3A_1033 = arith.andi %ne3A_1032, %ne3A_1027 : i1
        %add3A_1034 = arith.addi %rem3A_1025, %select_n3A_1024 : i32
        %select_n3A_1035 = arith.select %and3A_1033, %add3A_1034, %rem3A_1025 : i32
        %mul3A_1036 = arith.constant 16 : i32
        %mul3A_1037 = arith.muli %select_n3A_1035, %mul3A_1036 : i32
        %swap3A_1038 = arith.index_cast %add3A_1019 : i32 to index
        %swap3A_1039 = arith.index_cast %mul3A_1037 : i32 to index
        %swap3A_1040 = tpu.vector_load %arg14[%swap3A_1038, %swap3A_1039] {strides = array<i32>} : memref<160x128xf32, #tpu.memory_space<vmem>>, vector<1x16xf32>,
        %swap3A_1041 = vector.shape_cast %swap3A_1040 : vector<1x16xf32> to vector<16xf32>
        %swap3A_1042 = vector.shape_cast %add3A_994 : vector<16xf32> to vector<1x16xf32>
        tpu.vector_store %arg14[%swap3A_1038, %swap3A_1039], %swap3A_1042 {strides = array<i32>} : memref<160x128xf32, #tpu.memory_space<vmem>>, vector<1x16xf32>,
        %add3A_1043 = arith.constant 8 : i32
        %add3A_1044 = arith.addi %mul3A_346, %add3A_1043 : i32
        %add3A_1045 = arith.constant 640 : i32
        %add3A_1046 = arith.addi %multiple_of3A, %add3A_1045 : i32
        %add3A_1047 = arith.addi %add3A_1046, %add3A_1044 : i32
        %get3A_1048 = arith.index_cast %add3A_1047 : i32 to index
        %get3A_1049 = tpu.vector_load %arg9[%get3A_1048] {strides = array<i32>} : memref<2576xi32, #tpu.memory_space<vmem>>, vector<16xi32>,
        %get3A_1050 = vector.shape_cast %get3A_1049 : vector<16xi32> to vector<16xi32>
        %slice3A_1051 = vector.extract_strided_slice %get3A_1050 {offsets = [0], sizes = [1], strides = [1]} : vector<16xi32> to vector<1xi32>
        %squeeze3A_1052 = vector.extract %slice3A_1051[0] : i32 from vector<1xi32>
        %get3A_1053 = arith.index_cast %add3A_1044 : i32 to index
        %get3A_1054 = arith.index_cast %squeeze3A_1052 : i32 to index
        %get3A_1055 = tpu.vector_load %arg12[%get3A_1053, %get3A_1054] {strides = array<i32>} : memref<640x128xf32, #tpu.memory_space<vmem>>, vector<1x16xf32>,
        %get3A_1056 = vector.shape_cast %get3A_1055 : vector<1x16xf32> to vector<16xf32>
        %add3A_1057 = arith.constant 16 : i32
        %add3A_1058 = arith.addi %squeeze3A_1052, %add3A_1057 : i32
        %get3A_1059 = arith.index_cast %add3A_1044 : i32 to index
        %get3A_1060 = arith.index_cast %add3A_1058 : i32 to index
        %get3A_1061 = tpu.vector_load %arg12[%get3A_1059, %get3A_1060] {strides = array<i32>} : memref<640x128xf32, #tpu.memory_space<vmem>>, vector<1x16xf32>,
        %get3A_1062 = vector.shape_cast %get3A_1061 : vector<1x16xf32> to vector<16xf32>
        %add3A_1063 = arith.constant 32 : i32
        %add3A_1064 = arith.addi %squeeze3A_1052, %add3A_1063 : i32
        %get3A_1065 = arith.index_cast %add3A_1044 : i32 to index
        %get3A_1066 = arith.index_cast %add3A_1064 : i32 to index
        %get3A_1067 = tpu.vector_load %arg12[%get3A_1065, %get3A_1066] {strides = array<i32>} : memref<640x128xf32, #tpu.memory_space<vmem>>, vector<1x16xf32>,
        %get3A_1068 = vector.shape_cast %get3A_1067 : vector<1x16xf32> to vector<16xf32>
        %add3A_1069 = arith.constant 48 : i32
        %add3A_1070 = arith.addi %squeeze3A_1052, %add3A_1069 : i32
        %get3A_1071 = arith.index_cast %add3A_1044 : i32 to index
        %get3A_1072 = arith.index_cast %add3A_1070 : i32 to index
        %get3A_1073 = tpu.vector_load %arg12[%get3A_1071, %get3A_1072] {strides = array<i32>} : memref<640x128xf32, #tpu.memory_space<vmem>>, vector<1x16xf32>,
        %get3A_1074 = vector.shape_cast %get3A_1073 : vector<1x16xf32> to vector<16xf32>
        %mul3A_1075 = arith.mulf %get3A_251, %get3A_1056 : vector<16xf32>
        %mul3A_1076 = arith.mulf %get3A_257, %get3A_1062 : vector<16xf32>
        %add3A_1077 = arith.addf %mul3A_1075, %mul3A_1076 : vector<16xf32>
        %mul3A_1078 = arith.mulf %get3A_263, %get3A_1068 : vector<16xf32>
        %add3A_1079 = arith.addf %add3A_1077, %mul3A_1078 : vector<16xf32>
        %mul3A_1080 = arith.mulf %get3A_269, %get3A_1074 : vector<16xf32>
        %add3A_1081 = arith.addf %add3A_1079, %mul3A_1080 : vector<16xf32>
        %jit3A_1082 = arith.constant 8 : i32
        %div3A_1083 = arith.divsi %add3A_1044, %jit3A_1082 : i32
        %sign3A_1084 = arith.constant 0 : i32
        %sign3A_1085 = arith.cmpi sgt, %add3A_1044, %sign3A_1084 : i32
        %sign3A_1086 = arith.extui %sign3A_1085 : i1 to i32
        %sign3A_1087 = arith.constant 0 : i32
        %sign3A_1088 = arith.cmpi slt, %add3A_1044, %sign3A_1087 : i32
        %sign3A_1089 = arith.extui %sign3A_1088 : i1 to i32
        %sign3A_1090 = arith.subi %sign3A_1086, %sign3A_1089 : i32
        %sign3A_1091 = arith.constant 0 : i32
        %sign3A_1092 = arith.cmpi sgt, %jit3A_1082, %sign3A_1091 : i32
        %sign3A_1093 = arith.extui %sign3A_1092 : i1 to i32
        %sign3A_1094 = arith.constant 0 : i32
        %sign3A_1095 = arith.cmpi slt, %jit3A_1082, %sign3A_1094 : i32
        %sign3A_1096 = arith.extui %sign3A_1095 : i1 to i32
        %sign3A_1097 = arith.subi %sign3A_1093, %sign3A_1096 : i32
        %ne3A_1098 = arith.cmpi ne, %sign3A_1090, %sign3A_1097 : i32
        %rem3A_1099 = arith.remsi %add3A_1044, %jit3A_1082 : i32
        %ne3A_1100 = arith.constant 0 : i32
        %ne3A_1101 = arith.cmpi ne, %rem3A_1099, %ne3A_1100 : i32
        %and3A_1102 = arith.andi %ne3A_1098, %ne3A_1101 : i1
        %sub3A_1103 = arith.constant 1 : i32
        %sub3A_1104 = arith.subi %div3A_1083, %sub3A_1103 : i32
        %select_n3A_1105 = arith.select %and3A_1102, %sub3A_1104, %div3A_1083 : i32
        %add3A_1106 = arith.addi %multiple_of3A_186, %select_n3A_1105 : i32
        %jit3A_1107 = arith.constant 8 : i32
        %eq3A_1108 = arith.constant 0 : i32
        %eq3A_1109 = arith.cmpi eq, %jit3A_1107, %eq3A_1108 : i32
        %jit3A_1110 = arith.constant 1 : i32
        %select_n3A_1111 = arith.select %eq3A_1109, %jit3A_1110, %jit3A_1107 : i32
        %rem3A_1112 = arith.remsi %add3A_1044, %select_n3A_1111 : i32
        %ne3A_1113 = arith.constant 0 : i32
        %ne3A_1114 = arith.cmpi ne, %rem3A_1112, %ne3A_1113 : i32
        %lt3A_1115 = arith.constant 0 : i32
        %lt3A_1116 = arith.cmpi slt, %rem3A_1112, %lt3A_1115 : i32
        %lt3A_1117 = arith.constant 0 : i32
        %lt3A_1118 = arith.cmpi slt, %select_n3A_1111, %lt3A_1117 : i32
        %ne3A_1119 = arith.xori %lt3A_1116, %lt3A_1118 : i1
        %and3A_1120 = arith.andi %ne3A_1119, %ne3A_1114 : i1
        %add3A_1121 = arith.addi %rem3A_1112, %select_n3A_1111 : i32
        %select_n3A_1122 = arith.select %and3A_1120, %add3A_1121, %rem3A_1112 : i32
        %mul3A_1123 = arith.constant 16 : i32
        %mul3A_1124 = arith.muli %select_n3A_1122, %mul3A_1123 : i32
        %swap3A_1125 = arith.index_cast %add3A_1106 : i32 to index
        %swap3A_1126 = arith.index_cast %mul3A_1124 : i32 to index
        %swap3A_1127 = tpu.vector_load %arg14[%swap3A_1125, %swap3A_1126] {strides = array<i32>} : memref<160x128xf32, #tpu.memory_space<vmem>>, vector<1x16xf32>,
        %swap3A_1128 = vector.shape_cast %swap3A_1127 : vector<1x16xf32> to vector<16xf32>
        %swap3A_1129 = vector.shape_cast %add3A_1081 : vector<16xf32> to vector<1x16xf32>
        tpu.vector_store %arg14[%swap3A_1125, %swap3A_1126], %swap3A_1129 {strides = array<i32>} : memref<160x128xf32, #tpu.memory_space<vmem>>, vector<1x16xf32>,
        %add3A_1130 = arith.constant 9 : i32
        %add3A_1131 = arith.addi %mul3A_346, %add3A_1130 : i32
        %add3A_1132 = arith.constant 640 : i32
        %add3A_1133 = arith.addi %multiple_of3A, %add3A_1132 : i32
        %add3A_1134 = arith.addi %add3A_1133, %add3A_1131 : i32
        %get3A_1135 = arith.index_cast %add3A_1134 : i32 to index
        %get3A_1136 = tpu.vector_load %arg9[%get3A_1135] {strides = array<i32>} : memref<2576xi32, #tpu.memory_space<vmem>>, vector<16xi32>,
        %get3A_1137 = vector.shape_cast %get3A_1136 : vector<16xi32> to vector<16xi32>
        %slice3A_1138 = vector.extract_strided_slice %get3A_1137 {offsets = [0], sizes = [1], strides = [1]} : vector<16xi32> to vector<1xi32>
        %squeeze3A_1139 = vector.extract %slice3A_1138[0] : i32 from vector<1xi32>
        %get3A_1140 = arith.index_cast %add3A_1131 : i32 to index
        %get3A_1141 = arith.index_cast %squeeze3A_1139 : i32 to index
        %get3A_1142 = tpu.vector_load %arg12[%get3A_1140, %get3A_1141] {strides = array<i32>} : memref<640x128xf32, #tpu.memory_space<vmem>>, vector<1x16xf32>,
        %get3A_1143 = vector.shape_cast %get3A_1142 : vector<1x16xf32> to vector<16xf32>
        %add3A_1144 = arith.constant 16 : i32
        %add3A_1145 = arith.addi %squeeze3A_1139, %add3A_1144 : i32
        %get3A_1146 = arith.index_cast %add3A_1131 : i32 to index
        %get3A_1147 = arith.index_cast %add3A_1145 : i32 to index
        %get3A_1148 = tpu.vector_load %arg12[%get3A_1146, %get3A_1147] {strides = array<i32>} : memref<640x128xf32, #tpu.memory_space<vmem>>, vector<1x16xf32>,
        %get3A_1149 = vector.shape_cast %get3A_1148 : vector<1x16xf32> to vector<16xf32>
        %add3A_1150 = arith.constant 32 : i32
        %add3A_1151 = arith.addi %squeeze3A_1139, %add3A_1150 : i32
        %get3A_1152 = arith.index_cast %add3A_1131 : i32 to index
        %get3A_1153 = arith.index_cast %add3A_1151 : i32 to index
        %get3A_1154 = tpu.vector_load %arg12[%get3A_1152, %get3A_1153] {strides = array<i32>} : memref<640x128xf32, #tpu.memory_space<vmem>>, vector<1x16xf32>,
        %get3A_1155 = vector.shape_cast %get3A_1154 : vector<1x16xf32> to vector<16xf32>
        %add3A_1156 = arith.constant 48 : i32
        %add3A_1157 = arith.addi %squeeze3A_1139, %add3A_1156 : i32
        %get3A_1158 = arith.index_cast %add3A_1131 : i32 to index
        %get3A_1159 = arith.index_cast %add3A_1157 : i32 to index
        %get3A_1160 = tpu.vector_load %arg12[%get3A_1158, %get3A_1159] {strides = array<i32>} : memref<640x128xf32, #tpu.memory_space<vmem>>, vector<1x16xf32>,
        %get3A_1161 = vector.shape_cast %get3A_1160 : vector<1x16xf32> to vector<16xf32>
        %mul3A_1162 = arith.mulf %get3A_251, %get3A_1143 : vector<16xf32>
        %mul3A_1163 = arith.mulf %get3A_257, %get3A_1149 : vector<16xf32>
        %add3A_1164 = arith.addf %mul3A_1162, %mul3A_1163 : vector<16xf32>
        %mul3A_1165 = arith.mulf %get3A_263, %get3A_1155 : vector<16xf32>
        %add3A_1166 = arith.addf %add3A_1164, %mul3A_1165 : vector<16xf32>
        %mul3A_1167 = arith.mulf %get3A_269, %get3A_1161 : vector<16xf32>
        %add3A_1168 = arith.addf %add3A_1166, %mul3A_1167 : vector<16xf32>
        %jit3A_1169 = arith.constant 8 : i32
        %div3A_1170 = arith.divsi %add3A_1131, %jit3A_1169 : i32
        %sign3A_1171 = arith.constant 0 : i32
        %sign3A_1172 = arith.cmpi sgt, %add3A_1131, %sign3A_1171 : i32
        %sign3A_1173 = arith.extui %sign3A_1172 : i1 to i32
        %sign3A_1174 = arith.constant 0 : i32
        %sign3A_1175 = arith.cmpi slt, %add3A_1131, %sign3A_1174 : i32
        %sign3A_1176 = arith.extui %sign3A_1175 : i1 to i32
        %sign3A_1177 = arith.subi %sign3A_1173, %sign3A_1176 : i32
        %sign3A_1178 = arith.constant 0 : i32
        %sign3A_1179 = arith.cmpi sgt, %jit3A_1169, %sign3A_1178 : i32
        %sign3A_1180 = arith.extui %sign3A_1179 : i1 to i32
        %sign3A_1181 = arith.constant 0 : i32
        %sign3A_1182 = arith.cmpi slt, %jit3A_1169, %sign3A_1181 : i32
        %sign3A_1183 = arith.extui %sign3A_1182 : i1 to i32
        %sign3A_1184 = arith.subi %sign3A_1180, %sign3A_1183 : i32
        %ne3A_1185 = arith.cmpi ne, %sign3A_1177, %sign3A_1184 : i32
        %rem3A_1186 = arith.remsi %add3A_1131, %jit3A_1169 : i32
        %ne3A_1187 = arith.constant 0 : i32
        %ne3A_1188 = arith.cmpi ne, %rem3A_1186, %ne3A_1187 : i32
        %and3A_1189 = arith.andi %ne3A_1185, %ne3A_1188 : i1
        %sub3A_1190 = arith.constant 1 : i32
        %sub3A_1191 = arith.subi %div3A_1170, %sub3A_1190 : i32
        %select_n3A_1192 = arith.select %and3A_1189, %sub3A_1191, %div3A_1170 : i32
        %add3A_1193 = arith.addi %multiple_of3A_186, %select_n3A_1192 : i32
        %jit3A_1194 = arith.constant 8 : i32
        %eq3A_1195 = arith.constant 0 : i32
        %eq3A_1196 = arith.cmpi eq, %jit3A_1194, %eq3A_1195 : i32
        %jit3A_1197 = arith.constant 1 : i32
        %select_n3A_1198 = arith.select %eq3A_1196, %jit3A_1197, %jit3A_1194 : i32
        %rem3A_1199 = arith.remsi %add3A_1131, %select_n3A_1198 : i32
        %ne3A_1200 = arith.constant 0 : i32
        %ne3A_1201 = arith.cmpi ne, %rem3A_1199, %ne3A_1200 : i32
        %lt3A_1202 = arith.constant 0 : i32
        %lt3A_1203 = arith.cmpi slt, %rem3A_1199, %lt3A_1202 : i32
        %lt3A_1204 = arith.constant 0 : i32
        %lt3A_1205 = arith.cmpi slt, %select_n3A_1198, %lt3A_1204 : i32
        %ne3A_1206 = arith.xori %lt3A_1203, %lt3A_1205 : i1
        %and3A_1207 = arith.andi %ne3A_1206, %ne3A_1201 : i1
        %add3A_1208 = arith.addi %rem3A_1199, %select_n3A_1198 : i32
        %select_n3A_1209 = arith.select %and3A_1207, %add3A_1208, %rem3A_1199 : i32
        %mul3A_1210 = arith.constant 16 : i32
        %mul3A_1211 = arith.muli %select_n3A_1209, %mul3A_1210 : i32
        %swap3A_1212 = arith.index_cast %add3A_1193 : i32 to index
        %swap3A_1213 = arith.index_cast %mul3A_1211 : i32 to index
        %swap3A_1214 = tpu.vector_load %arg14[%swap3A_1212, %swap3A_1213] {strides = array<i32>} : memref<160x128xf32, #tpu.memory_space<vmem>>, vector<1x16xf32>,
        %swap3A_1215 = vector.shape_cast %swap3A_1214 : vector<1x16xf32> to vector<16xf32>
        %swap3A_1216 = vector.shape_cast %add3A_1168 : vector<16xf32> to vector<1x16xf32>
        tpu.vector_store %arg14[%swap3A_1212, %swap3A_1213], %swap3A_1216 {strides = array<i32>} : memref<160x128xf32, #tpu.memory_space<vmem>>, vector<1x16xf32>,
        %add3A_1217 = arith.constant 10 : i32
        %add3A_1218 = arith.addi %mul3A_346, %add3A_1217 : i32
        %add3A_1219 = arith.constant 640 : i32
        %add3A_1220 = arith.addi %multiple_of3A, %add3A_1219 : i32
        %add3A_1221 = arith.addi %add3A_1220, %add3A_1218 : i32
        %get3A_1222 = arith.index_cast %add3A_1221 : i32 to index
        %get3A_1223 = tpu.vector_load %arg9[%get3A_1222] {strides = array<i32>} : memref<2576xi32, #tpu.memory_space<vmem>>, vector<16xi32>,
        %get3A_1224 = vector.shape_cast %get3A_1223 : vector<16xi32> to vector<16xi32>
        %slice3A_1225 = vector.extract_strided_slice %get3A_1224 {offsets = [0], sizes = [1], strides = [1]} : vector<16xi32> to vector<1xi32>
        %squeeze3A_1226 = vector.extract %slice3A_1225[0] : i32 from vector<1xi32>
        %get3A_1227 = arith.index_cast %add3A_1218 : i32 to index
        %get3A_1228 = arith.index_cast %squeeze3A_1226 : i32 to index
        %get3A_1229 = tpu.vector_load %arg12[%get3A_1227, %get3A_1228] {strides = array<i32>} : memref<640x128xf32, #tpu.memory_space<vmem>>, vector<1x16xf32>,
        %get3A_1230 = vector.shape_cast %get3A_1229 : vector<1x16xf32> to vector<16xf32>
        %add3A_1231 = arith.constant 16 : i32
        %add3A_1232 = arith.addi %squeeze3A_1226, %add3A_1231 : i32
        %get3A_1233 = arith.index_cast %add3A_1218 : i32 to index
        %get3A_1234 = arith.index_cast %add3A_1232 : i32 to index
        %get3A_1235 = tpu.vector_load %arg12[%get3A_1233, %get3A_1234] {strides = array<i32>} : memref<640x128xf32, #tpu.memory_space<vmem>>, vector<1x16xf32>,
        %get3A_1236 = vector.shape_cast %get3A_1235 : vector<1x16xf32> to vector<16xf32>
        %add3A_1237 = arith.constant 32 : i32
        %add3A_1238 = arith.addi %squeeze3A_1226, %add3A_1237 : i32
        %get3A_1239 = arith.index_cast %add3A_1218 : i32 to index
        %get3A_1240 = arith.index_cast %add3A_1238 : i32 to index
        %get3A_1241 = tpu.vector_load %arg12[%get3A_1239, %get3A_1240] {strides = array<i32>} : memref<640x128xf32, #tpu.memory_space<vmem>>, vector<1x16xf32>,
        %get3A_1242 = vector.shape_cast %get3A_1241 : vector<1x16xf32> to vector<16xf32>
        %add3A_1243 = arith.constant 48 : i32
        %add3A_1244 = arith.addi %squeeze3A_1226, %add3A_1243 : i32
        %get3A_1245 = arith.index_cast %add3A_1218 : i32 to index
        %get3A_1246 = arith.index_cast %add3A_1244 : i32 to index
        %get3A_1247 = tpu.vector_load %arg12[%get3A_1245, %get3A_1246] {strides = array<i32>} : memref<640x128xf32, #tpu.memory_space<vmem>>, vector<1x16xf32>,
        %get3A_1248 = vector.shape_cast %get3A_1247 : vector<1x16xf32> to vector<16xf32>
        %mul3A_1249 = arith.mulf %get3A_251, %get3A_1230 : vector<16xf32>
        %mul3A_1250 = arith.mulf %get3A_257, %get3A_1236 : vector<16xf32>
        %add3A_1251 = arith.addf %mul3A_1249, %mul3A_1250 : vector<16xf32>
        %mul3A_1252 = arith.mulf %get3A_263, %get3A_1242 : vector<16xf32>
        %add3A_1253 = arith.addf %add3A_1251, %mul3A_1252 : vector<16xf32>
        %mul3A_1254 = arith.mulf %get3A_269, %get3A_1248 : vector<16xf32>
        %add3A_1255 = arith.addf %add3A_1253, %mul3A_1254 : vector<16xf32>
        %jit3A_1256 = arith.constant 8 : i32
        %div3A_1257 = arith.divsi %add3A_1218, %jit3A_1256 : i32
        %sign3A_1258 = arith.constant 0 : i32
        %sign3A_1259 = arith.cmpi sgt, %add3A_1218, %sign3A_1258 : i32
        %sign3A_1260 = arith.extui %sign3A_1259 : i1 to i32
        %sign3A_1261 = arith.constant 0 : i32
        %sign3A_1262 = arith.cmpi slt, %add3A_1218, %sign3A_1261 : i32
        %sign3A_1263 = arith.extui %sign3A_1262 : i1 to i32
        %sign3A_1264 = arith.subi %sign3A_1260, %sign3A_1263 : i32
        %sign3A_1265 = arith.constant 0 : i32
        %sign3A_1266 = arith.cmpi sgt, %jit3A_1256, %sign3A_1265 : i32
        %sign3A_1267 = arith.extui %sign3A_1266 : i1 to i32
        %sign3A_1268 = arith.constant 0 : i32
        %sign3A_1269 = arith.cmpi slt, %jit3A_1256, %sign3A_1268 : i32
        %sign3A_1270 = arith.extui %sign3A_1269 : i1 to i32
        %sign3A_1271 = arith.subi %sign3A_1267, %sign3A_1270 : i32
        %ne3A_1272 = arith.cmpi ne, %sign3A_1264, %sign3A_1271 : i32
        %rem3A_1273 = arith.remsi %add3A_1218, %jit3A_1256 : i32
        %ne3A_1274 = arith.constant 0 : i32
        %ne3A_1275 = arith.cmpi ne, %rem3A_1273, %ne3A_1274 : i32
        %and3A_1276 = arith.andi %ne3A_1272, %ne3A_1275 : i1
        %sub3A_1277 = arith.constant 1 : i32
        %sub3A_1278 = arith.subi %div3A_1257, %sub3A_1277 : i32
        %select_n3A_1279 = arith.select %and3A_1276, %sub3A_1278, %div3A_1257 : i32
        %add3A_1280 = arith.addi %multiple_of3A_186, %select_n3A_1279 : i32
        %jit3A_1281 = arith.constant 8 : i32
        %eq3A_1282 = arith.constant 0 : i32
        %eq3A_1283 = arith.cmpi eq, %jit3A_1281, %eq3A_1282 : i32
        %jit3A_1284 = arith.constant 1 : i32
        %select_n3A_1285 = arith.select %eq3A_1283, %jit3A_1284, %jit3A_1281 : i32
        %rem3A_1286 = arith.remsi %add3A_1218, %select_n3A_1285 : i32
        %ne3A_1287 = arith.constant 0 : i32
        %ne3A_1288 = arith.cmpi ne, %rem3A_1286, %ne3A_1287 : i32
        %lt3A_1289 = arith.constant 0 : i32
        %lt3A_1290 = arith.cmpi slt, %rem3A_1286, %lt3A_1289 : i32
        %lt3A_1291 = arith.constant 0 : i32
        %lt3A_1292 = arith.cmpi slt, %select_n3A_1285, %lt3A_1291 : i32
        %ne3A_1293 = arith.xori %lt3A_1290, %lt3A_1292 : i1
        %and3A_1294 = arith.andi %ne3A_1293, %ne3A_1288 : i1
        %add3A_1295 = arith.addi %rem3A_1286, %select_n3A_1285 : i32
        %select_n3A_1296 = arith.select %and3A_1294, %add3A_1295, %rem3A_1286 : i32
        %mul3A_1297 = arith.constant 16 : i32
        %mul3A_1298 = arith.muli %select_n3A_1296, %mul3A_1297 : i32
        %swap3A_1299 = arith.index_cast %add3A_1280 : i32 to index
        %swap3A_1300 = arith.index_cast %mul3A_1298 : i32 to index
        %swap3A_1301 = tpu.vector_load %arg14[%swap3A_1299, %swap3A_1300] {strides = array<i32>} : memref<160x128xf32, #tpu.memory_space<vmem>>, vector<1x16xf32>,
        %swap3A_1302 = vector.shape_cast %swap3A_1301 : vector<1x16xf32> to vector<16xf32>
        %swap3A_1303 = vector.shape_cast %add3A_1255 : vector<16xf32> to vector<1x16xf32>
        tpu.vector_store %arg14[%swap3A_1299, %swap3A_1300], %swap3A_1303 {strides = array<i32>} : memref<160x128xf32, #tpu.memory_space<vmem>>, vector<1x16xf32>,
        %add3A_1304 = arith.constant 11 : i32
        %add3A_1305 = arith.addi %mul3A_346, %add3A_1304 : i32
        %add3A_1306 = arith.constant 640 : i32
        %add3A_1307 = arith.addi %multiple_of3A, %add3A_1306 : i32
        %add3A_1308 = arith.addi %add3A_1307, %add3A_1305 : i32
        %get3A_1309 = arith.index_cast %add3A_1308 : i32 to index
        %get3A_1310 = tpu.vector_load %arg9[%get3A_1309] {strides = array<i32>} : memref<2576xi32, #tpu.memory_space<vmem>>, vector<16xi32>,
        %get3A_1311 = vector.shape_cast %get3A_1310 : vector<16xi32> to vector<16xi32>
        %slice3A_1312 = vector.extract_strided_slice %get3A_1311 {offsets = [0], sizes = [1], strides = [1]} : vector<16xi32> to vector<1xi32>
        %squeeze3A_1313 = vector.extract %slice3A_1312[0] : i32 from vector<1xi32>
        %get3A_1314 = arith.index_cast %add3A_1305 : i32 to index
        %get3A_1315 = arith.index_cast %squeeze3A_1313 : i32 to index
        %get3A_1316 = tpu.vector_load %arg12[%get3A_1314, %get3A_1315] {strides = array<i32>} : memref<640x128xf32, #tpu.memory_space<vmem>>, vector<1x16xf32>,
        %get3A_1317 = vector.shape_cast %get3A_1316 : vector<1x16xf32> to vector<16xf32>
        %add3A_1318 = arith.constant 16 : i32
        %add3A_1319 = arith.addi %squeeze3A_1313, %add3A_1318 : i32
        %get3A_1320 = arith.index_cast %add3A_1305 : i32 to index
        %get3A_1321 = arith.index_cast %add3A_1319 : i32 to index
        %get3A_1322 = tpu.vector_load %arg12[%get3A_1320, %get3A_1321] {strides = array<i32>} : memref<640x128xf32, #tpu.memory_space<vmem>>, vector<1x16xf32>,
        %get3A_1323 = vector.shape_cast %get3A_1322 : vector<1x16xf32> to vector<16xf32>
        %add3A_1324 = arith.constant 32 : i32
        %add3A_1325 = arith.addi %squeeze3A_1313, %add3A_1324 : i32
        %get3A_1326 = arith.index_cast %add3A_1305 : i32 to index
        %get3A_1327 = arith.index_cast %add3A_1325 : i32 to index
        %get3A_1328 = tpu.vector_load %arg12[%get3A_1326, %get3A_1327] {strides = array<i32>} : memref<640x128xf32, #tpu.memory_space<vmem>>, vector<1x16xf32>,
        %get3A_1329 = vector.shape_cast %get3A_1328 : vector<1x16xf32> to vector<16xf32>
        %add3A_1330 = arith.constant 48 : i32
        %add3A_1331 = arith.addi %squeeze3A_1313, %add3A_1330 : i32
        %get3A_1332 = arith.index_cast %add3A_1305 : i32 to index
        %get3A_1333 = arith.index_cast %add3A_1331 : i32 to index
        %get3A_1334 = tpu.vector_load %arg12[%get3A_1332, %get3A_1333] {strides = array<i32>} : memref<640x128xf32, #tpu.memory_space<vmem>>, vector<1x16xf32>,
        %get3A_1335 = vector.shape_cast %get3A_1334 : vector<1x16xf32> to vector<16xf32>
        %mul3A_1336 = arith.mulf %get3A_251, %get3A_1317 : vector<16xf32>
        %mul3A_1337 = arith.mulf %get3A_257, %get3A_1323 : vector<16xf32>
        %add3A_1338 = arith.addf %mul3A_1336, %mul3A_1337 : vector<16xf32>
        %mul3A_1339 = arith.mulf %get3A_263, %get3A_1329 : vector<16xf32>
        %add3A_1340 = arith.addf %add3A_1338, %mul3A_1339 : vector<16xf32>
        %mul3A_1341 = arith.mulf %get3A_269, %get3A_1335 : vector<16xf32>
        %add3A_1342 = arith.addf %add3A_1340, %mul3A_1341 : vector<16xf32>
        %jit3A_1343 = arith.constant 8 : i32
        %div3A_1344 = arith.divsi %add3A_1305, %jit3A_1343 : i32
        %sign3A_1345 = arith.constant 0 : i32
        %sign3A_1346 = arith.cmpi sgt, %add3A_1305, %sign3A_1345 : i32
        %sign3A_1347 = arith.extui %sign3A_1346 : i1 to i32
        %sign3A_1348 = arith.constant 0 : i32
        %sign3A_1349 = arith.cmpi slt, %add3A_1305, %sign3A_1348 : i32
        %sign3A_1350 = arith.extui %sign3A_1349 : i1 to i32
        %sign3A_1351 = arith.subi %sign3A_1347, %sign3A_1350 : i32
        %sign3A_1352 = arith.constant 0 : i32
        %sign3A_1353 = arith.cmpi sgt, %jit3A_1343, %sign3A_1352 : i32
        %sign3A_1354 = arith.extui %sign3A_1353 : i1 to i32
        %sign3A_1355 = arith.constant 0 : i32
        %sign3A_1356 = arith.cmpi slt, %jit3A_1343, %sign3A_1355 : i32
        %sign3A_1357 = arith.extui %sign3A_1356 : i1 to i32
        %sign3A_1358 = arith.subi %sign3A_1354, %sign3A_1357 : i32
        %ne3A_1359 = arith.cmpi ne, %sign3A_1351, %sign3A_1358 : i32
        %rem3A_1360 = arith.remsi %add3A_1305, %jit3A_1343 : i32
        %ne3A_1361 = arith.constant 0 : i32
        %ne3A_1362 = arith.cmpi ne, %rem3A_1360, %ne3A_1361 : i32
        %and3A_1363 = arith.andi %ne3A_1359, %ne3A_1362 : i1
        %sub3A_1364 = arith.constant 1 : i32
        %sub3A_1365 = arith.subi %div3A_1344, %sub3A_1364 : i32
        %select_n3A_1366 = arith.select %and3A_1363, %sub3A_1365, %div3A_1344 : i32
        %add3A_1367 = arith.addi %multiple_of3A_186, %select_n3A_1366 : i32
        %jit3A_1368 = arith.constant 8 : i32
        %eq3A_1369 = arith.constant 0 : i32
        %eq3A_1370 = arith.cmpi eq, %jit3A_1368, %eq3A_1369 : i32
        %jit3A_1371 = arith.constant 1 : i32
        %select_n3A_1372 = arith.select %eq3A_1370, %jit3A_1371, %jit3A_1368 : i32
        %rem3A_1373 = arith.remsi %add3A_1305, %select_n3A_1372 : i32
        %ne3A_1374 = arith.constant 0 : i32
        %ne3A_1375 = arith.cmpi ne, %rem3A_1373, %ne3A_1374 : i32
        %lt3A_1376 = arith.constant 0 : i32
        %lt3A_1377 = arith.cmpi slt, %rem3A_1373, %lt3A_1376 : i32
        %lt3A_1378 = arith.constant 0 : i32
        %lt3A_1379 = arith.cmpi slt, %select_n3A_1372, %lt3A_1378 : i32
        %ne3A_1380 = arith.xori %lt3A_1377, %lt3A_1379 : i1
        %and3A_1381 = arith.andi %ne3A_1380, %ne3A_1375 : i1
        %add3A_1382 = arith.addi %rem3A_1373, %select_n3A_1372 : i32
        %select_n3A_1383 = arith.select %and3A_1381, %add3A_1382, %rem3A_1373 : i32
        %mul3A_1384 = arith.constant 16 : i32
        %mul3A_1385 = arith.muli %select_n3A_1383, %mul3A_1384 : i32
        %swap3A_1386 = arith.index_cast %add3A_1367 : i32 to index
        %swap3A_1387 = arith.index_cast %mul3A_1385 : i32 to index
        %swap3A_1388 = tpu.vector_load %arg14[%swap3A_1386, %swap3A_1387] {strides = array<i32>} : memref<160x128xf32, #tpu.memory_space<vmem>>, vector<1x16xf32>,
        %swap3A_1389 = vector.shape_cast %swap3A_1388 : vector<1x16xf32> to vector<16xf32>
        %swap3A_1390 = vector.shape_cast %add3A_1342 : vector<16xf32> to vector<1x16xf32>
        tpu.vector_store %arg14[%swap3A_1386, %swap3A_1387], %swap3A_1390 {strides = array<i32>} : memref<160x128xf32, #tpu.memory_space<vmem>>, vector<1x16xf32>,
        %add3A_1391 = arith.constant 12 : i32
        %add3A_1392 = arith.addi %mul3A_346, %add3A_1391 : i32
        %add3A_1393 = arith.constant 640 : i32
        %add3A_1394 = arith.addi %multiple_of3A, %add3A_1393 : i32
        %add3A_1395 = arith.addi %add3A_1394, %add3A_1392 : i32
        %get3A_1396 = arith.index_cast %add3A_1395 : i32 to index
        %get3A_1397 = tpu.vector_load %arg9[%get3A_1396] {strides = array<i32>} : memref<2576xi32, #tpu.memory_space<vmem>>, vector<16xi32>,
        %get3A_1398 = vector.shape_cast %get3A_1397 : vector<16xi32> to vector<16xi32>
        %slice3A_1399 = vector.extract_strided_slice %get3A_1398 {offsets = [0], sizes = [1], strides = [1]} : vector<16xi32> to vector<1xi32>
        %squeeze3A_1400 = vector.extract %slice3A_1399[0] : i32 from vector<1xi32>
        %get3A_1401 = arith.index_cast %add3A_1392 : i32 to index
        %get3A_1402 = arith.index_cast %squeeze3A_1400 : i32 to index
        %get3A_1403 = tpu.vector_load %arg12[%get3A_1401, %get3A_1402] {strides = array<i32>} : memref<640x128xf32, #tpu.memory_space<vmem>>, vector<1x16xf32>,
        %get3A_1404 = vector.shape_cast %get3A_1403 : vector<1x16xf32> to vector<16xf32>
        %add3A_1405 = arith.constant 16 : i32
        %add3A_1406 = arith.addi %squeeze3A_1400, %add3A_1405 : i32
        %get3A_1407 = arith.index_cast %add3A_1392 : i32 to index
        %get3A_1408 = arith.index_cast %add3A_1406 : i32 to index
        %get3A_1409 = tpu.vector_load %arg12[%get3A_1407, %get3A_1408] {strides = array<i32>} : memref<640x128xf32, #tpu.memory_space<vmem>>, vector<1x16xf32>,
        %get3A_1410 = vector.shape_cast %get3A_1409 : vector<1x16xf32> to vector<16xf32>
        %add3A_1411 = arith.constant 32 : i32
        %add3A_1412 = arith.addi %squeeze3A_1400, %add3A_1411 : i32
        %get3A_1413 = arith.index_cast %add3A_1392 : i32 to index
        %get3A_1414 = arith.index_cast %add3A_1412 : i32 to index
        %get3A_1415 = tpu.vector_load %arg12[%get3A_1413, %get3A_1414] {strides = array<i32>} : memref<640x128xf32, #tpu.memory_space<vmem>>, vector<1x16xf32>,
        %get3A_1416 = vector.shape_cast %get3A_1415 : vector<1x16xf32> to vector<16xf32>
        %add3A_1417 = arith.constant 48 : i32
        %add3A_1418 = arith.addi %squeeze3A_1400, %add3A_1417 : i32
        %get3A_1419 = arith.index_cast %add3A_1392 : i32 to index
        %get3A_1420 = arith.index_cast %add3A_1418 : i32 to index
        %get3A_1421 = tpu.vector_load %arg12[%get3A_1419, %get3A_1420] {strides = array<i32>} : memref<640x128xf32, #tpu.memory_space<vmem>>, vector<1x16xf32>,
        %get3A_1422 = vector.shape_cast %get3A_1421 : vector<1x16xf32> to vector<16xf32>
        %mul3A_1423 = arith.mulf %get3A_251, %get3A_1404 : vector<16xf32>
        %mul3A_1424 = arith.mulf %get3A_257, %get3A_1410 : vector<16xf32>
        %add3A_1425 = arith.addf %mul3A_1423, %mul3A_1424 : vector<16xf32>
        %mul3A_1426 = arith.mulf %get3A_263, %get3A_1416 : vector<16xf32>
        %add3A_1427 = arith.addf %add3A_1425, %mul3A_1426 : vector<16xf32>
        %mul3A_1428 = arith.mulf %get3A_269, %get3A_1422 : vector<16xf32>
        %add3A_1429 = arith.addf %add3A_1427, %mul3A_1428 : vector<16xf32>
        %jit3A_1430 = arith.constant 8 : i32
        %div3A_1431 = arith.divsi %add3A_1392, %jit3A_1430 : i32
        %sign3A_1432 = arith.constant 0 : i32
        %sign3A_1433 = arith.cmpi sgt, %add3A_1392, %sign3A_1432 : i32
        %sign3A_1434 = arith.extui %sign3A_1433 : i1 to i32
        %sign3A_1435 = arith.constant 0 : i32
        %sign3A_1436 = arith.cmpi slt, %add3A_1392, %sign3A_1435 : i32
        %sign3A_1437 = arith.extui %sign3A_1436 : i1 to i32
        %sign3A_1438 = arith.subi %sign3A_1434, %sign3A_1437 : i32
        %sign3A_1439 = arith.constant 0 : i32
        %sign3A_1440 = arith.cmpi sgt, %jit3A_1430, %sign3A_1439 : i32
        %sign3A_1441 = arith.extui %sign3A_1440 : i1 to i32
        %sign3A_1442 = arith.constant 0 : i32
        %sign3A_1443 = arith.cmpi slt, %jit3A_1430, %sign3A_1442 : i32
        %sign3A_1444 = arith.extui %sign3A_1443 : i1 to i32
        %sign3A_1445 = arith.subi %sign3A_1441, %sign3A_1444 : i32
        %ne3A_1446 = arith.cmpi ne, %sign3A_1438, %sign3A_1445 : i32
        %rem3A_1447 = arith.remsi %add3A_1392, %jit3A_1430 : i32
        %ne3A_1448 = arith.constant 0 : i32
        %ne3A_1449 = arith.cmpi ne, %rem3A_1447, %ne3A_1448 : i32
        %and3A_1450 = arith.andi %ne3A_1446, %ne3A_1449 : i1
        %sub3A_1451 = arith.constant 1 : i32
        %sub3A_1452 = arith.subi %div3A_1431, %sub3A_1451 : i32
        %select_n3A_1453 = arith.select %and3A_1450, %sub3A_1452, %div3A_1431 : i32
        %add3A_1454 = arith.addi %multiple_of3A_186, %select_n3A_1453 : i32
        %jit3A_1455 = arith.constant 8 : i32
        %eq3A_1456 = arith.constant 0 : i32
        %eq3A_1457 = arith.cmpi eq, %jit3A_1455, %eq3A_1456 : i32
        %jit3A_1458 = arith.constant 1 : i32
        %select_n3A_1459 = arith.select %eq3A_1457, %jit3A_1458, %jit3A_1455 : i32
        %rem3A_1460 = arith.remsi %add3A_1392, %select_n3A_1459 : i32
        %ne3A_1461 = arith.constant 0 : i32
        %ne3A_1462 = arith.cmpi ne, %rem3A_1460, %ne3A_1461 : i32
        %lt3A_1463 = arith.constant 0 : i32
        %lt3A_1464 = arith.cmpi slt, %rem3A_1460, %lt3A_1463 : i32
        %lt3A_1465 = arith.constant 0 : i32
        %lt3A_1466 = arith.cmpi slt, %select_n3A_1459, %lt3A_1465 : i32
        %ne3A_1467 = arith.xori %lt3A_1464, %lt3A_1466 : i1
        %and3A_1468 = arith.andi %ne3A_1467, %ne3A_1462 : i1
        %add3A_1469 = arith.addi %rem3A_1460, %select_n3A_1459 : i32
        %select_n3A_1470 = arith.select %and3A_1468, %add3A_1469, %rem3A_1460 : i32
        %mul3A_1471 = arith.constant 16 : i32
        %mul3A_1472 = arith.muli %select_n3A_1470, %mul3A_1471 : i32
        %swap3A_1473 = arith.index_cast %add3A_1454 : i32 to index
        %swap3A_1474 = arith.index_cast %mul3A_1472 : i32 to index
        %swap3A_1475 = tpu.vector_load %arg14[%swap3A_1473, %swap3A_1474] {strides = array<i32>} : memref<160x128xf32, #tpu.memory_space<vmem>>, vector<1x16xf32>,
        %swap3A_1476 = vector.shape_cast %swap3A_1475 : vector<1x16xf32> to vector<16xf32>
        %swap3A_1477 = vector.shape_cast %add3A_1429 : vector<16xf32> to vector<1x16xf32>
        tpu.vector_store %arg14[%swap3A_1473, %swap3A_1474], %swap3A_1477 {strides = array<i32>} : memref<160x128xf32, #tpu.memory_space<vmem>>, vector<1x16xf32>,
        %add3A_1478 = arith.constant 13 : i32
        %add3A_1479 = arith.addi %mul3A_346, %add3A_1478 : i32
        %add3A_1480 = arith.constant 640 : i32
        %add3A_1481 = arith.addi %multiple_of3A, %add3A_1480 : i32
        %add3A_1482 = arith.addi %add3A_1481, %add3A_1479 : i32
        %get3A_1483 = arith.index_cast %add3A_1482 : i32 to index
        %get3A_1484 = tpu.vector_load %arg9[%get3A_1483] {strides = array<i32>} : memref<2576xi32, #tpu.memory_space<vmem>>, vector<16xi32>,
        %get3A_1485 = vector.shape_cast %get3A_1484 : vector<16xi32> to vector<16xi32>
        %slice3A_1486 = vector.extract_strided_slice %get3A_1485 {offsets = [0], sizes = [1], strides = [1]} : vector<16xi32> to vector<1xi32>
        %squeeze3A_1487 = vector.extract %slice3A_1486[0] : i32 from vector<1xi32>
        %get3A_1488 = arith.index_cast %add3A_1479 : i32 to index
        %get3A_1489 = arith.index_cast %squeeze3A_1487 : i32 to index
        %get3A_1490 = tpu.vector_load %arg12[%get3A_1488, %get3A_1489] {strides = array<i32>} : memref<640x128xf32, #tpu.memory_space<vmem>>, vector<1x16xf32>,
        %get3A_1491 = vector.shape_cast %get3A_1490 : vector<1x16xf32> to vector<16xf32>
        %add3A_1492 = arith.constant 16 : i32
        %add3A_1493 = arith.addi %squeeze3A_1487, %add3A_1492 : i32
        %get3A_1494 = arith.index_cast %add3A_1479 : i32 to index
        %get3A_1495 = arith.index_cast %add3A_1493 : i32 to index
        %get3A_1496 = tpu.vector_load %arg12[%get3A_1494, %get3A_1495] {strides = array<i32>} : memref<640x128xf32, #tpu.memory_space<vmem>>, vector<1x16xf32>,
        %get3A_1497 = vector.shape_cast %get3A_1496 : vector<1x16xf32> to vector<16xf32>
        %add3A_1498 = arith.constant 32 : i32
        %add3A_1499 = arith.addi %squeeze3A_1487, %add3A_1498 : i32
        %get3A_1500 = arith.index_cast %add3A_1479 : i32 to index
        %get3A_1501 = arith.index_cast %add3A_1499 : i32 to index
        %get3A_1502 = tpu.vector_load %arg12[%get3A_1500, %get3A_1501] {strides = array<i32>} : memref<640x128xf32, #tpu.memory_space<vmem>>, vector<1x16xf32>,
        %get3A_1503 = vector.shape_cast %get3A_1502 : vector<1x16xf32> to vector<16xf32>
        %add3A_1504 = arith.constant 48 : i32
        %add3A_1505 = arith.addi %squeeze3A_1487, %add3A_1504 : i32
        %get3A_1506 = arith.index_cast %add3A_1479 : i32 to index
        %get3A_1507 = arith.index_cast %add3A_1505 : i32 to index
        %get3A_1508 = tpu.vector_load %arg12[%get3A_1506, %get3A_1507] {strides = array<i32>} : memref<640x128xf32, #tpu.memory_space<vmem>>, vector<1x16xf32>,
        %get3A_1509 = vector.shape_cast %get3A_1508 : vector<1x16xf32> to vector<16xf32>
        %mul3A_1510 = arith.mulf %get3A_251, %get3A_1491 : vector<16xf32>
        %mul3A_1511 = arith.mulf %get3A_257, %get3A_1497 : vector<16xf32>
        %add3A_1512 = arith.addf %mul3A_1510, %mul3A_1511 : vector<16xf32>
        %mul3A_1513 = arith.mulf %get3A_263, %get3A_1503 : vector<16xf32>
        %add3A_1514 = arith.addf %add3A_1512, %mul3A_1513 : vector<16xf32>
        %mul3A_1515 = arith.mulf %get3A_269, %get3A_1509 : vector<16xf32>
        %add3A_1516 = arith.addf %add3A_1514, %mul3A_1515 : vector<16xf32>
        %jit3A_1517 = arith.constant 8 : i32
        %div3A_1518 = arith.divsi %add3A_1479, %jit3A_1517 : i32
        %sign3A_1519 = arith.constant 0 : i32
        %sign3A_1520 = arith.cmpi sgt, %add3A_1479, %sign3A_1519 : i32
        %sign3A_1521 = arith.extui %sign3A_1520 : i1 to i32
        %sign3A_1522 = arith.constant 0 : i32
        %sign3A_1523 = arith.cmpi slt, %add3A_1479, %sign3A_1522 : i32
        %sign3A_1524 = arith.extui %sign3A_1523 : i1 to i32
        %sign3A_1525 = arith.subi %sign3A_1521, %sign3A_1524 : i32
        %sign3A_1526 = arith.constant 0 : i32
        %sign3A_1527 = arith.cmpi sgt, %jit3A_1517, %sign3A_1526 : i32
        %sign3A_1528 = arith.extui %sign3A_1527 : i1 to i32
        %sign3A_1529 = arith.constant 0 : i32
        %sign3A_1530 = arith.cmpi slt, %jit3A_1517, %sign3A_1529 : i32
        %sign3A_1531 = arith.extui %sign3A_1530 : i1 to i32
        %sign3A_1532 = arith.subi %sign3A_1528, %sign3A_1531 : i32
        %ne3A_1533 = arith.cmpi ne, %sign3A_1525, %sign3A_1532 : i32
        %rem3A_1534 = arith.remsi %add3A_1479, %jit3A_1517 : i32
        %ne3A_1535 = arith.constant 0 : i32
        %ne3A_1536 = arith.cmpi ne, %rem3A_1534, %ne3A_1535 : i32
        %and3A_1537 = arith.andi %ne3A_1533, %ne3A_1536 : i1
        %sub3A_1538 = arith.constant 1 : i32
        %sub3A_1539 = arith.subi %div3A_1518, %sub3A_1538 : i32
        %select_n3A_1540 = arith.select %and3A_1537, %sub3A_1539, %div3A_1518 : i32
        %add3A_1541 = arith.addi %multiple_of3A_186, %select_n3A_1540 : i32
        %jit3A_1542 = arith.constant 8 : i32
        %eq3A_1543 = arith.constant 0 : i32
        %eq3A_1544 = arith.cmpi eq, %jit3A_1542, %eq3A_1543 : i32
        %jit3A_1545 = arith.constant 1 : i32
        %select_n3A_1546 = arith.select %eq3A_1544, %jit3A_1545, %jit3A_1542 : i32
        %rem3A_1547 = arith.remsi %add3A_1479, %select_n3A_1546 : i32
        %ne3A_1548 = arith.constant 0 : i32
        %ne3A_1549 = arith.cmpi ne, %rem3A_1547, %ne3A_1548 : i32
        %lt3A_1550 = arith.constant 0 : i32
        %lt3A_1551 = arith.cmpi slt, %rem3A_1547, %lt3A_1550 : i32
        %lt3A_1552 = arith.constant 0 : i32
        %lt3A_1553 = arith.cmpi slt, %select_n3A_1546, %lt3A_1552 : i32
        %ne3A_1554 = arith.xori %lt3A_1551, %lt3A_1553 : i1
        %and3A_1555 = arith.andi %ne3A_1554, %ne3A_1549 : i1
        %add3A_1556 = arith.addi %rem3A_1547, %select_n3A_1546 : i32
        %select_n3A_1557 = arith.select %and3A_1555, %add3A_1556, %rem3A_1547 : i32
        %mul3A_1558 = arith.constant 16 : i32
        %mul3A_1559 = arith.muli %select_n3A_1557, %mul3A_1558 : i32
        %swap3A_1560 = arith.index_cast %add3A_1541 : i32 to index
        %swap3A_1561 = arith.index_cast %mul3A_1559 : i32 to index
        %swap3A_1562 = tpu.vector_load %arg14[%swap3A_1560, %swap3A_1561] {strides = array<i32>} : memref<160x128xf32, #tpu.memory_space<vmem>>, vector<1x16xf32>,
        %swap3A_1563 = vector.shape_cast %swap3A_1562 : vector<1x16xf32> to vector<16xf32>
        %swap3A_1564 = vector.shape_cast %add3A_1516 : vector<16xf32> to vector<1x16xf32>
        tpu.vector_store %arg14[%swap3A_1560, %swap3A_1561], %swap3A_1564 {strides = array<i32>} : memref<160x128xf32, #tpu.memory_space<vmem>>, vector<1x16xf32>,
        %add3A_1565 = arith.constant 14 : i32
        %add3A_1566 = arith.addi %mul3A_346, %add3A_1565 : i32
        %add3A_1567 = arith.constant 640 : i32
        %add3A_1568 = arith.addi %multiple_of3A, %add3A_1567 : i32
        %add3A_1569 = arith.addi %add3A_1568, %add3A_1566 : i32
        %get3A_1570 = arith.index_cast %add3A_1569 : i32 to index
        %get3A_1571 = tpu.vector_load %arg9[%get3A_1570] {strides = array<i32>} : memref<2576xi32, #tpu.memory_space<vmem>>, vector<16xi32>,
        %get3A_1572 = vector.shape_cast %get3A_1571 : vector<16xi32> to vector<16xi32>
        %slice3A_1573 = vector.extract_strided_slice %get3A_1572 {offsets = [0], sizes = [1], strides = [1]} : vector<16xi32> to vector<1xi32>
        %squeeze3A_1574 = vector.extract %slice3A_1573[0] : i32 from vector<1xi32>
        %get3A_1575 = arith.index_cast %add3A_1566 : i32 to index
        %get3A_1576 = arith.index_cast %squeeze3A_1574 : i32 to index
        %get3A_1577 = tpu.vector_load %arg12[%get3A_1575, %get3A_1576] {strides = array<i32>} : memref<640x128xf32, #tpu.memory_space<vmem>>, vector<1x16xf32>,
        %get3A_1578 = vector.shape_cast %get3A_1577 : vector<1x16xf32> to vector<16xf32>
        %add3A_1579 = arith.constant 16 : i32
        %add3A_1580 = arith.addi %squeeze3A_1574, %add3A_1579 : i32
        %get3A_1581 = arith.index_cast %add3A_1566 : i32 to index
        %get3A_1582 = arith.index_cast %add3A_1580 : i32 to index
        %get3A_1583 = tpu.vector_load %arg12[%get3A_1581, %get3A_1582] {strides = array<i32>} : memref<640x128xf32, #tpu.memory_space<vmem>>, vector<1x16xf32>,
        %get3A_1584 = vector.shape_cast %get3A_1583 : vector<1x16xf32> to vector<16xf32>
        %add3A_1585 = arith.constant 32 : i32
        %add3A_1586 = arith.addi %squeeze3A_1574, %add3A_1585 : i32
        %get3A_1587 = arith.index_cast %add3A_1566 : i32 to index
        %get3A_1588 = arith.index_cast %add3A_1586 : i32 to index
        %get3A_1589 = tpu.vector_load %arg12[%get3A_1587, %get3A_1588] {strides = array<i32>} : memref<640x128xf32, #tpu.memory_space<vmem>>, vector<1x16xf32>,
        %get3A_1590 = vector.shape_cast %get3A_1589 : vector<1x16xf32> to vector<16xf32>
        %add3A_1591 = arith.constant 48 : i32
        %add3A_1592 = arith.addi %squeeze3A_1574, %add3A_1591 : i32
        %get3A_1593 = arith.index_cast %add3A_1566 : i32 to index
        %get3A_1594 = arith.index_cast %add3A_1592 : i32 to index
        %get3A_1595 = tpu.vector_load %arg12[%get3A_1593, %get3A_1594] {strides = array<i32>} : memref<640x128xf32, #tpu.memory_space<vmem>>, vector<1x16xf32>,
        %get3A_1596 = vector.shape_cast %get3A_1595 : vector<1x16xf32> to vector<16xf32>
        %mul3A_1597 = arith.mulf %get3A_251, %get3A_1578 : vector<16xf32>
        %mul3A_1598 = arith.mulf %get3A_257, %get3A_1584 : vector<16xf32>
        %add3A_1599 = arith.addf %mul3A_1597, %mul3A_1598 : vector<16xf32>
        %mul3A_1600 = arith.mulf %get3A_263, %get3A_1590 : vector<16xf32>
        %add3A_1601 = arith.addf %add3A_1599, %mul3A_1600 : vector<16xf32>
        %mul3A_1602 = arith.mulf %get3A_269, %get3A_1596 : vector<16xf32>
        %add3A_1603 = arith.addf %add3A_1601, %mul3A_1602 : vector<16xf32>
        %jit3A_1604 = arith.constant 8 : i32
        %div3A_1605 = arith.divsi %add3A_1566, %jit3A_1604 : i32
        %sign3A_1606 = arith.constant 0 : i32
        %sign3A_1607 = arith.cmpi sgt, %add3A_1566, %sign3A_1606 : i32
        %sign3A_1608 = arith.extui %sign3A_1607 : i1 to i32
        %sign3A_1609 = arith.constant 0 : i32
        %sign3A_1610 = arith.cmpi slt, %add3A_1566, %sign3A_1609 : i32
        %sign3A_1611 = arith.extui %sign3A_1610 : i1 to i32
        %sign3A_1612 = arith.subi %sign3A_1608, %sign3A_1611 : i32
        %sign3A_1613 = arith.constant 0 : i32
        %sign3A_1614 = arith.cmpi sgt, %jit3A_1604, %sign3A_1613 : i32
        %sign3A_1615 = arith.extui %sign3A_1614 : i1 to i32
        %sign3A_1616 = arith.constant 0 : i32
        %sign3A_1617 = arith.cmpi slt, %jit3A_1604, %sign3A_1616 : i32
        %sign3A_1618 = arith.extui %sign3A_1617 : i1 to i32
        %sign3A_1619 = arith.subi %sign3A_1615, %sign3A_1618 : i32
        %ne3A_1620 = arith.cmpi ne, %sign3A_1612, %sign3A_1619 : i32
        %rem3A_1621 = arith.remsi %add3A_1566, %jit3A_1604 : i32
        %ne3A_1622 = arith.constant 0 : i32
        %ne3A_1623 = arith.cmpi ne, %rem3A_1621, %ne3A_1622 : i32
        %and3A_1624 = arith.andi %ne3A_1620, %ne3A_1623 : i1
        %sub3A_1625 = arith.constant 1 : i32
        %sub3A_1626 = arith.subi %div3A_1605, %sub3A_1625 : i32
        %select_n3A_1627 = arith.select %and3A_1624, %sub3A_1626, %div3A_1605 : i32
        %add3A_1628 = arith.addi %multiple_of3A_186, %select_n3A_1627 : i32
        %jit3A_1629 = arith.constant 8 : i32
        %eq3A_1630 = arith.constant 0 : i32
        %eq3A_1631 = arith.cmpi eq, %jit3A_1629, %eq3A_1630 : i32
        %jit3A_1632 = arith.constant 1 : i32
        %select_n3A_1633 = arith.select %eq3A_1631, %jit3A_1632, %jit3A_1629 : i32
        %rem3A_1634 = arith.remsi %add3A_1566, %select_n3A_1633 : i32
        %ne3A_1635 = arith.constant 0 : i32
        %ne3A_1636 = arith.cmpi ne, %rem3A_1634, %ne3A_1635 : i32
        %lt3A_1637 = arith.constant 0 : i32
        %lt3A_1638 = arith.cmpi slt, %rem3A_1634, %lt3A_1637 : i32
        %lt3A_1639 = arith.constant 0 : i32
        %lt3A_1640 = arith.cmpi slt, %select_n3A_1633, %lt3A_1639 : i32
        %ne3A_1641 = arith.xori %lt3A_1638, %lt3A_1640 : i1
        %and3A_1642 = arith.andi %ne3A_1641, %ne3A_1636 : i1
        %add3A_1643 = arith.addi %rem3A_1634, %select_n3A_1633 : i32
        %select_n3A_1644 = arith.select %and3A_1642, %add3A_1643, %rem3A_1634 : i32
        %mul3A_1645 = arith.constant 16 : i32
        %mul3A_1646 = arith.muli %select_n3A_1644, %mul3A_1645 : i32
        %swap3A_1647 = arith.index_cast %add3A_1628 : i32 to index
        %swap3A_1648 = arith.index_cast %mul3A_1646 : i32 to index
        %swap3A_1649 = tpu.vector_load %arg14[%swap3A_1647, %swap3A_1648] {strides = array<i32>} : memref<160x128xf32, #tpu.memory_space<vmem>>, vector<1x16xf32>,
        %swap3A_1650 = vector.shape_cast %swap3A_1649 : vector<1x16xf32> to vector<16xf32>
        %swap3A_1651 = vector.shape_cast %add3A_1603 : vector<16xf32> to vector<1x16xf32>
        tpu.vector_store %arg14[%swap3A_1647, %swap3A_1648], %swap3A_1651 {strides = array<i32>} : memref<160x128xf32, #tpu.memory_space<vmem>>, vector<1x16xf32>,
        %add3A_1652 = arith.constant 15 : i32
        %add3A_1653 = arith.addi %mul3A_346, %add3A_1652 : i32
        %add3A_1654 = arith.constant 640 : i32
        %add3A_1655 = arith.addi %multiple_of3A, %add3A_1654 : i32
        %add3A_1656 = arith.addi %add3A_1655, %add3A_1653 : i32
        %get3A_1657 = arith.index_cast %add3A_1656 : i32 to index
        %get3A_1658 = tpu.vector_load %arg9[%get3A_1657] {strides = array<i32>} : memref<2576xi32, #tpu.memory_space<vmem>>, vector<16xi32>,
        %get3A_1659 = vector.shape_cast %get3A_1658 : vector<16xi32> to vector<16xi32>
        %slice3A_1660 = vector.extract_strided_slice %get3A_1659 {offsets = [0], sizes = [1], strides = [1]} : vector<16xi32> to vector<1xi32>
        %squeeze3A_1661 = vector.extract %slice3A_1660[0] : i32 from vector<1xi32>
        %get3A_1662 = arith.index_cast %add3A_1653 : i32 to index
        %get3A_1663 = arith.index_cast %squeeze3A_1661 : i32 to index
        %get3A_1664 = tpu.vector_load %arg12[%get3A_1662, %get3A_1663] {strides = array<i32>} : memref<640x128xf32, #tpu.memory_space<vmem>>, vector<1x16xf32>,
        %get3A_1665 = vector.shape_cast %get3A_1664 : vector<1x16xf32> to vector<16xf32>
        %add3A_1666 = arith.constant 16 : i32
        %add3A_1667 = arith.addi %squeeze3A_1661, %add3A_1666 : i32
        %get3A_1668 = arith.index_cast %add3A_1653 : i32 to index
        %get3A_1669 = arith.index_cast %add3A_1667 : i32 to index
        %get3A_1670 = tpu.vector_load %arg12[%get3A_1668, %get3A_1669] {strides = array<i32>} : memref<640x128xf32, #tpu.memory_space<vmem>>, vector<1x16xf32>,
        %get3A_1671 = vector.shape_cast %get3A_1670 : vector<1x16xf32> to vector<16xf32>
        %add3A_1672 = arith.constant 32 : i32
        %add3A_1673 = arith.addi %squeeze3A_1661, %add3A_1672 : i32
        %get3A_1674 = arith.index_cast %add3A_1653 : i32 to index
        %get3A_1675 = arith.index_cast %add3A_1673 : i32 to index
        %get3A_1676 = tpu.vector_load %arg12[%get3A_1674, %get3A_1675] {strides = array<i32>} : memref<640x128xf32, #tpu.memory_space<vmem>>, vector<1x16xf32>,
        %get3A_1677 = vector.shape_cast %get3A_1676 : vector<1x16xf32> to vector<16xf32>
        %add3A_1678 = arith.constant 48 : i32
        %add3A_1679 = arith.addi %squeeze3A_1661, %add3A_1678 : i32
        %get3A_1680 = arith.index_cast %add3A_1653 : i32 to index
        %get3A_1681 = arith.index_cast %add3A_1679 : i32 to index
        %get3A_1682 = tpu.vector_load %arg12[%get3A_1680, %get3A_1681] {strides = array<i32>} : memref<640x128xf32, #tpu.memory_space<vmem>>, vector<1x16xf32>,
        %get3A_1683 = vector.shape_cast %get3A_1682 : vector<1x16xf32> to vector<16xf32>
        %mul3A_1684 = arith.mulf %get3A_251, %get3A_1665 : vector<16xf32>
        %mul3A_1685 = arith.mulf %get3A_257, %get3A_1671 : vector<16xf32>
        %add3A_1686 = arith.addf %mul3A_1684, %mul3A_1685 : vector<16xf32>
        %mul3A_1687 = arith.mulf %get3A_263, %get3A_1677 : vector<16xf32>
        %add3A_1688 = arith.addf %add3A_1686, %mul3A_1687 : vector<16xf32>
        %mul3A_1689 = arith.mulf %get3A_269, %get3A_1683 : vector<16xf32>
        %add3A_1690 = arith.addf %add3A_1688, %mul3A_1689 : vector<16xf32>
        %jit3A_1691 = arith.constant 8 : i32
        %div3A_1692 = arith.divsi %add3A_1653, %jit3A_1691 : i32
        %sign3A_1693 = arith.constant 0 : i32
        %sign3A_1694 = arith.cmpi sgt, %add3A_1653, %sign3A_1693 : i32
        %sign3A_1695 = arith.extui %sign3A_1694 : i1 to i32
        %sign3A_1696 = arith.constant 0 : i32
        %sign3A_1697 = arith.cmpi slt, %add3A_1653, %sign3A_1696 : i32
        %sign3A_1698 = arith.extui %sign3A_1697 : i1 to i32
        %sign3A_1699 = arith.subi %sign3A_1695, %sign3A_1698 : i32
        %sign3A_1700 = arith.constant 0 : i32
        %sign3A_1701 = arith.cmpi sgt, %jit3A_1691, %sign3A_1700 : i32
        %sign3A_1702 = arith.extui %sign3A_1701 : i1 to i32
        %sign3A_1703 = arith.constant 0 : i32
        %sign3A_1704 = arith.cmpi slt, %jit3A_1691, %sign3A_1703 : i32
        %sign3A_1705 = arith.extui %sign3A_1704 : i1 to i32
        %sign3A_1706 = arith.subi %sign3A_1702, %sign3A_1705 : i32
        %ne3A_1707 = arith.cmpi ne, %sign3A_1699, %sign3A_1706 : i32
        %rem3A_1708 = arith.remsi %add3A_1653, %jit3A_1691 : i32
        %ne3A_1709 = arith.constant 0 : i32
        %ne3A_1710 = arith.cmpi ne, %rem3A_1708, %ne3A_1709 : i32
        %and3A_1711 = arith.andi %ne3A_1707, %ne3A_1710 : i1
        %sub3A_1712 = arith.constant 1 : i32
        %sub3A_1713 = arith.subi %div3A_1692, %sub3A_1712 : i32
        %select_n3A_1714 = arith.select %and3A_1711, %sub3A_1713, %div3A_1692 : i32
        %add3A_1715 = arith.addi %multiple_of3A_186, %select_n3A_1714 : i32
        %jit3A_1716 = arith.constant 8 : i32
        %eq3A_1717 = arith.constant 0 : i32
        %eq3A_1718 = arith.cmpi eq, %jit3A_1716, %eq3A_1717 : i32
        %jit3A_1719 = arith.constant 1 : i32
        %select_n3A_1720 = arith.select %eq3A_1718, %jit3A_1719, %jit3A_1716 : i32
        %rem3A_1721 = arith.remsi %add3A_1653, %select_n3A_1720 : i32
        %ne3A_1722 = arith.constant 0 : i32
        %ne3A_1723 = arith.cmpi ne, %rem3A_1721, %ne3A_1722 : i32
        %lt3A_1724 = arith.constant 0 : i32
        %lt3A_1725 = arith.cmpi slt, %rem3A_1721, %lt3A_1724 : i32
        %lt3A_1726 = arith.constant 0 : i32
        %lt3A_1727 = arith.cmpi slt, %select_n3A_1720, %lt3A_1726 : i32
        %ne3A_1728 = arith.xori %lt3A_1725, %lt3A_1727 : i1
        %and3A_1729 = arith.andi %ne3A_1728, %ne3A_1723 : i1
        %add3A_1730 = arith.addi %rem3A_1721, %select_n3A_1720 : i32
        %select_n3A_1731 = arith.select %and3A_1729, %add3A_1730, %rem3A_1721 : i32
        %mul3A_1732 = arith.constant 16 : i32
        %mul3A_1733 = arith.muli %select_n3A_1731, %mul3A_1732 : i32
        %swap3A_1734 = arith.index_cast %add3A_1715 : i32 to index
        %swap3A_1735 = arith.index_cast %mul3A_1733 : i32 to index
        %swap3A_1736 = tpu.vector_load %arg14[%swap3A_1734, %swap3A_1735] {strides = array<i32>} : memref<160x128xf32, #tpu.memory_space<vmem>>, vector<1x16xf32>,
        %swap3A_1737 = vector.shape_cast %swap3A_1736 : vector<1x16xf32> to vector<16xf32>
        %swap3A_1738 = vector.shape_cast %add3A_1690 : vector<16xf32> to vector<1x16xf32>
        tpu.vector_store %arg14[%swap3A_1734, %swap3A_1735], %swap3A_1738 {strides = array<i32>} : memref<160x128xf32, #tpu.memory_space<vmem>>, vector<1x16xf32>,
        %add3A_1739 = arith.constant 16 : i32
        %add3A_1740 = arith.addi %mul3A_346, %add3A_1739 : i32
        %add3A_1741 = arith.constant 640 : i32
        %add3A_1742 = arith.addi %multiple_of3A, %add3A_1741 : i32
        %add3A_1743 = arith.addi %add3A_1742, %add3A_1740 : i32
        %get3A_1744 = arith.index_cast %add3A_1743 : i32 to index
        %get3A_1745 = tpu.vector_load %arg9[%get3A_1744] {strides = array<i32>} : memref<2576xi32, #tpu.memory_space<vmem>>, vector<16xi32>,
        %get3A_1746 = vector.shape_cast %get3A_1745 : vector<16xi32> to vector<16xi32>
        %slice3A_1747 = vector.extract_strided_slice %get3A_1746 {offsets = [0], sizes = [1], strides = [1]} : vector<16xi32> to vector<1xi32>
        %squeeze3A_1748 = vector.extract %slice3A_1747[0] : i32 from vector<1xi32>
        %get3A_1749 = arith.index_cast %add3A_1740 : i32 to index
        %get3A_1750 = arith.index_cast %squeeze3A_1748 : i32 to index
        %get3A_1751 = tpu.vector_load %arg12[%get3A_1749, %get3A_1750] {strides = array<i32>} : memref<640x128xf32, #tpu.memory_space<vmem>>, vector<1x16xf32>,
        %get3A_1752 = vector.shape_cast %get3A_1751 : vector<1x16xf32> to vector<16xf32>
        %add3A_1753 = arith.constant 16 : i32
        %add3A_1754 = arith.addi %squeeze3A_1748, %add3A_1753 : i32
        %get3A_1755 = arith.index_cast %add3A_1740 : i32 to index
        %get3A_1756 = arith.index_cast %add3A_1754 : i32 to index
        %get3A_1757 = tpu.vector_load %arg12[%get3A_1755, %get3A_1756] {strides = array<i32>} : memref<640x128xf32, #tpu.memory_space<vmem>>, vector<1x16xf32>,
        %get3A_1758 = vector.shape_cast %get3A_1757 : vector<1x16xf32> to vector<16xf32>
        %add3A_1759 = arith.constant 32 : i32
        %add3A_1760 = arith.addi %squeeze3A_1748, %add3A_1759 : i32
        %get3A_1761 = arith.index_cast %add3A_1740 : i32 to index
        %get3A_1762 = arith.index_cast %add3A_1760 : i32 to index
        %get3A_1763 = tpu.vector_load %arg12[%get3A_1761, %get3A_1762] {strides = array<i32>} : memref<640x128xf32, #tpu.memory_space<vmem>>, vector<1x16xf32>,
        %get3A_1764 = vector.shape_cast %get3A_1763 : vector<1x16xf32> to vector<16xf32>
        %add3A_1765 = arith.constant 48 : i32
        %add3A_1766 = arith.addi %squeeze3A_1748, %add3A_1765 : i32
        %get3A_1767 = arith.index_cast %add3A_1740 : i32 to index
        %get3A_1768 = arith.index_cast %add3A_1766 : i32 to index
        %get3A_1769 = tpu.vector_load %arg12[%get3A_1767, %get3A_1768] {strides = array<i32>} : memref<640x128xf32, #tpu.memory_space<vmem>>, vector<1x16xf32>,
        %get3A_1770 = vector.shape_cast %get3A_1769 : vector<1x16xf32> to vector<16xf32>
        %mul3A_1771 = arith.mulf %get3A_251, %get3A_1752 : vector<16xf32>
        %mul3A_1772 = arith.mulf %get3A_257, %get3A_1758 : vector<16xf32>
        %add3A_1773 = arith.addf %mul3A_1771, %mul3A_1772 : vector<16xf32>
        %mul3A_1774 = arith.mulf %get3A_263, %get3A_1764 : vector<16xf32>
        %add3A_1775 = arith.addf %add3A_1773, %mul3A_1774 : vector<16xf32>
        %mul3A_1776 = arith.mulf %get3A_269, %get3A_1770 : vector<16xf32>
        %add3A_1777 = arith.addf %add3A_1775, %mul3A_1776 : vector<16xf32>
        %jit3A_1778 = arith.constant 8 : i32
        %div3A_1779 = arith.divsi %add3A_1740, %jit3A_1778 : i32
        %sign3A_1780 = arith.constant 0 : i32
        %sign3A_1781 = arith.cmpi sgt, %add3A_1740, %sign3A_1780 : i32
        %sign3A_1782 = arith.extui %sign3A_1781 : i1 to i32
        %sign3A_1783 = arith.constant 0 : i32
        %sign3A_1784 = arith.cmpi slt, %add3A_1740, %sign3A_1783 : i32
        %sign3A_1785 = arith.extui %sign3A_1784 : i1 to i32
        %sign3A_1786 = arith.subi %sign3A_1782, %sign3A_1785 : i32
        %sign3A_1787 = arith.constant 0 : i32
        %sign3A_1788 = arith.cmpi sgt, %jit3A_1778, %sign3A_1787 : i32
        %sign3A_1789 = arith.extui %sign3A_1788 : i1 to i32
        %sign3A_1790 = arith.constant 0 : i32
        %sign3A_1791 = arith.cmpi slt, %jit3A_1778, %sign3A_1790 : i32
        %sign3A_1792 = arith.extui %sign3A_1791 : i1 to i32
        %sign3A_1793 = arith.subi %sign3A_1789, %sign3A_1792 : i32
        %ne3A_1794 = arith.cmpi ne, %sign3A_1786, %sign3A_1793 : i32
        %rem3A_1795 = arith.remsi %add3A_1740, %jit3A_1778 : i32
        %ne3A_1796 = arith.constant 0 : i32
        %ne3A_1797 = arith.cmpi ne, %rem3A_1795, %ne3A_1796 : i32
        %and3A_1798 = arith.andi %ne3A_1794, %ne3A_1797 : i1
        %sub3A_1799 = arith.constant 1 : i32
        %sub3A_1800 = arith.subi %div3A_1779, %sub3A_1799 : i32
        %select_n3A_1801 = arith.select %and3A_1798, %sub3A_1800, %div3A_1779 : i32
        %add3A_1802 = arith.addi %multiple_of3A_186, %select_n3A_1801 : i32
        %jit3A_1803 = arith.constant 8 : i32
        %eq3A_1804 = arith.constant 0 : i32
        %eq3A_1805 = arith.cmpi eq, %jit3A_1803, %eq3A_1804 : i32
        %jit3A_1806 = arith.constant 1 : i32
        %select_n3A_1807 = arith.select %eq3A_1805, %jit3A_1806, %jit3A_1803 : i32
        %rem3A_1808 = arith.remsi %add3A_1740, %select_n3A_1807 : i32
        %ne3A_1809 = arith.constant 0 : i32
        %ne3A_1810 = arith.cmpi ne, %rem3A_1808, %ne3A_1809 : i32
        %lt3A_1811 = arith.constant 0 : i32
        %lt3A_1812 = arith.cmpi slt, %rem3A_1808, %lt3A_1811 : i32
        %lt3A_1813 = arith.constant 0 : i32
        %lt3A_1814 = arith.cmpi slt, %select_n3A_1807, %lt3A_1813 : i32
        %ne3A_1815 = arith.xori %lt3A_1812, %lt3A_1814 : i1
        %and3A_1816 = arith.andi %ne3A_1815, %ne3A_1810 : i1
        %add3A_1817 = arith.addi %rem3A_1808, %select_n3A_1807 : i32
        %select_n3A_1818 = arith.select %and3A_1816, %add3A_1817, %rem3A_1808 : i32
        %mul3A_1819 = arith.constant 16 : i32
        %mul3A_1820 = arith.muli %select_n3A_1818, %mul3A_1819 : i32
        %swap3A_1821 = arith.index_cast %add3A_1802 : i32 to index
        %swap3A_1822 = arith.index_cast %mul3A_1820 : i32 to index
        %swap3A_1823 = tpu.vector_load %arg14[%swap3A_1821, %swap3A_1822] {strides = array<i32>} : memref<160x128xf32, #tpu.memory_space<vmem>>, vector<1x16xf32>,
        %swap3A_1824 = vector.shape_cast %swap3A_1823 : vector<1x16xf32> to vector<16xf32>
        %swap3A_1825 = vector.shape_cast %add3A_1777 : vector<16xf32> to vector<1x16xf32>
        tpu.vector_store %arg14[%swap3A_1821, %swap3A_1822], %swap3A_1825 {strides = array<i32>} : memref<160x128xf32, #tpu.memory_space<vmem>>, vector<1x16xf32>,
        %add3A_1826 = arith.constant 17 : i32
        %add3A_1827 = arith.addi %mul3A_346, %add3A_1826 : i32
        %add3A_1828 = arith.constant 640 : i32
        %add3A_1829 = arith.addi %multiple_of3A, %add3A_1828 : i32
        %add3A_1830 = arith.addi %add3A_1829, %add3A_1827 : i32
        %get3A_1831 = arith.index_cast %add3A_1830 : i32 to index
        %get3A_1832 = tpu.vector_load %arg9[%get3A_1831] {strides = array<i32>} : memref<2576xi32, #tpu.memory_space<vmem>>, vector<16xi32>,
        %get3A_1833 = vector.shape_cast %get3A_1832 : vector<16xi32> to vector<16xi32>
        %slice3A_1834 = vector.extract_strided_slice %get3A_1833 {offsets = [0], sizes = [1], strides = [1]} : vector<16xi32> to vector<1xi32>
        %squeeze3A_1835 = vector.extract %slice3A_1834[0] : i32 from vector<1xi32>
        %get3A_1836 = arith.index_cast %add3A_1827 : i32 to index
        %get3A_1837 = arith.index_cast %squeeze3A_1835 : i32 to index
        %get3A_1838 = tpu.vector_load %arg12[%get3A_1836, %get3A_1837] {strides = array<i32>} : memref<640x128xf32, #tpu.memory_space<vmem>>, vector<1x16xf32>,
        %get3A_1839 = vector.shape_cast %get3A_1838 : vector<1x16xf32> to vector<16xf32>
        %add3A_1840 = arith.constant 16 : i32
        %add3A_1841 = arith.addi %squeeze3A_1835, %add3A_1840 : i32
        %get3A_1842 = arith.index_cast %add3A_1827 : i32 to index
        %get3A_1843 = arith.index_cast %add3A_1841 : i32 to index
        %get3A_1844 = tpu.vector_load %arg12[%get3A_1842, %get3A_1843] {strides = array<i32>} : memref<640x128xf32, #tpu.memory_space<vmem>>, vector<1x16xf32>,
        %get3A_1845 = vector.shape_cast %get3A_1844 : vector<1x16xf32> to vector<16xf32>
        %add3A_1846 = arith.constant 32 : i32
        %add3A_1847 = arith.addi %squeeze3A_1835, %add3A_1846 : i32
        %get3A_1848 = arith.index_cast %add3A_1827 : i32 to index
        %get3A_1849 = arith.index_cast %add3A_1847 : i32 to index
        %get3A_1850 = tpu.vector_load %arg12[%get3A_1848, %get3A_1849] {strides = array<i32>} : memref<640x128xf32, #tpu.memory_space<vmem>>, vector<1x16xf32>,
        %get3A_1851 = vector.shape_cast %get3A_1850 : vector<1x16xf32> to vector<16xf32>
        %add3A_1852 = arith.constant 48 : i32
        %add3A_1853 = arith.addi %squeeze3A_1835, %add3A_1852 : i32
        %get3A_1854 = arith.index_cast %add3A_1827 : i32 to index
        %get3A_1855 = arith.index_cast %add3A_1853 : i32 to index
        %get3A_1856 = tpu.vector_load %arg12[%get3A_1854, %get3A_1855] {strides = array<i32>} : memref<640x128xf32, #tpu.memory_space<vmem>>, vector<1x16xf32>,
        %get3A_1857 = vector.shape_cast %get3A_1856 : vector<1x16xf32> to vector<16xf32>
        %mul3A_1858 = arith.mulf %get3A_251, %get3A_1839 : vector<16xf32>
        %mul3A_1859 = arith.mulf %get3A_257, %get3A_1845 : vector<16xf32>
        %add3A_1860 = arith.addf %mul3A_1858, %mul3A_1859 : vector<16xf32>
        %mul3A_1861 = arith.mulf %get3A_263, %get3A_1851 : vector<16xf32>
        %add3A_1862 = arith.addf %add3A_1860, %mul3A_1861 : vector<16xf32>
        %mul3A_1863 = arith.mulf %get3A_269, %get3A_1857 : vector<16xf32>
        %add3A_1864 = arith.addf %add3A_1862, %mul3A_1863 : vector<16xf32>
        %jit3A_1865 = arith.constant 8 : i32
        %div3A_1866 = arith.divsi %add3A_1827, %jit3A_1865 : i32
        %sign3A_1867 = arith.constant 0 : i32
        %sign3A_1868 = arith.cmpi sgt, %add3A_1827, %sign3A_1867 : i32
        %sign3A_1869 = arith.extui %sign3A_1868 : i1 to i32
        %sign3A_1870 = arith.constant 0 : i32
        %sign3A_1871 = arith.cmpi slt, %add3A_1827, %sign3A_1870 : i32
        %sign3A_1872 = arith.extui %sign3A_1871 : i1 to i32
        %sign3A_1873 = arith.subi %sign3A_1869, %sign3A_1872 : i32
        %sign3A_1874 = arith.constant 0 : i32
        %sign3A_1875 = arith.cmpi sgt, %jit3A_1865, %sign3A_1874 : i32
        %sign3A_1876 = arith.extui %sign3A_1875 : i1 to i32
        %sign3A_1877 = arith.constant 0 : i32
        %sign3A_1878 = arith.cmpi slt, %jit3A_1865, %sign3A_1877 : i32
        %sign3A_1879 = arith.extui %sign3A_1878 : i1 to i32
        %sign3A_1880 = arith.subi %sign3A_1876, %sign3A_1879 : i32
        %ne3A_1881 = arith.cmpi ne, %sign3A_1873, %sign3A_1880 : i32
        %rem3A_1882 = arith.remsi %add3A_1827, %jit3A_1865 : i32
        %ne3A_1883 = arith.constant 0 : i32
        %ne3A_1884 = arith.cmpi ne, %rem3A_1882, %ne3A_1883 : i32
        %and3A_1885 = arith.andi %ne3A_1881, %ne3A_1884 : i1
        %sub3A_1886 = arith.constant 1 : i32
        %sub3A_1887 = arith.subi %div3A_1866, %sub3A_1886 : i32
        %select_n3A_1888 = arith.select %and3A_1885, %sub3A_1887, %div3A_1866 : i32
        %add3A_1889 = arith.addi %multiple_of3A_186, %select_n3A_1888 : i32
        %jit3A_1890 = arith.constant 8 : i32
        %eq3A_1891 = arith.constant 0 : i32
        %eq3A_1892 = arith.cmpi eq, %jit3A_1890, %eq3A_1891 : i32
        %jit3A_1893 = arith.constant 1 : i32
        %select_n3A_1894 = arith.select %eq3A_1892, %jit3A_1893, %jit3A_1890 : i32
        %rem3A_1895 = arith.remsi %add3A_1827, %select_n3A_1894 : i32
        %ne3A_1896 = arith.constant 0 : i32
        %ne3A_1897 = arith.cmpi ne, %rem3A_1895, %ne3A_1896 : i32
        %lt3A_1898 = arith.constant 0 : i32
        %lt3A_1899 = arith.cmpi slt, %rem3A_1895, %lt3A_1898 : i32
        %lt3A_1900 = arith.constant 0 : i32
        %lt3A_1901 = arith.cmpi slt, %select_n3A_1894, %lt3A_1900 : i32
        %ne3A_1902 = arith.xori %lt3A_1899, %lt3A_1901 : i1
        %and3A_1903 = arith.andi %ne3A_1902, %ne3A_1897 : i1
        %add3A_1904 = arith.addi %rem3A_1895, %select_n3A_1894 : i32
        %select_n3A_1905 = arith.select %and3A_1903, %add3A_1904, %rem3A_1895 : i32
        %mul3A_1906 = arith.constant 16 : i32
        %mul3A_1907 = arith.muli %select_n3A_1905, %mul3A_1906 : i32
        %swap3A_1908 = arith.index_cast %add3A_1889 : i32 to index
        %swap3A_1909 = arith.index_cast %mul3A_1907 : i32 to index
        %swap3A_1910 = tpu.vector_load %arg14[%swap3A_1908, %swap3A_1909] {strides = array<i32>} : memref<160x128xf32, #tpu.memory_space<vmem>>, vector<1x16xf32>,
        %swap3A_1911 = vector.shape_cast %swap3A_1910 : vector<1x16xf32> to vector<16xf32>
        %swap3A_1912 = vector.shape_cast %add3A_1864 : vector<16xf32> to vector<1x16xf32>
        tpu.vector_store %arg14[%swap3A_1908, %swap3A_1909], %swap3A_1912 {strides = array<i32>} : memref<160x128xf32, #tpu.memory_space<vmem>>, vector<1x16xf32>,
        %add3A_1913 = arith.constant 18 : i32
        %add3A_1914 = arith.addi %mul3A_346, %add3A_1913 : i32
        %add3A_1915 = arith.constant 640 : i32
        %add3A_1916 = arith.addi %multiple_of3A, %add3A_1915 : i32
        %add3A_1917 = arith.addi %add3A_1916, %add3A_1914 : i32
        %get3A_1918 = arith.index_cast %add3A_1917 : i32 to index
        %get3A_1919 = tpu.vector_load %arg9[%get3A_1918] {strides = array<i32>} : memref<2576xi32, #tpu.memory_space<vmem>>, vector<16xi32>,
        %get3A_1920 = vector.shape_cast %get3A_1919 : vector<16xi32> to vector<16xi32>
        %slice3A_1921 = vector.extract_strided_slice %get3A_1920 {offsets = [0], sizes = [1], strides = [1]} : vector<16xi32> to vector<1xi32>
        %squeeze3A_1922 = vector.extract %slice3A_1921[0] : i32 from vector<1xi32>
        %get3A_1923 = arith.index_cast %add3A_1914 : i32 to index
        %get3A_1924 = arith.index_cast %squeeze3A_1922 : i32 to index
        %get3A_1925 = tpu.vector_load %arg12[%get3A_1923, %get3A_1924] {strides = array<i32>} : memref<640x128xf32, #tpu.memory_space<vmem>>, vector<1x16xf32>,
        %get3A_1926 = vector.shape_cast %get3A_1925 : vector<1x16xf32> to vector<16xf32>
        %add3A_1927 = arith.constant 16 : i32
        %add3A_1928 = arith.addi %squeeze3A_1922, %add3A_1927 : i32
        %get3A_1929 = arith.index_cast %add3A_1914 : i32 to index
        %get3A_1930 = arith.index_cast %add3A_1928 : i32 to index
        %get3A_1931 = tpu.vector_load %arg12[%get3A_1929, %get3A_1930] {strides = array<i32>} : memref<640x128xf32, #tpu.memory_space<vmem>>, vector<1x16xf32>,
        %get3A_1932 = vector.shape_cast %get3A_1931 : vector<1x16xf32> to vector<16xf32>
        %add3A_1933 = arith.constant 32 : i32
        %add3A_1934 = arith.addi %squeeze3A_1922, %add3A_1933 : i32
        %get3A_1935 = arith.index_cast %add3A_1914 : i32 to index
        %get3A_1936 = arith.index_cast %add3A_1934 : i32 to index
        %get3A_1937 = tpu.vector_load %arg12[%get3A_1935, %get3A_1936] {strides = array<i32>} : memref<640x128xf32, #tpu.memory_space<vmem>>, vector<1x16xf32>,
        %get3A_1938 = vector.shape_cast %get3A_1937 : vector<1x16xf32> to vector<16xf32>
        %add3A_1939 = arith.constant 48 : i32
        %add3A_1940 = arith.addi %squeeze3A_1922, %add3A_1939 : i32
        %get3A_1941 = arith.index_cast %add3A_1914 : i32 to index
        %get3A_1942 = arith.index_cast %add3A_1940 : i32 to index
        %get3A_1943 = tpu.vector_load %arg12[%get3A_1941, %get3A_1942] {strides = array<i32>} : memref<640x128xf32, #tpu.memory_space<vmem>>, vector<1x16xf32>,
        %get3A_1944 = vector.shape_cast %get3A_1943 : vector<1x16xf32> to vector<16xf32>
        %mul3A_1945 = arith.mulf %get3A_251, %get3A_1926 : vector<16xf32>
        %mul3A_1946 = arith.mulf %get3A_257, %get3A_1932 : vector<16xf32>
        %add3A_1947 = arith.addf %mul3A_1945, %mul3A_1946 : vector<16xf32>
        %mul3A_1948 = arith.mulf %get3A_263, %get3A_1938 : vector<16xf32>
        %add3A_1949 = arith.addf %add3A_1947, %mul3A_1948 : vector<16xf32>
        %mul3A_1950 = arith.mulf %get3A_269, %get3A_1944 : vector<16xf32>
        %add3A_1951 = arith.addf %add3A_1949, %mul3A_1950 : vector<16xf32>
        %jit3A_1952 = arith.constant 8 : i32
        %div3A_1953 = arith.divsi %add3A_1914, %jit3A_1952 : i32
        %sign3A_1954 = arith.constant 0 : i32
        %sign3A_1955 = arith.cmpi sgt, %add3A_1914, %sign3A_1954 : i32
        %sign3A_1956 = arith.extui %sign3A_1955 : i1 to i32
        %sign3A_1957 = arith.constant 0 : i32
        %sign3A_1958 = arith.cmpi slt, %add3A_1914, %sign3A_1957 : i32
        %sign3A_1959 = arith.extui %sign3A_1958 : i1 to i32
        %sign3A_1960 = arith.subi %sign3A_1956, %sign3A_1959 : i32
        %sign3A_1961 = arith.constant 0 : i32
        %sign3A_1962 = arith.cmpi sgt, %jit3A_1952, %sign3A_1961 : i32
        %sign3A_1963 = arith.extui %sign3A_1962 : i1 to i32
        %sign3A_1964 = arith.constant 0 : i32
        %sign3A_1965 = arith.cmpi slt, %jit3A_1952, %sign3A_1964 : i32
        %sign3A_1966 = arith.extui %sign3A_1965 : i1 to i32
        %sign3A_1967 = arith.subi %sign3A_1963, %sign3A_1966 : i32
        %ne3A_1968 = arith.cmpi ne, %sign3A_1960, %sign3A_1967 : i32
        %rem3A_1969 = arith.remsi %add3A_1914, %jit3A_1952 : i32
        %ne3A_1970 = arith.constant 0 : i32
        %ne3A_1971 = arith.cmpi ne, %rem3A_1969, %ne3A_1970 : i32
        %and3A_1972 = arith.andi %ne3A_1968, %ne3A_1971 : i1
        %sub3A_1973 = arith.constant 1 : i32
        %sub3A_1974 = arith.subi %div3A_1953, %sub3A_1973 : i32
        %select_n3A_1975 = arith.select %and3A_1972, %sub3A_1974, %div3A_1953 : i32
        %add3A_1976 = arith.addi %multiple_of3A_186, %select_n3A_1975 : i32
        %jit3A_1977 = arith.constant 8 : i32
        %eq3A_1978 = arith.constant 0 : i32
        %eq3A_1979 = arith.cmpi eq, %jit3A_1977, %eq3A_1978 : i32
        %jit3A_1980 = arith.constant 1 : i32
        %select_n3A_1981 = arith.select %eq3A_1979, %jit3A_1980, %jit3A_1977 : i32
        %rem3A_1982 = arith.remsi %add3A_1914, %select_n3A_1981 : i32
        %ne3A_1983 = arith.constant 0 : i32
        %ne3A_1984 = arith.cmpi ne, %rem3A_1982, %ne3A_1983 : i32
        %lt3A_1985 = arith.constant 0 : i32
        %lt3A_1986 = arith.cmpi slt, %rem3A_1982, %lt3A_1985 : i32
        %lt3A_1987 = arith.constant 0 : i32
        %lt3A_1988 = arith.cmpi slt, %select_n3A_1981, %lt3A_1987 : i32
        %ne3A_1989 = arith.xori %lt3A_1986, %lt3A_1988 : i1
        %and3A_1990 = arith.andi %ne3A_1989, %ne3A_1984 : i1
        %add3A_1991 = arith.addi %rem3A_1982, %select_n3A_1981 : i32
        %select_n3A_1992 = arith.select %and3A_1990, %add3A_1991, %rem3A_1982 : i32
        %mul3A_1993 = arith.constant 16 : i32
        %mul3A_1994 = arith.muli %select_n3A_1992, %mul3A_1993 : i32
        %swap3A_1995 = arith.index_cast %add3A_1976 : i32 to index
        %swap3A_1996 = arith.index_cast %mul3A_1994 : i32 to index
        %swap3A_1997 = tpu.vector_load %arg14[%swap3A_1995, %swap3A_1996] {strides = array<i32>} : memref<160x128xf32, #tpu.memory_space<vmem>>, vector<1x16xf32>,
        %swap3A_1998 = vector.shape_cast %swap3A_1997 : vector<1x16xf32> to vector<16xf32>
        %swap3A_1999 = vector.shape_cast %add3A_1951 : vector<16xf32> to vector<1x16xf32>
        tpu.vector_store %arg14[%swap3A_1995, %swap3A_1996], %swap3A_1999 {strides = array<i32>} : memref<160x128xf32, #tpu.memory_space<vmem>>, vector<1x16xf32>,
        %add3A_2000 = arith.constant 19 : i32
        %add3A_2001 = arith.addi %mul3A_346, %add3A_2000 : i32
        %add3A_2002 = arith.constant 640 : i32
        %add3A_2003 = arith.addi %multiple_of3A, %add3A_2002 : i32
        %add3A_2004 = arith.addi %add3A_2003, %add3A_2001 : i32
        %get3A_2005 = arith.index_cast %add3A_2004 : i32 to index
        %get3A_2006 = tpu.vector_load %arg9[%get3A_2005] {strides = array<i32>} : memref<2576xi32, #tpu.memory_space<vmem>>, vector<16xi32>,
        %get3A_2007 = vector.shape_cast %get3A_2006 : vector<16xi32> to vector<16xi32>
        %slice3A_2008 = vector.extract_strided_slice %get3A_2007 {offsets = [0], sizes = [1], strides = [1]} : vector<16xi32> to vector<1xi32>
        %squeeze3A_2009 = vector.extract %slice3A_2008[0] : i32 from vector<1xi32>
        %get3A_2010 = arith.index_cast %add3A_2001 : i32 to index
        %get3A_2011 = arith.index_cast %squeeze3A_2009 : i32 to index
        %get3A_2012 = tpu.vector_load %arg12[%get3A_2010, %get3A_2011] {strides = array<i32>} : memref<640x128xf32, #tpu.memory_space<vmem>>, vector<1x16xf32>,
        %get3A_2013 = vector.shape_cast %get3A_2012 : vector<1x16xf32> to vector<16xf32>
        %add3A_2014 = arith.constant 16 : i32
        %add3A_2015 = arith.addi %squeeze3A_2009, %add3A_2014 : i32
        %get3A_2016 = arith.index_cast %add3A_2001 : i32 to index
        %get3A_2017 = arith.index_cast %add3A_2015 : i32 to index
        %get3A_2018 = tpu.vector_load %arg12[%get3A_2016, %get3A_2017] {strides = array<i32>} : memref<640x128xf32, #tpu.memory_space<vmem>>, vector<1x16xf32>,
        %get3A_2019 = vector.shape_cast %get3A_2018 : vector<1x16xf32> to vector<16xf32>
        %add3A_2020 = arith.constant 32 : i32
        %add3A_2021 = arith.addi %squeeze3A_2009, %add3A_2020 : i32
        %get3A_2022 = arith.index_cast %add3A_2001 : i32 to index
        %get3A_2023 = arith.index_cast %add3A_2021 : i32 to index
        %get3A_2024 = tpu.vector_load %arg12[%get3A_2022, %get3A_2023] {strides = array<i32>} : memref<640x128xf32, #tpu.memory_space<vmem>>, vector<1x16xf32>,
        %get3A_2025 = vector.shape_cast %get3A_2024 : vector<1x16xf32> to vector<16xf32>
        %add3A_2026 = arith.constant 48 : i32
        %add3A_2027 = arith.addi %squeeze3A_2009, %add3A_2026 : i32
        %get3A_2028 = arith.index_cast %add3A_2001 : i32 to index
        %get3A_2029 = arith.index_cast %add3A_2027 : i32 to index
        %get3A_2030 = tpu.vector_load %arg12[%get3A_2028, %get3A_2029] {strides = array<i32>} : memref<640x128xf32, #tpu.memory_space<vmem>>, vector<1x16xf32>,
        %get3A_2031 = vector.shape_cast %get3A_2030 : vector<1x16xf32> to vector<16xf32>
        %mul3A_2032 = arith.mulf %get3A_251, %get3A_2013 : vector<16xf32>
        %mul3A_2033 = arith.mulf %get3A_257, %get3A_2019 : vector<16xf32>
        %add3A_2034 = arith.addf %mul3A_2032, %mul3A_2033 : vector<16xf32>
        %mul3A_2035 = arith.mulf %get3A_263, %get3A_2025 : vector<16xf32>
        %add3A_2036 = arith.addf %add3A_2034, %mul3A_2035 : vector<16xf32>
        %mul3A_2037 = arith.mulf %get3A_269, %get3A_2031 : vector<16xf32>
        %add3A_2038 = arith.addf %add3A_2036, %mul3A_2037 : vector<16xf32>
        %jit3A_2039 = arith.constant 8 : i32
        %div3A_2040 = arith.divsi %add3A_2001, %jit3A_2039 : i32
        %sign3A_2041 = arith.constant 0 : i32
        %sign3A_2042 = arith.cmpi sgt, %add3A_2001, %sign3A_2041 : i32
        %sign3A_2043 = arith.extui %sign3A_2042 : i1 to i32
        %sign3A_2044 = arith.constant 0 : i32
        %sign3A_2045 = arith.cmpi slt, %add3A_2001, %sign3A_2044 : i32
        %sign3A_2046 = arith.extui %sign3A_2045 : i1 to i32
        %sign3A_2047 = arith.subi %sign3A_2043, %sign3A_2046 : i32
        %sign3A_2048 = arith.constant 0 : i32
        %sign3A_2049 = arith.cmpi sgt, %jit3A_2039, %sign3A_2048 : i32
        %sign3A_2050 = arith.extui %sign3A_2049 : i1 to i32
        %sign3A_2051 = arith.constant 0 : i32
        %sign3A_2052 = arith.cmpi slt, %jit3A_2039, %sign3A_2051 : i32
        %sign3A_2053 = arith.extui %sign3A_2052 : i1 to i32
        %sign3A_2054 = arith.subi %sign3A_2050, %sign3A_2053 : i32
        %ne3A_2055 = arith.cmpi ne, %sign3A_2047, %sign3A_2054 : i32
        %rem3A_2056 = arith.remsi %add3A_2001, %jit3A_2039 : i32
        %ne3A_2057 = arith.constant 0 : i32
        %ne3A_2058 = arith.cmpi ne, %rem3A_2056, %ne3A_2057 : i32
        %and3A_2059 = arith.andi %ne3A_2055, %ne3A_2058 : i1
        %sub3A_2060 = arith.constant 1 : i32
        %sub3A_2061 = arith.subi %div3A_2040, %sub3A_2060 : i32
        %select_n3A_2062 = arith.select %and3A_2059, %sub3A_2061, %div3A_2040 : i32
        %add3A_2063 = arith.addi %multiple_of3A_186, %select_n3A_2062 : i32
        %jit3A_2064 = arith.constant 8 : i32
        %eq3A_2065 = arith.constant 0 : i32
        %eq3A_2066 = arith.cmpi eq, %jit3A_2064, %eq3A_2065 : i32
        %jit3A_2067 = arith.constant 1 : i32
        %select_n3A_2068 = arith.select %eq3A_2066, %jit3A_2067, %jit3A_2064 : i32
        %rem3A_2069 = arith.remsi %add3A_2001, %select_n3A_2068 : i32
        %ne3A_2070 = arith.constant 0 : i32
        %ne3A_2071 = arith.cmpi ne, %rem3A_2069, %ne3A_2070 : i32
        %lt3A_2072 = arith.constant 0 : i32
        %lt3A_2073 = arith.cmpi slt, %rem3A_2069, %lt3A_2072 : i32
        %lt3A_2074 = arith.constant 0 : i32
        %lt3A_2075 = arith.cmpi slt, %select_n3A_2068, %lt3A_2074 : i32
        %ne3A_2076 = arith.xori %lt3A_2073, %lt3A_2075 : i1
        %and3A_2077 = arith.andi %ne3A_2076, %ne3A_2071 : i1
        %add3A_2078 = arith.addi %rem3A_2069, %select_n3A_2068 : i32
        %select_n3A_2079 = arith.select %and3A_2077, %add3A_2078, %rem3A_2069 : i32
        %mul3A_2080 = arith.constant 16 : i32
        %mul3A_2081 = arith.muli %select_n3A_2079, %mul3A_2080 : i32
        %swap3A_2082 = arith.index_cast %add3A_2063 : i32 to index
        %swap3A_2083 = arith.index_cast %mul3A_2081 : i32 to index
        %swap3A_2084 = tpu.vector_load %arg14[%swap3A_2082, %swap3A_2083] {strides = array<i32>} : memref<160x128xf32, #tpu.memory_space<vmem>>, vector<1x16xf32>,
        %swap3A_2085 = vector.shape_cast %swap3A_2084 : vector<1x16xf32> to vector<16xf32>
        %swap3A_2086 = vector.shape_cast %add3A_2038 : vector<16xf32> to vector<1x16xf32>
        tpu.vector_store %arg14[%swap3A_2082, %swap3A_2083], %swap3A_2086 {strides = array<i32>} : memref<160x128xf32, #tpu.memory_space<vmem>>, vector<1x16xf32>,
      }
      %scan3A_196 = arith.constant 19 : i32
      %dma_wait3A_197 = arith.constant 384 : i32
      %dma_wait3A_198 = arith.constant 0 : i32
      %dma_wait3A_199 = tpu.memref_slice %arg12[%dma_wait3A_197, %dma_wait3A_198] : memref<640x128xf32, #tpu.memory_space<vmem>> -> memref<128x128xf32, #tpu.memory_space<vmem>>
      %dma_wait3A_200 = tpu.memref_slice %arg9[%add3A_122] : memref<2576xi32, #tpu.memory_space<vmem>> -> memref<128xi32, #tpu.memory_space<vmem>>
      %dma_wait3A_201 = arith.constant 0 : i32
      %dma_wait3A_202 = arith.constant 0 : i32
      %dma_wait3A_203 = tpu.memref_slice %arg5[%dma_wait3A_201, %dma_wait3A_202] : memref<500000x128xf32, #tpu.memory_space<hbm>> -> memref<500000x128xf32, #tpu.memory_space<hbm>>
      tpu.wait_indirect_dma semaphore(%arg15 : memref<!tpu.dma_semaphore, #tpu.memory_space<semaphore_mem>>) src(%dma_wait3A_203 : memref<500000x128xf32, #tpu.memory_space<hbm>>) dst(%dma_wait3A_199 : memref<128x128xf32, #tpu.memory_space<vmem>>)
      %dma_wait3A_204 = arith.constant 512 : i32
      %dma_wait3A_205 = arith.constant 0 : i32
      %dma_wait3A_206 = tpu.memref_slice %arg12[%dma_wait3A_204, %dma_wait3A_205] : memref<640x128xf32, #tpu.memory_space<vmem>> -> memref<128x128xf32, #tpu.memory_space<vmem>>
      %dma_wait3A_207 = tpu.memref_slice %arg9[%add3A_131] : memref<2576xi32, #tpu.memory_space<vmem>> -> memref<128xi32, #tpu.memory_space<vmem>>
      %dma_wait3A_208 = arith.constant 0 : i32
      %dma_wait3A_209 = arith.constant 0 : i32
      %dma_wait3A_210 = tpu.memref_slice %arg5[%dma_wait3A_208, %dma_wait3A_209] : memref<500000x128xf32, #tpu.memory_space<hbm>> -> memref<500000x128xf32, #tpu.memory_space<hbm>>
      tpu.wait_indirect_dma semaphore(%arg15 : memref<!tpu.dma_semaphore, #tpu.memory_space<semaphore_mem>>) src(%dma_wait3A_210 : memref<500000x128xf32, #tpu.memory_space<hbm>>) dst(%dma_wait3A_206 : memref<128x128xf32, #tpu.memory_space<vmem>>)
      %scan3A_211 = arith.constant 0 : i32
      %scan3A_212 = arith.constant 19 : i32
      %scan3A_213 = arith.constant 13 : i32
      %scan3A_214 = arith.addi %scan3A_212, %scan3A_213 : i32
      %scan3A_215 = arith.constant 1 : i32
      scf.for %scan3A_234 = %scan3A_212 to %scan3A_214 step %scan3A_215  : i32 {
        %add3A_235 = arith.constant 32 : i32
        %add3A_236 = arith.addi %mul3A_46, %add3A_235 : i32
        %add3A_237 = arith.addi %add3A_236, %scan3A_234 : i32
        %get3A = arith.index_cast %add3A_237 : i32 to index
        %get3A_238 = tpu.vector_load %arg8[%get3A] {strides = array<i32>} : memref<2048xi32, #tpu.memory_space<vmem>>, vector<16xi32>,
        %get3A_239 = vector.shape_cast %get3A_238 : vector<16xi32> to vector<16xi32>
        %slice3A = vector.extract_strided_slice %get3A_239 {offsets = [0], sizes = [1], strides = [1]} : vector<16xi32> to vector<1xi32>
        %squeeze3A = vector.extract %slice3A[0] : i32 from vector<1xi32>
        %add3A_240 = arith.constant 96 : i32
        %add3A_241 = arith.addi %mul3A_46, %add3A_240 : i32
        %add3A_242 = arith.addi %add3A_241, %scan3A_234 : i32
        %get3A_243 = arith.index_cast %add3A_242 : i32 to index
        %get3A_244 = tpu.vector_load %arg8[%get3A_243] {strides = array<i32>} : memref<2048xi32, #tpu.memory_space<vmem>>, vector<16xi32>,
        %get3A_245 = vector.shape_cast %get3A_244 : vector<16xi32> to vector<16xi32>
        %slice3A_246 = vector.extract_strided_slice %get3A_245 {offsets = [0], sizes = [1], strides = [1]} : vector<16xi32> to vector<1xi32>
        %squeeze3A_247 = vector.extract %slice3A_246[0] : i32 from vector<1xi32>
        %get3A_248 = arith.index_cast %scan3A_234 : i32 to index
        %get3A_249 = arith.index_cast %squeeze3A : i32 to index
        %get3A_250 = tpu.vector_load %arg10[%get3A_248, %get3A_249] {strides = array<i32>} : memref<32x128xf32, #tpu.memory_space<vmem>>, vector<1x16xf32>,
        %get3A_251 = vector.shape_cast %get3A_250 : vector<1x16xf32> to vector<16xf32>
        %add3A_252 = arith.constant 16 : i32
        %add3A_253 = arith.addi %squeeze3A, %add3A_252 : i32
        %get3A_254 = arith.index_cast %scan3A_234 : i32 to index
        %get3A_255 = arith.index_cast %add3A_253 : i32 to index
        %get3A_256 = tpu.vector_load %arg10[%get3A_254, %get3A_255] {strides = array<i32>} : memref<32x128xf32, #tpu.memory_space<vmem>>, vector<1x16xf32>,
        %get3A_257 = vector.shape_cast %get3A_256 : vector<1x16xf32> to vector<16xf32>
        %add3A_258 = arith.constant 32 : i32
        %add3A_259 = arith.addi %squeeze3A, %add3A_258 : i32
        %get3A_260 = arith.index_cast %scan3A_234 : i32 to index
        %get3A_261 = arith.index_cast %add3A_259 : i32 to index
        %get3A_262 = tpu.vector_load %arg10[%get3A_260, %get3A_261] {strides = array<i32>} : memref<32x128xf32, #tpu.memory_space<vmem>>, vector<1x16xf32>,
        %get3A_263 = vector.shape_cast %get3A_262 : vector<1x16xf32> to vector<16xf32>
        %add3A_264 = arith.constant 48 : i32
        %add3A_265 = arith.addi %squeeze3A, %add3A_264 : i32
        %get3A_266 = arith.index_cast %scan3A_234 : i32 to index
        %get3A_267 = arith.index_cast %add3A_265 : i32 to index
        %get3A_268 = tpu.vector_load %arg10[%get3A_266, %get3A_267] {strides = array<i32>} : memref<32x128xf32, #tpu.memory_space<vmem>>, vector<1x16xf32>,
        %get3A_269 = vector.shape_cast %get3A_268 : vector<1x16xf32> to vector<16xf32>
        %get3A_270 = arith.index_cast %scan3A_234 : i32 to index
        %get3A_271 = arith.index_cast %squeeze3A_247 : i32 to index
        %get3A_272 = tpu.vector_load %arg11[%get3A_270, %get3A_271] {strides = array<i32>} : memref<32x128xf32, #tpu.memory_space<vmem>>, vector<1x16xf32>,
        %get3A_273 = vector.shape_cast %get3A_272 : vector<1x16xf32> to vector<16xf32>
        %add3A_274 = arith.constant 16 : i32
        %add3A_275 = arith.addi %squeeze3A_247, %add3A_274 : i32
        %get3A_276 = arith.index_cast %scan3A_234 : i32 to index
        %get3A_277 = arith.index_cast %add3A_275 : i32 to index
        %get3A_278 = tpu.vector_load %arg11[%get3A_276, %get3A_277] {strides = array<i32>} : memref<32x128xf32, #tpu.memory_space<vmem>>, vector<1x16xf32>,
        %get3A_279 = vector.shape_cast %get3A_278 : vector<1x16xf32> to vector<16xf32>
        %add3A_280 = arith.constant 32 : i32
        %add3A_281 = arith.addi %squeeze3A_247, %add3A_280 : i32
        %get3A_282 = arith.index_cast %scan3A_234 : i32 to index
        %get3A_283 = arith.index_cast %add3A_281 : i32 to index
        %get3A_284 = tpu.vector_load %arg11[%get3A_282, %get3A_283] {strides = array<i32>} : memref<32x128xf32, #tpu.memory_space<vmem>>, vector<1x16xf32>,
        %get3A_285 = vector.shape_cast %get3A_284 : vector<1x16xf32> to vector<16xf32>
        %add3A_286 = arith.constant 48 : i32
        %add3A_287 = arith.addi %squeeze3A_247, %add3A_286 : i32
        %get3A_288 = arith.index_cast %scan3A_234 : i32 to index
        %get3A_289 = arith.index_cast %add3A_287 : i32 to index
        %get3A_290 = tpu.vector_load %arg11[%get3A_288, %get3A_289] {strides = array<i32>} : memref<32x128xf32, #tpu.memory_space<vmem>>, vector<1x16xf32>,
        %get3A_291 = vector.shape_cast %get3A_290 : vector<1x16xf32> to vector<16xf32>
        %mul3A_292 = arith.constant 32 : i32
        %mul3A_293 = arith.muli %scan3A_41, %mul3A_292 : i32
        %add3A_294 = arith.addi %mul3A_293, %scan3A_234 : i32
        %mul3A_295 = arith.mulf %get3A_251, %get3A_273 : vector<16xf32>
        %mul3A_296 = arith.mulf %get3A_257, %get3A_279 : vector<16xf32>
        %add3A_297 = arith.addf %mul3A_295, %mul3A_296 : vector<16xf32>
        %mul3A_298 = arith.mulf %get3A_263, %get3A_285 : vector<16xf32>
        %add3A_299 = arith.addf %add3A_297, %mul3A_298 : vector<16xf32>
        %mul3A_300 = arith.mulf %get3A_269, %get3A_291 : vector<16xf32>
        %add3A_301 = arith.addf %add3A_299, %mul3A_300 : vector<16xf32>
        %jit3A_302 = arith.constant 8 : i32
        %div3A = arith.divsi %add3A_294, %jit3A_302 : i32
        %sign3A = arith.constant 0 : i32
        %sign3A_303 = arith.cmpi sgt, %add3A_294, %sign3A : i32
        %sign3A_304 = arith.extui %sign3A_303 : i1 to i32
        %sign3A_305 = arith.constant 0 : i32
        %sign3A_306 = arith.cmpi slt, %add3A_294, %sign3A_305 : i32
        %sign3A_307 = arith.extui %sign3A_306 : i1 to i32
        %sign3A_308 = arith.subi %sign3A_304, %sign3A_307 : i32
        %sign3A_309 = arith.constant 0 : i32
        %sign3A_310 = arith.cmpi sgt, %jit3A_302, %sign3A_309 : i32
        %sign3A_311 = arith.extui %sign3A_310 : i1 to i32
        %sign3A_312 = arith.constant 0 : i32
        %sign3A_313 = arith.cmpi slt, %jit3A_302, %sign3A_312 : i32
        %sign3A_314 = arith.extui %sign3A_313 : i1 to i32
        %sign3A_315 = arith.subi %sign3A_311, %sign3A_314 : i32
        %ne3A_316 = arith.cmpi ne, %sign3A_308, %sign3A_315 : i32
        %rem3A_317 = arith.remsi %add3A_294, %jit3A_302 : i32
        %ne3A_318 = arith.constant 0 : i32
        %ne3A_319 = arith.cmpi ne, %rem3A_317, %ne3A_318 : i32
        %and3A_320 = arith.andi %ne3A_316, %ne3A_319 : i1
        %sub3A = arith.constant 1 : i32
        %sub3A_321 = arith.subi %div3A, %sub3A : i32
        %select_n3A_322 = arith.select %and3A_320, %sub3A_321, %div3A : i32
        %jit3A_323 = arith.constant 8 : i32
        %eq3A_324 = arith.constant 0 : i32
        %eq3A_325 = arith.cmpi eq, %jit3A_323, %eq3A_324 : i32
        %jit3A_326 = arith.constant 1 : i32
        %select_n3A_327 = arith.select %eq3A_325, %jit3A_326, %jit3A_323 : i32
        %rem3A_328 = arith.remsi %add3A_294, %select_n3A_327 : i32
        %ne3A_329 = arith.constant 0 : i32
        %ne3A_330 = arith.cmpi ne, %rem3A_328, %ne3A_329 : i32
        %lt3A_331 = arith.constant 0 : i32
        %lt3A_332 = arith.cmpi slt, %rem3A_328, %lt3A_331 : i32
        %lt3A_333 = arith.constant 0 : i32
        %lt3A_334 = arith.cmpi slt, %select_n3A_327, %lt3A_333 : i32
        %ne3A_335 = arith.xori %lt3A_332, %lt3A_334 : i1
        %and3A_336 = arith.andi %ne3A_335, %ne3A_330 : i1
        %add3A_337 = arith.addi %rem3A_328, %select_n3A_327 : i32
        %select_n3A_338 = arith.select %and3A_336, %add3A_337, %rem3A_328 : i32
        %mul3A_339 = arith.constant 16 : i32
        %mul3A_340 = arith.muli %select_n3A_338, %mul3A_339 : i32
        %swap3A = arith.index_cast %select_n3A_322 : i32 to index
        %swap3A_341 = arith.index_cast %mul3A_340 : i32 to index
        %swap3A_342 = tpu.vector_load %arg13[%swap3A, %swap3A_341] {strides = array<i32>} : memref<64x128xf32, #tpu.memory_space<vmem>>, vector<1x16xf32>,
        %swap3A_343 = vector.shape_cast %swap3A_342 : vector<1x16xf32> to vector<16xf32>
        %swap3A_344 = vector.shape_cast %add3A_301 : vector<16xf32> to vector<1x16xf32>
        tpu.vector_store %arg13[%swap3A, %swap3A_341], %swap3A_344 {strides = array<i32>} : memref<64x128xf32, #tpu.memory_space<vmem>>, vector<1x16xf32>,
        %mul3A_345 = arith.constant 20 : i32
        %mul3A_346 = arith.muli %scan3A_234, %mul3A_345 : i32
        %add3A_347 = arith.constant 0 : i32
        %add3A_348 = arith.addi %mul3A_346, %add3A_347 : i32
        %add3A_349 = arith.constant 640 : i32
        %add3A_350 = arith.addi %multiple_of3A, %add3A_349 : i32
        %add3A_351 = arith.addi %add3A_350, %add3A_348 : i32
        %get3A_352 = arith.index_cast %add3A_351 : i32 to index
        %get3A_353 = tpu.vector_load %arg9[%get3A_352] {strides = array<i32>} : memref<2576xi32, #tpu.memory_space<vmem>>, vector<16xi32>,
        %get3A_354 = vector.shape_cast %get3A_353 : vector<16xi32> to vector<16xi32>
        %slice3A_355 = vector.extract_strided_slice %get3A_354 {offsets = [0], sizes = [1], strides = [1]} : vector<16xi32> to vector<1xi32>
        %squeeze3A_356 = vector.extract %slice3A_355[0] : i32 from vector<1xi32>
        %get3A_357 = arith.index_cast %add3A_348 : i32 to index
        %get3A_358 = arith.index_cast %squeeze3A_356 : i32 to index
        %get3A_359 = tpu.vector_load %arg12[%get3A_357, %get3A_358] {strides = array<i32>} : memref<640x128xf32, #tpu.memory_space<vmem>>, vector<1x16xf32>,
        %get3A_360 = vector.shape_cast %get3A_359 : vector<1x16xf32> to vector<16xf32>
        %add3A_361 = arith.constant 16 : i32
        %add3A_362 = arith.addi %squeeze3A_356, %add3A_361 : i32
        %get3A_363 = arith.index_cast %add3A_348 : i32 to index
        %get3A_364 = arith.index_cast %add3A_362 : i32 to index
        %get3A_365 = tpu.vector_load %arg12[%get3A_363, %get3A_364] {strides = array<i32>} : memref<640x128xf32, #tpu.memory_space<vmem>>, vector<1x16xf32>,
        %get3A_366 = vector.shape_cast %get3A_365 : vector<1x16xf32> to vector<16xf32>
        %add3A_367 = arith.constant 32 : i32
        %add3A_368 = arith.addi %squeeze3A_356, %add3A_367 : i32
        %get3A_369 = arith.index_cast %add3A_348 : i32 to index
        %get3A_370 = arith.index_cast %add3A_368 : i32 to index
        %get3A_371 = tpu.vector_load %arg12[%get3A_369, %get3A_370] {strides = array<i32>} : memref<640x128xf32, #tpu.memory_space<vmem>>, vector<1x16xf32>,
        %get3A_372 = vector.shape_cast %get3A_371 : vector<1x16xf32> to vector<16xf32>
        %add3A_373 = arith.constant 48 : i32
        %add3A_374 = arith.addi %squeeze3A_356, %add3A_373 : i32
        %get3A_375 = arith.index_cast %add3A_348 : i32 to index
        %get3A_376 = arith.index_cast %add3A_374 : i32 to index
        %get3A_377 = tpu.vector_load %arg12[%get3A_375, %get3A_376] {strides = array<i32>} : memref<640x128xf32, #tpu.memory_space<vmem>>, vector<1x16xf32>,
        %get3A_378 = vector.shape_cast %get3A_377 : vector<1x16xf32> to vector<16xf32>
        %mul3A_379 = arith.mulf %get3A_251, %get3A_360 : vector<16xf32>
        %mul3A_380 = arith.mulf %get3A_257, %get3A_366 : vector<16xf32>
        %add3A_381 = arith.addf %mul3A_379, %mul3A_380 : vector<16xf32>
        %mul3A_382 = arith.mulf %get3A_263, %get3A_372 : vector<16xf32>
        %add3A_383 = arith.addf %add3A_381, %mul3A_382 : vector<16xf32>
        %mul3A_384 = arith.mulf %get3A_269, %get3A_378 : vector<16xf32>
        %add3A_385 = arith.addf %add3A_383, %mul3A_384 : vector<16xf32>
        %jit3A_386 = arith.constant 8 : i32
        %div3A_387 = arith.divsi %add3A_348, %jit3A_386 : i32
        %sign3A_388 = arith.constant 0 : i32
        %sign3A_389 = arith.cmpi sgt, %add3A_348, %sign3A_388 : i32
        %sign3A_390 = arith.extui %sign3A_389 : i1 to i32
        %sign3A_391 = arith.constant 0 : i32
        %sign3A_392 = arith.cmpi slt, %add3A_348, %sign3A_391 : i32
        %sign3A_393 = arith.extui %sign3A_392 : i1 to i32
        %sign3A_394 = arith.subi %sign3A_390, %sign3A_393 : i32
        %sign3A_395 = arith.constant 0 : i32
        %sign3A_396 = arith.cmpi sgt, %jit3A_386, %sign3A_395 : i32
        %sign3A_397 = arith.extui %sign3A_396 : i1 to i32
        %sign3A_398 = arith.constant 0 : i32
        %sign3A_399 = arith.cmpi slt, %jit3A_386, %sign3A_398 : i32
        %sign3A_400 = arith.extui %sign3A_399 : i1 to i32
        %sign3A_401 = arith.subi %sign3A_397, %sign3A_400 : i32
        %ne3A_402 = arith.cmpi ne, %sign3A_394, %sign3A_401 : i32
        %rem3A_403 = arith.remsi %add3A_348, %jit3A_386 : i32
        %ne3A_404 = arith.constant 0 : i32
        %ne3A_405 = arith.cmpi ne, %rem3A_403, %ne3A_404 : i32
        %and3A_406 = arith.andi %ne3A_402, %ne3A_405 : i1
        %sub3A_407 = arith.constant 1 : i32
        %sub3A_408 = arith.subi %div3A_387, %sub3A_407 : i32
        %select_n3A_409 = arith.select %and3A_406, %sub3A_408, %div3A_387 : i32
        %add3A_410 = arith.addi %multiple_of3A_186, %select_n3A_409 : i32
        %jit3A_411 = arith.constant 8 : i32
        %eq3A_412 = arith.constant 0 : i32
        %eq3A_413 = arith.cmpi eq, %jit3A_411, %eq3A_412 : i32
        %jit3A_414 = arith.constant 1 : i32
        %select_n3A_415 = arith.select %eq3A_413, %jit3A_414, %jit3A_411 : i32
        %rem3A_416 = arith.remsi %add3A_348, %select_n3A_415 : i32
        %ne3A_417 = arith.constant 0 : i32
        %ne3A_418 = arith.cmpi ne, %rem3A_416, %ne3A_417 : i32
        %lt3A_419 = arith.constant 0 : i32
        %lt3A_420 = arith.cmpi slt, %rem3A_416, %lt3A_419 : i32
        %lt3A_421 = arith.constant 0 : i32
        %lt3A_422 = arith.cmpi slt, %select_n3A_415, %lt3A_421 : i32
        %ne3A_423 = arith.xori %lt3A_420, %lt3A_422 : i1
        %and3A_424 = arith.andi %ne3A_423, %ne3A_418 : i1
        %add3A_425 = arith.addi %rem3A_416, %select_n3A_415 : i32
        %select_n3A_426 = arith.select %and3A_424, %add3A_425, %rem3A_416 : i32
        %mul3A_427 = arith.constant 16 : i32
        %mul3A_428 = arith.muli %select_n3A_426, %mul3A_427 : i32
        %swap3A_429 = arith.index_cast %add3A_410 : i32 to index
        %swap3A_430 = arith.index_cast %mul3A_428 : i32 to index
        %swap3A_431 = tpu.vector_load %arg14[%swap3A_429, %swap3A_430] {strides = array<i32>} : memref<160x128xf32, #tpu.memory_space<vmem>>, vector<1x16xf32>,
        %swap3A_432 = vector.shape_cast %swap3A_431 : vector<1x16xf32> to vector<16xf32>
        %swap3A_433 = vector.shape_cast %add3A_385 : vector<16xf32> to vector<1x16xf32>
        tpu.vector_store %arg14[%swap3A_429, %swap3A_430], %swap3A_433 {strides = array<i32>} : memref<160x128xf32, #tpu.memory_space<vmem>>, vector<1x16xf32>,
        %add3A_434 = arith.constant 1 : i32
        %add3A_435 = arith.addi %mul3A_346, %add3A_434 : i32
        %add3A_436 = arith.constant 640 : i32
        %add3A_437 = arith.addi %multiple_of3A, %add3A_436 : i32
        %add3A_438 = arith.addi %add3A_437, %add3A_435 : i32
        %get3A_439 = arith.index_cast %add3A_438 : i32 to index
        %get3A_440 = tpu.vector_load %arg9[%get3A_439] {strides = array<i32>} : memref<2576xi32, #tpu.memory_space<vmem>>, vector<16xi32>,
        %get3A_441 = vector.shape_cast %get3A_440 : vector<16xi32> to vector<16xi32>
        %slice3A_442 = vector.extract_strided_slice %get3A_441 {offsets = [0], sizes = [1], strides = [1]} : vector<16xi32> to vector<1xi32>
        %squeeze3A_443 = vector.extract %slice3A_442[0] : i32 from vector<1xi32>
        %get3A_444 = arith.index_cast %add3A_435 : i32 to index
        %get3A_445 = arith.index_cast %squeeze3A_443 : i32 to index
        %get3A_446 = tpu.vector_load %arg12[%get3A_444, %get3A_445] {strides = array<i32>} : memref<640x128xf32, #tpu.memory_space<vmem>>, vector<1x16xf32>,
        %get3A_447 = vector.shape_cast %get3A_446 : vector<1x16xf32> to vector<16xf32>
        %add3A_448 = arith.constant 16 : i32
        %add3A_449 = arith.addi %squeeze3A_443, %add3A_448 : i32
        %get3A_450 = arith.index_cast %add3A_435 : i32 to index
        %get3A_451 = arith.index_cast %add3A_449 : i32 to index
        %get3A_452 = tpu.vector_load %arg12[%get3A_450, %get3A_451] {strides = array<i32>} : memref<640x128xf32, #tpu.memory_space<vmem>>, vector<1x16xf32>,
        %get3A_453 = vector.shape_cast %get3A_452 : vector<1x16xf32> to vector<16xf32>
        %add3A_454 = arith.constant 32 : i32
        %add3A_455 = arith.addi %squeeze3A_443, %add3A_454 : i32
        %get3A_456 = arith.index_cast %add3A_435 : i32 to index
        %get3A_457 = arith.index_cast %add3A_455 : i32 to index
        %get3A_458 = tpu.vector_load %arg12[%get3A_456, %get3A_457] {strides = array<i32>} : memref<640x128xf32, #tpu.memory_space<vmem>>, vector<1x16xf32>,
        %get3A_459 = vector.shape_cast %get3A_458 : vector<1x16xf32> to vector<16xf32>
        %add3A_460 = arith.constant 48 : i32
        %add3A_461 = arith.addi %squeeze3A_443, %add3A_460 : i32
        %get3A_462 = arith.index_cast %add3A_435 : i32 to index
        %get3A_463 = arith.index_cast %add3A_461 : i32 to index
        %get3A_464 = tpu.vector_load %arg12[%get3A_462, %get3A_463] {strides = array<i32>} : memref<640x128xf32, #tpu.memory_space<vmem>>, vector<1x16xf32>,
        %get3A_465 = vector.shape_cast %get3A_464 : vector<1x16xf32> to vector<16xf32>
        %mul3A_466 = arith.mulf %get3A_251, %get3A_447 : vector<16xf32>
        %mul3A_467 = arith.mulf %get3A_257, %get3A_453 : vector<16xf32>
        %add3A_468 = arith.addf %mul3A_466, %mul3A_467 : vector<16xf32>
        %mul3A_469 = arith.mulf %get3A_263, %get3A_459 : vector<16xf32>
        %add3A_470 = arith.addf %add3A_468, %mul3A_469 : vector<16xf32>
        %mul3A_471 = arith.mulf %get3A_269, %get3A_465 : vector<16xf32>
        %add3A_472 = arith.addf %add3A_470, %mul3A_471 : vector<16xf32>
        %jit3A_473 = arith.constant 8 : i32
        %div3A_474 = arith.divsi %add3A_435, %jit3A_473 : i32
        %sign3A_475 = arith.constant 0 : i32
        %sign3A_476 = arith.cmpi sgt, %add3A_435, %sign3A_475 : i32
        %sign3A_477 = arith.extui %sign3A_476 : i1 to i32
        %sign3A_478 = arith.constant 0 : i32
        %sign3A_479 = arith.cmpi slt, %add3A_435, %sign3A_478 : i32
        %sign3A_480 = arith.extui %sign3A_479 : i1 to i32
        %sign3A_481 = arith.subi %sign3A_477, %sign3A_480 : i32
        %sign3A_482 = arith.constant 0 : i32
        %sign3A_483 = arith.cmpi sgt, %jit3A_473, %sign3A_482 : i32
        %sign3A_484 = arith.extui %sign3A_483 : i1 to i32
        %sign3A_485 = arith.constant 0 : i32
        %sign3A_486 = arith.cmpi slt, %jit3A_473, %sign3A_485 : i32
        %sign3A_487 = arith.extui %sign3A_486 : i1 to i32
        %sign3A_488 = arith.subi %sign3A_484, %sign3A_487 : i32
        %ne3A_489 = arith.cmpi ne, %sign3A_481, %sign3A_488 : i32
        %rem3A_490 = arith.remsi %add3A_435, %jit3A_473 : i32
        %ne3A_491 = arith.constant 0 : i32
        %ne3A_492 = arith.cmpi ne, %rem3A_490, %ne3A_491 : i32
        %and3A_493 = arith.andi %ne3A_489, %ne3A_492 : i1
        %sub3A_494 = arith.constant 1 : i32
        %sub3A_495 = arith.subi %div3A_474, %sub3A_494 : i32
        %select_n3A_496 = arith.select %and3A_493, %sub3A_495, %div3A_474 : i32
        %add3A_497 = arith.addi %multiple_of3A_186, %select_n3A_496 : i32
        %jit3A_498 = arith.constant 8 : i32
        %eq3A_499 = arith.constant 0 : i32
        %eq3A_500 = arith.cmpi eq, %jit3A_498, %eq3A_499 : i32
        %jit3A_501 = arith.constant 1 : i32
        %select_n3A_502 = arith.select %eq3A_500, %jit3A_501, %jit3A_498 : i32
        %rem3A_503 = arith.remsi %add3A_435, %select_n3A_502 : i32
        %ne3A_504 = arith.constant 0 : i32
        %ne3A_505 = arith.cmpi ne, %rem3A_503, %ne3A_504 : i32
        %lt3A_506 = arith.constant 0 : i32
        %lt3A_507 = arith.cmpi slt, %rem3A_503, %lt3A_506 : i32
        %lt3A_508 = arith.constant 0 : i32
        %lt3A_509 = arith.cmpi slt, %select_n3A_502, %lt3A_508 : i32
        %ne3A_510 = arith.xori %lt3A_507, %lt3A_509 : i1
        %and3A_511 = arith.andi %ne3A_510, %ne3A_505 : i1
        %add3A_512 = arith.addi %rem3A_503, %select_n3A_502 : i32
        %select_n3A_513 = arith.select %and3A_511, %add3A_512, %rem3A_503 : i32
        %mul3A_514 = arith.constant 16 : i32
        %mul3A_515 = arith.muli %select_n3A_513, %mul3A_514 : i32
        %swap3A_516 = arith.index_cast %add3A_497 : i32 to index
        %swap3A_517 = arith.index_cast %mul3A_515 : i32 to index
        %swap3A_518 = tpu.vector_load %arg14[%swap3A_516, %swap3A_517] {strides = array<i32>} : memref<160x128xf32, #tpu.memory_space<vmem>>, vector<1x16xf32>,
        %swap3A_519 = vector.shape_cast %swap3A_518 : vector<1x16xf32> to vector<16xf32>
        %swap3A_520 = vector.shape_cast %add3A_472 : vector<16xf32> to vector<1x16xf32>
        tpu.vector_store %arg14[%swap3A_516, %swap3A_517], %swap3A_520 {strides = array<i32>} : memref<160x128xf32, #tpu.memory_space<vmem>>, vector<1x16xf32>,
        %add3A_521 = arith.constant 2 : i32
        %add3A_522 = arith.addi %mul3A_346, %add3A_521 : i32
        %add3A_523 = arith.constant 640 : i32
        %add3A_524 = arith.addi %multiple_of3A, %add3A_523 : i32
        %add3A_525 = arith.addi %add3A_524, %add3A_522 : i32
        %get3A_526 = arith.index_cast %add3A_525 : i32 to index
        %get3A_527 = tpu.vector_load %arg9[%get3A_526] {strides = array<i32>} : memref<2576xi32, #tpu.memory_space<vmem>>, vector<16xi32>,
        %get3A_528 = vector.shape_cast %get3A_527 : vector<16xi32> to vector<16xi32>
        %slice3A_529 = vector.extract_strided_slice %get3A_528 {offsets = [0], sizes = [1], strides = [1]} : vector<16xi32> to vector<1xi32>
        %squeeze3A_530 = vector.extract %slice3A_529[0] : i32 from vector<1xi32>
        %get3A_531 = arith.index_cast %add3A_522 : i32 to index
        %get3A_532 = arith.index_cast %squeeze3A_530 : i32 to index
        %get3A_533 = tpu.vector_load %arg12[%get3A_531, %get3A_532] {strides = array<i32>} : memref<640x128xf32, #tpu.memory_space<vmem>>, vector<1x16xf32>,
        %get3A_534 = vector.shape_cast %get3A_533 : vector<1x16xf32> to vector<16xf32>
        %add3A_535 = arith.constant 16 : i32
        %add3A_536 = arith.addi %squeeze3A_530, %add3A_535 : i32
        %get3A_537 = arith.index_cast %add3A_522 : i32 to index
        %get3A_538 = arith.index_cast %add3A_536 : i32 to index
        %get3A_539 = tpu.vector_load %arg12[%get3A_537, %get3A_538] {strides = array<i32>} : memref<640x128xf32, #tpu.memory_space<vmem>>, vector<1x16xf32>,
        %get3A_540 = vector.shape_cast %get3A_539 : vector<1x16xf32> to vector<16xf32>
        %add3A_541 = arith.constant 32 : i32
        %add3A_542 = arith.addi %squeeze3A_530, %add3A_541 : i32
        %get3A_543 = arith.index_cast %add3A_522 : i32 to index
        %get3A_544 = arith.index_cast %add3A_542 : i32 to index
        %get3A_545 = tpu.vector_load %arg12[%get3A_543, %get3A_544] {strides = array<i32>} : memref<640x128xf32, #tpu.memory_space<vmem>>, vector<1x16xf32>,
        %get3A_546 = vector.shape_cast %get3A_545 : vector<1x16xf32> to vector<16xf32>
        %add3A_547 = arith.constant 48 : i32
        %add3A_548 = arith.addi %squeeze3A_530, %add3A_547 : i32
        %get3A_549 = arith.index_cast %add3A_522 : i32 to index
        %get3A_550 = arith.index_cast %add3A_548 : i32 to index
        %get3A_551 = tpu.vector_load %arg12[%get3A_549, %get3A_550] {strides = array<i32>} : memref<640x128xf32, #tpu.memory_space<vmem>>, vector<1x16xf32>,
        %get3A_552 = vector.shape_cast %get3A_551 : vector<1x16xf32> to vector<16xf32>
        %mul3A_553 = arith.mulf %get3A_251, %get3A_534 : vector<16xf32>
        %mul3A_554 = arith.mulf %get3A_257, %get3A_540 : vector<16xf32>
        %add3A_555 = arith.addf %mul3A_553, %mul3A_554 : vector<16xf32>
        %mul3A_556 = arith.mulf %get3A_263, %get3A_546 : vector<16xf32>
        %add3A_557 = arith.addf %add3A_555, %mul3A_556 : vector<16xf32>
        %mul3A_558 = arith.mulf %get3A_269, %get3A_552 : vector<16xf32>
        %add3A_559 = arith.addf %add3A_557, %mul3A_558 : vector<16xf32>
        %jit3A_560 = arith.constant 8 : i32
        %div3A_561 = arith.divsi %add3A_522, %jit3A_560 : i32
        %sign3A_562 = arith.constant 0 : i32
        %sign3A_563 = arith.cmpi sgt, %add3A_522, %sign3A_562 : i32
        %sign3A_564 = arith.extui %sign3A_563 : i1 to i32
        %sign3A_565 = arith.constant 0 : i32
        %sign3A_566 = arith.cmpi slt, %add3A_522, %sign3A_565 : i32
        %sign3A_567 = arith.extui %sign3A_566 : i1 to i32
        %sign3A_568 = arith.subi %sign3A_564, %sign3A_567 : i32
        %sign3A_569 = arith.constant 0 : i32
        %sign3A_570 = arith.cmpi sgt, %jit3A_560, %sign3A_569 : i32
        %sign3A_571 = arith.extui %sign3A_570 : i1 to i32
        %sign3A_572 = arith.constant 0 : i32
        %sign3A_573 = arith.cmpi slt, %jit3A_560, %sign3A_572 : i32
        %sign3A_574 = arith.extui %sign3A_573 : i1 to i32
        %sign3A_575 = arith.subi %sign3A_571, %sign3A_574 : i32
        %ne3A_576 = arith.cmpi ne, %sign3A_568, %sign3A_575 : i32
        %rem3A_577 = arith.remsi %add3A_522, %jit3A_560 : i32
        %ne3A_578 = arith.constant 0 : i32
        %ne3A_579 = arith.cmpi ne, %rem3A_577, %ne3A_578 : i32
        %and3A_580 = arith.andi %ne3A_576, %ne3A_579 : i1
        %sub3A_581 = arith.constant 1 : i32
        %sub3A_582 = arith.subi %div3A_561, %sub3A_581 : i32
        %select_n3A_583 = arith.select %and3A_580, %sub3A_582, %div3A_561 : i32
        %add3A_584 = arith.addi %multiple_of3A_186, %select_n3A_583 : i32
        %jit3A_585 = arith.constant 8 : i32
        %eq3A_586 = arith.constant 0 : i32
        %eq3A_587 = arith.cmpi eq, %jit3A_585, %eq3A_586 : i32
        %jit3A_588 = arith.constant 1 : i32
        %select_n3A_589 = arith.select %eq3A_587, %jit3A_588, %jit3A_585 : i32
        %rem3A_590 = arith.remsi %add3A_522, %select_n3A_589 : i32
        %ne3A_591 = arith.constant 0 : i32
        %ne3A_592 = arith.cmpi ne, %rem3A_590, %ne3A_591 : i32
        %lt3A_593 = arith.constant 0 : i32
        %lt3A_594 = arith.cmpi slt, %rem3A_590, %lt3A_593 : i32
        %lt3A_595 = arith.constant 0 : i32
        %lt3A_596 = arith.cmpi slt, %select_n3A_589, %lt3A_595 : i32
        %ne3A_597 = arith.xori %lt3A_594, %lt3A_596 : i1
        %and3A_598 = arith.andi %ne3A_597, %ne3A_592 : i1
        %add3A_599 = arith.addi %rem3A_590, %select_n3A_589 : i32
        %select_n3A_600 = arith.select %and3A_598, %add3A_599, %rem3A_590 : i32
        %mul3A_601 = arith.constant 16 : i32
        %mul3A_602 = arith.muli %select_n3A_600, %mul3A_601 : i32
        %swap3A_603 = arith.index_cast %add3A_584 : i32 to index
        %swap3A_604 = arith.index_cast %mul3A_602 : i32 to index
        %swap3A_605 = tpu.vector_load %arg14[%swap3A_603, %swap3A_604] {strides = array<i32>} : memref<160x128xf32, #tpu.memory_space<vmem>>, vector<1x16xf32>,
        %swap3A_606 = vector.shape_cast %swap3A_605 : vector<1x16xf32> to vector<16xf32>
        %swap3A_607 = vector.shape_cast %add3A_559 : vector<16xf32> to vector<1x16xf32>
        tpu.vector_store %arg14[%swap3A_603, %swap3A_604], %swap3A_607 {strides = array<i32>} : memref<160x128xf32, #tpu.memory_space<vmem>>, vector<1x16xf32>,
        %add3A_608 = arith.constant 3 : i32
        %add3A_609 = arith.addi %mul3A_346, %add3A_608 : i32
        %add3A_610 = arith.constant 640 : i32
        %add3A_611 = arith.addi %multiple_of3A, %add3A_610 : i32
        %add3A_612 = arith.addi %add3A_611, %add3A_609 : i32
        %get3A_613 = arith.index_cast %add3A_612 : i32 to index
        %get3A_614 = tpu.vector_load %arg9[%get3A_613] {strides = array<i32>} : memref<2576xi32, #tpu.memory_space<vmem>>, vector<16xi32>,
        %get3A_615 = vector.shape_cast %get3A_614 : vector<16xi32> to vector<16xi32>
        %slice3A_616 = vector.extract_strided_slice %get3A_615 {offsets = [0], sizes = [1], strides = [1]} : vector<16xi32> to vector<1xi32>
        %squeeze3A_617 = vector.extract %slice3A_616[0] : i32 from vector<1xi32>
        %get3A_618 = arith.index_cast %add3A_609 : i32 to index
        %get3A_619 = arith.index_cast %squeeze3A_617 : i32 to index
        %get3A_620 = tpu.vector_load %arg12[%get3A_618, %get3A_619] {strides = array<i32>} : memref<640x128xf32, #tpu.memory_space<vmem>>, vector<1x16xf32>,
        %get3A_621 = vector.shape_cast %get3A_620 : vector<1x16xf32> to vector<16xf32>
        %add3A_622 = arith.constant 16 : i32
        %add3A_623 = arith.addi %squeeze3A_617, %add3A_622 : i32
        %get3A_624 = arith.index_cast %add3A_609 : i32 to index
        %get3A_625 = arith.index_cast %add3A_623 : i32 to index
        %get3A_626 = tpu.vector_load %arg12[%get3A_624, %get3A_625] {strides = array<i32>} : memref<640x128xf32, #tpu.memory_space<vmem>>, vector<1x16xf32>,
        %get3A_627 = vector.shape_cast %get3A_626 : vector<1x16xf32> to vector<16xf32>
        %add3A_628 = arith.constant 32 : i32
        %add3A_629 = arith.addi %squeeze3A_617, %add3A_628 : i32
        %get3A_630 = arith.index_cast %add3A_609 : i32 to index
        %get3A_631 = arith.index_cast %add3A_629 : i32 to index
        %get3A_632 = tpu.vector_load %arg12[%get3A_630, %get3A_631] {strides = array<i32>} : memref<640x128xf32, #tpu.memory_space<vmem>>, vector<1x16xf32>,
        %get3A_633 = vector.shape_cast %get3A_632 : vector<1x16xf32> to vector<16xf32>
        %add3A_634 = arith.constant 48 : i32
        %add3A_635 = arith.addi %squeeze3A_617, %add3A_634 : i32
        %get3A_636 = arith.index_cast %add3A_609 : i32 to index
        %get3A_637 = arith.index_cast %add3A_635 : i32 to index
        %get3A_638 = tpu.vector_load %arg12[%get3A_636, %get3A_637] {strides = array<i32>} : memref<640x128xf32, #tpu.memory_space<vmem>>, vector<1x16xf32>,
        %get3A_639 = vector.shape_cast %get3A_638 : vector<1x16xf32> to vector<16xf32>
        %mul3A_640 = arith.mulf %get3A_251, %get3A_621 : vector<16xf32>
        %mul3A_641 = arith.mulf %get3A_257, %get3A_627 : vector<16xf32>
        %add3A_642 = arith.addf %mul3A_640, %mul3A_641 : vector<16xf32>
        %mul3A_643 = arith.mulf %get3A_263, %get3A_633 : vector<16xf32>
        %add3A_644 = arith.addf %add3A_642, %mul3A_643 : vector<16xf32>
        %mul3A_645 = arith.mulf %get3A_269, %get3A_639 : vector<16xf32>
        %add3A_646 = arith.addf %add3A_644, %mul3A_645 : vector<16xf32>
        %jit3A_647 = arith.constant 8 : i32
        %div3A_648 = arith.divsi %add3A_609, %jit3A_647 : i32
        %sign3A_649 = arith.constant 0 : i32
        %sign3A_650 = arith.cmpi sgt, %add3A_609, %sign3A_649 : i32
        %sign3A_651 = arith.extui %sign3A_650 : i1 to i32
        %sign3A_652 = arith.constant 0 : i32
        %sign3A_653 = arith.cmpi slt, %add3A_609, %sign3A_652 : i32
        %sign3A_654 = arith.extui %sign3A_653 : i1 to i32
        %sign3A_655 = arith.subi %sign3A_651, %sign3A_654 : i32
        %sign3A_656 = arith.constant 0 : i32
        %sign3A_657 = arith.cmpi sgt, %jit3A_647, %sign3A_656 : i32
        %sign3A_658 = arith.extui %sign3A_657 : i1 to i32
        %sign3A_659 = arith.constant 0 : i32
        %sign3A_660 = arith.cmpi slt, %jit3A_647, %sign3A_659 : i32
        %sign3A_661 = arith.extui %sign3A_660 : i1 to i32
        %sign3A_662 = arith.subi %sign3A_658, %sign3A_661 : i32
        %ne3A_663 = arith.cmpi ne, %sign3A_655, %sign3A_662 : i32
        %rem3A_664 = arith.remsi %add3A_609, %jit3A_647 : i32
        %ne3A_665 = arith.constant 0 : i32
        %ne3A_666 = arith.cmpi ne, %rem3A_664, %ne3A_665 : i32
        %and3A_667 = arith.andi %ne3A_663, %ne3A_666 : i1
        %sub3A_668 = arith.constant 1 : i32
        %sub3A_669 = arith.subi %div3A_648, %sub3A_668 : i32
        %select_n3A_670 = arith.select %and3A_667, %sub3A_669, %div3A_648 : i32
        %add3A_671 = arith.addi %multiple_of3A_186, %select_n3A_670 : i32
        %jit3A_672 = arith.constant 8 : i32
        %eq3A_673 = arith.constant 0 : i32
        %eq3A_674 = arith.cmpi eq, %jit3A_672, %eq3A_673 : i32
        %jit3A_675 = arith.constant 1 : i32
        %select_n3A_676 = arith.select %eq3A_674, %jit3A_675, %jit3A_672 : i32
        %rem3A_677 = arith.remsi %add3A_609, %select_n3A_676 : i32
        %ne3A_678 = arith.constant 0 : i32
        %ne3A_679 = arith.cmpi ne, %rem3A_677, %ne3A_678 : i32
        %lt3A_680 = arith.constant 0 : i32
        %lt3A_681 = arith.cmpi slt, %rem3A_677, %lt3A_680 : i32
        %lt3A_682 = arith.constant 0 : i32
        %lt3A_683 = arith.cmpi slt, %select_n3A_676, %lt3A_682 : i32
        %ne3A_684 = arith.xori %lt3A_681, %lt3A_683 : i1
        %and3A_685 = arith.andi %ne3A_684, %ne3A_679 : i1
        %add3A_686 = arith.addi %rem3A_677, %select_n3A_676 : i32
        %select_n3A_687 = arith.select %and3A_685, %add3A_686, %rem3A_677 : i32
        %mul3A_688 = arith.constant 16 : i32
        %mul3A_689 = arith.muli %select_n3A_687, %mul3A_688 : i32
        %swap3A_690 = arith.index_cast %add3A_671 : i32 to index
        %swap3A_691 = arith.index_cast %mul3A_689 : i32 to index
        %swap3A_692 = tpu.vector_load %arg14[%swap3A_690, %swap3A_691] {strides = array<i32>} : memref<160x128xf32, #tpu.memory_space<vmem>>, vector<1x16xf32>,
        %swap3A_693 = vector.shape_cast %swap3A_692 : vector<1x16xf32> to vector<16xf32>
        %swap3A_694 = vector.shape_cast %add3A_646 : vector<16xf32> to vector<1x16xf32>
        tpu.vector_store %arg14[%swap3A_690, %swap3A_691], %swap3A_694 {strides = array<i32>} : memref<160x128xf32, #tpu.memory_space<vmem>>, vector<1x16xf32>,
        %add3A_695 = arith.constant 4 : i32
        %add3A_696 = arith.addi %mul3A_346, %add3A_695 : i32
        %add3A_697 = arith.constant 640 : i32
        %add3A_698 = arith.addi %multiple_of3A, %add3A_697 : i32
        %add3A_699 = arith.addi %add3A_698, %add3A_696 : i32
        %get3A_700 = arith.index_cast %add3A_699 : i32 to index
        %get3A_701 = tpu.vector_load %arg9[%get3A_700] {strides = array<i32>} : memref<2576xi32, #tpu.memory_space<vmem>>, vector<16xi32>,
        %get3A_702 = vector.shape_cast %get3A_701 : vector<16xi32> to vector<16xi32>
        %slice3A_703 = vector.extract_strided_slice %get3A_702 {offsets = [0], sizes = [1], strides = [1]} : vector<16xi32> to vector<1xi32>
        %squeeze3A_704 = vector.extract %slice3A_703[0] : i32 from vector<1xi32>
        %get3A_705 = arith.index_cast %add3A_696 : i32 to index
        %get3A_706 = arith.index_cast %squeeze3A_704 : i32 to index
        %get3A_707 = tpu.vector_load %arg12[%get3A_705, %get3A_706] {strides = array<i32>} : memref<640x128xf32, #tpu.memory_space<vmem>>, vector<1x16xf32>,
        %get3A_708 = vector.shape_cast %get3A_707 : vector<1x16xf32> to vector<16xf32>
        %add3A_709 = arith.constant 16 : i32
        %add3A_710 = arith.addi %squeeze3A_704, %add3A_709 : i32
        %get3A_711 = arith.index_cast %add3A_696 : i32 to index
        %get3A_712 = arith.index_cast %add3A_710 : i32 to index
        %get3A_713 = tpu.vector_load %arg12[%get3A_711, %get3A_712] {strides = array<i32>} : memref<640x128xf32, #tpu.memory_space<vmem>>, vector<1x16xf32>,
        %get3A_714 = vector.shape_cast %get3A_713 : vector<1x16xf32> to vector<16xf32>
        %add3A_715 = arith.constant 32 : i32
        %add3A_716 = arith.addi %squeeze3A_704, %add3A_715 : i32
        %get3A_717 = arith.index_cast %add3A_696 : i32 to index
        %get3A_718 = arith.index_cast %add3A_716 : i32 to index
        %get3A_719 = tpu.vector_load %arg12[%get3A_717, %get3A_718] {strides = array<i32>} : memref<640x128xf32, #tpu.memory_space<vmem>>, vector<1x16xf32>,
        %get3A_720 = vector.shape_cast %get3A_719 : vector<1x16xf32> to vector<16xf32>
        %add3A_721 = arith.constant 48 : i32
        %add3A_722 = arith.addi %squeeze3A_704, %add3A_721 : i32
        %get3A_723 = arith.index_cast %add3A_696 : i32 to index
        %get3A_724 = arith.index_cast %add3A_722 : i32 to index
        %get3A_725 = tpu.vector_load %arg12[%get3A_723, %get3A_724] {strides = array<i32>} : memref<640x128xf32, #tpu.memory_space<vmem>>, vector<1x16xf32>,
        %get3A_726 = vector.shape_cast %get3A_725 : vector<1x16xf32> to vector<16xf32>
        %mul3A_727 = arith.mulf %get3A_251, %get3A_708 : vector<16xf32>
        %mul3A_728 = arith.mulf %get3A_257, %get3A_714 : vector<16xf32>
        %add3A_729 = arith.addf %mul3A_727, %mul3A_728 : vector<16xf32>
        %mul3A_730 = arith.mulf %get3A_263, %get3A_720 : vector<16xf32>
        %add3A_731 = arith.addf %add3A_729, %mul3A_730 : vector<16xf32>
        %mul3A_732 = arith.mulf %get3A_269, %get3A_726 : vector<16xf32>
        %add3A_733 = arith.addf %add3A_731, %mul3A_732 : vector<16xf32>
        %jit3A_734 = arith.constant 8 : i32
        %div3A_735 = arith.divsi %add3A_696, %jit3A_734 : i32
        %sign3A_736 = arith.constant 0 : i32
        %sign3A_737 = arith.cmpi sgt, %add3A_696, %sign3A_736 : i32
        %sign3A_738 = arith.extui %sign3A_737 : i1 to i32
        %sign3A_739 = arith.constant 0 : i32
        %sign3A_740 = arith.cmpi slt, %add3A_696, %sign3A_739 : i32
        %sign3A_741 = arith.extui %sign3A_740 : i1 to i32
        %sign3A_742 = arith.subi %sign3A_738, %sign3A_741 : i32
        %sign3A_743 = arith.constant 0 : i32
        %sign3A_744 = arith.cmpi sgt, %jit3A_734, %sign3A_743 : i32
        %sign3A_745 = arith.extui %sign3A_744 : i1 to i32
        %sign3A_746 = arith.constant 0 : i32
        %sign3A_747 = arith.cmpi slt, %jit3A_734, %sign3A_746 : i32
        %sign3A_748 = arith.extui %sign3A_747 : i1 to i32
        %sign3A_749 = arith.subi %sign3A_745, %sign3A_748 : i32
        %ne3A_750 = arith.cmpi ne, %sign3A_742, %sign3A_749 : i32
        %rem3A_751 = arith.remsi %add3A_696, %jit3A_734 : i32
        %ne3A_752 = arith.constant 0 : i32
        %ne3A_753 = arith.cmpi ne, %rem3A_751, %ne3A_752 : i32
        %and3A_754 = arith.andi %ne3A_750, %ne3A_753 : i1
        %sub3A_755 = arith.constant 1 : i32
        %sub3A_756 = arith.subi %div3A_735, %sub3A_755 : i32
        %select_n3A_757 = arith.select %and3A_754, %sub3A_756, %div3A_735 : i32
        %add3A_758 = arith.addi %multiple_of3A_186, %select_n3A_757 : i32
        %jit3A_759 = arith.constant 8 : i32
        %eq3A_760 = arith.constant 0 : i32
        %eq3A_761 = arith.cmpi eq, %jit3A_759, %eq3A_760 : i32
        %jit3A_762 = arith.constant 1 : i32
        %select_n3A_763 = arith.select %eq3A_761, %jit3A_762, %jit3A_759 : i32
        %rem3A_764 = arith.remsi %add3A_696, %select_n3A_763 : i32
        %ne3A_765 = arith.constant 0 : i32
        %ne3A_766 = arith.cmpi ne, %rem3A_764, %ne3A_765 : i32
        %lt3A_767 = arith.constant 0 : i32
        %lt3A_768 = arith.cmpi slt, %rem3A_764, %lt3A_767 : i32
        %lt3A_769 = arith.constant 0 : i32
        %lt3A_770 = arith.cmpi slt, %select_n3A_763, %lt3A_769 : i32
        %ne3A_771 = arith.xori %lt3A_768, %lt3A_770 : i1
        %and3A_772 = arith.andi %ne3A_771, %ne3A_766 : i1
        %add3A_773 = arith.addi %rem3A_764, %select_n3A_763 : i32
        %select_n3A_774 = arith.select %and3A_772, %add3A_773, %rem3A_764 : i32
        %mul3A_775 = arith.constant 16 : i32
        %mul3A_776 = arith.muli %select_n3A_774, %mul3A_775 : i32
        %swap3A_777 = arith.index_cast %add3A_758 : i32 to index
        %swap3A_778 = arith.index_cast %mul3A_776 : i32 to index
        %swap3A_779 = tpu.vector_load %arg14[%swap3A_777, %swap3A_778] {strides = array<i32>} : memref<160x128xf32, #tpu.memory_space<vmem>>, vector<1x16xf32>,
        %swap3A_780 = vector.shape_cast %swap3A_779 : vector<1x16xf32> to vector<16xf32>
        %swap3A_781 = vector.shape_cast %add3A_733 : vector<16xf32> to vector<1x16xf32>
        tpu.vector_store %arg14[%swap3A_777, %swap3A_778], %swap3A_781 {strides = array<i32>} : memref<160x128xf32, #tpu.memory_space<vmem>>, vector<1x16xf32>,
        %add3A_782 = arith.constant 5 : i32
        %add3A_783 = arith.addi %mul3A_346, %add3A_782 : i32
        %add3A_784 = arith.constant 640 : i32
        %add3A_785 = arith.addi %multiple_of3A, %add3A_784 : i32
        %add3A_786 = arith.addi %add3A_785, %add3A_783 : i32
        %get3A_787 = arith.index_cast %add3A_786 : i32 to index
        %get3A_788 = tpu.vector_load %arg9[%get3A_787] {strides = array<i32>} : memref<2576xi32, #tpu.memory_space<vmem>>, vector<16xi32>,
        %get3A_789 = vector.shape_cast %get3A_788 : vector<16xi32> to vector<16xi32>
        %slice3A_790 = vector.extract_strided_slice %get3A_789 {offsets = [0], sizes = [1], strides = [1]} : vector<16xi32> to vector<1xi32>
        %squeeze3A_791 = vector.extract %slice3A_790[0] : i32 from vector<1xi32>
        %get3A_792 = arith.index_cast %add3A_783 : i32 to index
        %get3A_793 = arith.index_cast %squeeze3A_791 : i32 to index
        %get3A_794 = tpu.vector_load %arg12[%get3A_792, %get3A_793] {strides = array<i32>} : memref<640x128xf32, #tpu.memory_space<vmem>>, vector<1x16xf32>,
        %get3A_795 = vector.shape_cast %get3A_794 : vector<1x16xf32> to vector<16xf32>
        %add3A_796 = arith.constant 16 : i32
        %add3A_797 = arith.addi %squeeze3A_791, %add3A_796 : i32
        %get3A_798 = arith.index_cast %add3A_783 : i32 to index
        %get3A_799 = arith.index_cast %add3A_797 : i32 to index
        %get3A_800 = tpu.vector_load %arg12[%get3A_798, %get3A_799] {strides = array<i32>} : memref<640x128xf32, #tpu.memory_space<vmem>>, vector<1x16xf32>,
        %get3A_801 = vector.shape_cast %get3A_800 : vector<1x16xf32> to vector<16xf32>
        %add3A_802 = arith.constant 32 : i32
        %add3A_803 = arith.addi %squeeze3A_791, %add3A_802 : i32
        %get3A_804 = arith.index_cast %add3A_783 : i32 to index
        %get3A_805 = arith.index_cast %add3A_803 : i32 to index
        %get3A_806 = tpu.vector_load %arg12[%get3A_804, %get3A_805] {strides = array<i32>} : memref<640x128xf32, #tpu.memory_space<vmem>>, vector<1x16xf32>,
        %get3A_807 = vector.shape_cast %get3A_806 : vector<1x16xf32> to vector<16xf32>
        %add3A_808 = arith.constant 48 : i32
        %add3A_809 = arith.addi %squeeze3A_791, %add3A_808 : i32
        %get3A_810 = arith.index_cast %add3A_783 : i32 to index
        %get3A_811 = arith.index_cast %add3A_809 : i32 to index
        %get3A_812 = tpu.vector_load %arg12[%get3A_810, %get3A_811] {strides = array<i32>} : memref<640x128xf32, #tpu.memory_space<vmem>>, vector<1x16xf32>,
        %get3A_813 = vector.shape_cast %get3A_812 : vector<1x16xf32> to vector<16xf32>
        %mul3A_814 = arith.mulf %get3A_251, %get3A_795 : vector<16xf32>
        %mul3A_815 = arith.mulf %get3A_257, %get3A_801 : vector<16xf32>
        %add3A_816 = arith.addf %mul3A_814, %mul3A_815 : vector<16xf32>
        %mul3A_817 = arith.mulf %get3A_263, %get3A_807 : vector<16xf32>
        %add3A_818 = arith.addf %add3A_816, %mul3A_817 : vector<16xf32>
        %mul3A_819 = arith.mulf %get3A_269, %get3A_813 : vector<16xf32>
        %add3A_820 = arith.addf %add3A_818, %mul3A_819 : vector<16xf32>
        %jit3A_821 = arith.constant 8 : i32
        %div3A_822 = arith.divsi %add3A_783, %jit3A_821 : i32
        %sign3A_823 = arith.constant 0 : i32
        %sign3A_824 = arith.cmpi sgt, %add3A_783, %sign3A_823 : i32
        %sign3A_825 = arith.extui %sign3A_824 : i1 to i32
        %sign3A_826 = arith.constant 0 : i32
        %sign3A_827 = arith.cmpi slt, %add3A_783, %sign3A_826 : i32
        %sign3A_828 = arith.extui %sign3A_827 : i1 to i32
        %sign3A_829 = arith.subi %sign3A_825, %sign3A_828 : i32
        %sign3A_830 = arith.constant 0 : i32
        %sign3A_831 = arith.cmpi sgt, %jit3A_821, %sign3A_830 : i32
        %sign3A_832 = arith.extui %sign3A_831 : i1 to i32
        %sign3A_833 = arith.constant 0 : i32
        %sign3A_834 = arith.cmpi slt, %jit3A_821, %sign3A_833 : i32
        %sign3A_835 = arith.extui %sign3A_834 : i1 to i32
        %sign3A_836 = arith.subi %sign3A_832, %sign3A_835 : i32
        %ne3A_837 = arith.cmpi ne, %sign3A_829, %sign3A_836 : i32
        %rem3A_838 = arith.remsi %add3A_783, %jit3A_821 : i32
        %ne3A_839 = arith.constant 0 : i32
        %ne3A_840 = arith.cmpi ne, %rem3A_838, %ne3A_839 : i32
        %and3A_841 = arith.andi %ne3A_837, %ne3A_840 : i1
        %sub3A_842 = arith.constant 1 : i32
        %sub3A_843 = arith.subi %div3A_822, %sub3A_842 : i32
        %select_n3A_844 = arith.select %and3A_841, %sub3A_843, %div3A_822 : i32
        %add3A_845 = arith.addi %multiple_of3A_186, %select_n3A_844 : i32
        %jit3A_846 = arith.constant 8 : i32
        %eq3A_847 = arith.constant 0 : i32
        %eq3A_848 = arith.cmpi eq, %jit3A_846, %eq3A_847 : i32
        %jit3A_849 = arith.constant 1 : i32
        %select_n3A_850 = arith.select %eq3A_848, %jit3A_849, %jit3A_846 : i32
        %rem3A_851 = arith.remsi %add3A_783, %select_n3A_850 : i32
        %ne3A_852 = arith.constant 0 : i32
        %ne3A_853 = arith.cmpi ne, %rem3A_851, %ne3A_852 : i32
        %lt3A_854 = arith.constant 0 : i32
        %lt3A_855 = arith.cmpi slt, %rem3A_851, %lt3A_854 : i32
        %lt3A_856 = arith.constant 0 : i32
        %lt3A_857 = arith.cmpi slt, %select_n3A_850, %lt3A_856 : i32
        %ne3A_858 = arith.xori %lt3A_855, %lt3A_857 : i1
        %and3A_859 = arith.andi %ne3A_858, %ne3A_853 : i1
        %add3A_860 = arith.addi %rem3A_851, %select_n3A_850 : i32
        %select_n3A_861 = arith.select %and3A_859, %add3A_860, %rem3A_851 : i32
        %mul3A_862 = arith.constant 16 : i32
        %mul3A_863 = arith.muli %select_n3A_861, %mul3A_862 : i32
        %swap3A_864 = arith.index_cast %add3A_845 : i32 to index
        %swap3A_865 = arith.index_cast %mul3A_863 : i32 to index
        %swap3A_866 = tpu.vector_load %arg14[%swap3A_864, %swap3A_865] {strides = array<i32>} : memref<160x128xf32, #tpu.memory_space<vmem>>, vector<1x16xf32>,
        %swap3A_867 = vector.shape_cast %swap3A_866 : vector<1x16xf32> to vector<16xf32>
        %swap3A_868 = vector.shape_cast %add3A_820 : vector<16xf32> to vector<1x16xf32>
        tpu.vector_store %arg14[%swap3A_864, %swap3A_865], %swap3A_868 {strides = array<i32>} : memref<160x128xf32, #tpu.memory_space<vmem>>, vector<1x16xf32>,
        %add3A_869 = arith.constant 6 : i32
        %add3A_870 = arith.addi %mul3A_346, %add3A_869 : i32
        %add3A_871 = arith.constant 640 : i32
        %add3A_872 = arith.addi %multiple_of3A, %add3A_871 : i32
        %add3A_873 = arith.addi %add3A_872, %add3A_870 : i32
        %get3A_874 = arith.index_cast %add3A_873 : i32 to index
        %get3A_875 = tpu.vector_load %arg9[%get3A_874] {strides = array<i32>} : memref<2576xi32, #tpu.memory_space<vmem>>, vector<16xi32>,
        %get3A_876 = vector.shape_cast %get3A_875 : vector<16xi32> to vector<16xi32>
        %slice3A_877 = vector.extract_strided_slice %get3A_876 {offsets = [0], sizes = [1], strides = [1]} : vector<16xi32> to vector<1xi32>
        %squeeze3A_878 = vector.extract %slice3A_877[0] : i32 from vector<1xi32>
        %get3A_879 = arith.index_cast %add3A_870 : i32 to index
        %get3A_880 = arith.index_cast %squeeze3A_878 : i32 to index
        %get3A_881 = tpu.vector_load %arg12[%get3A_879, %get3A_880] {strides = array<i32>} : memref<640x128xf32, #tpu.memory_space<vmem>>, vector<1x16xf32>,
        %get3A_882 = vector.shape_cast %get3A_881 : vector<1x16xf32> to vector<16xf32>
        %add3A_883 = arith.constant 16 : i32
        %add3A_884 = arith.addi %squeeze3A_878, %add3A_883 : i32
        %get3A_885 = arith.index_cast %add3A_870 : i32 to index
        %get3A_886 = arith.index_cast %add3A_884 : i32 to index
        %get3A_887 = tpu.vector_load %arg12[%get3A_885, %get3A_886] {strides = array<i32>} : memref<640x128xf32, #tpu.memory_space<vmem>>, vector<1x16xf32>,
        %get3A_888 = vector.shape_cast %get3A_887 : vector<1x16xf32> to vector<16xf32>
        %add3A_889 = arith.constant 32 : i32
        %add3A_890 = arith.addi %squeeze3A_878, %add3A_889 : i32
        %get3A_891 = arith.index_cast %add3A_870 : i32 to index
        %get3A_892 = arith.index_cast %add3A_890 : i32 to index
        %get3A_893 = tpu.vector_load %arg12[%get3A_891, %get3A_892] {strides = array<i32>} : memref<640x128xf32, #tpu.memory_space<vmem>>, vector<1x16xf32>,
        %get3A_894 = vector.shape_cast %get3A_893 : vector<1x16xf32> to vector<16xf32>
        %add3A_895 = arith.constant 48 : i32
        %add3A_896 = arith.addi %squeeze3A_878, %add3A_895 : i32
        %get3A_897 = arith.index_cast %add3A_870 : i32 to index
        %get3A_898 = arith.index_cast %add3A_896 : i32 to index
        %get3A_899 = tpu.vector_load %arg12[%get3A_897, %get3A_898] {strides = array<i32>} : memref<640x128xf32, #tpu.memory_space<vmem>>, vector<1x16xf32>,
        %get3A_900 = vector.shape_cast %get3A_899 : vector<1x16xf32> to vector<16xf32>
        %mul3A_901 = arith.mulf %get3A_251, %get3A_882 : vector<16xf32>
        %mul3A_902 = arith.mulf %get3A_257, %get3A_888 : vector<16xf32>
        %add3A_903 = arith.addf %mul3A_901, %mul3A_902 : vector<16xf32>
        %mul3A_904 = arith.mulf %get3A_263, %get3A_894 : vector<16xf32>
        %add3A_905 = arith.addf %add3A_903, %mul3A_904 : vector<16xf32>
        %mul3A_906 = arith.mulf %get3A_269, %get3A_900 : vector<16xf32>
        %add3A_907 = arith.addf %add3A_905, %mul3A_906 : vector<16xf32>
        %jit3A_908 = arith.constant 8 : i32
        %div3A_909 = arith.divsi %add3A_870, %jit3A_908 : i32
        %sign3A_910 = arith.constant 0 : i32
        %sign3A_911 = arith.cmpi sgt, %add3A_870, %sign3A_910 : i32
        %sign3A_912 = arith.extui %sign3A_911 : i1 to i32
        %sign3A_913 = arith.constant 0 : i32
        %sign3A_914 = arith.cmpi slt, %add3A_870, %sign3A_913 : i32
        %sign3A_915 = arith.extui %sign3A_914 : i1 to i32
        %sign3A_916 = arith.subi %sign3A_912, %sign3A_915 : i32
        %sign3A_917 = arith.constant 0 : i32
        %sign3A_918 = arith.cmpi sgt, %jit3A_908, %sign3A_917 : i32
        %sign3A_919 = arith.extui %sign3A_918 : i1 to i32
        %sign3A_920 = arith.constant 0 : i32
        %sign3A_921 = arith.cmpi slt, %jit3A_908, %sign3A_920 : i32
        %sign3A_922 = arith.extui %sign3A_921 : i1 to i32
        %sign3A_923 = arith.subi %sign3A_919, %sign3A_922 : i32
        %ne3A_924 = arith.cmpi ne, %sign3A_916, %sign3A_923 : i32
        %rem3A_925 = arith.remsi %add3A_870, %jit3A_908 : i32
        %ne3A_926 = arith.constant 0 : i32
        %ne3A_927 = arith.cmpi ne, %rem3A_925, %ne3A_926 : i32
        %and3A_928 = arith.andi %ne3A_924, %ne3A_927 : i1
        %sub3A_929 = arith.constant 1 : i32
        %sub3A_930 = arith.subi %div3A_909, %sub3A_929 : i32
        %select_n3A_931 = arith.select %and3A_928, %sub3A_930, %div3A_909 : i32
        %add3A_932 = arith.addi %multiple_of3A_186, %select_n3A_931 : i32
        %jit3A_933 = arith.constant 8 : i32
        %eq3A_934 = arith.constant 0 : i32
        %eq3A_935 = arith.cmpi eq, %jit3A_933, %eq3A_934 : i32
        %jit3A_936 = arith.constant 1 : i32
        %select_n3A_937 = arith.select %eq3A_935, %jit3A_936, %jit3A_933 : i32
        %rem3A_938 = arith.remsi %add3A_870, %select_n3A_937 : i32
        %ne3A_939 = arith.constant 0 : i32
        %ne3A_940 = arith.cmpi ne, %rem3A_938, %ne3A_939 : i32
        %lt3A_941 = arith.constant 0 : i32
        %lt3A_942 = arith.cmpi slt, %rem3A_938, %lt3A_941 : i32
        %lt3A_943 = arith.constant 0 : i32
        %lt3A_944 = arith.cmpi slt, %select_n3A_937, %lt3A_943 : i32
        %ne3A_945 = arith.xori %lt3A_942, %lt3A_944 : i1
        %and3A_946 = arith.andi %ne3A_945, %ne3A_940 : i1
        %add3A_947 = arith.addi %rem3A_938, %select_n3A_937 : i32
        %select_n3A_948 = arith.select %and3A_946, %add3A_947, %rem3A_938 : i32
        %mul3A_949 = arith.constant 16 : i32
        %mul3A_950 = arith.muli %select_n3A_948, %mul3A_949 : i32
        %swap3A_951 = arith.index_cast %add3A_932 : i32 to index
        %swap3A_952 = arith.index_cast %mul3A_950 : i32 to index
        %swap3A_953 = tpu.vector_load %arg14[%swap3A_951, %swap3A_952] {strides = array<i32>} : memref<160x128xf32, #tpu.memory_space<vmem>>, vector<1x16xf32>,
        %swap3A_954 = vector.shape_cast %swap3A_953 : vector<1x16xf32> to vector<16xf32>
        %swap3A_955 = vector.shape_cast %add3A_907 : vector<16xf32> to vector<1x16xf32>
        tpu.vector_store %arg14[%swap3A_951, %swap3A_952], %swap3A_955 {strides = array<i32>} : memref<160x128xf32, #tpu.memory_space<vmem>>, vector<1x16xf32>,
        %add3A_956 = arith.constant 7 : i32
        %add3A_957 = arith.addi %mul3A_346, %add3A_956 : i32
        %add3A_958 = arith.constant 640 : i32
        %add3A_959 = arith.addi %multiple_of3A, %add3A_958 : i32
        %add3A_960 = arith.addi %add3A_959, %add3A_957 : i32
        %get3A_961 = arith.index_cast %add3A_960 : i32 to index
        %get3A_962 = tpu.vector_load %arg9[%get3A_961] {strides = array<i32>} : memref<2576xi32, #tpu.memory_space<vmem>>, vector<16xi32>,
        %get3A_963 = vector.shape_cast %get3A_962 : vector<16xi32> to vector<16xi32>
        %slice3A_964 = vector.extract_strided_slice %get3A_963 {offsets = [0], sizes = [1], strides = [1]} : vector<16xi32> to vector<1xi32>
        %squeeze3A_965 = vector.extract %slice3A_964[0] : i32 from vector<1xi32>
        %get3A_966 = arith.index_cast %add3A_957 : i32 to index
        %get3A_967 = arith.index_cast %squeeze3A_965 : i32 to index
        %get3A_968 = tpu.vector_load %arg12[%get3A_966, %get3A_967] {strides = array<i32>} : memref<640x128xf32, #tpu.memory_space<vmem>>, vector<1x16xf32>,
        %get3A_969 = vector.shape_cast %get3A_968 : vector<1x16xf32> to vector<16xf32>
        %add3A_970 = arith.constant 16 : i32
        %add3A_971 = arith.addi %squeeze3A_965, %add3A_970 : i32
        %get3A_972 = arith.index_cast %add3A_957 : i32 to index
        %get3A_973 = arith.index_cast %add3A_971 : i32 to index
        %get3A_974 = tpu.vector_load %arg12[%get3A_972, %get3A_973] {strides = array<i32>} : memref<640x128xf32, #tpu.memory_space<vmem>>, vector<1x16xf32>,
        %get3A_975 = vector.shape_cast %get3A_974 : vector<1x16xf32> to vector<16xf32>
        %add3A_976 = arith.constant 32 : i32
        %add3A_977 = arith.addi %squeeze3A_965, %add3A_976 : i32
        %get3A_978 = arith.index_cast %add3A_957 : i32 to index
        %get3A_979 = arith.index_cast %add3A_977 : i32 to index
        %get3A_980 = tpu.vector_load %arg12[%get3A_978, %get3A_979] {strides = array<i32>} : memref<640x128xf32, #tpu.memory_space<vmem>>, vector<1x16xf32>,
        %get3A_981 = vector.shape_cast %get3A_980 : vector<1x16xf32> to vector<16xf32>
        %add3A_982 = arith.constant 48 : i32
        %add3A_983 = arith.addi %squeeze3A_965, %add3A_982 : i32
        %get3A_984 = arith.index_cast %add3A_957 : i32 to index
        %get3A_985 = arith.index_cast %add3A_983 : i32 to index
        %get3A_986 = tpu.vector_load %arg12[%get3A_984, %get3A_985] {strides = array<i32>} : memref<640x128xf32, #tpu.memory_space<vmem>>, vector<1x16xf32>,
        %get3A_987 = vector.shape_cast %get3A_986 : vector<1x16xf32> to vector<16xf32>
        %mul3A_988 = arith.mulf %get3A_251, %get3A_969 : vector<16xf32>
        %mul3A_989 = arith.mulf %get3A_257, %get3A_975 : vector<16xf32>
        %add3A_990 = arith.addf %mul3A_988, %mul3A_989 : vector<16xf32>
        %mul3A_991 = arith.mulf %get3A_263, %get3A_981 : vector<16xf32>
        %add3A_992 = arith.addf %add3A_990, %mul3A_991 : vector<16xf32>
        %mul3A_993 = arith.mulf %get3A_269, %get3A_987 : vector<16xf32>
        %add3A_994 = arith.addf %add3A_992, %mul3A_993 : vector<16xf32>
        %jit3A_995 = arith.constant 8 : i32
        %div3A_996 = arith.divsi %add3A_957, %jit3A_995 : i32
        %sign3A_997 = arith.constant 0 : i32
        %sign3A_998 = arith.cmpi sgt, %add3A_957, %sign3A_997 : i32
        %sign3A_999 = arith.extui %sign3A_998 : i1 to i32
        %sign3A_1000 = arith.constant 0 : i32
        %sign3A_1001 = arith.cmpi slt, %add3A_957, %sign3A_1000 : i32
        %sign3A_1002 = arith.extui %sign3A_1001 : i1 to i32
        %sign3A_1003 = arith.subi %sign3A_999, %sign3A_1002 : i32
        %sign3A_1004 = arith.constant 0 : i32
        %sign3A_1005 = arith.cmpi sgt, %jit3A_995, %sign3A_1004 : i32
        %sign3A_1006 = arith.extui %sign3A_1005 : i1 to i32
        %sign3A_1007 = arith.constant 0 : i32
        %sign3A_1008 = arith.cmpi slt, %jit3A_995, %sign3A_1007 : i32
        %sign3A_1009 = arith.extui %sign3A_1008 : i1 to i32
        %sign3A_1010 = arith.subi %sign3A_1006, %sign3A_1009 : i32
        %ne3A_1011 = arith.cmpi ne, %sign3A_1003, %sign3A_1010 : i32
        %rem3A_1012 = arith.remsi %add3A_957, %jit3A_995 : i32
        %ne3A_1013 = arith.constant 0 : i32
        %ne3A_1014 = arith.cmpi ne, %rem3A_1012, %ne3A_1013 : i32
        %and3A_1015 = arith.andi %ne3A_1011, %ne3A_1014 : i1
        %sub3A_1016 = arith.constant 1 : i32
        %sub3A_1017 = arith.subi %div3A_996, %sub3A_1016 : i32
        %select_n3A_1018 = arith.select %and3A_1015, %sub3A_1017, %div3A_996 : i32
        %add3A_1019 = arith.addi %multiple_of3A_186, %select_n3A_1018 : i32
        %jit3A_1020 = arith.constant 8 : i32
        %eq3A_1021 = arith.constant 0 : i32
        %eq3A_1022 = arith.cmpi eq, %jit3A_1020, %eq3A_1021 : i32
        %jit3A_1023 = arith.constant 1 : i32
        %select_n3A_1024 = arith.select %eq3A_1022, %jit3A_1023, %jit3A_1020 : i32
        %rem3A_1025 = arith.remsi %add3A_957, %select_n3A_1024 : i32
        %ne3A_1026 = arith.constant 0 : i32
        %ne3A_1027 = arith.cmpi ne, %rem3A_1025, %ne3A_1026 : i32
        %lt3A_1028 = arith.constant 0 : i32
        %lt3A_1029 = arith.cmpi slt, %rem3A_1025, %lt3A_1028 : i32
        %lt3A_1030 = arith.constant 0 : i32
        %lt3A_1031 = arith.cmpi slt, %select_n3A_1024, %lt3A_1030 : i32
        %ne3A_1032 = arith.xori %lt3A_1029, %lt3A_1031 : i1
        %and3A_1033 = arith.andi %ne3A_1032, %ne3A_1027 : i1
        %add3A_1034 = arith.addi %rem3A_1025, %select_n3A_1024 : i32
        %select_n3A_1035 = arith.select %and3A_1033, %add3A_1034, %rem3A_1025 : i32
        %mul3A_1036 = arith.constant 16 : i32
        %mul3A_1037 = arith.muli %select_n3A_1035, %mul3A_1036 : i32
        %swap3A_1038 = arith.index_cast %add3A_1019 : i32 to index
        %swap3A_1039 = arith.index_cast %mul3A_1037 : i32 to index
        %swap3A_1040 = tpu.vector_load %arg14[%swap3A_1038, %swap3A_1039] {strides = array<i32>} : memref<160x128xf32, #tpu.memory_space<vmem>>, vector<1x16xf32>,
        %swap3A_1041 = vector.shape_cast %swap3A_1040 : vector<1x16xf32> to vector<16xf32>
        %swap3A_1042 = vector.shape_cast %add3A_994 : vector<16xf32> to vector<1x16xf32>
        tpu.vector_store %arg14[%swap3A_1038, %swap3A_1039], %swap3A_1042 {strides = array<i32>} : memref<160x128xf32, #tpu.memory_space<vmem>>, vector<1x16xf32>,
        %add3A_1043 = arith.constant 8 : i32
        %add3A_1044 = arith.addi %mul3A_346, %add3A_1043 : i32
        %add3A_1045 = arith.constant 640 : i32
        %add3A_1046 = arith.addi %multiple_of3A, %add3A_1045 : i32
        %add3A_1047 = arith.addi %add3A_1046, %add3A_1044 : i32
        %get3A_1048 = arith.index_cast %add3A_1047 : i32 to index
        %get3A_1049 = tpu.vector_load %arg9[%get3A_1048] {strides = array<i32>} : memref<2576xi32, #tpu.memory_space<vmem>>, vector<16xi32>,
        %get3A_1050 = vector.shape_cast %get3A_1049 : vector<16xi32> to vector<16xi32>
        %slice3A_1051 = vector.extract_strided_slice %get3A_1050 {offsets = [0], sizes = [1], strides = [1]} : vector<16xi32> to vector<1xi32>
        %squeeze3A_1052 = vector.extract %slice3A_1051[0] : i32 from vector<1xi32>
        %get3A_1053 = arith.index_cast %add3A_1044 : i32 to index
        %get3A_1054 = arith.index_cast %squeeze3A_1052 : i32 to index
        %get3A_1055 = tpu.vector_load %arg12[%get3A_1053, %get3A_1054] {strides = array<i32>} : memref<640x128xf32, #tpu.memory_space<vmem>>, vector<1x16xf32>,
        %get3A_1056 = vector.shape_cast %get3A_1055 : vector<1x16xf32> to vector<16xf32>
        %add3A_1057 = arith.constant 16 : i32
        %add3A_1058 = arith.addi %squeeze3A_1052, %add3A_1057 : i32
        %get3A_1059 = arith.index_cast %add3A_1044 : i32 to index
        %get3A_1060 = arith.index_cast %add3A_1058 : i32 to index
        %get3A_1061 = tpu.vector_load %arg12[%get3A_1059, %get3A_1060] {strides = array<i32>} : memref<640x128xf32, #tpu.memory_space<vmem>>, vector<1x16xf32>,
        %get3A_1062 = vector.shape_cast %get3A_1061 : vector<1x16xf32> to vector<16xf32>
        %add3A_1063 = arith.constant 32 : i32
        %add3A_1064 = arith.addi %squeeze3A_1052, %add3A_1063 : i32
        %get3A_1065 = arith.index_cast %add3A_1044 : i32 to index
        %get3A_1066 = arith.index_cast %add3A_1064 : i32 to index
        %get3A_1067 = tpu.vector_load %arg12[%get3A_1065, %get3A_1066] {strides = array<i32>} : memref<640x128xf32, #tpu.memory_space<vmem>>, vector<1x16xf32>,
        %get3A_1068 = vector.shape_cast %get3A_1067 : vector<1x16xf32> to vector<16xf32>
        %add3A_1069 = arith.constant 48 : i32
        %add3A_1070 = arith.addi %squeeze3A_1052, %add3A_1069 : i32
        %get3A_1071 = arith.index_cast %add3A_1044 : i32 to index
        %get3A_1072 = arith.index_cast %add3A_1070 : i32 to index
        %get3A_1073 = tpu.vector_load %arg12[%get3A_1071, %get3A_1072] {strides = array<i32>} : memref<640x128xf32, #tpu.memory_space<vmem>>, vector<1x16xf32>,
        %get3A_1074 = vector.shape_cast %get3A_1073 : vector<1x16xf32> to vector<16xf32>
        %mul3A_1075 = arith.mulf %get3A_251, %get3A_1056 : vector<16xf32>
        %mul3A_1076 = arith.mulf %get3A_257, %get3A_1062 : vector<16xf32>
        %add3A_1077 = arith.addf %mul3A_1075, %mul3A_1076 : vector<16xf32>
        %mul3A_1078 = arith.mulf %get3A_263, %get3A_1068 : vector<16xf32>
        %add3A_1079 = arith.addf %add3A_1077, %mul3A_1078 : vector<16xf32>
        %mul3A_1080 = arith.mulf %get3A_269, %get3A_1074 : vector<16xf32>
        %add3A_1081 = arith.addf %add3A_1079, %mul3A_1080 : vector<16xf32>
        %jit3A_1082 = arith.constant 8 : i32
        %div3A_1083 = arith.divsi %add3A_1044, %jit3A_1082 : i32
        %sign3A_1084 = arith.constant 0 : i32
        %sign3A_1085 = arith.cmpi sgt, %add3A_1044, %sign3A_1084 : i32
        %sign3A_1086 = arith.extui %sign3A_1085 : i1 to i32
        %sign3A_1087 = arith.constant 0 : i32
        %sign3A_1088 = arith.cmpi slt, %add3A_1044, %sign3A_1087 : i32
        %sign3A_1089 = arith.extui %sign3A_1088 : i1 to i32
        %sign3A_1090 = arith.subi %sign3A_1086, %sign3A_1089 : i32
        %sign3A_1091 = arith.constant 0 : i32
        %sign3A_1092 = arith.cmpi sgt, %jit3A_1082, %sign3A_1091 : i32
        %sign3A_1093 = arith.extui %sign3A_1092 : i1 to i32
        %sign3A_1094 = arith.constant 0 : i32
        %sign3A_1095 = arith.cmpi slt, %jit3A_1082, %sign3A_1094 : i32
        %sign3A_1096 = arith.extui %sign3A_1095 : i1 to i32
        %sign3A_1097 = arith.subi %sign3A_1093, %sign3A_1096 : i32
        %ne3A_1098 = arith.cmpi ne, %sign3A_1090, %sign3A_1097 : i32
        %rem3A_1099 = arith.remsi %add3A_1044, %jit3A_1082 : i32
        %ne3A_1100 = arith.constant 0 : i32
        %ne3A_1101 = arith.cmpi ne, %rem3A_1099, %ne3A_1100 : i32
        %and3A_1102 = arith.andi %ne3A_1098, %ne3A_1101 : i1
        %sub3A_1103 = arith.constant 1 : i32
        %sub3A_1104 = arith.subi %div3A_1083, %sub3A_1103 : i32
        %select_n3A_1105 = arith.select %and3A_1102, %sub3A_1104, %div3A_1083 : i32
        %add3A_1106 = arith.addi %multiple_of3A_186, %select_n3A_1105 : i32
        %jit3A_1107 = arith.constant 8 : i32
        %eq3A_1108 = arith.constant 0 : i32
        %eq3A_1109 = arith.cmpi eq, %jit3A_1107, %eq3A_1108 : i32
        %jit3A_1110 = arith.constant 1 : i32
        %select_n3A_1111 = arith.select %eq3A_1109, %jit3A_1110, %jit3A_1107 : i32
        %rem3A_1112 = arith.remsi %add3A_1044, %select_n3A_1111 : i32
        %ne3A_1113 = arith.constant 0 : i32
        %ne3A_1114 = arith.cmpi ne, %rem3A_1112, %ne3A_1113 : i32
        %lt3A_1115 = arith.constant 0 : i32
        %lt3A_1116 = arith.cmpi slt, %rem3A_1112, %lt3A_1115 : i32
        %lt3A_1117 = arith.constant 0 : i32
        %lt3A_1118 = arith.cmpi slt, %select_n3A_1111, %lt3A_1117 : i32
        %ne3A_1119 = arith.xori %lt3A_1116, %lt3A_1118 : i1
        %and3A_1120 = arith.andi %ne3A_1119, %ne3A_1114 : i1
        %add3A_1121 = arith.addi %rem3A_1112, %select_n3A_1111 : i32
        %select_n3A_1122 = arith.select %and3A_1120, %add3A_1121, %rem3A_1112 : i32
        %mul3A_1123 = arith.constant 16 : i32
        %mul3A_1124 = arith.muli %select_n3A_1122, %mul3A_1123 : i32
        %swap3A_1125 = arith.index_cast %add3A_1106 : i32 to index
        %swap3A_1126 = arith.index_cast %mul3A_1124 : i32 to index
        %swap3A_1127 = tpu.vector_load %arg14[%swap3A_1125, %swap3A_1126] {strides = array<i32>} : memref<160x128xf32, #tpu.memory_space<vmem>>, vector<1x16xf32>,
        %swap3A_1128 = vector.shape_cast %swap3A_1127 : vector<1x16xf32> to vector<16xf32>
        %swap3A_1129 = vector.shape_cast %add3A_1081 : vector<16xf32> to vector<1x16xf32>
        tpu.vector_store %arg14[%swap3A_1125, %swap3A_1126], %swap3A_1129 {strides = array<i32>} : memref<160x128xf32, #tpu.memory_space<vmem>>, vector<1x16xf32>,
        %add3A_1130 = arith.constant 9 : i32
        %add3A_1131 = arith.addi %mul3A_346, %add3A_1130 : i32
        %add3A_1132 = arith.constant 640 : i32
        %add3A_1133 = arith.addi %multiple_of3A, %add3A_1132 : i32
        %add3A_1134 = arith.addi %add3A_1133, %add3A_1131 : i32
        %get3A_1135 = arith.index_cast %add3A_1134 : i32 to index
        %get3A_1136 = tpu.vector_load %arg9[%get3A_1135] {strides = array<i32>} : memref<2576xi32, #tpu.memory_space<vmem>>, vector<16xi32>,
        %get3A_1137 = vector.shape_cast %get3A_1136 : vector<16xi32> to vector<16xi32>
        %slice3A_1138 = vector.extract_strided_slice %get3A_1137 {offsets = [0], sizes = [1], strides = [1]} : vector<16xi32> to vector<1xi32>
        %squeeze3A_1139 = vector.extract %slice3A_1138[0] : i32 from vector<1xi32>
        %get3A_1140 = arith.index_cast %add3A_1131 : i32 to index
        %get3A_1141 = arith.index_cast %squeeze3A_1139 : i32 to index
        %get3A_1142 = tpu.vector_load %arg12[%get3A_1140, %get3A_1141] {strides = array<i32>} : memref<640x128xf32, #tpu.memory_space<vmem>>, vector<1x16xf32>,
        %get3A_1143 = vector.shape_cast %get3A_1142 : vector<1x16xf32> to vector<16xf32>
        %add3A_1144 = arith.constant 16 : i32
        %add3A_1145 = arith.addi %squeeze3A_1139, %add3A_1144 : i32
        %get3A_1146 = arith.index_cast %add3A_1131 : i32 to index
        %get3A_1147 = arith.index_cast %add3A_1145 : i32 to index
        %get3A_1148 = tpu.vector_load %arg12[%get3A_1146, %get3A_1147] {strides = array<i32>} : memref<640x128xf32, #tpu.memory_space<vmem>>, vector<1x16xf32>,
        %get3A_1149 = vector.shape_cast %get3A_1148 : vector<1x16xf32> to vector<16xf32>
        %add3A_1150 = arith.constant 32 : i32
        %add3A_1151 = arith.addi %squeeze3A_1139, %add3A_1150 : i32
        %get3A_1152 = arith.index_cast %add3A_1131 : i32 to index
        %get3A_1153 = arith.index_cast %add3A_1151 : i32 to index
        %get3A_1154 = tpu.vector_load %arg12[%get3A_1152, %get3A_1153] {strides = array<i32>} : memref<640x128xf32, #tpu.memory_space<vmem>>, vector<1x16xf32>,
        %get3A_1155 = vector.shape_cast %get3A_1154 : vector<1x16xf32> to vector<16xf32>
        %add3A_1156 = arith.constant 48 : i32
        %add3A_1157 = arith.addi %squeeze3A_1139, %add3A_1156 : i32
        %get3A_1158 = arith.index_cast %add3A_1131 : i32 to index
        %get3A_1159 = arith.index_cast %add3A_1157 : i32 to index
        %get3A_1160 = tpu.vector_load %arg12[%get3A_1158, %get3A_1159] {strides = array<i32>} : memref<640x128xf32, #tpu.memory_space<vmem>>, vector<1x16xf32>,
        %get3A_1161 = vector.shape_cast %get3A_1160 : vector<1x16xf32> to vector<16xf32>
        %mul3A_1162 = arith.mulf %get3A_251, %get3A_1143 : vector<16xf32>
        %mul3A_1163 = arith.mulf %get3A_257, %get3A_1149 : vector<16xf32>
        %add3A_1164 = arith.addf %mul3A_1162, %mul3A_1163 : vector<16xf32>
        %mul3A_1165 = arith.mulf %get3A_263, %get3A_1155 : vector<16xf32>
        %add3A_1166 = arith.addf %add3A_1164, %mul3A_1165 : vector<16xf32>
        %mul3A_1167 = arith.mulf %get3A_269, %get3A_1161 : vector<16xf32>
        %add3A_1168 = arith.addf %add3A_1166, %mul3A_1167 : vector<16xf32>
        %jit3A_1169 = arith.constant 8 : i32
        %div3A_1170 = arith.divsi %add3A_1131, %jit3A_1169 : i32
        %sign3A_1171 = arith.constant 0 : i32
        %sign3A_1172 = arith.cmpi sgt, %add3A_1131, %sign3A_1171 : i32
        %sign3A_1173 = arith.extui %sign3A_1172 : i1 to i32
        %sign3A_1174 = arith.constant 0 : i32
        %sign3A_1175 = arith.cmpi slt, %add3A_1131, %sign3A_1174 : i32
        %sign3A_1176 = arith.extui %sign3A_1175 : i1 to i32
        %sign3A_1177 = arith.subi %sign3A_1173, %sign3A_1176 : i32
        %sign3A_1178 = arith.constant 0 : i32
        %sign3A_1179 = arith.cmpi sgt, %jit3A_1169, %sign3A_1178 : i32
        %sign3A_1180 = arith.extui %sign3A_1179 : i1 to i32
        %sign3A_1181 = arith.constant 0 : i32
        %sign3A_1182 = arith.cmpi slt, %jit3A_1169, %sign3A_1181 : i32
        %sign3A_1183 = arith.extui %sign3A_1182 : i1 to i32
        %sign3A_1184 = arith.subi %sign3A_1180, %sign3A_1183 : i32
        %ne3A_1185 = arith.cmpi ne, %sign3A_1177, %sign3A_1184 : i32
        %rem3A_1186 = arith.remsi %add3A_1131, %jit3A_1169 : i32
        %ne3A_1187 = arith.constant 0 : i32
        %ne3A_1188 = arith.cmpi ne, %rem3A_1186, %ne3A_1187 : i32
        %and3A_1189 = arith.andi %ne3A_1185, %ne3A_1188 : i1
        %sub3A_1190 = arith.constant 1 : i32
        %sub3A_1191 = arith.subi %div3A_1170, %sub3A_1190 : i32
        %select_n3A_1192 = arith.select %and3A_1189, %sub3A_1191, %div3A_1170 : i32
        %add3A_1193 = arith.addi %multiple_of3A_186, %select_n3A_1192 : i32
        %jit3A_1194 = arith.constant 8 : i32
        %eq3A_1195 = arith.constant 0 : i32
        %eq3A_1196 = arith.cmpi eq, %jit3A_1194, %eq3A_1195 : i32
        %jit3A_1197 = arith.constant 1 : i32
        %select_n3A_1198 = arith.select %eq3A_1196, %jit3A_1197, %jit3A_1194 : i32
        %rem3A_1199 = arith.remsi %add3A_1131, %select_n3A_1198 : i32
        %ne3A_1200 = arith.constant 0 : i32
        %ne3A_1201 = arith.cmpi ne, %rem3A_1199, %ne3A_1200 : i32
        %lt3A_1202 = arith.constant 0 : i32
        %lt3A_1203 = arith.cmpi slt, %rem3A_1199, %lt3A_1202 : i32
        %lt3A_1204 = arith.constant 0 : i32
        %lt3A_1205 = arith.cmpi slt, %select_n3A_1198, %lt3A_1204 : i32
        %ne3A_1206 = arith.xori %lt3A_1203, %lt3A_1205 : i1
        %and3A_1207 = arith.andi %ne3A_1206, %ne3A_1201 : i1
        %add3A_1208 = arith.addi %rem3A_1199, %select_n3A_1198 : i32
        %select_n3A_1209 = arith.select %and3A_1207, %add3A_1208, %rem3A_1199 : i32
        %mul3A_1210 = arith.constant 16 : i32
        %mul3A_1211 = arith.muli %select_n3A_1209, %mul3A_1210 : i32
        %swap3A_1212 = arith.index_cast %add3A_1193 : i32 to index
        %swap3A_1213 = arith.index_cast %mul3A_1211 : i32 to index
        %swap3A_1214 = tpu.vector_load %arg14[%swap3A_1212, %swap3A_1213] {strides = array<i32>} : memref<160x128xf32, #tpu.memory_space<vmem>>, vector<1x16xf32>,
        %swap3A_1215 = vector.shape_cast %swap3A_1214 : vector<1x16xf32> to vector<16xf32>
        %swap3A_1216 = vector.shape_cast %add3A_1168 : vector<16xf32> to vector<1x16xf32>
        tpu.vector_store %arg14[%swap3A_1212, %swap3A_1213], %swap3A_1216 {strides = array<i32>} : memref<160x128xf32, #tpu.memory_space<vmem>>, vector<1x16xf32>,
        %add3A_1217 = arith.constant 10 : i32
        %add3A_1218 = arith.addi %mul3A_346, %add3A_1217 : i32
        %add3A_1219 = arith.constant 640 : i32
        %add3A_1220 = arith.addi %multiple_of3A, %add3A_1219 : i32
        %add3A_1221 = arith.addi %add3A_1220, %add3A_1218 : i32
        %get3A_1222 = arith.index_cast %add3A_1221 : i32 to index
        %get3A_1223 = tpu.vector_load %arg9[%get3A_1222] {strides = array<i32>} : memref<2576xi32, #tpu.memory_space<vmem>>, vector<16xi32>,
        %get3A_1224 = vector.shape_cast %get3A_1223 : vector<16xi32> to vector<16xi32>
        %slice3A_1225 = vector.extract_strided_slice %get3A_1224 {offsets = [0], sizes = [1], strides = [1]} : vector<16xi32> to vector<1xi32>
        %squeeze3A_1226 = vector.extract %slice3A_1225[0] : i32 from vector<1xi32>
        %get3A_1227 = arith.index_cast %add3A_1218 : i32 to index
        %get3A_1228 = arith.index_cast %squeeze3A_1226 : i32 to index
        %get3A_1229 = tpu.vector_load %arg12[%get3A_1227, %get3A_1228] {strides = array<i32>} : memref<640x128xf32, #tpu.memory_space<vmem>>, vector<1x16xf32>,
        %get3A_1230 = vector.shape_cast %get3A_1229 : vector<1x16xf32> to vector<16xf32>
        %add3A_1231 = arith.constant 16 : i32
        %add3A_1232 = arith.addi %squeeze3A_1226, %add3A_1231 : i32
        %get3A_1233 = arith.index_cast %add3A_1218 : i32 to index
        %get3A_1234 = arith.index_cast %add3A_1232 : i32 to index
        %get3A_1235 = tpu.vector_load %arg12[%get3A_1233, %get3A_1234] {strides = array<i32>} : memref<640x128xf32, #tpu.memory_space<vmem>>, vector<1x16xf32>,
        %get3A_1236 = vector.shape_cast %get3A_1235 : vector<1x16xf32> to vector<16xf32>
        %add3A_1237 = arith.constant 32 : i32
        %add3A_1238 = arith.addi %squeeze3A_1226, %add3A_1237 : i32
        %get3A_1239 = arith.index_cast %add3A_1218 : i32 to index
        %get3A_1240 = arith.index_cast %add3A_1238 : i32 to index
        %get3A_1241 = tpu.vector_load %arg12[%get3A_1239, %get3A_1240] {strides = array<i32>} : memref<640x128xf32, #tpu.memory_space<vmem>>, vector<1x16xf32>,
        %get3A_1242 = vector.shape_cast %get3A_1241 : vector<1x16xf32> to vector<16xf32>
        %add3A_1243 = arith.constant 48 : i32
        %add3A_1244 = arith.addi %squeeze3A_1226, %add3A_1243 : i32
        %get3A_1245 = arith.index_cast %add3A_1218 : i32 to index
        %get3A_1246 = arith.index_cast %add3A_1244 : i32 to index
        %get3A_1247 = tpu.vector_load %arg12[%get3A_1245, %get3A_1246] {strides = array<i32>} : memref<640x128xf32, #tpu.memory_space<vmem>>, vector<1x16xf32>,
        %get3A_1248 = vector.shape_cast %get3A_1247 : vector<1x16xf32> to vector<16xf32>
        %mul3A_1249 = arith.mulf %get3A_251, %get3A_1230 : vector<16xf32>
        %mul3A_1250 = arith.mulf %get3A_257, %get3A_1236 : vector<16xf32>
        %add3A_1251 = arith.addf %mul3A_1249, %mul3A_1250 : vector<16xf32>
        %mul3A_1252 = arith.mulf %get3A_263, %get3A_1242 : vector<16xf32>
        %add3A_1253 = arith.addf %add3A_1251, %mul3A_1252 : vector<16xf32>
        %mul3A_1254 = arith.mulf %get3A_269, %get3A_1248 : vector<16xf32>
        %add3A_1255 = arith.addf %add3A_1253, %mul3A_1254 : vector<16xf32>
        %jit3A_1256 = arith.constant 8 : i32
        %div3A_1257 = arith.divsi %add3A_1218, %jit3A_1256 : i32
        %sign3A_1258 = arith.constant 0 : i32
        %sign3A_1259 = arith.cmpi sgt, %add3A_1218, %sign3A_1258 : i32
        %sign3A_1260 = arith.extui %sign3A_1259 : i1 to i32
        %sign3A_1261 = arith.constant 0 : i32
        %sign3A_1262 = arith.cmpi slt, %add3A_1218, %sign3A_1261 : i32
        %sign3A_1263 = arith.extui %sign3A_1262 : i1 to i32
        %sign3A_1264 = arith.subi %sign3A_1260, %sign3A_1263 : i32
        %sign3A_1265 = arith.constant 0 : i32
        %sign3A_1266 = arith.cmpi sgt, %jit3A_1256, %sign3A_1265 : i32
        %sign3A_1267 = arith.extui %sign3A_1266 : i1 to i32
        %sign3A_1268 = arith.constant 0 : i32
        %sign3A_1269 = arith.cmpi slt, %jit3A_1256, %sign3A_1268 : i32
        %sign3A_1270 = arith.extui %sign3A_1269 : i1 to i32
        %sign3A_1271 = arith.subi %sign3A_1267, %sign3A_1270 : i32
        %ne3A_1272 = arith.cmpi ne, %sign3A_1264, %sign3A_1271 : i32
        %rem3A_1273 = arith.remsi %add3A_1218, %jit3A_1256 : i32
        %ne3A_1274 = arith.constant 0 : i32
        %ne3A_1275 = arith.cmpi ne, %rem3A_1273, %ne3A_1274 : i32
        %and3A_1276 = arith.andi %ne3A_1272, %ne3A_1275 : i1
        %sub3A_1277 = arith.constant 1 : i32
        %sub3A_1278 = arith.subi %div3A_1257, %sub3A_1277 : i32
        %select_n3A_1279 = arith.select %and3A_1276, %sub3A_1278, %div3A_1257 : i32
        %add3A_1280 = arith.addi %multiple_of3A_186, %select_n3A_1279 : i32
        %jit3A_1281 = arith.constant 8 : i32
        %eq3A_1282 = arith.constant 0 : i32
        %eq3A_1283 = arith.cmpi eq, %jit3A_1281, %eq3A_1282 : i32
        %jit3A_1284 = arith.constant 1 : i32
        %select_n3A_1285 = arith.select %eq3A_1283, %jit3A_1284, %jit3A_1281 : i32
        %rem3A_1286 = arith.remsi %add3A_1218, %select_n3A_1285 : i32
        %ne3A_1287 = arith.constant 0 : i32
        %ne3A_1288 = arith.cmpi ne, %rem3A_1286, %ne3A_1287 : i32
        %lt3A_1289 = arith.constant 0 : i32
        %lt3A_1290 = arith.cmpi slt, %rem3A_1286, %lt3A_1289 : i32
        %lt3A_1291 = arith.constant 0 : i32
        %lt3A_1292 = arith.cmpi slt, %select_n3A_1285, %lt3A_1291 : i32
        %ne3A_1293 = arith.xori %lt3A_1290, %lt3A_1292 : i1
        %and3A_1294 = arith.andi %ne3A_1293, %ne3A_1288 : i1
        %add3A_1295 = arith.addi %rem3A_1286, %select_n3A_1285 : i32
        %select_n3A_1296 = arith.select %and3A_1294, %add3A_1295, %rem3A_1286 : i32
        %mul3A_1297 = arith.constant 16 : i32
        %mul3A_1298 = arith.muli %select_n3A_1296, %mul3A_1297 : i32
        %swap3A_1299 = arith.index_cast %add3A_1280 : i32 to index
        %swap3A_1300 = arith.index_cast %mul3A_1298 : i32 to index
        %swap3A_1301 = tpu.vector_load %arg14[%swap3A_1299, %swap3A_1300] {strides = array<i32>} : memref<160x128xf32, #tpu.memory_space<vmem>>, vector<1x16xf32>,
        %swap3A_1302 = vector.shape_cast %swap3A_1301 : vector<1x16xf32> to vector<16xf32>
        %swap3A_1303 = vector.shape_cast %add3A_1255 : vector<16xf32> to vector<1x16xf32>
        tpu.vector_store %arg14[%swap3A_1299, %swap3A_1300], %swap3A_1303 {strides = array<i32>} : memref<160x128xf32, #tpu.memory_space<vmem>>, vector<1x16xf32>,
        %add3A_1304 = arith.constant 11 : i32
        %add3A_1305 = arith.addi %mul3A_346, %add3A_1304 : i32
        %add3A_1306 = arith.constant 640 : i32
        %add3A_1307 = arith.addi %multiple_of3A, %add3A_1306 : i32
        %add3A_1308 = arith.addi %add3A_1307, %add3A_1305 : i32
        %get3A_1309 = arith.index_cast %add3A_1308 : i32 to index
        %get3A_1310 = tpu.vector_load %arg9[%get3A_1309] {strides = array<i32>} : memref<2576xi32, #tpu.memory_space<vmem>>, vector<16xi32>,
        %get3A_1311 = vector.shape_cast %get3A_1310 : vector<16xi32> to vector<16xi32>
        %slice3A_1312 = vector.extract_strided_slice %get3A_1311 {offsets = [0], sizes = [1], strides = [1]} : vector<16xi32> to vector<1xi32>
        %squeeze3A_1313 = vector.extract %slice3A_1312[0] : i32 from vector<1xi32>
        %get3A_1314 = arith.index_cast %add3A_1305 : i32 to index
        %get3A_1315 = arith.index_cast %squeeze3A_1313 : i32 to index
        %get3A_1316 = tpu.vector_load %arg12[%get3A_1314, %get3A_1315] {strides = array<i32>} : memref<640x128xf32, #tpu.memory_space<vmem>>, vector<1x16xf32>,
        %get3A_1317 = vector.shape_cast %get3A_1316 : vector<1x16xf32> to vector<16xf32>
        %add3A_1318 = arith.constant 16 : i32
        %add3A_1319 = arith.addi %squeeze3A_1313, %add3A_1318 : i32
        %get3A_1320 = arith.index_cast %add3A_1305 : i32 to index
        %get3A_1321 = arith.index_cast %add3A_1319 : i32 to index
        %get3A_1322 = tpu.vector_load %arg12[%get3A_1320, %get3A_1321] {strides = array<i32>} : memref<640x128xf32, #tpu.memory_space<vmem>>, vector<1x16xf32>,
        %get3A_1323 = vector.shape_cast %get3A_1322 : vector<1x16xf32> to vector<16xf32>
        %add3A_1324 = arith.constant 32 : i32
        %add3A_1325 = arith.addi %squeeze3A_1313, %add3A_1324 : i32
        %get3A_1326 = arith.index_cast %add3A_1305 : i32 to index
        %get3A_1327 = arith.index_cast %add3A_1325 : i32 to index
        %get3A_1328 = tpu.vector_load %arg12[%get3A_1326, %get3A_1327] {strides = array<i32>} : memref<640x128xf32, #tpu.memory_space<vmem>>, vector<1x16xf32>,
        %get3A_1329 = vector.shape_cast %get3A_1328 : vector<1x16xf32> to vector<16xf32>
        %add3A_1330 = arith.constant 48 : i32
        %add3A_1331 = arith.addi %squeeze3A_1313, %add3A_1330 : i32
        %get3A_1332 = arith.index_cast %add3A_1305 : i32 to index
        %get3A_1333 = arith.index_cast %add3A_1331 : i32 to index
        %get3A_1334 = tpu.vector_load %arg12[%get3A_1332, %get3A_1333] {strides = array<i32>} : memref<640x128xf32, #tpu.memory_space<vmem>>, vector<1x16xf32>,
        %get3A_1335 = vector.shape_cast %get3A_1334 : vector<1x16xf32> to vector<16xf32>
        %mul3A_1336 = arith.mulf %get3A_251, %get3A_1317 : vector<16xf32>
        %mul3A_1337 = arith.mulf %get3A_257, %get3A_1323 : vector<16xf32>
        %add3A_1338 = arith.addf %mul3A_1336, %mul3A_1337 : vector<16xf32>
        %mul3A_1339 = arith.mulf %get3A_263, %get3A_1329 : vector<16xf32>
        %add3A_1340 = arith.addf %add3A_1338, %mul3A_1339 : vector<16xf32>
        %mul3A_1341 = arith.mulf %get3A_269, %get3A_1335 : vector<16xf32>
        %add3A_1342 = arith.addf %add3A_1340, %mul3A_1341 : vector<16xf32>
        %jit3A_1343 = arith.constant 8 : i32
        %div3A_1344 = arith.divsi %add3A_1305, %jit3A_1343 : i32
        %sign3A_1345 = arith.constant 0 : i32
        %sign3A_1346 = arith.cmpi sgt, %add3A_1305, %sign3A_1345 : i32
        %sign3A_1347 = arith.extui %sign3A_1346 : i1 to i32
        %sign3A_1348 = arith.constant 0 : i32
        %sign3A_1349 = arith.cmpi slt, %add3A_1305, %sign3A_1348 : i32
        %sign3A_1350 = arith.extui %sign3A_1349 : i1 to i32
        %sign3A_1351 = arith.subi %sign3A_1347, %sign3A_1350 : i32
        %sign3A_1352 = arith.constant 0 : i32
        %sign3A_1353 = arith.cmpi sgt, %jit3A_1343, %sign3A_1352 : i32
        %sign3A_1354 = arith.extui %sign3A_1353 : i1 to i32
        %sign3A_1355 = arith.constant 0 : i32
        %sign3A_1356 = arith.cmpi slt, %jit3A_1343, %sign3A_1355 : i32
        %sign3A_1357 = arith.extui %sign3A_1356 : i1 to i32
        %sign3A_1358 = arith.subi %sign3A_1354, %sign3A_1357 : i32
        %ne3A_1359 = arith.cmpi ne, %sign3A_1351, %sign3A_1358 : i32
        %rem3A_1360 = arith.remsi %add3A_1305, %jit3A_1343 : i32
        %ne3A_1361 = arith.constant 0 : i32
        %ne3A_1362 = arith.cmpi ne, %rem3A_1360, %ne3A_1361 : i32
        %and3A_1363 = arith.andi %ne3A_1359, %ne3A_1362 : i1
        %sub3A_1364 = arith.constant 1 : i32
        %sub3A_1365 = arith.subi %div3A_1344, %sub3A_1364 : i32
        %select_n3A_1366 = arith.select %and3A_1363, %sub3A_1365, %div3A_1344 : i32
        %add3A_1367 = arith.addi %multiple_of3A_186, %select_n3A_1366 : i32
        %jit3A_1368 = arith.constant 8 : i32
        %eq3A_1369 = arith.constant 0 : i32
        %eq3A_1370 = arith.cmpi eq, %jit3A_1368, %eq3A_1369 : i32
        %jit3A_1371 = arith.constant 1 : i32
        %select_n3A_1372 = arith.select %eq3A_1370, %jit3A_1371, %jit3A_1368 : i32
        %rem3A_1373 = arith.remsi %add3A_1305, %select_n3A_1372 : i32
        %ne3A_1374 = arith.constant 0 : i32
        %ne3A_1375 = arith.cmpi ne, %rem3A_1373, %ne3A_1374 : i32
        %lt3A_1376 = arith.constant 0 : i32
        %lt3A_1377 = arith.cmpi slt, %rem3A_1373, %lt3A_1376 : i32
        %lt3A_1378 = arith.constant 0 : i32
        %lt3A_1379 = arith.cmpi slt, %select_n3A_1372, %lt3A_1378 : i32
        %ne3A_1380 = arith.xori %lt3A_1377, %lt3A_1379 : i1
        %and3A_1381 = arith.andi %ne3A_1380, %ne3A_1375 : i1
        %add3A_1382 = arith.addi %rem3A_1373, %select_n3A_1372 : i32
        %select_n3A_1383 = arith.select %and3A_1381, %add3A_1382, %rem3A_1373 : i32
        %mul3A_1384 = arith.constant 16 : i32
        %mul3A_1385 = arith.muli %select_n3A_1383, %mul3A_1384 : i32
        %swap3A_1386 = arith.index_cast %add3A_1367 : i32 to index
        %swap3A_1387 = arith.index_cast %mul3A_1385 : i32 to index
        %swap3A_1388 = tpu.vector_load %arg14[%swap3A_1386, %swap3A_1387] {strides = array<i32>} : memref<160x128xf32, #tpu.memory_space<vmem>>, vector<1x16xf32>,
        %swap3A_1389 = vector.shape_cast %swap3A_1388 : vector<1x16xf32> to vector<16xf32>
        %swap3A_1390 = vector.shape_cast %add3A_1342 : vector<16xf32> to vector<1x16xf32>
        tpu.vector_store %arg14[%swap3A_1386, %swap3A_1387], %swap3A_1390 {strides = array<i32>} : memref<160x128xf32, #tpu.memory_space<vmem>>, vector<1x16xf32>,
        %add3A_1391 = arith.constant 12 : i32
        %add3A_1392 = arith.addi %mul3A_346, %add3A_1391 : i32
        %add3A_1393 = arith.constant 640 : i32
        %add3A_1394 = arith.addi %multiple_of3A, %add3A_1393 : i32
        %add3A_1395 = arith.addi %add3A_1394, %add3A_1392 : i32
        %get3A_1396 = arith.index_cast %add3A_1395 : i32 to index
        %get3A_1397 = tpu.vector_load %arg9[%get3A_1396] {strides = array<i32>} : memref<2576xi32, #tpu.memory_space<vmem>>, vector<16xi32>,
        %get3A_1398 = vector.shape_cast %get3A_1397 : vector<16xi32> to vector<16xi32>
        %slice3A_1399 = vector.extract_strided_slice %get3A_1398 {offsets = [0], sizes = [1], strides = [1]} : vector<16xi32> to vector<1xi32>
        %squeeze3A_1400 = vector.extract %slice3A_1399[0] : i32 from vector<1xi32>
        %get3A_1401 = arith.index_cast %add3A_1392 : i32 to index
        %get3A_1402 = arith.index_cast %squeeze3A_1400 : i32 to index
        %get3A_1403 = tpu.vector_load %arg12[%get3A_1401, %get3A_1402] {strides = array<i32>} : memref<640x128xf32, #tpu.memory_space<vmem>>, vector<1x16xf32>,
        %get3A_1404 = vector.shape_cast %get3A_1403 : vector<1x16xf32> to vector<16xf32>
        %add3A_1405 = arith.constant 16 : i32
        %add3A_1406 = arith.addi %squeeze3A_1400, %add3A_1405 : i32
        %get3A_1407 = arith.index_cast %add3A_1392 : i32 to index
        %get3A_1408 = arith.index_cast %add3A_1406 : i32 to index
        %get3A_1409 = tpu.vector_load %arg12[%get3A_1407, %get3A_1408] {strides = array<i32>} : memref<640x128xf32, #tpu.memory_space<vmem>>, vector<1x16xf32>,
        %get3A_1410 = vector.shape_cast %get3A_1409 : vector<1x16xf32> to vector<16xf32>
        %add3A_1411 = arith.constant 32 : i32
        %add3A_1412 = arith.addi %squeeze3A_1400, %add3A_1411 : i32
        %get3A_1413 = arith.index_cast %add3A_1392 : i32 to index
        %get3A_1414 = arith.index_cast %add3A_1412 : i32 to index
        %get3A_1415 = tpu.vector_load %arg12[%get3A_1413, %get3A_1414] {strides = array<i32>} : memref<640x128xf32, #tpu.memory_space<vmem>>, vector<1x16xf32>,
        %get3A_1416 = vector.shape_cast %get3A_1415 : vector<1x16xf32> to vector<16xf32>
        %add3A_1417 = arith.constant 48 : i32
        %add3A_1418 = arith.addi %squeeze3A_1400, %add3A_1417 : i32
        %get3A_1419 = arith.index_cast %add3A_1392 : i32 to index
        %get3A_1420 = arith.index_cast %add3A_1418 : i32 to index
        %get3A_1421 = tpu.vector_load %arg12[%get3A_1419, %get3A_1420] {strides = array<i32>} : memref<640x128xf32, #tpu.memory_space<vmem>>, vector<1x16xf32>,
        %get3A_1422 = vector.shape_cast %get3A_1421 : vector<1x16xf32> to vector<16xf32>
        %mul3A_1423 = arith.mulf %get3A_251, %get3A_1404 : vector<16xf32>
        %mul3A_1424 = arith.mulf %get3A_257, %get3A_1410 : vector<16xf32>
        %add3A_1425 = arith.addf %mul3A_1423, %mul3A_1424 : vector<16xf32>
        %mul3A_1426 = arith.mulf %get3A_263, %get3A_1416 : vector<16xf32>
        %add3A_1427 = arith.addf %add3A_1425, %mul3A_1426 : vector<16xf32>
        %mul3A_1428 = arith.mulf %get3A_269, %get3A_1422 : vector<16xf32>
        %add3A_1429 = arith.addf %add3A_1427, %mul3A_1428 : vector<16xf32>
        %jit3A_1430 = arith.constant 8 : i32
        %div3A_1431 = arith.divsi %add3A_1392, %jit3A_1430 : i32
        %sign3A_1432 = arith.constant 0 : i32
        %sign3A_1433 = arith.cmpi sgt, %add3A_1392, %sign3A_1432 : i32
        %sign3A_1434 = arith.extui %sign3A_1433 : i1 to i32
        %sign3A_1435 = arith.constant 0 : i32
        %sign3A_1436 = arith.cmpi slt, %add3A_1392, %sign3A_1435 : i32
        %sign3A_1437 = arith.extui %sign3A_1436 : i1 to i32
        %sign3A_1438 = arith.subi %sign3A_1434, %sign3A_1437 : i32
        %sign3A_1439 = arith.constant 0 : i32
        %sign3A_1440 = arith.cmpi sgt, %jit3A_1430, %sign3A_1439 : i32
        %sign3A_1441 = arith.extui %sign3A_1440 : i1 to i32
        %sign3A_1442 = arith.constant 0 : i32
        %sign3A_1443 = arith.cmpi slt, %jit3A_1430, %sign3A_1442 : i32
        %sign3A_1444 = arith.extui %sign3A_1443 : i1 to i32
        %sign3A_1445 = arith.subi %sign3A_1441, %sign3A_1444 : i32
        %ne3A_1446 = arith.cmpi ne, %sign3A_1438, %sign3A_1445 : i32
        %rem3A_1447 = arith.remsi %add3A_1392, %jit3A_1430 : i32
        %ne3A_1448 = arith.constant 0 : i32
        %ne3A_1449 = arith.cmpi ne, %rem3A_1447, %ne3A_1448 : i32
        %and3A_1450 = arith.andi %ne3A_1446, %ne3A_1449 : i1
        %sub3A_1451 = arith.constant 1 : i32
        %sub3A_1452 = arith.subi %div3A_1431, %sub3A_1451 : i32
        %select_n3A_1453 = arith.select %and3A_1450, %sub3A_1452, %div3A_1431 : i32
        %add3A_1454 = arith.addi %multiple_of3A_186, %select_n3A_1453 : i32
        %jit3A_1455 = arith.constant 8 : i32
        %eq3A_1456 = arith.constant 0 : i32
        %eq3A_1457 = arith.cmpi eq, %jit3A_1455, %eq3A_1456 : i32
        %jit3A_1458 = arith.constant 1 : i32
        %select_n3A_1459 = arith.select %eq3A_1457, %jit3A_1458, %jit3A_1455 : i32
        %rem3A_1460 = arith.remsi %add3A_1392, %select_n3A_1459 : i32
        %ne3A_1461 = arith.constant 0 : i32
        %ne3A_1462 = arith.cmpi ne, %rem3A_1460, %ne3A_1461 : i32
        %lt3A_1463 = arith.constant 0 : i32
        %lt3A_1464 = arith.cmpi slt, %rem3A_1460, %lt3A_1463 : i32
        %lt3A_1465 = arith.constant 0 : i32
        %lt3A_1466 = arith.cmpi slt, %select_n3A_1459, %lt3A_1465 : i32
        %ne3A_1467 = arith.xori %lt3A_1464, %lt3A_1466 : i1
        %and3A_1468 = arith.andi %ne3A_1467, %ne3A_1462 : i1
        %add3A_1469 = arith.addi %rem3A_1460, %select_n3A_1459 : i32
        %select_n3A_1470 = arith.select %and3A_1468, %add3A_1469, %rem3A_1460 : i32
        %mul3A_1471 = arith.constant 16 : i32
        %mul3A_1472 = arith.muli %select_n3A_1470, %mul3A_1471 : i32
        %swap3A_1473 = arith.index_cast %add3A_1454 : i32 to index
        %swap3A_1474 = arith.index_cast %mul3A_1472 : i32 to index
        %swap3A_1475 = tpu.vector_load %arg14[%swap3A_1473, %swap3A_1474] {strides = array<i32>} : memref<160x128xf32, #tpu.memory_space<vmem>>, vector<1x16xf32>,
        %swap3A_1476 = vector.shape_cast %swap3A_1475 : vector<1x16xf32> to vector<16xf32>
        %swap3A_1477 = vector.shape_cast %add3A_1429 : vector<16xf32> to vector<1x16xf32>
        tpu.vector_store %arg14[%swap3A_1473, %swap3A_1474], %swap3A_1477 {strides = array<i32>} : memref<160x128xf32, #tpu.memory_space<vmem>>, vector<1x16xf32>,
        %add3A_1478 = arith.constant 13 : i32
        %add3A_1479 = arith.addi %mul3A_346, %add3A_1478 : i32
        %add3A_1480 = arith.constant 640 : i32
        %add3A_1481 = arith.addi %multiple_of3A, %add3A_1480 : i32
        %add3A_1482 = arith.addi %add3A_1481, %add3A_1479 : i32
        %get3A_1483 = arith.index_cast %add3A_1482 : i32 to index
        %get3A_1484 = tpu.vector_load %arg9[%get3A_1483] {strides = array<i32>} : memref<2576xi32, #tpu.memory_space<vmem>>, vector<16xi32>,
        %get3A_1485 = vector.shape_cast %get3A_1484 : vector<16xi32> to vector<16xi32>
        %slice3A_1486 = vector.extract_strided_slice %get3A_1485 {offsets = [0], sizes = [1], strides = [1]} : vector<16xi32> to vector<1xi32>
        %squeeze3A_1487 = vector.extract %slice3A_1486[0] : i32 from vector<1xi32>
        %get3A_1488 = arith.index_cast %add3A_1479 : i32 to index
        %get3A_1489 = arith.index_cast %squeeze3A_1487 : i32 to index
        %get3A_1490 = tpu.vector_load %arg12[%get3A_1488, %get3A_1489] {strides = array<i32>} : memref<640x128xf32, #tpu.memory_space<vmem>>, vector<1x16xf32>,
        %get3A_1491 = vector.shape_cast %get3A_1490 : vector<1x16xf32> to vector<16xf32>
        %add3A_1492 = arith.constant 16 : i32
        %add3A_1493 = arith.addi %squeeze3A_1487, %add3A_1492 : i32
        %get3A_1494 = arith.index_cast %add3A_1479 : i32 to index
        %get3A_1495 = arith.index_cast %add3A_1493 : i32 to index
        %get3A_1496 = tpu.vector_load %arg12[%get3A_1494, %get3A_1495] {strides = array<i32>} : memref<640x128xf32, #tpu.memory_space<vmem>>, vector<1x16xf32>,
        %get3A_1497 = vector.shape_cast %get3A_1496 : vector<1x16xf32> to vector<16xf32>
        %add3A_1498 = arith.constant 32 : i32
        %add3A_1499 = arith.addi %squeeze3A_1487, %add3A_1498 : i32
        %get3A_1500 = arith.index_cast %add3A_1479 : i32 to index
        %get3A_1501 = arith.index_cast %add3A_1499 : i32 to index
        %get3A_1502 = tpu.vector_load %arg12[%get3A_1500, %get3A_1501] {strides = array<i32>} : memref<640x128xf32, #tpu.memory_space<vmem>>, vector<1x16xf32>,
        %get3A_1503 = vector.shape_cast %get3A_1502 : vector<1x16xf32> to vector<16xf32>
        %add3A_1504 = arith.constant 48 : i32
        %add3A_1505 = arith.addi %squeeze3A_1487, %add3A_1504 : i32
        %get3A_1506 = arith.index_cast %add3A_1479 : i32 to index
        %get3A_1507 = arith.index_cast %add3A_1505 : i32 to index
        %get3A_1508 = tpu.vector_load %arg12[%get3A_1506, %get3A_1507] {strides = array<i32>} : memref<640x128xf32, #tpu.memory_space<vmem>>, vector<1x16xf32>,
        %get3A_1509 = vector.shape_cast %get3A_1508 : vector<1x16xf32> to vector<16xf32>
        %mul3A_1510 = arith.mulf %get3A_251, %get3A_1491 : vector<16xf32>
        %mul3A_1511 = arith.mulf %get3A_257, %get3A_1497 : vector<16xf32>
        %add3A_1512 = arith.addf %mul3A_1510, %mul3A_1511 : vector<16xf32>
        %mul3A_1513 = arith.mulf %get3A_263, %get3A_1503 : vector<16xf32>
        %add3A_1514 = arith.addf %add3A_1512, %mul3A_1513 : vector<16xf32>
        %mul3A_1515 = arith.mulf %get3A_269, %get3A_1509 : vector<16xf32>
        %add3A_1516 = arith.addf %add3A_1514, %mul3A_1515 : vector<16xf32>
        %jit3A_1517 = arith.constant 8 : i32
        %div3A_1518 = arith.divsi %add3A_1479, %jit3A_1517 : i32
        %sign3A_1519 = arith.constant 0 : i32
        %sign3A_1520 = arith.cmpi sgt, %add3A_1479, %sign3A_1519 : i32
        %sign3A_1521 = arith.extui %sign3A_1520 : i1 to i32
        %sign3A_1522 = arith.constant 0 : i32
        %sign3A_1523 = arith.cmpi slt, %add3A_1479, %sign3A_1522 : i32
        %sign3A_1524 = arith.extui %sign3A_1523 : i1 to i32
        %sign3A_1525 = arith.subi %sign3A_1521, %sign3A_1524 : i32
        %sign3A_1526 = arith.constant 0 : i32
        %sign3A_1527 = arith.cmpi sgt, %jit3A_1517, %sign3A_1526 : i32
        %sign3A_1528 = arith.extui %sign3A_1527 : i1 to i32
        %sign3A_1529 = arith.constant 0 : i32
        %sign3A_1530 = arith.cmpi slt, %jit3A_1517, %sign3A_1529 : i32
        %sign3A_1531 = arith.extui %sign3A_1530 : i1 to i32
        %sign3A_1532 = arith.subi %sign3A_1528, %sign3A_1531 : i32
        %ne3A_1533 = arith.cmpi ne, %sign3A_1525, %sign3A_1532 : i32
        %rem3A_1534 = arith.remsi %add3A_1479, %jit3A_1517 : i32
        %ne3A_1535 = arith.constant 0 : i32
        %ne3A_1536 = arith.cmpi ne, %rem3A_1534, %ne3A_1535 : i32
        %and3A_1537 = arith.andi %ne3A_1533, %ne3A_1536 : i1
        %sub3A_1538 = arith.constant 1 : i32
        %sub3A_1539 = arith.subi %div3A_1518, %sub3A_1538 : i32
        %select_n3A_1540 = arith.select %and3A_1537, %sub3A_1539, %div3A_1518 : i32
        %add3A_1541 = arith.addi %multiple_of3A_186, %select_n3A_1540 : i32
        %jit3A_1542 = arith.constant 8 : i32
        %eq3A_1543 = arith.constant 0 : i32
        %eq3A_1544 = arith.cmpi eq, %jit3A_1542, %eq3A_1543 : i32
        %jit3A_1545 = arith.constant 1 : i32
        %select_n3A_1546 = arith.select %eq3A_1544, %jit3A_1545, %jit3A_1542 : i32
        %rem3A_1547 = arith.remsi %add3A_1479, %select_n3A_1546 : i32
        %ne3A_1548 = arith.constant 0 : i32
        %ne3A_1549 = arith.cmpi ne, %rem3A_1547, %ne3A_1548 : i32
        %lt3A_1550 = arith.constant 0 : i32
        %lt3A_1551 = arith.cmpi slt, %rem3A_1547, %lt3A_1550 : i32
        %lt3A_1552 = arith.constant 0 : i32
        %lt3A_1553 = arith.cmpi slt, %select_n3A_1546, %lt3A_1552 : i32
        %ne3A_1554 = arith.xori %lt3A_1551, %lt3A_1553 : i1
        %and3A_1555 = arith.andi %ne3A_1554, %ne3A_1549 : i1
        %add3A_1556 = arith.addi %rem3A_1547, %select_n3A_1546 : i32
        %select_n3A_1557 = arith.select %and3A_1555, %add3A_1556, %rem3A_1547 : i32
        %mul3A_1558 = arith.constant 16 : i32
        %mul3A_1559 = arith.muli %select_n3A_1557, %mul3A_1558 : i32
        %swap3A_1560 = arith.index_cast %add3A_1541 : i32 to index
        %swap3A_1561 = arith.index_cast %mul3A_1559 : i32 to index
        %swap3A_1562 = tpu.vector_load %arg14[%swap3A_1560, %swap3A_1561] {strides = array<i32>} : memref<160x128xf32, #tpu.memory_space<vmem>>, vector<1x16xf32>,
        %swap3A_1563 = vector.shape_cast %swap3A_1562 : vector<1x16xf32> to vector<16xf32>
        %swap3A_1564 = vector.shape_cast %add3A_1516 : vector<16xf32> to vector<1x16xf32>
        tpu.vector_store %arg14[%swap3A_1560, %swap3A_1561], %swap3A_1564 {strides = array<i32>} : memref<160x128xf32, #tpu.memory_space<vmem>>, vector<1x16xf32>,
        %add3A_1565 = arith.constant 14 : i32
        %add3A_1566 = arith.addi %mul3A_346, %add3A_1565 : i32
        %add3A_1567 = arith.constant 640 : i32
        %add3A_1568 = arith.addi %multiple_of3A, %add3A_1567 : i32
        %add3A_1569 = arith.addi %add3A_1568, %add3A_1566 : i32
        %get3A_1570 = arith.index_cast %add3A_1569 : i32 to index
        %get3A_1571 = tpu.vector_load %arg9[%get3A_1570] {strides = array<i32>} : memref<2576xi32, #tpu.memory_space<vmem>>, vector<16xi32>,
        %get3A_1572 = vector.shape_cast %get3A_1571 : vector<16xi32> to vector<16xi32>
        %slice3A_1573 = vector.extract_strided_slice %get3A_1572 {offsets = [0], sizes = [1], strides = [1]} : vector<16xi32> to vector<1xi32>
        %squeeze3A_1574 = vector.extract %slice3A_1573[0] : i32 from vector<1xi32>
        %get3A_1575 = arith.index_cast %add3A_1566 : i32 to index
        %get3A_1576 = arith.index_cast %squeeze3A_1574 : i32 to index
        %get3A_1577 = tpu.vector_load %arg12[%get3A_1575, %get3A_1576] {strides = array<i32>} : memref<640x128xf32, #tpu.memory_space<vmem>>, vector<1x16xf32>,
        %get3A_1578 = vector.shape_cast %get3A_1577 : vector<1x16xf32> to vector<16xf32>
        %add3A_1579 = arith.constant 16 : i32
        %add3A_1580 = arith.addi %squeeze3A_1574, %add3A_1579 : i32
        %get3A_1581 = arith.index_cast %add3A_1566 : i32 to index
        %get3A_1582 = arith.index_cast %add3A_1580 : i32 to index
        %get3A_1583 = tpu.vector_load %arg12[%get3A_1581, %get3A_1582] {strides = array<i32>} : memref<640x128xf32, #tpu.memory_space<vmem>>, vector<1x16xf32>,
        %get3A_1584 = vector.shape_cast %get3A_1583 : vector<1x16xf32> to vector<16xf32>
        %add3A_1585 = arith.constant 32 : i32
        %add3A_1586 = arith.addi %squeeze3A_1574, %add3A_1585 : i32
        %get3A_1587 = arith.index_cast %add3A_1566 : i32 to index
        %get3A_1588 = arith.index_cast %add3A_1586 : i32 to index
        %get3A_1589 = tpu.vector_load %arg12[%get3A_1587, %get3A_1588] {strides = array<i32>} : memref<640x128xf32, #tpu.memory_space<vmem>>, vector<1x16xf32>,
        %get3A_1590 = vector.shape_cast %get3A_1589 : vector<1x16xf32> to vector<16xf32>
        %add3A_1591 = arith.constant 48 : i32
        %add3A_1592 = arith.addi %squeeze3A_1574, %add3A_1591 : i32
        %get3A_1593 = arith.index_cast %add3A_1566 : i32 to index
        %get3A_1594 = arith.index_cast %add3A_1592 : i32 to index
        %get3A_1595 = tpu.vector_load %arg12[%get3A_1593, %get3A_1594] {strides = array<i32>} : memref<640x128xf32, #tpu.memory_space<vmem>>, vector<1x16xf32>,
        %get3A_1596 = vector.shape_cast %get3A_1595 : vector<1x16xf32> to vector<16xf32>
        %mul3A_1597 = arith.mulf %get3A_251, %get3A_1578 : vector<16xf32>
        %mul3A_1598 = arith.mulf %get3A_257, %get3A_1584 : vector<16xf32>
        %add3A_1599 = arith.addf %mul3A_1597, %mul3A_1598 : vector<16xf32>
        %mul3A_1600 = arith.mulf %get3A_263, %get3A_1590 : vector<16xf32>
        %add3A_1601 = arith.addf %add3A_1599, %mul3A_1600 : vector<16xf32>
        %mul3A_1602 = arith.mulf %get3A_269, %get3A_1596 : vector<16xf32>
        %add3A_1603 = arith.addf %add3A_1601, %mul3A_1602 : vector<16xf32>
        %jit3A_1604 = arith.constant 8 : i32
        %div3A_1605 = arith.divsi %add3A_1566, %jit3A_1604 : i32
        %sign3A_1606 = arith.constant 0 : i32
        %sign3A_1607 = arith.cmpi sgt, %add3A_1566, %sign3A_1606 : i32
        %sign3A_1608 = arith.extui %sign3A_1607 : i1 to i32
        %sign3A_1609 = arith.constant 0 : i32
        %sign3A_1610 = arith.cmpi slt, %add3A_1566, %sign3A_1609 : i32
        %sign3A_1611 = arith.extui %sign3A_1610 : i1 to i32
        %sign3A_1612 = arith.subi %sign3A_1608, %sign3A_1611 : i32
        %sign3A_1613 = arith.constant 0 : i32
        %sign3A_1614 = arith.cmpi sgt, %jit3A_1604, %sign3A_1613 : i32
        %sign3A_1615 = arith.extui %sign3A_1614 : i1 to i32
        %sign3A_1616 = arith.constant 0 : i32
        %sign3A_1617 = arith.cmpi slt, %jit3A_1604, %sign3A_1616 : i32
        %sign3A_1618 = arith.extui %sign3A_1617 : i1 to i32
        %sign3A_1619 = arith.subi %sign3A_1615, %sign3A_1618 : i32
        %ne3A_1620 = arith.cmpi ne, %sign3A_1612, %sign3A_1619 : i32
        %rem3A_1621 = arith.remsi %add3A_1566, %jit3A_1604 : i32
        %ne3A_1622 = arith.constant 0 : i32
        %ne3A_1623 = arith.cmpi ne, %rem3A_1621, %ne3A_1622 : i32
        %and3A_1624 = arith.andi %ne3A_1620, %ne3A_1623 : i1
        %sub3A_1625 = arith.constant 1 : i32
        %sub3A_1626 = arith.subi %div3A_1605, %sub3A_1625 : i32
        %select_n3A_1627 = arith.select %and3A_1624, %sub3A_1626, %div3A_1605 : i32
        %add3A_1628 = arith.addi %multiple_of3A_186, %select_n3A_1627 : i32
        %jit3A_1629 = arith.constant 8 : i32
        %eq3A_1630 = arith.constant 0 : i32
        %eq3A_1631 = arith.cmpi eq, %jit3A_1629, %eq3A_1630 : i32
        %jit3A_1632 = arith.constant 1 : i32
        %select_n3A_1633 = arith.select %eq3A_1631, %jit3A_1632, %jit3A_1629 : i32
        %rem3A_1634 = arith.remsi %add3A_1566, %select_n3A_1633 : i32
        %ne3A_1635 = arith.constant 0 : i32
        %ne3A_1636 = arith.cmpi ne, %rem3A_1634, %ne3A_1635 : i32
        %lt3A_1637 = arith.constant 0 : i32
        %lt3A_1638 = arith.cmpi slt, %rem3A_1634, %lt3A_1637 : i32
        %lt3A_1639 = arith.constant 0 : i32
        %lt3A_1640 = arith.cmpi slt, %select_n3A_1633, %lt3A_1639 : i32
        %ne3A_1641 = arith.xori %lt3A_1638, %lt3A_1640 : i1
        %and3A_1642 = arith.andi %ne3A_1641, %ne3A_1636 : i1
        %add3A_1643 = arith.addi %rem3A_1634, %select_n3A_1633 : i32
        %select_n3A_1644 = arith.select %and3A_1642, %add3A_1643, %rem3A_1634 : i32
        %mul3A_1645 = arith.constant 16 : i32
        %mul3A_1646 = arith.muli %select_n3A_1644, %mul3A_1645 : i32
        %swap3A_1647 = arith.index_cast %add3A_1628 : i32 to index
        %swap3A_1648 = arith.index_cast %mul3A_1646 : i32 to index
        %swap3A_1649 = tpu.vector_load %arg14[%swap3A_1647, %swap3A_1648] {strides = array<i32>} : memref<160x128xf32, #tpu.memory_space<vmem>>, vector<1x16xf32>,
        %swap3A_1650 = vector.shape_cast %swap3A_1649 : vector<1x16xf32> to vector<16xf32>
        %swap3A_1651 = vector.shape_cast %add3A_1603 : vector<16xf32> to vector<1x16xf32>
        tpu.vector_store %arg14[%swap3A_1647, %swap3A_1648], %swap3A_1651 {strides = array<i32>} : memref<160x128xf32, #tpu.memory_space<vmem>>, vector<1x16xf32>,
        %add3A_1652 = arith.constant 15 : i32
        %add3A_1653 = arith.addi %mul3A_346, %add3A_1652 : i32
        %add3A_1654 = arith.constant 640 : i32
        %add3A_1655 = arith.addi %multiple_of3A, %add3A_1654 : i32
        %add3A_1656 = arith.addi %add3A_1655, %add3A_1653 : i32
        %get3A_1657 = arith.index_cast %add3A_1656 : i32 to index
        %get3A_1658 = tpu.vector_load %arg9[%get3A_1657] {strides = array<i32>} : memref<2576xi32, #tpu.memory_space<vmem>>, vector<16xi32>,
        %get3A_1659 = vector.shape_cast %get3A_1658 : vector<16xi32> to vector<16xi32>
        %slice3A_1660 = vector.extract_strided_slice %get3A_1659 {offsets = [0], sizes = [1], strides = [1]} : vector<16xi32> to vector<1xi32>
        %squeeze3A_1661 = vector.extract %slice3A_1660[0] : i32 from vector<1xi32>
        %get3A_1662 = arith.index_cast %add3A_1653 : i32 to index
        %get3A_1663 = arith.index_cast %squeeze3A_1661 : i32 to index
        %get3A_1664 = tpu.vector_load %arg12[%get3A_1662, %get3A_1663] {strides = array<i32>} : memref<640x128xf32, #tpu.memory_space<vmem>>, vector<1x16xf32>,
        %get3A_1665 = vector.shape_cast %get3A_1664 : vector<1x16xf32> to vector<16xf32>
        %add3A_1666 = arith.constant 16 : i32
        %add3A_1667 = arith.addi %squeeze3A_1661, %add3A_1666 : i32
        %get3A_1668 = arith.index_cast %add3A_1653 : i32 to index
        %get3A_1669 = arith.index_cast %add3A_1667 : i32 to index
        %get3A_1670 = tpu.vector_load %arg12[%get3A_1668, %get3A_1669] {strides = array<i32>} : memref<640x128xf32, #tpu.memory_space<vmem>>, vector<1x16xf32>,
        %get3A_1671 = vector.shape_cast %get3A_1670 : vector<1x16xf32> to vector<16xf32>
        %add3A_1672 = arith.constant 32 : i32
        %add3A_1673 = arith.addi %squeeze3A_1661, %add3A_1672 : i32
        %get3A_1674 = arith.index_cast %add3A_1653 : i32 to index
        %get3A_1675 = arith.index_cast %add3A_1673 : i32 to index
        %get3A_1676 = tpu.vector_load %arg12[%get3A_1674, %get3A_1675] {strides = array<i32>} : memref<640x128xf32, #tpu.memory_space<vmem>>, vector<1x16xf32>,
        %get3A_1677 = vector.shape_cast %get3A_1676 : vector<1x16xf32> to vector<16xf32>
        %add3A_1678 = arith.constant 48 : i32
        %add3A_1679 = arith.addi %squeeze3A_1661, %add3A_1678 : i32
        %get3A_1680 = arith.index_cast %add3A_1653 : i32 to index
        %get3A_1681 = arith.index_cast %add3A_1679 : i32 to index
        %get3A_1682 = tpu.vector_load %arg12[%get3A_1680, %get3A_1681] {strides = array<i32>} : memref<640x128xf32, #tpu.memory_space<vmem>>, vector<1x16xf32>,
        %get3A_1683 = vector.shape_cast %get3A_1682 : vector<1x16xf32> to vector<16xf32>
        %mul3A_1684 = arith.mulf %get3A_251, %get3A_1665 : vector<16xf32>
        %mul3A_1685 = arith.mulf %get3A_257, %get3A_1671 : vector<16xf32>
        %add3A_1686 = arith.addf %mul3A_1684, %mul3A_1685 : vector<16xf32>
        %mul3A_1687 = arith.mulf %get3A_263, %get3A_1677 : vector<16xf32>
        %add3A_1688 = arith.addf %add3A_1686, %mul3A_1687 : vector<16xf32>
        %mul3A_1689 = arith.mulf %get3A_269, %get3A_1683 : vector<16xf32>
        %add3A_1690 = arith.addf %add3A_1688, %mul3A_1689 : vector<16xf32>
        %jit3A_1691 = arith.constant 8 : i32
        %div3A_1692 = arith.divsi %add3A_1653, %jit3A_1691 : i32
        %sign3A_1693 = arith.constant 0 : i32
        %sign3A_1694 = arith.cmpi sgt, %add3A_1653, %sign3A_1693 : i32
        %sign3A_1695 = arith.extui %sign3A_1694 : i1 to i32
        %sign3A_1696 = arith.constant 0 : i32
        %sign3A_1697 = arith.cmpi slt, %add3A_1653, %sign3A_1696 : i32
        %sign3A_1698 = arith.extui %sign3A_1697 : i1 to i32
        %sign3A_1699 = arith.subi %sign3A_1695, %sign3A_1698 : i32
        %sign3A_1700 = arith.constant 0 : i32
        %sign3A_1701 = arith.cmpi sgt, %jit3A_1691, %sign3A_1700 : i32
        %sign3A_1702 = arith.extui %sign3A_1701 : i1 to i32
        %sign3A_1703 = arith.constant 0 : i32
        %sign3A_1704 = arith.cmpi slt, %jit3A_1691, %sign3A_1703 : i32
        %sign3A_1705 = arith.extui %sign3A_1704 : i1 to i32
        %sign3A_1706 = arith.subi %sign3A_1702, %sign3A_1705 : i32
        %ne3A_1707 = arith.cmpi ne, %sign3A_1699, %sign3A_1706 : i32
        %rem3A_1708 = arith.remsi %add3A_1653, %jit3A_1691 : i32
        %ne3A_1709 = arith.constant 0 : i32
        %ne3A_1710 = arith.cmpi ne, %rem3A_1708, %ne3A_1709 : i32
        %and3A_1711 = arith.andi %ne3A_1707, %ne3A_1710 : i1
        %sub3A_1712 = arith.constant 1 : i32
        %sub3A_1713 = arith.subi %div3A_1692, %sub3A_1712 : i32
        %select_n3A_1714 = arith.select %and3A_1711, %sub3A_1713, %div3A_1692 : i32
        %add3A_1715 = arith.addi %multiple_of3A_186, %select_n3A_1714 : i32
        %jit3A_1716 = arith.constant 8 : i32
        %eq3A_1717 = arith.constant 0 : i32
        %eq3A_1718 = arith.cmpi eq, %jit3A_1716, %eq3A_1717 : i32
        %jit3A_1719 = arith.constant 1 : i32
        %select_n3A_1720 = arith.select %eq3A_1718, %jit3A_1719, %jit3A_1716 : i32
        %rem3A_1721 = arith.remsi %add3A_1653, %select_n3A_1720 : i32
        %ne3A_1722 = arith.constant 0 : i32
        %ne3A_1723 = arith.cmpi ne, %rem3A_1721, %ne3A_1722 : i32
        %lt3A_1724 = arith.constant 0 : i32
        %lt3A_1725 = arith.cmpi slt, %rem3A_1721, %lt3A_1724 : i32
        %lt3A_1726 = arith.constant 0 : i32
        %lt3A_1727 = arith.cmpi slt, %select_n3A_1720, %lt3A_1726 : i32
        %ne3A_1728 = arith.xori %lt3A_1725, %lt3A_1727 : i1
        %and3A_1729 = arith.andi %ne3A_1728, %ne3A_1723 : i1
        %add3A_1730 = arith.addi %rem3A_1721, %select_n3A_1720 : i32
        %select_n3A_1731 = arith.select %and3A_1729, %add3A_1730, %rem3A_1721 : i32
        %mul3A_1732 = arith.constant 16 : i32
        %mul3A_1733 = arith.muli %select_n3A_1731, %mul3A_1732 : i32
        %swap3A_1734 = arith.index_cast %add3A_1715 : i32 to index
        %swap3A_1735 = arith.index_cast %mul3A_1733 : i32 to index
        %swap3A_1736 = tpu.vector_load %arg14[%swap3A_1734, %swap3A_1735] {strides = array<i32>} : memref<160x128xf32, #tpu.memory_space<vmem>>, vector<1x16xf32>,
        %swap3A_1737 = vector.shape_cast %swap3A_1736 : vector<1x16xf32> to vector<16xf32>
        %swap3A_1738 = vector.shape_cast %add3A_1690 : vector<16xf32> to vector<1x16xf32>
        tpu.vector_store %arg14[%swap3A_1734, %swap3A_1735], %swap3A_1738 {strides = array<i32>} : memref<160x128xf32, #tpu.memory_space<vmem>>, vector<1x16xf32>,
        %add3A_1739 = arith.constant 16 : i32
        %add3A_1740 = arith.addi %mul3A_346, %add3A_1739 : i32
        %add3A_1741 = arith.constant 640 : i32
        %add3A_1742 = arith.addi %multiple_of3A, %add3A_1741 : i32
        %add3A_1743 = arith.addi %add3A_1742, %add3A_1740 : i32
        %get3A_1744 = arith.index_cast %add3A_1743 : i32 to index
        %get3A_1745 = tpu.vector_load %arg9[%get3A_1744] {strides = array<i32>} : memref<2576xi32, #tpu.memory_space<vmem>>, vector<16xi32>,
        %get3A_1746 = vector.shape_cast %get3A_1745 : vector<16xi32> to vector<16xi32>
        %slice3A_1747 = vector.extract_strided_slice %get3A_1746 {offsets = [0], sizes = [1], strides = [1]} : vector<16xi32> to vector<1xi32>
        %squeeze3A_1748 = vector.extract %slice3A_1747[0] : i32 from vector<1xi32>
        %get3A_1749 = arith.index_cast %add3A_1740 : i32 to index
        %get3A_1750 = arith.index_cast %squeeze3A_1748 : i32 to index
        %get3A_1751 = tpu.vector_load %arg12[%get3A_1749, %get3A_1750] {strides = array<i32>} : memref<640x128xf32, #tpu.memory_space<vmem>>, vector<1x16xf32>,
        %get3A_1752 = vector.shape_cast %get3A_1751 : vector<1x16xf32> to vector<16xf32>
        %add3A_1753 = arith.constant 16 : i32
        %add3A_1754 = arith.addi %squeeze3A_1748, %add3A_1753 : i32
        %get3A_1755 = arith.index_cast %add3A_1740 : i32 to index
        %get3A_1756 = arith.index_cast %add3A_1754 : i32 to index
        %get3A_1757 = tpu.vector_load %arg12[%get3A_1755, %get3A_1756] {strides = array<i32>} : memref<640x128xf32, #tpu.memory_space<vmem>>, vector<1x16xf32>,
        %get3A_1758 = vector.shape_cast %get3A_1757 : vector<1x16xf32> to vector<16xf32>
        %add3A_1759 = arith.constant 32 : i32
        %add3A_1760 = arith.addi %squeeze3A_1748, %add3A_1759 : i32
        %get3A_1761 = arith.index_cast %add3A_1740 : i32 to index
        %get3A_1762 = arith.index_cast %add3A_1760 : i32 to index
        %get3A_1763 = tpu.vector_load %arg12[%get3A_1761, %get3A_1762] {strides = array<i32>} : memref<640x128xf32, #tpu.memory_space<vmem>>, vector<1x16xf32>,
        %get3A_1764 = vector.shape_cast %get3A_1763 : vector<1x16xf32> to vector<16xf32>
        %add3A_1765 = arith.constant 48 : i32
        %add3A_1766 = arith.addi %squeeze3A_1748, %add3A_1765 : i32
        %get3A_1767 = arith.index_cast %add3A_1740 : i32 to index
        %get3A_1768 = arith.index_cast %add3A_1766 : i32 to index
        %get3A_1769 = tpu.vector_load %arg12[%get3A_1767, %get3A_1768] {strides = array<i32>} : memref<640x128xf32, #tpu.memory_space<vmem>>, vector<1x16xf32>,
        %get3A_1770 = vector.shape_cast %get3A_1769 : vector<1x16xf32> to vector<16xf32>
        %mul3A_1771 = arith.mulf %get3A_251, %get3A_1752 : vector<16xf32>
        %mul3A_1772 = arith.mulf %get3A_257, %get3A_1758 : vector<16xf32>
        %add3A_1773 = arith.addf %mul3A_1771, %mul3A_1772 : vector<16xf32>
        %mul3A_1774 = arith.mulf %get3A_263, %get3A_1764 : vector<16xf32>
        %add3A_1775 = arith.addf %add3A_1773, %mul3A_1774 : vector<16xf32>
        %mul3A_1776 = arith.mulf %get3A_269, %get3A_1770 : vector<16xf32>
        %add3A_1777 = arith.addf %add3A_1775, %mul3A_1776 : vector<16xf32>
        %jit3A_1778 = arith.constant 8 : i32
        %div3A_1779 = arith.divsi %add3A_1740, %jit3A_1778 : i32
        %sign3A_1780 = arith.constant 0 : i32
        %sign3A_1781 = arith.cmpi sgt, %add3A_1740, %sign3A_1780 : i32
        %sign3A_1782 = arith.extui %sign3A_1781 : i1 to i32
        %sign3A_1783 = arith.constant 0 : i32
        %sign3A_1784 = arith.cmpi slt, %add3A_1740, %sign3A_1783 : i32
        %sign3A_1785 = arith.extui %sign3A_1784 : i1 to i32
        %sign3A_1786 = arith.subi %sign3A_1782, %sign3A_1785 : i32
        %sign3A_1787 = arith.constant 0 : i32
        %sign3A_1788 = arith.cmpi sgt, %jit3A_1778, %sign3A_1787 : i32
        %sign3A_1789 = arith.extui %sign3A_1788 : i1 to i32
        %sign3A_1790 = arith.constant 0 : i32
        %sign3A_1791 = arith.cmpi slt, %jit3A_1778, %sign3A_1790 : i32
        %sign3A_1792 = arith.extui %sign3A_1791 : i1 to i32
        %sign3A_1793 = arith.subi %sign3A_1789, %sign3A_1792 : i32
        %ne3A_1794 = arith.cmpi ne, %sign3A_1786, %sign3A_1793 : i32
        %rem3A_1795 = arith.remsi %add3A_1740, %jit3A_1778 : i32
        %ne3A_1796 = arith.constant 0 : i32
        %ne3A_1797 = arith.cmpi ne, %rem3A_1795, %ne3A_1796 : i32
        %and3A_1798 = arith.andi %ne3A_1794, %ne3A_1797 : i1
        %sub3A_1799 = arith.constant 1 : i32
        %sub3A_1800 = arith.subi %div3A_1779, %sub3A_1799 : i32
        %select_n3A_1801 = arith.select %and3A_1798, %sub3A_1800, %div3A_1779 : i32
        %add3A_1802 = arith.addi %multiple_of3A_186, %select_n3A_1801 : i32
        %jit3A_1803 = arith.constant 8 : i32
        %eq3A_1804 = arith.constant 0 : i32
        %eq3A_1805 = arith.cmpi eq, %jit3A_1803, %eq3A_1804 : i32
        %jit3A_1806 = arith.constant 1 : i32
        %select_n3A_1807 = arith.select %eq3A_1805, %jit3A_1806, %jit3A_1803 : i32
        %rem3A_1808 = arith.remsi %add3A_1740, %select_n3A_1807 : i32
        %ne3A_1809 = arith.constant 0 : i32
        %ne3A_1810 = arith.cmpi ne, %rem3A_1808, %ne3A_1809 : i32
        %lt3A_1811 = arith.constant 0 : i32
        %lt3A_1812 = arith.cmpi slt, %rem3A_1808, %lt3A_1811 : i32
        %lt3A_1813 = arith.constant 0 : i32
        %lt3A_1814 = arith.cmpi slt, %select_n3A_1807, %lt3A_1813 : i32
        %ne3A_1815 = arith.xori %lt3A_1812, %lt3A_1814 : i1
        %and3A_1816 = arith.andi %ne3A_1815, %ne3A_1810 : i1
        %add3A_1817 = arith.addi %rem3A_1808, %select_n3A_1807 : i32
        %select_n3A_1818 = arith.select %and3A_1816, %add3A_1817, %rem3A_1808 : i32
        %mul3A_1819 = arith.constant 16 : i32
        %mul3A_1820 = arith.muli %select_n3A_1818, %mul3A_1819 : i32
        %swap3A_1821 = arith.index_cast %add3A_1802 : i32 to index
        %swap3A_1822 = arith.index_cast %mul3A_1820 : i32 to index
        %swap3A_1823 = tpu.vector_load %arg14[%swap3A_1821, %swap3A_1822] {strides = array<i32>} : memref<160x128xf32, #tpu.memory_space<vmem>>, vector<1x16xf32>,
        %swap3A_1824 = vector.shape_cast %swap3A_1823 : vector<1x16xf32> to vector<16xf32>
        %swap3A_1825 = vector.shape_cast %add3A_1777 : vector<16xf32> to vector<1x16xf32>
        tpu.vector_store %arg14[%swap3A_1821, %swap3A_1822], %swap3A_1825 {strides = array<i32>} : memref<160x128xf32, #tpu.memory_space<vmem>>, vector<1x16xf32>,
        %add3A_1826 = arith.constant 17 : i32
        %add3A_1827 = arith.addi %mul3A_346, %add3A_1826 : i32
        %add3A_1828 = arith.constant 640 : i32
        %add3A_1829 = arith.addi %multiple_of3A, %add3A_1828 : i32
        %add3A_1830 = arith.addi %add3A_1829, %add3A_1827 : i32
        %get3A_1831 = arith.index_cast %add3A_1830 : i32 to index
        %get3A_1832 = tpu.vector_load %arg9[%get3A_1831] {strides = array<i32>} : memref<2576xi32, #tpu.memory_space<vmem>>, vector<16xi32>,
        %get3A_1833 = vector.shape_cast %get3A_1832 : vector<16xi32> to vector<16xi32>
        %slice3A_1834 = vector.extract_strided_slice %get3A_1833 {offsets = [0], sizes = [1], strides = [1]} : vector<16xi32> to vector<1xi32>
        %squeeze3A_1835 = vector.extract %slice3A_1834[0] : i32 from vector<1xi32>
        %get3A_1836 = arith.index_cast %add3A_1827 : i32 to index
        %get3A_1837 = arith.index_cast %squeeze3A_1835 : i32 to index
        %get3A_1838 = tpu.vector_load %arg12[%get3A_1836, %get3A_1837] {strides = array<i32>} : memref<640x128xf32, #tpu.memory_space<vmem>>, vector<1x16xf32>,
        %get3A_1839 = vector.shape_cast %get3A_1838 : vector<1x16xf32> to vector<16xf32>
        %add3A_1840 = arith.constant 16 : i32
        %add3A_1841 = arith.addi %squeeze3A_1835, %add3A_1840 : i32
        %get3A_1842 = arith.index_cast %add3A_1827 : i32 to index
        %get3A_1843 = arith.index_cast %add3A_1841 : i32 to index
        %get3A_1844 = tpu.vector_load %arg12[%get3A_1842, %get3A_1843] {strides = array<i32>} : memref<640x128xf32, #tpu.memory_space<vmem>>, vector<1x16xf32>,
        %get3A_1845 = vector.shape_cast %get3A_1844 : vector<1x16xf32> to vector<16xf32>
        %add3A_1846 = arith.constant 32 : i32
        %add3A_1847 = arith.addi %squeeze3A_1835, %add3A_1846 : i32
        %get3A_1848 = arith.index_cast %add3A_1827 : i32 to index
        %get3A_1849 = arith.index_cast %add3A_1847 : i32 to index
        %get3A_1850 = tpu.vector_load %arg12[%get3A_1848, %get3A_1849] {strides = array<i32>} : memref<640x128xf32, #tpu.memory_space<vmem>>, vector<1x16xf32>,
        %get3A_1851 = vector.shape_cast %get3A_1850 : vector<1x16xf32> to vector<16xf32>
        %add3A_1852 = arith.constant 48 : i32
        %add3A_1853 = arith.addi %squeeze3A_1835, %add3A_1852 : i32
        %get3A_1854 = arith.index_cast %add3A_1827 : i32 to index
        %get3A_1855 = arith.index_cast %add3A_1853 : i32 to index
        %get3A_1856 = tpu.vector_load %arg12[%get3A_1854, %get3A_1855] {strides = array<i32>} : memref<640x128xf32, #tpu.memory_space<vmem>>, vector<1x16xf32>,
        %get3A_1857 = vector.shape_cast %get3A_1856 : vector<1x16xf32> to vector<16xf32>
        %mul3A_1858 = arith.mulf %get3A_251, %get3A_1839 : vector<16xf32>
        %mul3A_1859 = arith.mulf %get3A_257, %get3A_1845 : vector<16xf32>
        %add3A_1860 = arith.addf %mul3A_1858, %mul3A_1859 : vector<16xf32>
        %mul3A_1861 = arith.mulf %get3A_263, %get3A_1851 : vector<16xf32>
        %add3A_1862 = arith.addf %add3A_1860, %mul3A_1861 : vector<16xf32>
        %mul3A_1863 = arith.mulf %get3A_269, %get3A_1857 : vector<16xf32>
        %add3A_1864 = arith.addf %add3A_1862, %mul3A_1863 : vector<16xf32>
        %jit3A_1865 = arith.constant 8 : i32
        %div3A_1866 = arith.divsi %add3A_1827, %jit3A_1865 : i32
        %sign3A_1867 = arith.constant 0 : i32
        %sign3A_1868 = arith.cmpi sgt, %add3A_1827, %sign3A_1867 : i32
        %sign3A_1869 = arith.extui %sign3A_1868 : i1 to i32
        %sign3A_1870 = arith.constant 0 : i32
        %sign3A_1871 = arith.cmpi slt, %add3A_1827, %sign3A_1870 : i32
        %sign3A_1872 = arith.extui %sign3A_1871 : i1 to i32
        %sign3A_1873 = arith.subi %sign3A_1869, %sign3A_1872 : i32
        %sign3A_1874 = arith.constant 0 : i32
        %sign3A_1875 = arith.cmpi sgt, %jit3A_1865, %sign3A_1874 : i32
        %sign3A_1876 = arith.extui %sign3A_1875 : i1 to i32
        %sign3A_1877 = arith.constant 0 : i32
        %sign3A_1878 = arith.cmpi slt, %jit3A_1865, %sign3A_1877 : i32
        %sign3A_1879 = arith.extui %sign3A_1878 : i1 to i32
        %sign3A_1880 = arith.subi %sign3A_1876, %sign3A_1879 : i32
        %ne3A_1881 = arith.cmpi ne, %sign3A_1873, %sign3A_1880 : i32
        %rem3A_1882 = arith.remsi %add3A_1827, %jit3A_1865 : i32
        %ne3A_1883 = arith.constant 0 : i32
        %ne3A_1884 = arith.cmpi ne, %rem3A_1882, %ne3A_1883 : i32
        %and3A_1885 = arith.andi %ne3A_1881, %ne3A_1884 : i1
        %sub3A_1886 = arith.constant 1 : i32
        %sub3A_1887 = arith.subi %div3A_1866, %sub3A_1886 : i32
        %select_n3A_1888 = arith.select %and3A_1885, %sub3A_1887, %div3A_1866 : i32
        %add3A_1889 = arith.addi %multiple_of3A_186, %select_n3A_1888 : i32
        %jit3A_1890 = arith.constant 8 : i32
        %eq3A_1891 = arith.constant 0 : i32
        %eq3A_1892 = arith.cmpi eq, %jit3A_1890, %eq3A_1891 : i32
        %jit3A_1893 = arith.constant 1 : i32
        %select_n3A_1894 = arith.select %eq3A_1892, %jit3A_1893, %jit3A_1890 : i32
        %rem3A_1895 = arith.remsi %add3A_1827, %select_n3A_1894 : i32
        %ne3A_1896 = arith.constant 0 : i32
        %ne3A_1897 = arith.cmpi ne, %rem3A_1895, %ne3A_1896 : i32
        %lt3A_1898 = arith.constant 0 : i32
        %lt3A_1899 = arith.cmpi slt, %rem3A_1895, %lt3A_1898 : i32
        %lt3A_1900 = arith.constant 0 : i32
        %lt3A_1901 = arith.cmpi slt, %select_n3A_1894, %lt3A_1900 : i32
        %ne3A_1902 = arith.xori %lt3A_1899, %lt3A_1901 : i1
        %and3A_1903 = arith.andi %ne3A_1902, %ne3A_1897 : i1
        %add3A_1904 = arith.addi %rem3A_1895, %select_n3A_1894 : i32
        %select_n3A_1905 = arith.select %and3A_1903, %add3A_1904, %rem3A_1895 : i32
        %mul3A_1906 = arith.constant 16 : i32
        %mul3A_1907 = arith.muli %select_n3A_1905, %mul3A_1906 : i32
        %swap3A_1908 = arith.index_cast %add3A_1889 : i32 to index
        %swap3A_1909 = arith.index_cast %mul3A_1907 : i32 to index
        %swap3A_1910 = tpu.vector_load %arg14[%swap3A_1908, %swap3A_1909] {strides = array<i32>} : memref<160x128xf32, #tpu.memory_space<vmem>>, vector<1x16xf32>,
        %swap3A_1911 = vector.shape_cast %swap3A_1910 : vector<1x16xf32> to vector<16xf32>
        %swap3A_1912 = vector.shape_cast %add3A_1864 : vector<16xf32> to vector<1x16xf32>
        tpu.vector_store %arg14[%swap3A_1908, %swap3A_1909], %swap3A_1912 {strides = array<i32>} : memref<160x128xf32, #tpu.memory_space<vmem>>, vector<1x16xf32>,
        %add3A_1913 = arith.constant 18 : i32
        %add3A_1914 = arith.addi %mul3A_346, %add3A_1913 : i32
        %add3A_1915 = arith.constant 640 : i32
        %add3A_1916 = arith.addi %multiple_of3A, %add3A_1915 : i32
        %add3A_1917 = arith.addi %add3A_1916, %add3A_1914 : i32
        %get3A_1918 = arith.index_cast %add3A_1917 : i32 to index
        %get3A_1919 = tpu.vector_load %arg9[%get3A_1918] {strides = array<i32>} : memref<2576xi32, #tpu.memory_space<vmem>>, vector<16xi32>,
        %get3A_1920 = vector.shape_cast %get3A_1919 : vector<16xi32> to vector<16xi32>
        %slice3A_1921 = vector.extract_strided_slice %get3A_1920 {offsets = [0], sizes = [1], strides = [1]} : vector<16xi32> to vector<1xi32>
        %squeeze3A_1922 = vector.extract %slice3A_1921[0] : i32 from vector<1xi32>
        %get3A_1923 = arith.index_cast %add3A_1914 : i32 to index
        %get3A_1924 = arith.index_cast %squeeze3A_1922 : i32 to index
        %get3A_1925 = tpu.vector_load %arg12[%get3A_1923, %get3A_1924] {strides = array<i32>} : memref<640x128xf32, #tpu.memory_space<vmem>>, vector<1x16xf32>,
        %get3A_1926 = vector.shape_cast %get3A_1925 : vector<1x16xf32> to vector<16xf32>
        %add3A_1927 = arith.constant 16 : i32
        %add3A_1928 = arith.addi %squeeze3A_1922, %add3A_1927 : i32
        %get3A_1929 = arith.index_cast %add3A_1914 : i32 to index
        %get3A_1930 = arith.index_cast %add3A_1928 : i32 to index
        %get3A_1931 = tpu.vector_load %arg12[%get3A_1929, %get3A_1930] {strides = array<i32>} : memref<640x128xf32, #tpu.memory_space<vmem>>, vector<1x16xf32>,
        %get3A_1932 = vector.shape_cast %get3A_1931 : vector<1x16xf32> to vector<16xf32>
        %add3A_1933 = arith.constant 32 : i32
        %add3A_1934 = arith.addi %squeeze3A_1922, %add3A_1933 : i32
        %get3A_1935 = arith.index_cast %add3A_1914 : i32 to index
        %get3A_1936 = arith.index_cast %add3A_1934 : i32 to index
        %get3A_1937 = tpu.vector_load %arg12[%get3A_1935, %get3A_1936] {strides = array<i32>} : memref<640x128xf32, #tpu.memory_space<vmem>>, vector<1x16xf32>,
        %get3A_1938 = vector.shape_cast %get3A_1937 : vector<1x16xf32> to vector<16xf32>
        %add3A_1939 = arith.constant 48 : i32
        %add3A_1940 = arith.addi %squeeze3A_1922, %add3A_1939 : i32
        %get3A_1941 = arith.index_cast %add3A_1914 : i32 to index
        %get3A_1942 = arith.index_cast %add3A_1940 : i32 to index
        %get3A_1943 = tpu.vector_load %arg12[%get3A_1941, %get3A_1942] {strides = array<i32>} : memref<640x128xf32, #tpu.memory_space<vmem>>, vector<1x16xf32>,
        %get3A_1944 = vector.shape_cast %get3A_1943 : vector<1x16xf32> to vector<16xf32>
        %mul3A_1945 = arith.mulf %get3A_251, %get3A_1926 : vector<16xf32>
        %mul3A_1946 = arith.mulf %get3A_257, %get3A_1932 : vector<16xf32>
        %add3A_1947 = arith.addf %mul3A_1945, %mul3A_1946 : vector<16xf32>
        %mul3A_1948 = arith.mulf %get3A_263, %get3A_1938 : vector<16xf32>
        %add3A_1949 = arith.addf %add3A_1947, %mul3A_1948 : vector<16xf32>
        %mul3A_1950 = arith.mulf %get3A_269, %get3A_1944 : vector<16xf32>
        %add3A_1951 = arith.addf %add3A_1949, %mul3A_1950 : vector<16xf32>
        %jit3A_1952 = arith.constant 8 : i32
        %div3A_1953 = arith.divsi %add3A_1914, %jit3A_1952 : i32
        %sign3A_1954 = arith.constant 0 : i32
        %sign3A_1955 = arith.cmpi sgt, %add3A_1914, %sign3A_1954 : i32
        %sign3A_1956 = arith.extui %sign3A_1955 : i1 to i32
        %sign3A_1957 = arith.constant 0 : i32
        %sign3A_1958 = arith.cmpi slt, %add3A_1914, %sign3A_1957 : i32
        %sign3A_1959 = arith.extui %sign3A_1958 : i1 to i32
        %sign3A_1960 = arith.subi %sign3A_1956, %sign3A_1959 : i32
        %sign3A_1961 = arith.constant 0 : i32
        %sign3A_1962 = arith.cmpi sgt, %jit3A_1952, %sign3A_1961 : i32
        %sign3A_1963 = arith.extui %sign3A_1962 : i1 to i32
        %sign3A_1964 = arith.constant 0 : i32
        %sign3A_1965 = arith.cmpi slt, %jit3A_1952, %sign3A_1964 : i32
        %sign3A_1966 = arith.extui %sign3A_1965 : i1 to i32
        %sign3A_1967 = arith.subi %sign3A_1963, %sign3A_1966 : i32
        %ne3A_1968 = arith.cmpi ne, %sign3A_1960, %sign3A_1967 : i32
        %rem3A_1969 = arith.remsi %add3A_1914, %jit3A_1952 : i32
        %ne3A_1970 = arith.constant 0 : i32
        %ne3A_1971 = arith.cmpi ne, %rem3A_1969, %ne3A_1970 : i32
        %and3A_1972 = arith.andi %ne3A_1968, %ne3A_1971 : i1
        %sub3A_1973 = arith.constant 1 : i32
        %sub3A_1974 = arith.subi %div3A_1953, %sub3A_1973 : i32
        %select_n3A_1975 = arith.select %and3A_1972, %sub3A_1974, %div3A_1953 : i32
        %add3A_1976 = arith.addi %multiple_of3A_186, %select_n3A_1975 : i32
        %jit3A_1977 = arith.constant 8 : i32
        %eq3A_1978 = arith.constant 0 : i32
        %eq3A_1979 = arith.cmpi eq, %jit3A_1977, %eq3A_1978 : i32
        %jit3A_1980 = arith.constant 1 : i32
        %select_n3A_1981 = arith.select %eq3A_1979, %jit3A_1980, %jit3A_1977 : i32
        %rem3A_1982 = arith.remsi %add3A_1914, %select_n3A_1981 : i32
        %ne3A_1983 = arith.constant 0 : i32
        %ne3A_1984 = arith.cmpi ne, %rem3A_1982, %ne3A_1983 : i32
        %lt3A_1985 = arith.constant 0 : i32
        %lt3A_1986 = arith.cmpi slt, %rem3A_1982, %lt3A_1985 : i32
        %lt3A_1987 = arith.constant 0 : i32
        %lt3A_1988 = arith.cmpi slt, %select_n3A_1981, %lt3A_1987 : i32
        %ne3A_1989 = arith.xori %lt3A_1986, %lt3A_1988 : i1
        %and3A_1990 = arith.andi %ne3A_1989, %ne3A_1984 : i1
        %add3A_1991 = arith.addi %rem3A_1982, %select_n3A_1981 : i32
        %select_n3A_1992 = arith.select %and3A_1990, %add3A_1991, %rem3A_1982 : i32
        %mul3A_1993 = arith.constant 16 : i32
        %mul3A_1994 = arith.muli %select_n3A_1992, %mul3A_1993 : i32
        %swap3A_1995 = arith.index_cast %add3A_1976 : i32 to index
        %swap3A_1996 = arith.index_cast %mul3A_1994 : i32 to index
        %swap3A_1997 = tpu.vector_load %arg14[%swap3A_1995, %swap3A_1996] {strides = array<i32>} : memref<160x128xf32, #tpu.memory_space<vmem>>, vector<1x16xf32>,
        %swap3A_1998 = vector.shape_cast %swap3A_1997 : vector<1x16xf32> to vector<16xf32>
        %swap3A_1999 = vector.shape_cast %add3A_1951 : vector<16xf32> to vector<1x16xf32>
        tpu.vector_store %arg14[%swap3A_1995, %swap3A_1996], %swap3A_1999 {strides = array<i32>} : memref<160x128xf32, #tpu.memory_space<vmem>>, vector<1x16xf32>,
        %add3A_2000 = arith.constant 19 : i32
        %add3A_2001 = arith.addi %mul3A_346, %add3A_2000 : i32
        %add3A_2002 = arith.constant 640 : i32
        %add3A_2003 = arith.addi %multiple_of3A, %add3A_2002 : i32
        %add3A_2004 = arith.addi %add3A_2003, %add3A_2001 : i32
        %get3A_2005 = arith.index_cast %add3A_2004 : i32 to index
        %get3A_2006 = tpu.vector_load %arg9[%get3A_2005] {strides = array<i32>} : memref<2576xi32, #tpu.memory_space<vmem>>, vector<16xi32>,
        %get3A_2007 = vector.shape_cast %get3A_2006 : vector<16xi32> to vector<16xi32>
        %slice3A_2008 = vector.extract_strided_slice %get3A_2007 {offsets = [0], sizes = [1], strides = [1]} : vector<16xi32> to vector<1xi32>
        %squeeze3A_2009 = vector.extract %slice3A_2008[0] : i32 from vector<1xi32>
        %get3A_2010 = arith.index_cast %add3A_2001 : i32 to index
        %get3A_2011 = arith.index_cast %squeeze3A_2009 : i32 to index
        %get3A_2012 = tpu.vector_load %arg12[%get3A_2010, %get3A_2011] {strides = array<i32>} : memref<640x128xf32, #tpu.memory_space<vmem>>, vector<1x16xf32>,
        %get3A_2013 = vector.shape_cast %get3A_2012 : vector<1x16xf32> to vector<16xf32>
        %add3A_2014 = arith.constant 16 : i32
        %add3A_2015 = arith.addi %squeeze3A_2009, %add3A_2014 : i32
        %get3A_2016 = arith.index_cast %add3A_2001 : i32 to index
        %get3A_2017 = arith.index_cast %add3A_2015 : i32 to index
        %get3A_2018 = tpu.vector_load %arg12[%get3A_2016, %get3A_2017] {strides = array<i32>} : memref<640x128xf32, #tpu.memory_space<vmem>>, vector<1x16xf32>,
        %get3A_2019 = vector.shape_cast %get3A_2018 : vector<1x16xf32> to vector<16xf32>
        %add3A_2020 = arith.constant 32 : i32
        %add3A_2021 = arith.addi %squeeze3A_2009, %add3A_2020 : i32
        %get3A_2022 = arith.index_cast %add3A_2001 : i32 to index
        %get3A_2023 = arith.index_cast %add3A_2021 : i32 to index
        %get3A_2024 = tpu.vector_load %arg12[%get3A_2022, %get3A_2023] {strides = array<i32>} : memref<640x128xf32, #tpu.memory_space<vmem>>, vector<1x16xf32>,
        %get3A_2025 = vector.shape_cast %get3A_2024 : vector<1x16xf32> to vector<16xf32>
        %add3A_2026 = arith.constant 48 : i32
        %add3A_2027 = arith.addi %squeeze3A_2009, %add3A_2026 : i32
        %get3A_2028 = arith.index_cast %add3A_2001 : i32 to index
        %get3A_2029 = arith.index_cast %add3A_2027 : i32 to index
        %get3A_2030 = tpu.vector_load %arg12[%get3A_2028, %get3A_2029] {strides = array<i32>} : memref<640x128xf32, #tpu.memory_space<vmem>>, vector<1x16xf32>,
        %get3A_2031 = vector.shape_cast %get3A_2030 : vector<1x16xf32> to vector<16xf32>
        %mul3A_2032 = arith.mulf %get3A_251, %get3A_2013 : vector<16xf32>
        %mul3A_2033 = arith.mulf %get3A_257, %get3A_2019 : vector<16xf32>
        %add3A_2034 = arith.addf %mul3A_2032, %mul3A_2033 : vector<16xf32>
        %mul3A_2035 = arith.mulf %get3A_263, %get3A_2025 : vector<16xf32>
        %add3A_2036 = arith.addf %add3A_2034, %mul3A_2035 : vector<16xf32>
        %mul3A_2037 = arith.mulf %get3A_269, %get3A_2031 : vector<16xf32>
        %add3A_2038 = arith.addf %add3A_2036, %mul3A_2037 : vector<16xf32>
        %jit3A_2039 = arith.constant 8 : i32
        %div3A_2040 = arith.divsi %add3A_2001, %jit3A_2039 : i32
        %sign3A_2041 = arith.constant 0 : i32
        %sign3A_2042 = arith.cmpi sgt, %add3A_2001, %sign3A_2041 : i32
        %sign3A_2043 = arith.extui %sign3A_2042 : i1 to i32
        %sign3A_2044 = arith.constant 0 : i32
        %sign3A_2045 = arith.cmpi slt, %add3A_2001, %sign3A_2044 : i32
        %sign3A_2046 = arith.extui %sign3A_2045 : i1 to i32
        %sign3A_2047 = arith.subi %sign3A_2043, %sign3A_2046 : i32
        %sign3A_2048 = arith.constant 0 : i32
        %sign3A_2049 = arith.cmpi sgt, %jit3A_2039, %sign3A_2048 : i32
        %sign3A_2050 = arith.extui %sign3A_2049 : i1 to i32
        %sign3A_2051 = arith.constant 0 : i32
        %sign3A_2052 = arith.cmpi slt, %jit3A_2039, %sign3A_2051 : i32
        %sign3A_2053 = arith.extui %sign3A_2052 : i1 to i32
        %sign3A_2054 = arith.subi %sign3A_2050, %sign3A_2053 : i32
        %ne3A_2055 = arith.cmpi ne, %sign3A_2047, %sign3A_2054 : i32
        %rem3A_2056 = arith.remsi %add3A_2001, %jit3A_2039 : i32
        %ne3A_2057 = arith.constant 0 : i32
        %ne3A_2058 = arith.cmpi ne, %rem3A_2056, %ne3A_2057 : i32
        %and3A_2059 = arith.andi %ne3A_2055, %ne3A_2058 : i1
        %sub3A_2060 = arith.constant 1 : i32
        %sub3A_2061 = arith.subi %div3A_2040, %sub3A_2060 : i32
        %select_n3A_2062 = arith.select %and3A_2059, %sub3A_2061, %div3A_2040 : i32
        %add3A_2063 = arith.addi %multiple_of3A_186, %select_n3A_2062 : i32
        %jit3A_2064 = arith.constant 8 : i32
        %eq3A_2065 = arith.constant 0 : i32
        %eq3A_2066 = arith.cmpi eq, %jit3A_2064, %eq3A_2065 : i32
        %jit3A_2067 = arith.constant 1 : i32
        %select_n3A_2068 = arith.select %eq3A_2066, %jit3A_2067, %jit3A_2064 : i32
        %rem3A_2069 = arith.remsi %add3A_2001, %select_n3A_2068 : i32
        %ne3A_2070 = arith.constant 0 : i32
        %ne3A_2071 = arith.cmpi ne, %rem3A_2069, %ne3A_2070 : i32
        %lt3A_2072 = arith.constant 0 : i32
        %lt3A_2073 = arith.cmpi slt, %rem3A_2069, %lt3A_2072 : i32
        %lt3A_2074 = arith.constant 0 : i32
        %lt3A_2075 = arith.cmpi slt, %select_n3A_2068, %lt3A_2074 : i32
        %ne3A_2076 = arith.xori %lt3A_2073, %lt3A_2075 : i1
        %and3A_2077 = arith.andi %ne3A_2076, %ne3A_2071 : i1
        %add3A_2078 = arith.addi %rem3A_2069, %select_n3A_2068 : i32
        %select_n3A_2079 = arith.select %and3A_2077, %add3A_2078, %rem3A_2069 : i32
        %mul3A_2080 = arith.constant 16 : i32
        %mul3A_2081 = arith.muli %select_n3A_2079, %mul3A_2080 : i32
        %swap3A_2082 = arith.index_cast %add3A_2063 : i32 to index
        %swap3A_2083 = arith.index_cast %mul3A_2081 : i32 to index
        %swap3A_2084 = tpu.vector_load %arg14[%swap3A_2082, %swap3A_2083] {strides = array<i32>} : memref<160x128xf32, #tpu.memory_space<vmem>>, vector<1x16xf32>,
        %swap3A_2085 = vector.shape_cast %swap3A_2084 : vector<1x16xf32> to vector<16xf32>
        %swap3A_2086 = vector.shape_cast %add3A_2038 : vector<16xf32> to vector<1x16xf32>
        tpu.vector_store %arg14[%swap3A_2082, %swap3A_2083], %swap3A_2086 {strides = array<i32>} : memref<160x128xf32, #tpu.memory_space<vmem>>, vector<1x16xf32>,
      }
      %scan3A_216 = arith.constant 13 : i32
      %mul3A_217 = arith.constant 80 : i32
      %mul3A_218 = arith.muli %add3A_44, %mul3A_217 : i32
      %dma_start3A_219 = arith.constant 0 : i32
      %dma_start3A_220 = tpu.memref_slice %arg14[%multiple_of3A_186, %dma_start3A_219] : memref<160x128xf32, #tpu.memory_space<vmem>> -> memref<80x128xf32, #tpu.memory_space<vmem>>
      %dma_start3A_221 = arith.constant 0 : i32
      %dma_start3A_222 = tpu.memref_slice %arg7[%mul3A_218, %dma_start3A_221] : memref<40960x128xf32, #tpu.memory_space<hbm>> -> memref<80x128xf32, #tpu.memory_space<hbm>>
      %dma_start3A_223 = arith.constant 0 : i32
      %dma_start3A_224 = tpu.memref_slice %arg7[%mul3A_218, %dma_start3A_223] : memref<40960x128xf32, #tpu.memory_space<hbm>> -> memref<80x128xf32, #tpu.memory_space<hbm>>
      %dma_start3A_225 = arith.constant 0 : i32
      %dma_start3A_226 = tpu.memref_slice %arg14[%multiple_of3A_186, %dma_start3A_225] : memref<160x128xf32, #tpu.memory_space<vmem>> -> memref<80x128xf32, #tpu.memory_space<vmem>>
      tpu.enqueue_dma source(%dma_start3A_226 : memref<80x128xf32, #tpu.memory_space<vmem>>) target(%dma_start3A_224 : memref<80x128xf32, #tpu.memory_space<hbm>>) target_semaphore(%arg17 : memref<!tpu.dma_semaphore, #tpu.memory_space<semaphore_mem>>)
      %add3A_227 = arith.constant 1 : i32
      %add3A_228 = arith.addi %scan3A_41, %add3A_227 : i32
      %lt3A_229 = arith.constant 16 : i32
      %lt3A_230 = arith.cmpi slt, %add3A_228, %lt3A_229 : i32
      %convert_element_type3A_231 = arith.extui %lt3A_230 : i1 to i32
      %cond3A_232 = arith.constant 0 : i32
      %cond3A_233 = arith.cmpi ne, %convert_element_type3A_231, %cond3A_232 : i32
      scf.if %cond3A_233 {
        %add3A_234 = arith.constant 1 : i32
        %add3A_235 = arith.addi %add3A_44, %add3A_234 : i32
        %dma_wait3A_236 = arith.constant 0 : i32
        %dma_wait3A_237 = tpu.memref_slice %arg9[%multiple_of3A_78] : memref<2576xi32, #tpu.memory_space<vmem>> -> memref<1280xi32, #tpu.memory_space<vmem>>
        %dma_wait3A_238 = arith.constant 0 : i32
        %dma_wait3A_239 = tpu.memref_slice %arg3[%add3A_235, %dma_wait3A_236, %dma_wait3A_238] : memref<512x1x1280xi32, #tpu.memory_space<hbm>> -> memref<1x1x1280xi32, #tpu.memory_space<hbm>>
        %dma_wait3A_240 = tpu.memref_squeeze %dma_wait3A_239 : memref<1x1x1280xi32, #tpu.memory_space<hbm>> -> memref<1280xi32, #tpu.memory_space<hbm>>
        %dma_wait3A_241 = tpu.memref_slice %arg9[%multiple_of3A_78] : memref<2576xi32, #tpu.memory_space<vmem>> -> memref<1280xi32, #tpu.memory_space<vmem>>
        %dma_wait3A_242 = arith.constant 0 : i32
        %dma_wait3A_243 = tpu.memref_slice %arg3[%add3A_235, %dma_wait3A_236, %dma_wait3A_242] : memref<512x1x1280xi32, #tpu.memory_space<hbm>> -> memref<1x1x1280xi32, #tpu.memory_space<hbm>>
        %dma_wait3A_244 = tpu.memref_squeeze %dma_wait3A_243 : memref<1x1x1280xi32, #tpu.memory_space<hbm>> -> memref<1280xi32, #tpu.memory_space<hbm>>
        tpu.wait_dma2 semaphore(%arg16 : memref<!tpu.dma_semaphore, #tpu.memory_space<semaphore_mem>>) src(%dma_wait3A_244 : memref<1280xi32, #tpu.memory_space<hbm>>) dst(%dma_wait3A_241 : memref<1280xi32, #tpu.memory_space<vmem>>)
      } else {
      }
    }
    %scan3A_8 = arith.constant 16 : i32
    %dma_wait3A = arith.constant 0 : i32
    %dma_wait3A_9 = arith.constant 0 : i32
    %dma_wait3A_10 = tpu.memref_slice %arg14[%dma_wait3A, %dma_wait3A_9] : memref<160x128xf32, #tpu.memory_space<vmem>> -> memref<80x128xf32, #tpu.memory_space<vmem>>
    %dma_wait3A_11 = arith.constant 0 : i32
    %dma_wait3A_12 = arith.constant 0 : i32
    %dma_wait3A_13 = tpu.memref_slice %arg7[%dma_wait3A_11, %dma_wait3A_12] : memref<40960x128xf32, #tpu.memory_space<hbm>> -> memref<80x128xf32, #tpu.memory_space<hbm>>
    %dma_wait3A_14 = arith.constant 0 : i32
    %dma_wait3A_15 = arith.constant 0 : i32
    %dma_wait3A_16 = tpu.memref_slice %arg7[%dma_wait3A_14, %dma_wait3A_15] : memref<40960x128xf32, #tpu.memory_space<hbm>> -> memref<80x128xf32, #tpu.memory_space<hbm>>
    %dma_wait3A_17 = arith.constant 0 : i32
    %dma_wait3A_18 = arith.constant 0 : i32
    %dma_wait3A_19 = tpu.memref_slice %arg14[%dma_wait3A_17, %dma_wait3A_18] : memref<160x128xf32, #tpu.memory_space<vmem>> -> memref<80x128xf32, #tpu.memory_space<vmem>>
    tpu.wait_dma2 semaphore(%arg17 : memref<!tpu.dma_semaphore, #tpu.memory_space<semaphore_mem>>) src(%dma_wait3A_19 : memref<80x128xf32, #tpu.memory_space<vmem>>) dst(%dma_wait3A_16 : memref<80x128xf32, #tpu.memory_space<hbm>>)
    %dma_wait3A_20 = arith.constant 0 : i32
    %dma_wait3A_21 = arith.constant 0 : i32
    %dma_wait3A_22 = tpu.memref_slice %arg14[%dma_wait3A_20, %dma_wait3A_21] : memref<160x128xf32, #tpu.memory_space<vmem>> -> memref<80x128xf32, #tpu.memory_space<vmem>>
    %dma_wait3A_23 = arith.constant 0 : i32
    %dma_wait3A_24 = arith.constant 0 : i32
    %dma_wait3A_25 = tpu.memref_slice %arg7[%dma_wait3A_23, %dma_wait3A_24] : memref<40960x128xf32, #tpu.memory_space<hbm>> -> memref<80x128xf32, #tpu.memory_space<hbm>>
    %dma_wait3A_26 = arith.constant 0 : i32
    %dma_wait3A_27 = arith.constant 0 : i32
    %dma_wait3A_28 = tpu.memref_slice %arg7[%dma_wait3A_26, %dma_wait3A_27] : memref<40960x128xf32, #tpu.memory_space<hbm>> -> memref<80x128xf32, #tpu.memory_space<hbm>>
    %dma_wait3A_29 = arith.constant 0 : i32
    %dma_wait3A_30 = arith.constant 0 : i32
    %dma_wait3A_31 = tpu.memref_slice %arg14[%dma_wait3A_29, %dma_wait3A_30] : memref<160x128xf32, #tpu.memory_space<vmem>> -> memref<80x128xf32, #tpu.memory_space<vmem>>
    tpu.wait_dma2 semaphore(%arg17 : memref<!tpu.dma_semaphore, #tpu.memory_space<semaphore_mem>>) src(%dma_wait3A_31 : memref<80x128xf32, #tpu.memory_space<vmem>>) dst(%dma_wait3A_28 : memref<80x128xf32, #tpu.memory_space<hbm>>)
    %mul3A_32 = arith.constant 64 : i32
    %mul3A_33 = arith.muli %add3A, %mul3A_32 : i32
    %dma_start3A = arith.constant 0 : i32
    %dma_start3A_34 = tpu.memref_slice %arg6[%mul3A_33, %dma_start3A] : memref<2048x128xf32, #tpu.memory_space<hbm>> -> memref<64x128xf32, #tpu.memory_space<hbm>>
    %dma_start3A_35 = arith.constant 0 : i32
    %dma_start3A_36 = tpu.memref_slice %arg6[%mul3A_33, %dma_start3A_35] : memref<2048x128xf32, #tpu.memory_space<hbm>> -> memref<64x128xf32, #tpu.memory_space<hbm>>
    tpu.enqueue_dma source(%arg13 : memref<64x128xf32, #tpu.memory_space<vmem>>) target(%dma_start3A_36 : memref<64x128xf32, #tpu.memory_space<hbm>>) target_semaphore(%arg15 : memref<!tpu.dma_semaphore, #tpu.memory_space<semaphore_mem>>)
    %dma_wait3A_37 = arith.constant 0 : i32
    %dma_wait3A_38 = tpu.memref_slice %arg6[%mul3A_33, %dma_wait3A_37] : memref<2048x128xf32, #tpu.memory_space<hbm>> -> memref<64x128xf32, #tpu.memory_space<hbm>>
    %dma_wait3A_39 = arith.constant 0 : i32
    %dma_wait3A_40 = tpu.memref_slice %arg6[%mul3A_33, %dma_wait3A_39] : memref<2048x128xf32, #tpu.memory_space<hbm>> -> memref<64x128xf32, #tpu.memory_space<hbm>>
    tpu.wait_dma2 semaphore(%arg15 : memref<!tpu.dma_semaphore, #tpu.memory_space<semaphore_mem>>) src(%arg13 : memref<64x128xf32, #tpu.memory_space<vmem>>) dst(%dma_wait3A_40 : memref<64x128xf32, #tpu.memory_space<hbm>>)
    return
  }
}

module attributes {stable_mosaic.version = 14 : i64} {
  func.func @body(%arg0: i32, %arg1: memref<128x128xf32, #tpu.memory_space<vmem>>, %arg2: memref<2560x128xf32, #tpu.memory_space<vmem>>, %arg3: memref<1x1xf32, #tpu.memory_space<vmem>>) attributes {dimension_semantics = [#tpu.dimension_semantics<arbitrary>], iteration_bounds = array<i64: 16>, scalar_prefetch = 0 : i64, scratch_operands = 0 : i64, tpu.core_type = #tpu.core_type<tc>, window_params = [{transform_indices = @transform_0, window_bounds = array<i64: 128, 128>}, {transform_indices = @transform_1, window_bounds = array<i64: 2560, 128>}, {pipeline_mode = #tpu.pipeline_mode<synchronous>, transform_indices = @transform_2, window_bounds = array<i64: 1, 1>}]} {
    %iota3A = tpu.iota {dimensions = array<i32: 0>} : vector<128x8xi32>
    %jit3A = arith.constant 16 : i32
    %div3A = vector.broadcast %jit3A : i32 to vector<128x8xi32>
    %div3A_0 = arith.divsi %iota3A, %div3A : vector<128x8xi32>
    %sign3A = arith.constant 0 : i32
    %sign3A_1 = vector.broadcast %sign3A : i32 to vector<128x8xi32>
    %sign3A_2 = arith.cmpi sgt, %iota3A, %sign3A_1 : vector<128x8xi32>
    %sign3A_3 = arith.extui %sign3A_2 : vector<128x8xi1> to vector<128x8xi32>
    %sign3A_4 = arith.constant 0 : i32
    %sign3A_5 = vector.broadcast %sign3A_4 : i32 to vector<128x8xi32>
    %sign3A_6 = arith.cmpi slt, %iota3A, %sign3A_5 : vector<128x8xi32>
    %sign3A_7 = arith.extui %sign3A_6 : vector<128x8xi1> to vector<128x8xi32>
    %sign3A_8 = arith.subi %sign3A_3, %sign3A_7 : vector<128x8xi32>
    %sign3A_9 = arith.constant 0 : i32
    %sign3A_10 = arith.cmpi sgt, %jit3A, %sign3A_9 : i32
    %sign3A_11 = arith.extui %sign3A_10 : i1 to i32
    %sign3A_12 = arith.constant 0 : i32
    %sign3A_13 = arith.cmpi slt, %jit3A, %sign3A_12 : i32
    %sign3A_14 = arith.extui %sign3A_13 : i1 to i32
    %sign3A_15 = arith.subi %sign3A_11, %sign3A_14 : i32
    %ne3A = vector.broadcast %sign3A_15 : i32 to vector<128x8xi32>
    %ne3A_16 = arith.cmpi ne, %sign3A_8, %ne3A : vector<128x8xi32>
    %rem3A = vector.broadcast %jit3A : i32 to vector<128x8xi32>
    %rem3A_17 = arith.remsi %iota3A, %rem3A : vector<128x8xi32>
    %ne3A_18 = arith.constant 0 : i32
    %ne3A_19 = vector.broadcast %ne3A_18 : i32 to vector<128x8xi32>
    %ne3A_20 = arith.cmpi ne, %rem3A_17, %ne3A_19 : vector<128x8xi32>
    %and3A = arith.andi %ne3A_16, %ne3A_20 : vector<128x8xi1>
    %sub3A = arith.constant 1 : i32
    %sub3A_21 = vector.broadcast %sub3A : i32 to vector<128x8xi32>
    %sub3A_22 = arith.subi %div3A_0, %sub3A_21 : vector<128x8xi32>
    %select_n3A = arith.select %and3A, %sub3A_22, %div3A_0 : vector<128x8xi1>, vector<128x8xi32>
    %iota3A_23 = tpu.iota {dimensions = array<i32: 1>} : vector<128x8xi32>
    %eq3A = arith.cmpi eq, %select_n3A, %iota3A_23 : vector<128x8xi32>
    %convert_element_type3A = arith.extui %eq3A : vector<128x8xi1> to vector<128x8xi32>
    %convert_element_type3A_24 = arith.sitofp %convert_element_type3A : vector<128x8xi32> to vector<128x8xf32>
    %get3A = arith.constant 0 : index
    %get3A_25 = arith.constant 0 : index
    %get3A_26 = vector.load %arg1[%get3A, %get3A_25] : memref<128x128xf32, #tpu.memory_space<vmem>>, vector<128x128xf32>
    %dot_general3A = arith.constant dense<0.000000e+00> : vector<128x8xf32>
    %dot_general3A_27 = tpu.matmul %get3A_26, %convert_element_type3A_24, %dot_general3A {dimension_numbers = #tpu.dot_dimension_numbers<[1], [0], [0], [1], [0, 0, 1, 1], [], []>, transpose_lhs_hint = false} : vector<128x128xf32>, vector<128x8xf32>, vector<128x8xf32> -> vector<128x8xf32>
    %get3A_28 = arith.constant 0 : index
    %get3A_29 = arith.constant 0 : index
    %get3A_30 = vector.load %arg2[%get3A_28, %get3A_29] : memref<2560x128xf32, #tpu.memory_space<vmem>>, vector<2560x128xf32>
    %dot_general3A_31 = arith.constant dense<0.000000e+00> : vector<2560x8xf32>
    %dot_general3A_32 = tpu.matmul %get3A_30, %convert_element_type3A_24, %dot_general3A_31 {dimension_numbers = #tpu.dot_dimension_numbers<[1], [0], [0], [1], [0, 0, 1, 1], [], []>, transpose_lhs_hint = false} : vector<2560x128xf32>, vector<128x8xf32>, vector<2560x8xf32> -> vector<2560x8xf32>
    %min3A = arith.constant 0.000000e+00 : f32
    %min3A_33 = vector.broadcast %min3A : f32 to vector<128x8xf32>
    %min3A_34 = arith.minimumf %dot_general3A_27, %min3A_33 : vector<128x8xf32>
    %abs3A = math.absf %dot_general3A_27 : vector<128x8xf32>
    %neg3A = arith.constant 0.000000e+00 : f32
    %neg3A_35 = vector.broadcast %neg3A : f32 to vector<128x8xf32>
    %neg3A_36 = arith.subf %neg3A_35, %abs3A : vector<128x8xf32>
    %exp3A = math.exp %neg3A_36 : vector<128x8xf32>
    %log1p3A = math.log1p %exp3A : vector<128x8xf32>
    %sub3A_37 = arith.subf %min3A_34, %log1p3A : vector<128x8xf32>
    %neg3A_38 = arith.constant 0.000000e+00 : f32
    %neg3A_39 = vector.broadcast %neg3A_38 : f32 to vector<2560x8xf32>
    %neg3A_40 = arith.subf %neg3A_39, %dot_general3A_32 : vector<2560x8xf32>
    %min3A_41 = arith.constant 0.000000e+00 : f32
    %min3A_42 = vector.broadcast %min3A_41 : f32 to vector<2560x8xf32>
    %min3A_43 = arith.minimumf %neg3A_40, %min3A_42 : vector<2560x8xf32>
    %abs3A_44 = math.absf %dot_general3A_32 : vector<2560x8xf32>
    %neg3A_45 = arith.constant 0.000000e+00 : f32
    %neg3A_46 = vector.broadcast %neg3A_45 : f32 to vector<2560x8xf32>
    %neg3A_47 = arith.subf %neg3A_46, %abs3A_44 : vector<2560x8xf32>
    %exp3A_48 = math.exp %neg3A_47 : vector<2560x8xf32>
    %log1p3A_49 = math.log1p %exp3A_48 : vector<2560x8xf32>
    %sub3A_50 = arith.subf %min3A_43, %log1p3A_49 : vector<2560x8xf32>
    %reduce_sum3A = vector.shape_cast %sub3A_37 : vector<128x8xf32> to vector<1x128x8xf32>
    %reduce_sum3A_51 = arith.constant dense<0.000000e+00> : vector<1xf32>
    %reduce_sum3A_52 = vector.multi_reduction <add>, %reduce_sum3A, %reduce_sum3A_51 [1, 2] : vector<1x128x8xf32> to vector<1xf32>
    %reduce_sum3A_53 = vector.shape_cast %reduce_sum3A_52 : vector<1xf32> to vector<1x1x1xf32>
    %reduce_sum3A_54 = vector.extract %reduce_sum3A_53[0, 0, 0] : f32 from vector<1x1x1xf32>
    %reduce_sum3A_55 = vector.shape_cast %sub3A_50 : vector<2560x8xf32> to vector<1x2560x8xf32>
    %reduce_sum3A_56 = arith.constant dense<0.000000e+00> : vector<1xf32>
    %reduce_sum3A_57 = vector.multi_reduction <add>, %reduce_sum3A_55, %reduce_sum3A_56 [1, 2] : vector<1x2560x8xf32> to vector<1xf32>
    %reduce_sum3A_58 = vector.shape_cast %reduce_sum3A_57 : vector<1xf32> to vector<1x1x1xf32>
    %reduce_sum3A_59 = vector.extract %reduce_sum3A_58[0, 0, 0] : f32 from vector<1x1x1xf32>
    %add3A = arith.addf %reduce_sum3A_54, %reduce_sum3A_59 : f32
    %eq3A_60 = arith.constant 0 : i32
    %eq3A_61 = arith.cmpi eq, %arg0, %eq3A_60 : i32
    %convert_element_type3A_62 = arith.extui %eq3A_61 : i1 to i32
    %cond3A = arith.constant 0 : i32
    %cond3A_63 = arith.cmpi ne, %convert_element_type3A_62, %cond3A : i32
    scf.if %cond3A_63 {
      %broadcast_in_dim3A = arith.constant 0.000000e+00 : f32
      %broadcast_in_dim3A_74 = vector.broadcast %broadcast_in_dim3A : f32 to vector<1x1xf32>
      %swap3A_75 = arith.constant 0 : index
      %swap3A_76 = arith.constant 0 : index
      %swap3A_77 = vector.load %arg3[%swap3A_75, %swap3A_76] : memref<1x1xf32, #tpu.memory_space<vmem>>, vector<1x1xf32>
      tpu.vector_store %arg3[%swap3A_75, %swap3A_76], %broadcast_in_dim3A_74 {strides = array<i32>} : memref<1x1xf32, #tpu.memory_space<vmem>>, vector<1x1xf32>,
    } else {
    }
    %get3A_64 = arith.constant 0 : index
    %get3A_65 = arith.constant 0 : index
    %get3A_66 = vector.load %arg3[%get3A_64, %get3A_65] : memref<1x1xf32, #tpu.memory_space<vmem>>, vector<1x1xf32>
    %neg3A_67 = arith.constant 0.000000e+00 : f32
    %neg3A_68 = arith.subf %neg3A_67, %add3A : f32
    %div3A_69 = arith.constant 1.638400e+04 : f32
    %div3A_70 = arith.divf %neg3A_68, %div3A_69 : f32
    %reshape3A = vector.broadcast %div3A_70 : f32 to vector<1x1xf32>
    %add3A_71 = arith.addf %get3A_66, %reshape3A : vector<1x1xf32>
    %swap3A = arith.constant 0 : index
    %swap3A_72 = arith.constant 0 : index
    %swap3A_73 = vector.load %arg3[%swap3A, %swap3A_72] : memref<1x1xf32, #tpu.memory_space<vmem>>, vector<1x1xf32>
    tpu.vector_store %arg3[%swap3A, %swap3A_72], %add3A_71 {strides = array<i32>} : memref<1x1xf32, #tpu.memory_space<vmem>>, vector<1x1xf32>,
    return
  }
  func.func @transform_0(%arg0: i32) -> (i32, i32) {
    %c0_i32 = arith.constant 0 : i32
    %c0_i32_0 = arith.constant 0 : i32
    return %arg0, %c0_i32 : i32, i32
  }
  func.func @transform_1(%arg0: i32) -> (i32, i32) {
    %c0_i32 = arith.constant 0 : i32
    %c0_i32_0 = arith.constant 0 : i32
    return %arg0, %c0_i32 : i32, i32
  }
  func.func @transform_2(%arg0: i32) -> (i32, i32) {
    %c0_i32 = arith.constant 0 : i32
    %c0_i32_0 = arith.constant 0 : i32
    %c0_i32_1 = arith.constant 0 : i32
    return %c0_i32, %c0_i32_0 : i32, i32
  }
}

</mosaic_0001>

<sc_bundles>
// kernel: kernel.4.cloned.1.call-start
scs
__scs_entry_jumppad:
0x0: {  	(pc) =	sbr.rel $0x88, $3  }
0x1: {  	(tag) =	ssettag $0x0;
	lr =	simm.s32 $0x1  }
0x2: {  	[smem:$0x3F9C] =	sst lr;
	_ =	strace $0xD0000000  }
0x3: {  	_ = 	snop  }
0x4: {  	_ = 	snop  }
0x5: {  	_ = 	snop  }
0x6: {  	_ = 	snop  }
0x7: {  	_ = 	snop  }
__scs_overlays_trampoline_lowered:
0x8: {  	[smem:$0x3FAB] =	sst s0  }
0x9: {  	[smem:$0x3FAC] =	sst s1  }
0xa: {  	[smem:$0x3FAD] =	sst s2  }
0xb: {  	[smem:$0x3FAE] =	sst s3  }
0xc: {  	[smem:$0x3FAF] =	sst s4  }
0xd: {  	[smem:$0x3FB0] =	sst s5  }
0xe: {  	[smem:$0x3FB1] =	sst s6  }
0xf: {  	[smem:$0x3FB2] =	sst s7  }
0x10: {  	[smem:$0x3FB3] =	sst s8  }
0x11: {  	[smem:$0x3FB4] =	sst s9;
	s0 =	simm.s32 @!p0 $0x0  }
0x12: {  	s1 =	sld [smem:$0x3F9A];
	s0 =	simm.s32 @p0 $0x1  }
0x13: {  	[smem:$0x3FB5] =	sst s0;
	s0 =	simm.s32 @!p1 $0x0  }
0x14: {  	s2 =	sld [smem:$0x3F99];
	s0 =	simm.s32 @p1 $0x1  }
0x15: {  	[smem:$0x3FB6] =	sst s0;
	s0 =	simm.s32 @!p2 $0x0  }
0x16: {  	s3 =	sld [smem:$0x3FDB];
	s0 =	simm.s32 @p2 $0x1  }
0x17: {  	s4 =	simm.s32 $0x1BF5;
	[smem:$0x3FB8] =	sst s0  }
0x18: {  	s0 =	sld [smem:$0x3F9B];
	_ =	swait.ge [sflag:s4], $0x0  }
0x19: {  	s7 =	sld [smem:$0x3F9C]  }
0x1a: {  	s8 =	sadd.s32 $0xFFFFE003, lr  }
0x1b: {  	s9 =	sadd.s32 $0xFFFFFEF7, lr;
	s5 =	simm.s32 $0xFFFFFFFF;
	p2 =	slt.u32 s8, $0xFFFFF086  }
0x1c: {  	p1 =	slt.u32 s9, $0xF7A;
	s5 =	simm.s32 @!p2 $0x0  }
0x1d: {  	s5 =	simm.s32 @p1 $0x1;
	p0 =	seq.s32 s7, s2  }
0x1e: {  	s7 =	smul.u32 @!p0 $0xF7A, s2;
	p2 =	seq.s32 @!p0 s5, $0x0  }
0x1f: {  	s9 =	smul.u32 $0xF7A, s1;
	s8 =	simm.s32 @!p0 $0x1BF5;
	p2 =	por !p2, p0  }
0x20: {  	[sflag:s8] =	ssyncset.s32 @!p0 $0xFFFFF086;
	s6 =	sadd.s32 @!p0 s3, s7;
	s7 =	simm.s32 @!p0 $0x108  }
0x21: {  	s3 =	sadd.s32 s3, s9;
	s6 =	sadd.s32 @!p0 $0x88, s6;
	s7 =	simm.s32 @p2 $0x1082  }
0x22: {  	[simem:s7], [sflag:s8] =	dma.local @!p0 [hbm:s6], $0xF7A  }
0x23: {  	s9 =	sor.u32 $0xD0000000, s2;
	s6 =	simm.s32 $0x108;
	_ =	swait.ge @!p0 [sflag:s8], $0x0  }
0x24: {  	s3 =	sadd.s32 $0x88, s3;
	s6 =	simm.s32 @!p1 $0x1082;
	[sflag:s4] =	ssyncset.s32 $0xFFFFF086  }
0x25: {  	[simem:s6], [sflag:s4] =	dma.local [hbm:s3], $0xF7A  }
0x26: {  	[smem:$0x3F9C] =	sst s1;
	(tag) =	ssettag s2;
	_ =	strace s9  }
0x27: {  	s1 =	sld [smem:$0x3FAC]  }
0x28: {  	s2 =	sld [smem:$0x3FAD]  }
0x29: {  	s4 =	sld [smem:$0x3FAF]  }
0x2a: {  	p0 =	seq.s32 s5, $0x0;
	s5 =	sld [smem:$0x3FB0]  }
0x2b: {  	s6 =	sld [smem:$0x3FB1]  }
0x2c: {  	s7 =	sld [smem:$0x3FB2]  }
0x2d: {  	s3 =	simm.s32 $0x108;
	s8 =	sld [smem:$0x3FB3]  }
0x2e: {  	s3 =	simm.s32 @!p0 $0x1082;
	s9 =	sld [smem:$0x3FB4]  }
0x2f: {  	lr =	sadd.s32 s0, s3;
	s0 =	sld [smem:$0x3FAB]  }
0x30: {  	s3 =	sld [smem:$0x3FAE]  }
0x31: {  	[smem:$0x3FB7] =	sst s10  }
0x32: {  	s10 =	sld [smem:$0x3FB5];
	_ =	sdelay $0x3  }
0x33: {  	p0 =	seq.s32 s10, $0x1;
	s10 =	sld [smem:$0x3FB7];
	_ =	sdelay $0x3  }
0x34: {  	[smem:$0x3FB7] =	sst s10  }
0x35: {  	s10 =	sld [smem:$0x3FB6];
	_ =	sdelay $0x3  }
0x36: {  	p1 =	seq.s32 s10, $0x1;
	s10 =	sld [smem:$0x3FB7];
	_ =	sdelay $0x3  }
0x37: {  	[smem:$0x3FB7] =	sst s10  }
0x38: {  	s10 =	sld [smem:$0x3FB8]  }
0x39: {  	_ = 	snop;
	(pc) =	sbr.ind lr, $3  }
0x3a: {  	_ = 	snop  }
0x3b: {  	_ = 	snop  }
0x3c: {  	p2 =	seq.s32 s10, $0x1;
	s10 =	sld [smem:$0x3FB7]  }
0x3d: {  	_ =	shalt  }
0x3e: {  	_ =	shalt  }
0x3f: {  	_ =	shalt  }
0x40: {  	_ =	shalt  }
0x41: {  	_ =	shalt  }
0x42: {  	_ =	shalt  }
0x43: {  	_ =	shalt  }
0x44: {  	_ =	shalt  }
0x45: {  	_ =	shalt  }
0x46: {  	_ =	shalt  }
0x47: {  	_ =	shalt  }
0x48: {  	_ =	shalt  }
0x49: {  	_ =	shalt  }
0x4a: {  	_ =	shalt  }
0x4b: {  	_ =	shalt  }
0x4c: {  	_ =	shalt  }
0x4d: {  	_ =	shalt  }
0x4e: {  	_ =	shalt  }
0x4f: {  	_ =	shalt  }
0x50: {  	_ =	shalt  }
0x51: {  	_ =	shalt  }
0x52: {  	_ =	shalt  }
0x53: {  	_ =	shalt  }
0x54: {  	_ =	shalt  }
0x55: {  	_ =	shalt  }
0x56: {  	_ =	shalt  }
0x57: {  	_ =	shalt  }
0x58: {  	_ =	shalt  }
0x59: {  	_ =	shalt  }
0x5a: {  	_ =	shalt  }
0x5b: {  	_ =	shalt  }
0x5c: {  	_ =	shalt  }
0x5d: {  	_ =	shalt  }
0x5e: {  	_ =	shalt  }
0x5f: {  	_ =	shalt  }
0x60: {  	_ =	shalt  }
0x61: {  	_ =	shalt  }
0x62: {  	_ =	shalt  }
0x63: {  	_ =	shalt  }
0x64: {  	_ =	shalt  }
0x65: {  	_ =	shalt  }
0x66: {  	_ =	shalt  }
0x67: {  	_ =	shalt  }
0x68: {  	_ =	shalt  }
0x69: {  	_ =	shalt  }
0x6a: {  	_ =	shalt  }
0x6b: {  	_ =	shalt  }
0x6c: {  	_ =	shalt  }
0x6d: {  	_ =	shalt  }
0x6e: {  	_ =	shalt  }
0x6f: {  	_ =	shalt  }
0x70: {  	_ =	shalt  }
0x71: {  	_ =	shalt  }
0x72: {  	_ =	shalt  }
0x73: {  	_ =	shalt  }
0x74: {  	_ =	shalt  }
0x75: {  	_ =	shalt  }
0x76: {  	_ =	shalt  }
0x77: {  	_ =	shalt  }
0x78: {  	_ =	shalt  }
0x79: {  	_ =	shalt  }
0x7a: {  	_ =	shalt  }
0x7b: {  	_ =	shalt  }
0x7c: {  	_ =	shalt  }
0x7d: {  	_ =	shalt  }
0x7e: {  	_ =	shalt  }
0x7f: {  	_ =	shalt  }
0x80: {  	_ =	shalt  }
0x81: {  	_ =	shalt  }
0x82: {  	_ =	shalt  }
0x83: {  	_ =	shalt  }
0x84: {  	_ =	shalt  }
0x85: {  	_ =	shalt  }
0x86: {  	_ =	shalt  }
0x87: {  	_ =	shalt  }
.Lfunc_end0:
.L_simem_size_0:
called_computation_lowered:
.L_overlay_start_0:
0x88: {  	s2 =	sld [smem:$0x3FD9]  }
0x89: {  	s3 =	sld [smem:$0x3FFE];
	_ =	sdelay $0x1  }
0x8a: {  	s1 =	srdreg.scid  }
0x8b: {  	s0 =	sand.u32 $0x1, s1  }
0x8c: {  	s16 =	sshll.u32 s0, $0xA;
	s2 =	sadd.s32 s3, s2  }
0x8d: {  	s2 =	sadd.s32 s2, s16  }
0x8e: {  	[smem:$0x3FC3] =	sst s2  }
0x8f: {  	_ = 	snop  }
0x90: {  	(tm) =	ssettm $0x1  }
0x91: {  	s17 =	sld [smem:$0x3FFB];
	_ =	sdelay $0x3  }
0x92: {  	_ =	strace s17  }
0x93: {  	s2 =	sld [smem:$0x3FFC];
	_ =	sdelay $0x3  }
0x94: {  	_ =	strace s2  }
0x95: {  	s2 =	sld [smem:$0x3FFD];
	_ =	sdelay $0x3  }
0x96: {  	_ =	strace s2  }
0x97: {  	_ =	strace $0x8FFFFFFF  }
0x98: {  	s18 =	sld [smem:$0x3FDB];
	_ =	sdelay $0x1  }
0x99: {  	s19 =	simm.s32 $_scs_section_size  }
0x9a: {  	s4 =	simm.s32 $_size__tile_overlayer_lowered;
	s5 =	simm.s32 $_tile_overlayer_lowered  }
0x9b: {  	s22 =	simm.s32 $0x1BFF;
	s21 =	sshll.u32 s5, $0x1;
	s2 =	sadd.s32 s19, s18  }
0x9c: {  	s6 =	simm.s32 $0x0;
	s20 =	sshll.u32 s4, $0x1;
	s4 =	sadd.s32 s21, s2  }
0x9d: {  	[timem:s6], [sflag:s22] =	dma.local [hbm:s4], s20  }
0x9e: {  	_ =	swait.ge [sflag:s22], s20  }
0x9f: {  	s3 =	ssub.s32 $0x0, s20;
	[sflag:s22] =	ssyncset.done $0x0  }
0xa0: {  	[sflag:s22] =	ssyncadd.s32 s3;
	_ =	sdelay $0x1  }
0xa1: {  	s23 =	simm.s32 $0x1B8B  }
0xa2: {  	_ =	swait.ge [sflag:s23], $0x1  }
0xa3: {  	[sflag:s23] =	ssyncset.done $0x0  }
0xa4: {  	s25 =	simm.s32 $0x1B8E;
	s24 =	sld [smem:$0x3FFE];
	[sflag:s23] =	ssyncadd.s32 $0xFFFFFFFF  }
0xa5: {  	s26 =	simm.s32 $execute0_lowered;
	[smem:$0x3FD2] =	sst s25  }
0xa6: {  	s4 =	sshll.u32 s26, $0x1;
	_ =	strace $0x80000046;
	[dreg:$0x1] =	wrdreg $0xFFFFFFFF  }
0xa7: {  	s28 =	simm.s32 $_size_execute0_lowered;
	s2 =	sadd.s32 s2, s4;
	[dreg:$0x0] =	wrdreg $0x0  }
0xa8: {  	s4 =	sshll.u32 s28, $0x1;
	[dreg:$0x2] =	wrdreg s2  }
0xa9: {  	[dreg:$0x3] =	wrdreg s4  }
0xaa: {  	[dreg:$0x4] =	wrdreg $0xC0  }
0xab: {  	_ =	task [dreg:s6], $0x5FFFF  }
0xac: {  	[dreg:$0x1] =	wrdreg $0xFFFFFFFF  }
0xad: {  	[dreg:$0x0] =	wrdreg $0x60  }
0xae: {  	[dreg:$0x2] =	wrdreg s24  }
0xaf: {  	[dreg:$0x3] =	wrdreg $0x9  }
0xb0: {  	_ =	task.clear_ibuf [dreg:s6], $0x4FFFF;
	_ =	strace $0x90000046  }
0xb1: {  	s29 =	simm.s32 $0x9;
	_ =	strace $0x80000048  }
0xb2: {  	_ =	swait.ge [sflag:s29], $0x1  }
0xb3: {  	[sflag:s29] =	ssyncadd.s32 $0xFFFFFFFF  }
0xb4: {  	_ =	strace $0x90000048  }
0xb5: {  	_ =	sfence  }
0xb6: {  	s30 =	sld [smem:$0x0];
	_ =	sdelay $0x2  }
0xb7: {  	s31 =	sshll.u32 s1, $0xD;
	s1 =	sshrl.u32 s1, $0x2  }
0xb8: {  	s3 =	sand.u32 $0x4000, s31;
	s1 =	sadd.s32 s1, s30  }
0xb9: {  	s0 =	sor.u32 s3, s0;
	s1 =	sshll.u32 s1, $0x11  }
0xba: {  	s0 =	sor.u32 s1, s0  }
0xbb: {  	s0 =	sadd.s32 $0x8F2B, s0  }
0xbc: {  	[sflag:s0] =	ssyncadd.remote.s32 $0x1  }
0xbd: {  	_ =	sfence.sel $0xFFFF  }
0xbe: {  	[dreg:$0x0] =	wrdreg $0xFFFFFFFF;
	(pc) =	sbr.abs _section_cstart, $3  }
0xbf: {  	[dreg:$0x1] =	wrdreg $0xFFFFFFFF  }
0xc0: {  	_ =	task.clear_ibuf [dreg:s6], $0x2FFFF;
	_ =	strace $0x9FFFFFFF  }
0xc1: {  	(tm) =	ssettm $0x7FFFFFFF  }
tec
execute0_lowered:
.L_overlay_start_1:
0x0: {  	(tag) =	ssettag $0x1  }
0x1: {  	s0 =	srdreg.scid  }
0x2: {  	s2 =	stileid.u32;
	s1 =	rddreg [dreg:$0x0];
	s6 =	simm.s32 $0x0  }
0x3: {  	s0 =	sand.u32 $0x1, s0;
	s2 =	sshll.u32 s2, $0x1;
	[smem:$0x7FF] =	sst s6  }
0x4: {  	s8 =	sadd.s32 $0x9C00, s1;
	s4 =	sadd.s32 $0xF60000, s1;
	s5 =	sadd.s32 $0x1701200, s1  }
0x5: {  	s2 =	sor.u32 s0, s2;
	_ =	strace $0x80000047;
	[dreg:$0x4] =	wrdreg s4  }
0x6: {  	[dreg:$0x3] =	wrdreg s8;
	s3 =	sshll.u32 s2, $0x8;
	s25 =	sshll.u32 s2, $0xA  }
0x7: {  	s7 =	smul.u32 $0xA00, s2;
	s29 =	sshll.u32 s2, $0x4;
	s3 =	sadd.s32 s3, s1  }
0x8: {  	s4 =	sadd.s32 s25, s1;
	s1 =	sadd.s32 $0x1DC00, s1;
	[dreg:$0x7] =	wrdreg s29  }
0x9: {  	s0 =	ssub.s32 $0x2, s0;
	[dreg:$0x5] =	wrdreg s1;
	s28 =	sadd.s32 $0x1C00, s3  }
0xa: {  	s26 =	sshrl.u32 s0, $0x1;
	s30 =	sadd.s32 s8, s7;
	[dreg:$0x6] =	wrdreg s28  }
0xb: {  	s0 =	ssub.s32 s0, s26;
	s31 =	sadd.s32 $0xBDC00, s4;
	[dreg:$0x8] =	wrdreg s30  }
0xc: {  	s0 =	smax.u32 s0, $0x1;
	[dreg:$0x9] =	wrdreg s31  }
0xd: {  	s14 =	simm.s32 $0x1;
	s1 =	simm.s32 $0x0;
	[dreg:$0xa] =	wrdreg s0  }
.LBB2_1:
0xe: {  	[dreg:$0xb] =	wrdreg s1  }
0xf: {  	s0 =	rddreg [dreg:$0x6];
	s26 =	simm.s32 $0x4  }
0x10: {  	[tilespmem:s6], [sflag:$0x4] =	stream.linear.gather [hbm4b:s0+s6], $0x800, $0x38;
	[tilespmem:$0x1E280] =	vst v63  }
0x11: {  	_ =	swait.ge [sflag:s26], $0x800  }
0x12: {  	[sflag:s26] =	ssyncset.done $0x0  }
0x13: {  	s2 =	simm.s32 $0x800;
	s28 =	rddreg [dreg:$0x8];
	[sflag:s26] =	ssyncadd.s32 $0xFFFFF800  }
0x14: {  	[tilespmem:s2], [sflag:$0x4] =	stream.linear.gather [hbm4b:s28+s6], $0x500, $0x38;
	[tilespmem:$0x1E280] =	vst v63  }
0x15: {  	p0 =	por $0x0, $0x0;
	s17 =	simm.s32 $0x60;
	_ =	swait.ge [sflag:s26], $0x500  }
0x16: {  	s29 =	simm.s32 $0x73;
	s30 =	simm.s32 $0x0;
	[sflag:s26] =	ssyncset.done $0x0  }
0x17: {  	s31 =	simm.s32 $0x0;
	s1 =	simm.s32 $0x0;
	[sflag:s26] =	ssyncadd.s32 $0xFFFFFB00  }
.LBB2_2:
0x18: {  	s0 =	rddreg [dreg:$0x7]  }
0x19: {  	p1 =	seq.s32 s1, $0xF;
	s0 =	sadd.s32 s0, s1  }
0x1a: {  	s10 =	sadd.s32 $0x1, s1;
	s13 =	sand.u32 $0x1, s1;
	s2 =	smul.u32 @!p1 $0x500, s0  }
0x1b: {  	s6 =	simm.s32 $0x20;
	s3 =	sand.u32 @!p1 $0x1, s10;
	[dreg:$0xc] =	wrdreg s0  }
0x1c: {  	p2 =	seq.s32 @!p1 s3, $0x1;
	s0 =	rddreg [dreg:$0x3];
	s2 =	sshrl.u32 @!p1 s2, $0x3  }
0x1d: {  	s3 =	simm.s32 @!p1 $0xD00;
	p2 =	por !p2, p1;
	s2 =	sadd.s32 @!p1 s0, s2  }
0x1e: {  	s4 =	simm.s32 @!p1 $0x0;
	s3 =	simm.s32 @p2 $0x800;
	s2 =	sadd.s32 @!p1 $0xA0, s2  }
0x1f: {  	[tilespmem:s3], [sflag:$0x2] =	stream.linear.gather @!p1 [hbm4b:s2+s4], $0x500, $0x38;
	[tilespmem:$0x1E280] =	vst v63  }
0x20: {  	s7 =	simm.s32 $0x1280;
	s9 =	simm.s32 $0x2280;
	s3 =	sshll.u32 s1, $0x7  }
0x21: {  	s8 =	smul.u32 $0x1400, s13;
	s4 =	rddreg [dreg:$0x4];
	s2 =	sand.u32 $0x3FFFFF80, s3  }
0x22: {  	[tilespmem:s7], [sflag:$0x1] =	stream.indirect.gather [hbm4b:s4+s6], $0x80, s2, s6, $0xb8;
	[tilespmem:$0x1E280] =	vst v63  }
0x23: {  	s15 =	simm.s32 $0x80;
	s11 =	sshrl.u32 s8, $0x2;
	s2 =	sor.u32 $0x40, s2  }
0x24: {  	[tilespmem:s9], [sflag:$0x1] =	stream.indirect.gather [hbm4b:s5+s6], $0x80, s2, s6, $0xb8;
	[tilespmem:$0x1E280] =	vst v63  }
0x25: {  	s16 =	simm.s32 $0x3280;
	s12 =	smul.u32 $0x500, s13;
	s2 =	sor.u32 $0x800, s11  }
0x26: {  	[tilespmem:s16], [sflag:$0x1] =	stream.indirect.gather [hbm4b:s5+s15], $0x80, s2, s15, $0xb8;
	[tilespmem:$0x1E280] =	vst v63  }
0x27: {  	s19 =	simm.s32 $0x7280;
	s18 =	sadd.s32 $0x880, s12  }
0x28: {  	[tilespmem:s19], [sflag:$0x1] =	stream.indirect.gather [hbm4b:s5+s15], $0x80, s18, s15, $0xb8;
	[tilespmem:$0x1E280] =	vst v63  }
0x29: {  	s21 =	simm.s32 $0xB280;
	s20 =	sadd.s32 $0x900, s12  }
0x2a: {  	[tilespmem:s21], [sflag:$0x1] =	stream.indirect.gather [hbm4b:s5+s15], $0x80, s20, s15, $0xb8;
	[tilespmem:$0x1E280] =	vst v63  }
0x2b: {  	s23 =	simm.s32 $0xF280;
	s22 =	sadd.s32 $0x980, s12  }
0x2c: {  	[tilespmem:s23], [sflag:$0x1] =	stream.indirect.gather [hbm4b:s5+s15], $0x80, s22, s15, $0xb8;
	[tilespmem:$0x1E280] =	vst v63  }
0x2d: {  	s25 =	simm.s32 $0x13280;
	s24 =	sadd.s32 $0xA00, s12  }
0x2e: {  	[tilespmem:s25], [sflag:$0x1] =	stream.indirect.gather [hbm4b:s5+s15], $0x80, s24, s15, $0xb8;
	[tilespmem:$0x1E280] =	vst v63  }
0x2f: {  	_ =	swait.ge [sflag:s14], $0x1000  }
0x30: {  	[sflag:s14] =	ssyncset.done $0x0  }
0x31: {  	[sflag:s14] =	ssyncadd.s32 $0xFFFFF000  }
0x32: {  	_ =	swait.ge [sflag:s14], $0x1000  }
0x33: {  	[sflag:s14] =	ssyncset.done $0x0  }
0x34: {  	[sflag:s14] =	ssyncadd.s32 $0xFFFFF000  }
0x35: {  	_ =	swait.ge [sflag:s14], $0x4000  }
0x36: {  	[sflag:s14] =	ssyncset.done $0x0  }
0x37: {  	[sflag:s14] =	ssyncadd.s32 $0xFFFFC000  }
0x38: {  	s28 =	smov.u32 s17;
	s12 =	simm.s32 $0x130;
	_ =	swait.ge [sflag:s14], $0x4000  }
0x39: {  	p2 =	slt.u32 s1, $0x2;
	s2 =	simm.s32 $0x1;
	[sflag:s14] =	ssyncset.done $0x0  }
0x3a: {  	s9 =	smul.u32 $0x50, s13;
	s2 =	simm.s32 @!p0 $0x0;
	[sflag:s14] =	ssyncadd.s32 $0xFFFFC000  }
0x3b: {  	s4 =	simm.s32 @!p2 $0x3;
	s26 =	smul.u32 $0x1400, s2;
	_ =	swait.ge [sflag:s14], $0x4000  }
0x3c: {  	s16 =	simm.s32 $0x0;
	s7 =	smul.u32 $0x500, s2;
	[sflag:s14] =	ssyncset.done $0x0  }
0x3d: {  	s19 =	simm.s32 $0x0;
	s3 =	sshrl.u32 s26, $0x2;
	[sflag:s14] =	ssyncadd.s32 $0xFFFFC000  }
0x3e: {  	s26 =	simm.s32 $0x0;
	s20 =	simm.s32 $0x0;
	_ =	swait.ge @!p2 [sflag:s4], $0x2800  }
0x3f: {  	s21 =	simm.s32 $0x0;
	s11 =	sadd.s32 $0xA93, s3;
	[sflag:s4] =	ssyncset.done @!p2 $0x0  }
0x40: {  	s25 =	sadd.s32 $0xC0F, s3;
	s24 =	simm.s32 $0x0;
	[sflag:s4] =	ssyncadd.s32 @!p2 $0xFFFFD800  }
.LBB2_3:
0x41: {  	v0 =	vld [tilespmem:s28+$0xFFFFFFC0]  }
0x42: {  	v1 =	vld [tilespmem:s28+$0x0];
	_ =	sdelay $0x3  }
0x43: {  	(v2sf) =	vpush v0, $0x0  }
0x44: {  	(v2sf) =	vpush v1, $0x0;
	_ =	sdelay $0xd  }
0x45: {  	s23 =	sshra.s32 s16, $0x2;
	s2 =	spop (v2sf)  }
0x46: {  	s3 =	sand.u32 $0x7F, s2;
	s4 =	sshll.u32 s2, $0x2;
	s22 =	spop (v2sf)  }
0x47: {  	s0 =	sadd.s32 $0x10, s2;
	s8 =	sadd.s32 $0x20, s2;
	s2 =	sadd.s32 $0x30, s2  }
0x48: {  	s4 =	sand.u32 $0xFFFFFE00, s4;
	s3 =	sshll.u32 s3, $0x2;
	s6 =	sshll.u32 s0, $0x2  }
0x49: {  	s15 =	sand.u32 $0x7F, s8;
	s8 =	sshll.u32 s8, $0x2;
	s3 =	sor.u32 s3, s4  }
0x4a: {  	s4 =	sand.u32 $0x7F, s0;
	s6 =	sand.u32 $0xFFFFFE00, s6;
	s8 =	sand.u32 $0xFFFFFE00, s8  }
0x4b: {  	s18 =	sshll.u32 s15, $0x2;
	s0 =	sand.u32 $0x7F, s22;
	s3 =	sshra.s32 s3, $0x2  }
0x4c: {  	s4 =	sshll.u32 s4, $0x2;
	s15 =	sshll.u32 s0, $0x2;
	s0 =	sadd.s32 $0x10, s22  }
0x4d: {  	s4 =	sor.u32 s4, s6;
	s3 =	sadd.s32 s23, s3;
	s6 =	sor.u32 s18, s8  }
0x4e: {  	s8 =	sand.u32 $0x7F, s2;
	s2 =	sshll.u32 s2, $0x2;
	s18 =	sshll.u32 s22, $0x2  }
0x4f: {  	s4 =	sshra.s32 s4, $0x2;
	s6 =	sshra.s32 s6, $0x2;
	s2 =	sand.u32 $0xFFFFFE00, s2  }
0x50: {  	s18 =	sand.u32 $0xFFFFFE00, s18;
	s8 =	sshll.u32 s8, $0x2;
	s4 =	sadd.s32 s23, s4  }
0x51: {  	s15 =	sor.u32 s15, s18;
	s18 =	sand.u32 $0x7F, s0;
	s0 =	sshll.u32 s0, $0x2  }
0x52: {  	s6 =	sadd.s32 s23, s6;
	s0 =	sand.u32 $0xFFFFFE00, s0;
	s18 =	sshll.u32 s18, $0x2  }
0x53: {  	s2 =	sor.u32 s8, s2;
	s15 =	sshra.s32 s15, $0x2;
	s0 =	sor.u32 s18, s0  }
0x54: {  	s8 =	sadd.s32 s23, s15;
	s18 =	sadd.s32 $0x20, s22;
	s22 =	sadd.s32 $0x30, s22  }
0x55: {  	v0 =	vld [tilespmem:s3+$0x1280];
	s0 =	sshra.s32 s0, $0x2;
	s3 =	sand.u32 $0x7F, s18;
	s15 =	sshll.u32 s18, $0x2  }
0x56: {  	v1 =	vld [tilespmem:s4+$0x1280];
	s4 =	sand.u32 $0x7F, s22;
	s18 =	sand.u32 $0xFFFFFE00, s15;
	s3 =	sshll.u32 s3, $0x2  }
0x57: {  	v4 =	vld [tilespmem:s8+$0x2280];
	s0 =	sadd.s32 s23, s0;
	s15 =	sshll.u32 s22, $0x2;
	s3 =	sor.u32 s3, s18  }
0x58: {  	s4 =	sshll.u32 s4, $0x2;
	v5 =	vld [tilespmem:s0+$0x2280];
	s22 =	sand.u32 $0xFFFFFE00, s15;
	s18 =	sshra.s32 s3, $0x2  }
0x59: {  	v2 =	vld [tilespmem:s6+$0x1280];
	s2 =	sshra.s32 s2, $0x2;
	s3 =	sor.u32 s4, s22;
	s0 =	sadd.s32 s23, s18  }
0x5a: {  	s2 =	sadd.s32 s23, s2;
	s4 =	sshra.s32 s3, $0x2;
	v6 =	vld [tilespmem:s0+$0x2280]  }
0x5b: {  	v3 =	vld [tilespmem:s2+$0x1280];
	s0 =	sadd.s32 s23, s4  }
0x5c: {  	s6 =	sand.u32 $0x7, s21;
	v7 =	vld [tilespmem:s0+$0x2280]  }
0x5d: {  	p2 =	seq.s32 s31, s20;
	p3 =	sne.s32 s6, $0x0;
	v4 =	vmul.f32 v4, v0;
	v5 =	vmul.f32 v5, v1  }
0x5e: {  	p2 =	por !p2, !p3  }
0x5f: {  	s8 =	sadd.s32 s21, s30;
	s2 =	simm.s32 $0x1;
	p2 =	por !p2, !p2;
	v4 =	vadd.f32 v5, v4;
	v53 =	vmul.f32 v6, v2  }
0x60: {  	s2 =	simm.s32 @!p2 $0x0;
	s0 =	sshrl.u32 s8, $0x3  }
0x61: {  	s23 =	sadd.s32 s19, s7;
	s0 =	ssub.s32 s0, s2;
	v54 =	vmul.f32 v7, v3;
	v4 =	vadd.f32 v53, v4  }
0x62: {  	s15 =	sadd.s32 $0x280, s23;
	s0 =	sshll.u32 s0, $0x9  }
0x63: {  	s18 =	sand.u32 $0x70, s26;
	s2 =	sand.u32 $0x1F80, s15;
	s0 =	sshra.s32 s0, $0x2;
	v4 =	vadd.f32 v54, v4  }
0x64: {  	s22 =	sand.u32 $0x7C, s19;
	s3 =	sadd.s32 $0x800, s2;
	s0 =	sor.u32 s18, s0  }
0x65: {  	s6 =	sor.u32 s22, s3;
	[tilespmem:s0+$0x17280] =	vst v4  }
0x66: {  	v4 =	vld [tilespmem:s6+$0x0];
	_ =	sdelay $0x4  }
0x67: {  	(v2sf) =	vpush v4, $0x0;
	_ =	sdelay $0xe  }
0x68: {  	s0 =	spop (v2sf)  }
0x69: {  	s8 =	sshll.u32 s0, $0x2  }
0x6a: {  	s15 =	sand.u32 $0x7F, s0;
	s18 =	sadd.s32 $0x10, s0;
	s2 =	sand.u32 $0xFFFFFE00, s8  }
0x6b: {  	s4 =	sshll.u32 s15, $0x2;
	s22 =	sand.u32 $0x7F, s18;
	s6 =	sshll.u32 s18, $0x2  }
0x6c: {  	s15 =	sadd.s32 $0x20, s0;
	s0 =	sadd.s32 $0x30, s0;
	s2 =	sor.u32 s4, s2  }
0x6d: {  	s6 =	sand.u32 $0xFFFFFE00, s6;
	s8 =	sshll.u32 s22, $0x2;
	s22 =	sshra.s32 s20, $0x2  }
0x6e: {  	s18 =	sand.u32 $0x7F, s15;
	s2 =	sshra.s32 s2, $0x2;
	s4 =	sor.u32 s8, s6  }
0x6f: {  	s6 =	sshll.u32 s15, $0x2;
	s8 =	sshll.u32 s18, $0x2;
	s15 =	sand.u32 $0x7F, s0  }
0x70: {  	s2 =	sadd.s32 s22, s2;
	s4 =	sshra.s32 s4, $0x2;
	s6 =	sand.u32 $0xFFFFFE00, s6  }
0x71: {  	s0 =	sshll.u32 s0, $0x2;
	s4 =	sadd.s32 s22, s4;
	v55 =	vld [tilespmem:s2+$0x3280];
	s8 =	sor.u32 s8, s6  }
0x72: {  	s0 =	sand.u32 $0xFFFFFE00, s0;
	s18 =	sshll.u32 s15, $0x2;
	v56 =	vld [tilespmem:s4+$0x3280];
	s2 =	sshra.s32 s8, $0x2  }
0x73: {  	s0 =	sor.u32 s18, s0;
	s2 =	sadd.s32 s22, s2  }
0x74: {  	s0 =	sshra.s32 s0, $0x2;
	v57 =	vld [tilespmem:s2+$0x3280]  }
0x75: {  	s0 =	sadd.s32 s22, s0  }
0x76: {  	v58 =	vld [tilespmem:s0+$0x3280]  }
0x77: {  	v4 =	vmul.f32 v55, v0;
	v5 =	vmul.f32 v56, v1;
	_ =	sdelay $0x1  }
0x78: {  	s4 =	sshrl.u32 s19, $0x3;
	v4 =	vadd.f32 v5, v4;
	v59 =	vmul.f32 v57, v2  }
0x79: {  	s0 =	sadd.s32 s9, s4  }
0x7a: {  	s0 =	sshll.u32 s0, $0x7;
	v60 =	vmul.f32 v58, v3;
	v4 =	vadd.f32 v59, v4  }
0x7b: {  	s0 =	sand.u32 $0x3FFFFF80, s0  }
0x7c: {  	s6 =	sadd.s32 $0x1, s19;
	s2 =	sand.u32 $0x40, s24;
	s4 =	sadd.s32 $0x19280, s0;
	v4 =	vadd.f32 v60, v4  }
0x7d: {  	s0 =	sand.u32 $0x7D, s6;
	s8 =	sor.u32 s2, s4  }
0x7e: {  	s0 =	sor.u32 s0, s3;
	[tilespmem:s8+$0x0] =	vst v4  }
0x7f: {  	v4 =	vld [tilespmem:s0+$0x0];
	_ =	sdelay $0x4  }
0x80: {  	(v2sf) =	vpush v4, $0x0;
	_ =	sdelay $0xe  }
0x81: {  	s0 =	spop (v2sf)  }
0x82: {  	s15 =	sshll.u32 s0, $0x2  }
0x83: {  	s18 =	sand.u32 $0x7F, s0;
	s6 =	sand.u32 $0xFFFFFE00, s15;
	s15 =	sadd.s32 $0x10, s0  }
0x84: {  	s8 =	sshll.u32 s18, $0x2;
	s18 =	sand.u32 $0x7F, s15;
	s15 =	sshll.u32 s15, $0x2  }
0x85: {  	s6 =	sor.u32 s8, s6;
	s15 =	sand.u32 $0xFFFFFE00, s15;
	s18 =	sshll.u32 s18, $0x2  }
0x86: {  	s6 =	sshra.s32 s6, $0x2;
	s8 =	sor.u32 s18, s15  }
0x87: {  	s6 =	sadd.s32 s22, s6;
	s15 =	sadd.s32 $0x20, s0;
	s0 =	sadd.s32 $0x30, s0  }
0x88: {  	s8 =	sshra.s32 s8, $0x2;
	s18 =	sand.u32 $0x7F, s15;
	s15 =	sshll.u32 s15, $0x2  }
0x89: {  	s8 =	sadd.s32 s22, s8;
	s15 =	sand.u32 $0xFFFFFE00, s15;
	s18 =	sshll.u32 s18, $0x2  }
0x8a: {  	v61 =	vld [tilespmem:s6+$0x3300];
	s15 =	sor.u32 s18, s15;
	s18 =	sand.u32 $0x7F, s0;
	s0 =	sshll.u32 s0, $0x2  }
0x8b: {  	v62 =	vld [tilespmem:s8+$0x3300];
	s6 =	sshra.s32 s15, $0x2;
	s0 =	sand.u32 $0xFFFFFE00, s0;
	s18 =	sshll.u32 s18, $0x2  }
0x8c: {  	s6 =	sadd.s32 s22, s6;
	s0 =	sor.u32 s18, s0  }
0x8d: {  	v63 =	vld [tilespmem:s6+$0x3300];
	s0 =	sshra.s32 s0, $0x2  }
0x8e: {  	s0 =	sadd.s32 s22, s0  }
0x8f: {  	v9 =	vld [tilespmem:s0+$0x3300]  }
0x90: {  	v4 =	vmul.f32 v61, v0;
	v5 =	vmul.f32 v62, v1;
	_ =	sdelay $0x1  }
0x91: {  	v4 =	vadd.f32 v5, v4;
	v10 =	vmul.f32 v63, v2;
	_ =	sdelay $0x1  }
0x92: {  	v4 =	vadd.f32 v10, v4;
	v11 =	vmul.f32 v9, v3  }
0x93: {  	s15 =	sadd.s32 $0xFFFFFEE0, s12  }
0x94: {  	s18 =	sadd.s32 $0x2, s19;
	s0 =	sand.u32 $0x50, s15;
	v4 =	vadd.f32 v11, v4  }
0x95: {  	s6 =	sand.u32 $0x7E, s18;
	s0 =	sor.u32 s0, s4  }
0x96: {  	s3 =	sor.u32 s6, s3;
	[tilespmem:s0+$0x0] =	vst v4  }
0x97: {  	v4 =	vld [tilespmem:s3+$0x0];
	_ =	sdelay $0x4  }
0x98: {  	(v2sf) =	vpush v4, $0x0;
	_ =	sdelay $0xe  }
0x99: {  	s0 =	spop (v2sf)  }
0x9a: {  	s6 =	sshll.u32 s0, $0x2;
	s8 =	sand.u32 $0x7F, s0;
	s15 =	sadd.s32 $0x10, s0  }
0x9b: {  	s3 =	sand.u32 $0xFFFFFE00, s6;
	s6 =	sshll.u32 s8, $0x2;
	s18 =	sand.u32 $0x7F, s15  }
0x9c: {  	s8 =	sshll.u32 s15, $0x2;
	s15 =	sadd.s32 $0x20, s0;
	s0 =	sadd.s32 $0x30, s0  }
0x9d: {  	s3 =	sor.u32 s6, s3;
	s8 =	sand.u32 $0xFFFFFE00, s8;
	s18 =	sshll.u32 s18, $0x2  }
0x9e: {  	s3 =	sshra.s32 s3, $0x2;
	s6 =	sor.u32 s18, s8;
	s18 =	sand.u32 $0x7F, s15  }
0x9f: {  	s8 =	sshll.u32 s15, $0x2;
	s3 =	sadd.s32 s22, s3;
	s6 =	sshra.s32 s6, $0x2  }
0xa0: {  	s8 =	sand.u32 $0xFFFFFE00, s8;
	s15 =	sshll.u32 s18, $0x2;
	s6 =	sadd.s32 s22, s6  }
0xa1: {  	v12 =	vld [tilespmem:s3+$0x3380];
	s8 =	sor.u32 s15, s8;
	s15 =	sand.u32 $0x7F, s0;
	s0 =	sshll.u32 s0, $0x2  }
0xa2: {  	v13 =	vld [tilespmem:s6+$0x3380];
	s3 =	sshra.s32 s8, $0x2;
	s0 =	sand.u32 $0xFFFFFE00, s0;
	s18 =	sshll.u32 s15, $0x2  }
0xa3: {  	s3 =	sadd.s32 s22, s3;
	s0 =	sor.u32 s18, s0  }
0xa4: {  	v14 =	vld [tilespmem:s3+$0x3380];
	s0 =	sshra.s32 s0, $0x2  }
0xa5: {  	s0 =	sadd.s32 s22, s0  }
0xa6: {  	v15 =	vld [tilespmem:s0+$0x3380]  }
0xa7: {  	v4 =	vmul.f32 v12, v0;
	v5 =	vmul.f32 v13, v1;
	_ =	sdelay $0x1  }
0xa8: {  	v4 =	vadd.f32 v5, v4;
	v16 =	vmul.f32 v14, v2;
	_ =	sdelay $0x1  }
0xa9: {  	v4 =	vadd.f32 v16, v4;
	v17 =	vmul.f32 v15, v3  }
0xaa: {  	s3 =	sadd.s32 $0xFFFFFEF0, s12  }
0xab: {  	s0 =	sand.u32 $0x60, s3;
	v4 =	vadd.f32 v17, v4  }
0xac: {  	s0 =	sor.u32 s0, s4  }
0xad: {  	[tilespmem:s0+$0x0] =	vst v4  }
0xae: {  	v4 =	vld [tilespmem:s11+$0xFFFFFFF0];
	_ =	sdelay $0x4  }
0xaf: {  	(v2sf) =	vpush v4, $0x0;
	_ =	sdelay $0xe  }
0xb0: {  	s0 =	spop (v2sf)  }
0xb1: {  	s6 =	sshll.u32 s0, $0x2;
	s8 =	sand.u32 $0x7F, s0;
	s15 =	sadd.s32 $0x10, s0  }
0xb2: {  	s3 =	sand.u32 $0xFFFFFE00, s6;
	s6 =	sshll.u32 s8, $0x2;
	s18 =	sand.u32 $0x7F, s15  }
0xb3: {  	s8 =	sshll.u32 s15, $0x2;
	s15 =	sadd.s32 $0x20, s0;
	s0 =	sadd.s32 $0x30, s0  }
0xb4: {  	s3 =	sor.u32 s6, s3;
	s8 =	sand.u32 $0xFFFFFE00, s8;
	s18 =	sshll.u32 s18, $0x2  }
0xb5: {  	s3 =	sshra.s32 s3, $0x2;
	s6 =	sor.u32 s18, s8;
	s18 =	sand.u32 $0x7F, s15  }
0xb6: {  	s8 =	sshll.u32 s15, $0x2;
	s3 =	sadd.s32 s22, s3;
	s6 =	sshra.s32 s6, $0x2  }
0xb7: {  	s8 =	sand.u32 $0xFFFFFE00, s8;
	s15 =	sshll.u32 s18, $0x2;
	s6 =	sadd.s32 s22, s6  }
0xb8: {  	v18 =	vld [tilespmem:s3+$0x3400];
	s8 =	sor.u32 s15, s8;
	s15 =	sand.u32 $0x7F, s0;
	s0 =	sshll.u32 s0, $0x2  }
0xb9: {  	v19 =	vld [tilespmem:s6+$0x3400];
	s3 =	sshra.s32 s8, $0x2;
	s0 =	sand.u32 $0xFFFFFE00, s0;
	s18 =	sshll.u32 s15, $0x2  }
0xba: {  	s3 =	sadd.s32 s22, s3;
	s0 =	sor.u32 s18, s0  }
0xbb: {  	v20 =	vld [tilespmem:s3+$0x3400];
	s0 =	sshra.s32 s0, $0x2  }
0xbc: {  	s0 =	sadd.s32 s22, s0  }
0xbd: {  	v21 =	vld [tilespmem:s0+$0x3400]  }
0xbe: {  	v4 =	vmul.f32 v18, v0;
	v5 =	vmul.f32 v19, v1;
	_ =	sdelay $0x1  }
0xbf: {  	v4 =	vadd.f32 v5, v4;
	v22 =	vmul.f32 v20, v2;
	_ =	sdelay $0x1  }
0xc0: {  	v4 =	vadd.f32 v22, v4;
	v23 =	vmul.f32 v21, v3  }
0xc1: {  	s6 =	sadd.s32 $0xFFFFFF00, s12  }
0xc2: {  	s8 =	sadd.s32 $0x284, s23;
	s3 =	sadd.s32 $0x4, s19;
	s0 =	sand.u32 $0x70, s6;
	v4 =	vadd.f32 v23, v4  }
0xc3: {  	s15 =	sand.u32 $0x1F80, s8;
	s18 =	sand.u32 $0x7C, s3;
	s0 =	sor.u32 s0, s4  }
0xc4: {  	s4 =	sor.u32 s18, s15;
	[tilespmem:s0+$0x0] =	vst v4  }
0xc5: {  	v4 =	vld [tilespmem:s4+$0x800];
	_ =	sdelay $0x4  }
0xc6: {  	(v2sf) =	vpush v4, $0x0;
	_ =	sdelay $0xe  }
0xc7: {  	s0 =	spop (v2sf)  }
0xc8: {  	s6 =	sshll.u32 s0, $0x2;
	s8 =	sand.u32 $0x7F, s0;
	s15 =	sadd.s32 $0x10, s0  }
0xc9: {  	s4 =	sand.u32 $0xFFFFFE00, s6;
	s6 =	sshll.u32 s8, $0x2;
	s18 =	sand.u32 $0x7F, s15  }
0xca: {  	s8 =	sshll.u32 s15, $0x2;
	s15 =	sadd.s32 $0x20, s0;
	s0 =	sadd.s32 $0x30, s0  }
0xcb: {  	s4 =	sor.u32 s6, s4;
	s8 =	sand.u32 $0xFFFFFE00, s8;
	s18 =	sshll.u32 s18, $0x2  }
0xcc: {  	s4 =	sshra.s32 s4, $0x2;
	s6 =	sor.u32 s18, s8;
	s18 =	sand.u32 $0x7F, s15  }
0xcd: {  	s8 =	sshll.u32 s15, $0x2;
	s4 =	sadd.s32 s22, s4;
	s6 =	sshra.s32 s6, $0x2  }
0xce: {  	s8 =	sand.u32 $0xFFFFFE00, s8;
	s15 =	sshll.u32 s18, $0x2;
	s6 =	sadd.s32 s22, s6  }
0xcf: {  	v24 =	vld [tilespmem:s4+$0x3480];
	s8 =	sor.u32 s15, s8;
	s15 =	sand.u32 $0x7F, s0;
	s0 =	sshll.u32 s0, $0x2  }
0xd0: {  	v25 =	vld [tilespmem:s6+$0x3480];
	s4 =	sshra.s32 s8, $0x2;
	s0 =	sand.u32 $0xFFFFFE00, s0;
	s18 =	sshll.u32 s15, $0x2  }
0xd1: {  	s4 =	sadd.s32 s22, s4;
	s0 =	sor.u32 s18, s0  }
0xd2: {  	v26 =	vld [tilespmem:s4+$0x3480];
	s0 =	sshra.s32 s0, $0x2  }
0xd3: {  	s0 =	sadd.s32 s22, s0  }
0xd4: {  	v27 =	vld [tilespmem:s0+$0x3480]  }
0xd5: {  	v4 =	vmul.f32 v24, v0;
	v5 =	vmul.f32 v25, v1;
	_ =	sdelay $0x1  }
0xd6: {  	v4 =	vadd.f32 v5, v4;
	v28 =	vmul.f32 v26, v2  }
0xd7: {  	s4 =	sshrl.u32 s3, $0x3  }
0xd8: {  	s0 =	sadd.s32 s9, s4;
	v4 =	vadd.f32 v28, v4;
	v29 =	vmul.f32 v27, v3  }
0xd9: {  	s6 =	sadd.s32 $0xFFFFFF10, s12;
	s8 =	sadd.s32 $0x285, s23;
	s0 =	sshll.u32 s0, $0x7  }
0xda: {  	s3 =	sand.u32 $0x40, s6;
	s4 =	sadd.s32 $0x5, s19;
	s0 =	sand.u32 $0x3FFFFF80, s0;
	v4 =	vadd.f32 v29, v4  }
0xdb: {  	s15 =	sand.u32 $0x1F80, s8;
	s18 =	sand.u32 $0x7D, s4;
	s0 =	sor.u32 s3, s0  }
0xdc: {  	s3 =	sor.u32 s18, s15;
	[tilespmem:s0+$0x19280] =	vst v4  }
0xdd: {  	v4 =	vld [tilespmem:s3+$0x800];
	_ =	sdelay $0x4  }
0xde: {  	(v2sf) =	vpush v4, $0x0;
	_ =	sdelay $0xe  }
0xdf: {  	s0 =	spop (v2sf)  }
0xe0: {  	s6 =	sshll.u32 s0, $0x2;
	s8 =	sand.u32 $0x7F, s0;
	s15 =	sadd.s32 $0x10, s0  }
0xe1: {  	s3 =	sand.u32 $0xFFFFFE00, s6;
	s6 =	sshll.u32 s8, $0x2;
	s18 =	sand.u32 $0x7F, s15  }
0xe2: {  	s8 =	sshll.u32 s15, $0x2;
	s15 =	sadd.s32 $0x20, s0;
	s0 =	sadd.s32 $0x30, s0  }
0xe3: {  	s3 =	sor.u32 s6, s3;
	s8 =	sand.u32 $0xFFFFFE00, s8;
	s18 =	sshll.u32 s18, $0x2  }
0xe4: {  	s3 =	sshra.s32 s3, $0x2;
	s6 =	sor.u32 s18, s8;
	s18 =	sand.u32 $0x7F, s15  }
0xe5: {  	s8 =	sshll.u32 s15, $0x2;
	s3 =	sadd.s32 s22, s3;
	s6 =	sshra.s32 s6, $0x2  }
0xe6: {  	s8 =	sand.u32 $0xFFFFFE00, s8;
	s15 =	sshll.u32 s18, $0x2;
	s6 =	sadd.s32 s22, s6  }
0xe7: {  	v30 =	vld [tilespmem:s3+$0x3500];
	s8 =	sor.u32 s15, s8;
	s15 =	sand.u32 $0x7F, s0;
	s0 =	sshll.u32 s0, $0x2  }
0xe8: {  	v31 =	vld [tilespmem:s6+$0x3500];
	s3 =	sshra.s32 s8, $0x2;
	s0 =	sand.u32 $0xFFFFFE00, s0;
	s18 =	sshll.u32 s15, $0x2  }
0xe9: {  	s3 =	sadd.s32 s22, s3;
	s0 =	sor.u32 s18, s0  }
0xea: {  	v32 =	vld [tilespmem:s3+$0x3500];
	s0 =	sshra.s32 s0, $0x2  }
0xeb: {  	s0 =	sadd.s32 s22, s0  }
0xec: {  	v33 =	vld [tilespmem:s0+$0x3500]  }
0xed: {  	v4 =	vmul.f32 v30, v0;
	v5 =	vmul.f32 v31, v1;
	_ =	sdelay $0x1  }
0xee: {  	v4 =	vadd.f32 v5, v4;
	v34 =	vmul.f32 v32, v2  }
0xef: {  	s4 =	sshrl.u32 s4, $0x3  }
0xf0: {  	s0 =	sadd.s32 s9, s4;
	v4 =	vadd.f32 v34, v4;
	v35 =	vmul.f32 v33, v3  }
0xf1: {  	s6 =	sadd.s32 $0xFFFFFF20, s12;
	s8 =	sadd.s32 $0x286, s23;
	s0 =	sshll.u32 s0, $0x7  }
0xf2: {  	s3 =	sand.u32 $0x50, s6;
	s4 =	sadd.s32 $0x6, s19;
	s0 =	sand.u32 $0x3FFFFF80, s0;
	v4 =	vadd.f32 v35, v4  }
0xf3: {  	s15 =	sand.u32 $0x1F80, s8;
	s18 =	sand.u32 $0x7E, s4;
	s0 =	sor.u32 s3, s0  }
0xf4: {  	s3 =	sor.u32 s18, s15;
	[tilespmem:s0+$0x19280] =	vst v4  }
0xf5: {  	v4 =	vld [tilespmem:s3+$0x800];
	_ =	sdelay $0x4  }
0xf6: {  	(v2sf) =	vpush v4, $0x0;
	_ =	sdelay $0xe  }
0xf7: {  	s0 =	spop (v2sf)  }
0xf8: {  	s6 =	sshll.u32 s0, $0x2;
	s8 =	sand.u32 $0x7F, s0;
	s15 =	sadd.s32 $0x10, s0  }
0xf9: {  	s3 =	sand.u32 $0xFFFFFE00, s6;
	s6 =	sshll.u32 s8, $0x2;
	s18 =	sand.u32 $0x7F, s15  }
0xfa: {  	s8 =	sshll.u32 s15, $0x2;
	s15 =	sadd.s32 $0x20, s0;
	s0 =	sadd.s32 $0x30, s0  }
0xfb: {  	s3 =	sor.u32 s6, s3;
	s8 =	sand.u32 $0xFFFFFE00, s8;
	s18 =	sshll.u32 s18, $0x2  }
0xfc: {  	s3 =	sshra.s32 s3, $0x2;
	s6 =	sor.u32 s18, s8;
	s18 =	sand.u32 $0x7F, s15  }
0xfd: {  	s8 =	sshll.u32 s15, $0x2;
	s3 =	sadd.s32 s22, s3;
	s6 =	sshra.s32 s6, $0x2  }
0xfe: {  	s8 =	sand.u32 $0xFFFFFE00, s8;
	s15 =	sshll.u32 s18, $0x2;
	s6 =	sadd.s32 s22, s6  }
0xff: {  	v36 =	vld [tilespmem:s3+$0x3580];
	s8 =	sor.u32 s15, s8;
	s15 =	sand.u32 $0x7F, s0;
	s0 =	sshll.u32 s0, $0x2  }
0x100: {  	v37 =	vld [tilespmem:s6+$0x3580];
	s3 =	sshra.s32 s8, $0x2;
	s0 =	sand.u32 $0xFFFFFE00, s0;
	s18 =	sshll.u32 s15, $0x2  }
0x101: {  	s3 =	sadd.s32 s22, s3;
	s0 =	sor.u32 s18, s0  }
0x102: {  	v38 =	vld [tilespmem:s3+$0x3580];
	s0 =	sshra.s32 s0, $0x2  }
0x103: {  	s0 =	sadd.s32 s22, s0  }
0x104: {  	v39 =	vld [tilespmem:s0+$0x3580]  }
0x105: {  	v4 =	vmul.f32 v36, v0;
	v5 =	vmul.f32 v37, v1;
	_ =	sdelay $0x1  }
0x106: {  	v4 =	vadd.f32 v5, v4;
	v40 =	vmul.f32 v38, v2  }
0x107: {  	s3 =	sshrl.u32 s4, $0x3  }
0x108: {  	s0 =	sadd.s32 s9, s3;
	v4 =	vadd.f32 v40, v4;
	v41 =	vmul.f32 v39, v3  }
0x109: {  	s4 =	sadd.s32 $0xFFFFFF30, s12;
	s0 =	sshll.u32 s0, $0x7  }
0x10a: {  	s3 =	sand.u32 $0x60, s4;
	s0 =	sand.u32 $0x3FFFFF80, s0;
	v4 =	vadd.f32 v41, v4  }
0x10b: {  	s0 =	sor.u32 s3, s0  }
0x10c: {  	[tilespmem:s0+$0x19280] =	vst v4  }
0x10d: {  	v4 =	vld [tilespmem:s11+$0xFFFFFFF4];
	_ =	sdelay $0x4  }
0x10e: {  	(v2sf) =	vpush v4, $0x0;
	_ =	sdelay $0xe  }
0x10f: {  	s0 =	spop (v2sf)  }
0x110: {  	s6 =	sshll.u32 s0, $0x2;
	s8 =	sand.u32 $0x7F, s0;
	s15 =	sadd.s32 $0x10, s0  }
0x111: {  	s3 =	sand.u32 $0xFFFFFE00, s6;
	s4 =	sshll.u32 s8, $0x2;
	s18 =	sand.u32 $0x7F, s15  }
0x112: {  	s6 =	sshll.u32 s15, $0x2;
	s15 =	sadd.s32 $0x20, s0;
	s0 =	sadd.s32 $0x30, s0  }
0x113: {  	s3 =	sor.u32 s4, s3;
	s6 =	sand.u32 $0xFFFFFE00, s6;
	s8 =	sshll.u32 s18, $0x2  }
0x114: {  	s18 =	sand.u32 $0x7F, s15;
	s3 =	sshra.s32 s3, $0x2;
	s4 =	sor.u32 s8, s6  }
0x115: {  	s6 =	sshll.u32 s15, $0x2;
	s8 =	sshll.u32 s18, $0x2;
	s15 =	sand.u32 $0x7F, s0  }
0x116: {  	s3 =	sadd.s32 s22, s3;
	s4 =	sshra.s32 s4, $0x2;
	s6 =	sand.u32 $0xFFFFFE00, s6  }
0x117: {  	s0 =	sshll.u32 s0, $0x2;
	s4 =	sadd.s32 s22, s4;
	v42 =	vld [tilespmem:s3+$0x3600];
	s8 =	sor.u32 s8, s6  }
0x118: {  	s0 =	sand.u32 $0xFFFFFE00, s0;
	s18 =	sshll.u32 s15, $0x2;
	v43 =	vld [tilespmem:s4+$0x3600];
	s3 =	sshra.s32 s8, $0x2  }
0x119: {  	s0 =	sor.u32 s18, s0;
	s3 =	sadd.s32 s22, s3  }
0x11a: {  	s0 =	sshra.s32 s0, $0x2;
	v44 =	vld [tilespmem:s3+$0x3600]  }
0x11b: {  	s0 =	sadd.s32 s22, s0  }
0x11c: {  	v45 =	vld [tilespmem:s0+$0x3600]  }
0x11d: {  	v4 =	vmul.f32 v42, v0;
	v5 =	vmul.f32 v43, v1;
	_ =	sdelay $0x1  }
0x11e: {  	s4 =	sadd.s32 $0x7, s19;
	v4 =	vadd.f32 v5, v4;
	v46 =	vmul.f32 v44, v2  }
0x11f: {  	s0 =	sshrl.u32 s4, $0x3  }
0x120: {  	s0 =	sadd.s32 s9, s0;
	v47 =	vmul.f32 v45, v3;
	v4 =	vadd.f32 v46, v4  }
0x121: {  	s6 =	sadd.s32 $0xFFFFFF40, s12;
	s8 =	sadd.s32 $0x288, s23;
	s0 =	sshll.u32 s0, $0x7  }
0x122: {  	s3 =	sand.u32 $0x70, s6;
	s4 =	sadd.s32 $0x8, s19;
	s0 =	sand.u32 $0x3FFFFF80, s0;
	v4 =	vadd.f32 v47, v4  }
0x123: {  	s15 =	sand.u32 $0x1F80, s8;
	s18 =	sand.u32 $0x7C, s4;
	s0 =	sor.u32 s3, s0  }
0x124: {  	s3 =	sor.u32 s18, s15;
	[tilespmem:s0+$0x19280] =	vst v4  }
0x125: {  	v4 =	vld [tilespmem:s3+$0x800];
	_ =	sdelay $0x4  }
0x126: {  	(v2sf) =	vpush v4, $0x0;
	_ =	sdelay $0xe  }
0x127: {  	s0 =	spop (v2sf)  }
0x128: {  	s6 =	sshll.u32 s0, $0x2;
	s8 =	sand.u32 $0x7F, s0;
	s15 =	sadd.s32 $0x10, s0  }
0x129: {  	s3 =	sand.u32 $0xFFFFFE00, s6;
	s6 =	sshll.u32 s8, $0x2;
	s18 =	sand.u32 $0x7F, s15  }
0x12a: {  	s8 =	sshll.u32 s15, $0x2;
	s15 =	sadd.s32 $0x20, s0;
	s0 =	sadd.s32 $0x30, s0  }
0x12b: {  	s3 =	sor.u32 s6, s3;
	s8 =	sand.u32 $0xFFFFFE00, s8;
	s18 =	sshll.u32 s18, $0x2  }
0x12c: {  	s3 =	sshra.s32 s3, $0x2;
	s6 =	sor.u32 s18, s8;
	s18 =	sand.u32 $0x7F, s15  }
0x12d: {  	s8 =	sshll.u32 s15, $0x2;
	s3 =	sadd.s32 s22, s3;
	s6 =	sshra.s32 s6, $0x2  }
0x12e: {  	s8 =	sand.u32 $0xFFFFFE00, s8;
	s15 =	sshll.u32 s18, $0x2;
	s6 =	sadd.s32 s22, s6  }
0x12f: {  	v48 =	vld [tilespmem:s3+$0x3680];
	s8 =	sor.u32 s15, s8;
	s15 =	sand.u32 $0x7F, s0;
	s0 =	sshll.u32 s0, $0x2  }
0x130: {  	v49 =	vld [tilespmem:s6+$0x3680];
	s3 =	sshra.s32 s8, $0x2;
	s0 =	sand.u32 $0xFFFFFE00, s0;
	s18 =	sshll.u32 s15, $0x2  }
0x131: {  	s3 =	sadd.s32 s22, s3;
	s0 =	sor.u32 s18, s0  }
0x132: {  	v50 =	vld [tilespmem:s3+$0x3680];
	s0 =	sshra.s32 s0, $0x2  }
0x133: {  	s0 =	sadd.s32 s22, s0  }
0x134: {  	v51 =	vld [tilespmem:s0+$0x3680]  }
0x135: {  	v4 =	vmul.f32 v48, v0;
	v5 =	vmul.f32 v49, v1;
	_ =	sdelay $0x1  }
0x136: {  	v4 =	vadd.f32 v5, v4;
	v52 =	vmul.f32 v50, v2  }
0x137: {  	s8 =	sshrl.u32 s4, $0x3  }
0x138: {  	s0 =	sadd.s32 s9, s8;
	v4 =	vadd.f32 v52, v4;
	v53 =	vmul.f32 v51, v3  }
0x139: {  	s0 =	sshll.u32 s0, $0x7  }
0x13a: {  	s15 =	sadd.s32 $0x289, s23;
	s3 =	sadd.s32 $0x9, s19;
	s0 =	sand.u32 $0x3FFFFF80, s0;
	v4 =	vadd.f32 v53, v4  }
0x13b: {  	s4 =	sand.u32 $0x1F80, s15;
	s18 =	sand.u32 $0x7D, s3;
	s0 =	sor.u32 s2, s0  }
0x13c: {  	s4 =	sor.u32 s18, s4;
	[tilespmem:s0+$0x19280] =	vst v4  }
0x13d: {  	v4 =	vld [tilespmem:s4+$0x800];
	_ =	sdelay $0x4  }
0x13e: {  	(v2sf) =	vpush v4, $0x0;
	_ =	sdelay $0xe  }
0x13f: {  	s0 =	spop (v2sf)  }
0x140: {  	s6 =	sshll.u32 s0, $0x2;
	s8 =	sand.u32 $0x7F, s0;
	s15 =	sadd.s32 $0x10, s0  }
0x141: {  	s4 =	sand.u32 $0xFFFFFE00, s6;
	s6 =	sshll.u32 s8, $0x2;
	s18 =	sand.u32 $0x7F, s15  }
0x142: {  	s8 =	sshll.u32 s15, $0x2;
	s15 =	sadd.s32 $0x20, s0;
	s0 =	sadd.s32 $0x30, s0  }
0x143: {  	s4 =	sor.u32 s6, s4;
	s8 =	sand.u32 $0xFFFFFE00, s8;
	s18 =	sshll.u32 s18, $0x2  }
0x144: {  	s4 =	sshra.s32 s4, $0x2;
	s6 =	sor.u32 s18, s8;
	s18 =	sand.u32 $0x7F, s15  }
0x145: {  	s8 =	sshll.u32 s15, $0x2;
	s4 =	sadd.s32 s22, s4;
	s6 =	sshra.s32 s6, $0x2  }
0x146: {  	s8 =	sand.u32 $0xFFFFFE00, s8;
	s15 =	sshll.u32 s18, $0x2;
	s6 =	sadd.s32 s22, s6  }
0x147: {  	v54 =	vld [tilespmem:s4+$0x3700];
	s8 =	sor.u32 s15, s8;
	s15 =	sand.u32 $0x7F, s0;
	s0 =	sshll.u32 s0, $0x2  }
0x148: {  	v55 =	vld [tilespmem:s6+$0x3700];
	s4 =	sshra.s32 s8, $0x2;
	s0 =	sand.u32 $0xFFFFFE00, s0;
	s18 =	sshll.u32 s15, $0x2  }
0x149: {  	s4 =	sadd.s32 s22, s4;
	s0 =	sor.u32 s18, s0  }
0x14a: {  	v56 =	vld [tilespmem:s4+$0x3700];
	s0 =	sshra.s32 s0, $0x2  }
0x14b: {  	s0 =	sadd.s32 s22, s0  }
0x14c: {  	v57 =	vld [tilespmem:s0+$0x3700]  }
0x14d: {  	v4 =	vmul.f32 v54, v0;
	v5 =	vmul.f32 v55, v1;
	_ =	sdelay $0x1  }
0x14e: {  	v4 =	vadd.f32 v5, v4;
	v58 =	vmul.f32 v56, v2  }
0x14f: {  	s4 =	sshrl.u32 s3, $0x3  }
0x150: {  	s0 =	sadd.s32 s9, s4;
	v4 =	vadd.f32 v58, v4;
	v59 =	vmul.f32 v57, v3  }
0x151: {  	s6 =	sadd.s32 $0xFFFFFF60, s12;
	s8 =	sadd.s32 $0x28A, s23;
	s0 =	sshll.u32 s0, $0x7  }
0x152: {  	s3 =	sand.u32 $0x50, s6;
	s4 =	sadd.s32 $0xA, s19;
	s0 =	sand.u32 $0x3FFFFF80, s0;
	v4 =	vadd.f32 v59, v4  }
0x153: {  	s15 =	sand.u32 $0x1F80, s8;
	s18 =	sand.u32 $0x7E, s4;
	s0 =	sor.u32 s3, s0  }
0x154: {  	s3 =	sor.u32 s18, s15;
	[tilespmem:s0+$0x19280] =	vst v4  }
0x155: {  	v4 =	vld [tilespmem:s3+$0x800];
	_ =	sdelay $0x4  }
0x156: {  	(v2sf) =	vpush v4, $0x0;
	_ =	sdelay $0xe  }
0x157: {  	s0 =	spop (v2sf)  }
0x158: {  	s6 =	sshll.u32 s0, $0x2;
	s8 =	sand.u32 $0x7F, s0;
	s15 =	sadd.s32 $0x10, s0  }
0x159: {  	s3 =	sand.u32 $0xFFFFFE00, s6;
	s6 =	sshll.u32 s8, $0x2;
	s18 =	sand.u32 $0x7F, s15  }
0x15a: {  	s8 =	sshll.u32 s15, $0x2;
	s15 =	sadd.s32 $0x20, s0;
	s0 =	sadd.s32 $0x30, s0  }
0x15b: {  	s3 =	sor.u32 s6, s3;
	s8 =	sand.u32 $0xFFFFFE00, s8;
	s18 =	sshll.u32 s18, $0x2  }
0x15c: {  	s3 =	sshra.s32 s3, $0x2;
	s6 =	sor.u32 s18, s8;
	s18 =	sand.u32 $0x7F, s15  }
0x15d: {  	s8 =	sshll.u32 s15, $0x2;
	s3 =	sadd.s32 s22, s3;
	s6 =	sshra.s32 s6, $0x2  }
0x15e: {  	s8 =	sand.u32 $0xFFFFFE00, s8;
	s15 =	sshll.u32 s18, $0x2;
	s6 =	sadd.s32 s22, s6  }
0x15f: {  	v60 =	vld [tilespmem:s3+$0x3780];
	s8 =	sor.u32 s15, s8;
	s15 =	sand.u32 $0x7F, s0;
	s0 =	sshll.u32 s0, $0x2  }
0x160: {  	v61 =	vld [tilespmem:s6+$0x3780];
	s3 =	sshra.s32 s8, $0x2;
	s0 =	sand.u32 $0xFFFFFE00, s0;
	s18 =	sshll.u32 s15, $0x2  }
0x161: {  	s3 =	sadd.s32 s22, s3;
	s0 =	sor.u32 s18, s0  }
0x162: {  	v62 =	vld [tilespmem:s3+$0x3780];
	s0 =	sshra.s32 s0, $0x2  }
0x163: {  	s0 =	sadd.s32 s22, s0  }
0x164: {  	v63 =	vld [tilespmem:s0+$0x3780]  }
0x165: {  	v4 =	vmul.f32 v60, v0;
	v5 =	vmul.f32 v61, v1;
	_ =	sdelay $0x1  }
0x166: {  	v4 =	vadd.f32 v5, v4;
	v8 =	vmul.f32 v62, v2  }
0x167: {  	s3 =	sshrl.u32 s4, $0x3  }
0x168: {  	s0 =	sadd.s32 s9, s3;
	v4 =	vadd.f32 v8, v4;
	v9 =	vmul.f32 v63, v3  }
0x169: {  	s4 =	sadd.s32 $0xFFFFFF70, s12;
	s0 =	sshll.u32 s0, $0x7  }
0x16a: {  	s3 =	sand.u32 $0x60, s4;
	s0 =	sand.u32 $0x3FFFFF80, s0;
	v4 =	vadd.f32 v9, v4  }
0x16b: {  	s0 =	sor.u32 s3, s0  }
0x16c: {  	[tilespmem:s0+$0x19280] =	vst v4  }
0x16d: {  	v4 =	vld [tilespmem:s11+$0xFFFFFFF8];
	_ =	sdelay $0x4  }
0x16e: {  	(v2sf) =	vpush v4, $0x0;
	_ =	sdelay $0xe  }
0x16f: {  	s0 =	spop (v2sf)  }
0x170: {  	s6 =	sshll.u32 s0, $0x2;
	s8 =	sand.u32 $0x7F, s0;
	s15 =	sadd.s32 $0x10, s0  }
0x171: {  	s3 =	sand.u32 $0xFFFFFE00, s6;
	s4 =	sshll.u32 s8, $0x2;
	s18 =	sand.u32 $0x7F, s15  }
0x172: {  	s6 =	sshll.u32 s15, $0x2;
	s15 =	sadd.s32 $0x20, s0;
	s0 =	sadd.s32 $0x30, s0  }
0x173: {  	s3 =	sor.u32 s4, s3;
	s6 =	sand.u32 $0xFFFFFE00, s6;
	s8 =	sshll.u32 s18, $0x2  }
0x174: {  	s18 =	sand.u32 $0x7F, s15;
	s3 =	sshra.s32 s3, $0x2;
	s4 =	sor.u32 s8, s6  }
0x175: {  	s6 =	sshll.u32 s15, $0x2;
	s8 =	sshll.u32 s18, $0x2;
	s15 =	sand.u32 $0x7F, s0  }
0x176: {  	s3 =	sadd.s32 s22, s3;
	s4 =	sshra.s32 s4, $0x2;
	s6 =	sand.u32 $0xFFFFFE00, s6  }
0x177: {  	s0 =	sshll.u32 s0, $0x2;
	s4 =	sadd.s32 s22, s4;
	v10 =	vld [tilespmem:s3+$0x3800];
	s8 =	sor.u32 s8, s6  }
0x178: {  	s0 =	sand.u32 $0xFFFFFE00, s0;
	s18 =	sshll.u32 s15, $0x2;
	v11 =	vld [tilespmem:s4+$0x3800];
	s3 =	sshra.s32 s8, $0x2  }
0x179: {  	s0 =	sor.u32 s18, s0;
	s3 =	sadd.s32 s22, s3  }
0x17a: {  	s0 =	sshra.s32 s0, $0x2;
	v12 =	vld [tilespmem:s3+$0x3800]  }
0x17b: {  	s0 =	sadd.s32 s22, s0  }
0x17c: {  	v13 =	vld [tilespmem:s0+$0x3800]  }
0x17d: {  	v4 =	vmul.f32 v10, v0;
	v5 =	vmul.f32 v11, v1;
	_ =	sdelay $0x1  }
0x17e: {  	s4 =	sadd.s32 $0xB, s19;
	v4 =	vadd.f32 v5, v4;
	v14 =	vmul.f32 v12, v2  }
0x17f: {  	s0 =	sshrl.u32 s4, $0x3  }
0x180: {  	s0 =	sadd.s32 s9, s0;
	v15 =	vmul.f32 v13, v3;
	v4 =	vadd.f32 v14, v4  }
0x181: {  	s6 =	sadd.s32 $0xFFFFFF80, s12;
	s8 =	sadd.s32 $0x28C, s23;
	s0 =	sshll.u32 s0, $0x7  }
0x182: {  	s3 =	sand.u32 $0x70, s6;
	s4 =	sadd.s32 $0xC, s19;
	s0 =	sand.u32 $0x3FFFFF80, s0;
	v4 =	vadd.f32 v15, v4  }
0x183: {  	s15 =	sand.u32 $0x1F80, s8;
	s18 =	sand.u32 $0x7C, s4;
	s0 =	sor.u32 s3, s0  }
0x184: {  	s3 =	sor.u32 s18, s15;
	[tilespmem:s0+$0x19280] =	vst v4  }
0x185: {  	v4 =	vld [tilespmem:s3+$0x800];
	_ =	sdelay $0x4  }
0x186: {  	(v2sf) =	vpush v4, $0x0;
	_ =	sdelay $0xe  }
0x187: {  	s0 =	spop (v2sf)  }
0x188: {  	s6 =	sshll.u32 s0, $0x2;
	s8 =	sand.u32 $0x7F, s0;
	s15 =	sadd.s32 $0x10, s0  }
0x189: {  	s3 =	sand.u32 $0xFFFFFE00, s6;
	s6 =	sshll.u32 s8, $0x2;
	s18 =	sand.u32 $0x7F, s15  }
0x18a: {  	s8 =	sshll.u32 s15, $0x2;
	s15 =	sadd.s32 $0x20, s0;
	s0 =	sadd.s32 $0x30, s0  }
0x18b: {  	s3 =	sor.u32 s6, s3;
	s8 =	sand.u32 $0xFFFFFE00, s8;
	s18 =	sshll.u32 s18, $0x2  }
0x18c: {  	s3 =	sshra.s32 s3, $0x2;
	s6 =	sor.u32 s18, s8;
	s18 =	sand.u32 $0x7F, s15  }
0x18d: {  	s8 =	sshll.u32 s15, $0x2;
	s3 =	sadd.s32 s22, s3;
	s6 =	sshra.s32 s6, $0x2  }
0x18e: {  	s8 =	sand.u32 $0xFFFFFE00, s8;
	s15 =	sshll.u32 s18, $0x2;
	s6 =	sadd.s32 s22, s6  }
0x18f: {  	v16 =	vld [tilespmem:s3+$0x3880];
	s8 =	sor.u32 s15, s8;
	s15 =	sand.u32 $0x7F, s0;
	s0 =	sshll.u32 s0, $0x2  }
0x190: {  	v17 =	vld [tilespmem:s6+$0x3880];
	s3 =	sshra.s32 s8, $0x2;
	s0 =	sand.u32 $0xFFFFFE00, s0;
	s18 =	sshll.u32 s15, $0x2  }
0x191: {  	s3 =	sadd.s32 s22, s3;
	s0 =	sor.u32 s18, s0  }
0x192: {  	v18 =	vld [tilespmem:s3+$0x3880];
	s0 =	sshra.s32 s0, $0x2  }
0x193: {  	s0 =	sadd.s32 s22, s0  }
0x194: {  	v19 =	vld [tilespmem:s0+$0x3880]  }
0x195: {  	v4 =	vmul.f32 v16, v0;
	v5 =	vmul.f32 v17, v1;
	_ =	sdelay $0x1  }
0x196: {  	v4 =	vadd.f32 v5, v4;
	v20 =	vmul.f32 v18, v2  }
0x197: {  	s4 =	sshrl.u32 s4, $0x3  }
0x198: {  	s0 =	sadd.s32 s9, s4;
	v4 =	vadd.f32 v20, v4;
	v21 =	vmul.f32 v19, v3  }
0x199: {  	s6 =	sadd.s32 $0xFFFFFF90, s12;
	s8 =	sadd.s32 $0x28D, s23;
	s0 =	sshll.u32 s0, $0x7  }
0x19a: {  	s3 =	sand.u32 $0x40, s6;
	s4 =	sadd.s32 $0xD, s19;
	s0 =	sand.u32 $0x3FFFFF80, s0;
	v4 =	vadd.f32 v21, v4  }
0x19b: {  	s15 =	sand.u32 $0x1F80, s8;
	s18 =	sand.u32 $0x7D, s4;
	s0 =	sor.u32 s3, s0  }
0x19c: {  	s3 =	sor.u32 s18, s15;
	[tilespmem:s0+$0x19280] =	vst v4  }
0x19d: {  	v4 =	vld [tilespmem:s3+$0x800];
	_ =	sdelay $0x4  }
0x19e: {  	(v2sf) =	vpush v4, $0x0;
	_ =	sdelay $0xe  }
0x19f: {  	s0 =	spop (v2sf)  }
0x1a0: {  	s6 =	sshll.u32 s0, $0x2;
	s8 =	sand.u32 $0x7F, s0;
	s15 =	sadd.s32 $0x10, s0  }
0x1a1: {  	s3 =	sand.u32 $0xFFFFFE00, s6;
	s6 =	sshll.u32 s8, $0x2;
	s18 =	sand.u32 $0x7F, s15  }
0x1a2: {  	s8 =	sshll.u32 s15, $0x2;
	s15 =	sadd.s32 $0x20, s0;
	s0 =	sadd.s32 $0x30, s0  }
0x1a3: {  	s3 =	sor.u32 s6, s3;
	s8 =	sand.u32 $0xFFFFFE00, s8;
	s18 =	sshll.u32 s18, $0x2  }
0x1a4: {  	s3 =	sshra.s32 s3, $0x2;
	s6 =	sor.u32 s18, s8;
	s18 =	sand.u32 $0x7F, s15  }
0x1a5: {  	s8 =	sshll.u32 s15, $0x2;
	s3 =	sadd.s32 s22, s3;
	s6 =	sshra.s32 s6, $0x2  }
0x1a6: {  	s8 =	sand.u32 $0xFFFFFE00, s8;
	s15 =	sshll.u32 s18, $0x2;
	s6 =	sadd.s32 s22, s6  }
0x1a7: {  	v22 =	vld [tilespmem:s3+$0x3900];
	s8 =	sor.u32 s15, s8;
	s15 =	sand.u32 $0x7F, s0;
	s0 =	sshll.u32 s0, $0x2  }
0x1a8: {  	v23 =	vld [tilespmem:s6+$0x3900];
	s3 =	sshra.s32 s8, $0x2;
	s0 =	sand.u32 $0xFFFFFE00, s0;
	s18 =	sshll.u32 s15, $0x2  }
0x1a9: {  	s3 =	sadd.s32 s22, s3;
	s0 =	sor.u32 s18, s0  }
0x1aa: {  	v24 =	vld [tilespmem:s3+$0x3900];
	s0 =	sshra.s32 s0, $0x2  }
0x1ab: {  	s0 =	sadd.s32 s22, s0  }
0x1ac: {  	v25 =	vld [tilespmem:s0+$0x3900]  }
0x1ad: {  	v4 =	vmul.f32 v22, v0;
	v5 =	vmul.f32 v23, v1;
	_ =	sdelay $0x1  }
0x1ae: {  	v4 =	vadd.f32 v5, v4;
	v26 =	vmul.f32 v24, v2  }
0x1af: {  	s4 =	sshrl.u32 s4, $0x3  }
0x1b0: {  	s0 =	sadd.s32 s9, s4;
	v4 =	vadd.f32 v26, v4;
	v27 =	vmul.f32 v25, v3  }
0x1b1: {  	s6 =	sadd.s32 $0xFFFFFFA0, s12;
	s8 =	sadd.s32 $0x28E, s23;
	s0 =	sshll.u32 s0, $0x7  }
0x1b2: {  	s3 =	sand.u32 $0x50, s6;
	s4 =	sadd.s32 $0xE, s19;
	s0 =	sand.u32 $0x3FFFFF80, s0;
	v4 =	vadd.f32 v27, v4  }
0x1b3: {  	s15 =	sand.u32 $0x1F80, s8;
	s18 =	sand.u32 $0x7E, s4;
	s0 =	sor.u32 s3, s0  }
0x1b4: {  	s3 =	sor.u32 s18, s15;
	[tilespmem:s0+$0x19280] =	vst v4  }
0x1b5: {  	v4 =	vld [tilespmem:s3+$0x800];
	_ =	sdelay $0x4  }
0x1b6: {  	(v2sf) =	vpush v4, $0x0;
	_ =	sdelay $0xe  }
0x1b7: {  	s0 =	spop (v2sf)  }
0x1b8: {  	s6 =	sshll.u32 s0, $0x2;
	s8 =	sand.u32 $0x7F, s0;
	s15 =	sadd.s32 $0x10, s0  }
0x1b9: {  	s3 =	sand.u32 $0xFFFFFE00, s6;
	s6 =	sshll.u32 s8, $0x2;
	s18 =	sand.u32 $0x7F, s15  }
0x1ba: {  	s8 =	sshll.u32 s15, $0x2;
	s15 =	sadd.s32 $0x20, s0;
	s0 =	sadd.s32 $0x30, s0  }
0x1bb: {  	s3 =	sor.u32 s6, s3;
	s8 =	sand.u32 $0xFFFFFE00, s8;
	s18 =	sshll.u32 s18, $0x2  }
0x1bc: {  	s3 =	sshra.s32 s3, $0x2;
	s6 =	sor.u32 s18, s8;
	s18 =	sand.u32 $0x7F, s15  }
0x1bd: {  	s8 =	sshll.u32 s15, $0x2;
	s3 =	sadd.s32 s22, s3;
	s6 =	sshra.s32 s6, $0x2  }
0x1be: {  	s8 =	sand.u32 $0xFFFFFE00, s8;
	s15 =	sshll.u32 s18, $0x2;
	s6 =	sadd.s32 s22, s6  }
0x1bf: {  	v28 =	vld [tilespmem:s3+$0x3980];
	s8 =	sor.u32 s15, s8;
	s15 =	sand.u32 $0x7F, s0;
	s0 =	sshll.u32 s0, $0x2  }
0x1c0: {  	v29 =	vld [tilespmem:s6+$0x3980];
	s3 =	sshra.s32 s8, $0x2;
	s0 =	sand.u32 $0xFFFFFE00, s0;
	s18 =	sshll.u32 s15, $0x2  }
0x1c1: {  	s3 =	sadd.s32 s22, s3;
	s0 =	sor.u32 s18, s0  }
0x1c2: {  	v30 =	vld [tilespmem:s3+$0x3980];
	s0 =	sshra.s32 s0, $0x2  }
0x1c3: {  	s0 =	sadd.s32 s22, s0  }
0x1c4: {  	v31 =	vld [tilespmem:s0+$0x3980]  }
0x1c5: {  	v4 =	vmul.f32 v28, v0;
	v5 =	vmul.f32 v29, v1;
	_ =	sdelay $0x1  }
0x1c6: {  	v4 =	vadd.f32 v5, v4;
	v32 =	vmul.f32 v30, v2  }
0x1c7: {  	s3 =	sshrl.u32 s4, $0x3  }
0x1c8: {  	s0 =	sadd.s32 s9, s3;
	v4 =	vadd.f32 v32, v4;
	v33 =	vmul.f32 v31, v3  }
0x1c9: {  	s4 =	sadd.s32 $0xFFFFFFB0, s12;
	s0 =	sshll.u32 s0, $0x7  }
0x1ca: {  	s3 =	sand.u32 $0x60, s4;
	s0 =	sand.u32 $0x3FFFFF80, s0;
	v4 =	vadd.f32 v33, v4  }
0x1cb: {  	s0 =	sor.u32 s3, s0  }
0x1cc: {  	[tilespmem:s0+$0x19280] =	vst v4  }
0x1cd: {  	v4 =	vld [tilespmem:s11+$0xFFFFFFFC];
	_ =	sdelay $0x4  }
0x1ce: {  	(v2sf) =	vpush v4, $0x0;
	_ =	sdelay $0xe  }
0x1cf: {  	s0 =	spop (v2sf)  }
0x1d0: {  	s6 =	sshll.u32 s0, $0x2;
	s8 =	sand.u32 $0x7F, s0;
	s15 =	sadd.s32 $0x10, s0  }
0x1d1: {  	s3 =	sand.u32 $0xFFFFFE00, s6;
	s4 =	sshll.u32 s8, $0x2;
	s18 =	sand.u32 $0x7F, s15  }
0x1d2: {  	s6 =	sshll.u32 s15, $0x2;
	s15 =	sadd.s32 $0x20, s0;
	s0 =	sadd.s32 $0x30, s0  }
0x1d3: {  	s3 =	sor.u32 s4, s3;
	s6 =	sand.u32 $0xFFFFFE00, s6;
	s8 =	sshll.u32 s18, $0x2  }
0x1d4: {  	s18 =	sand.u32 $0x7F, s15;
	s3 =	sshra.s32 s3, $0x2;
	s4 =	sor.u32 s8, s6  }
0x1d5: {  	s6 =	sshll.u32 s15, $0x2;
	s8 =	sshll.u32 s18, $0x2;
	s15 =	sand.u32 $0x7F, s0  }
0x1d6: {  	s3 =	sadd.s32 s22, s3;
	s4 =	sshra.s32 s4, $0x2;
	s6 =	sand.u32 $0xFFFFFE00, s6  }
0x1d7: {  	s0 =	sshll.u32 s0, $0x2;
	s4 =	sadd.s32 s22, s4;
	v34 =	vld [tilespmem:s3+$0x3A00];
	s8 =	sor.u32 s8, s6  }
0x1d8: {  	s0 =	sand.u32 $0xFFFFFE00, s0;
	s18 =	sshll.u32 s15, $0x2;
	v35 =	vld [tilespmem:s4+$0x3A00];
	s3 =	sshra.s32 s8, $0x2  }
0x1d9: {  	s0 =	sor.u32 s18, s0;
	s3 =	sadd.s32 s22, s3  }
0x1da: {  	s0 =	sshra.s32 s0, $0x2;
	v36 =	vld [tilespmem:s3+$0x3A00]  }
0x1db: {  	s0 =	sadd.s32 s22, s0  }
0x1dc: {  	v37 =	vld [tilespmem:s0+$0x3A00]  }
0x1dd: {  	v4 =	vmul.f32 v34, v0;
	v5 =	vmul.f32 v35, v1;
	_ =	sdelay $0x1  }
0x1de: {  	s4 =	sadd.s32 $0xF, s19;
	v4 =	vadd.f32 v5, v4;
	v38 =	vmul.f32 v36, v2  }
0x1df: {  	s0 =	sshrl.u32 s4, $0x3  }
0x1e0: {  	s0 =	sadd.s32 s9, s0;
	v39 =	vmul.f32 v37, v3;
	v4 =	vadd.f32 v38, v4  }
0x1e1: {  	s6 =	sadd.s32 $0xFFFFFFC0, s12;
	s8 =	sadd.s32 $0x290, s23;
	s0 =	sshll.u32 s0, $0x7  }
0x1e2: {  	s3 =	sand.u32 $0x70, s6;
	s4 =	sadd.s32 $0x10, s19;
	s0 =	sand.u32 $0x3FFFFF80, s0;
	v4 =	vadd.f32 v39, v4  }
0x1e3: {  	s15 =	sand.u32 $0x1F80, s8;
	s18 =	sand.u32 $0x7C, s4;
	s0 =	sor.u32 s3, s0  }
0x1e4: {  	s3 =	sor.u32 s18, s15;
	[tilespmem:s0+$0x19280] =	vst v4  }
0x1e5: {  	v4 =	vld [tilespmem:s3+$0x800];
	_ =	sdelay $0x4  }
0x1e6: {  	(v2sf) =	vpush v4, $0x0;
	_ =	sdelay $0xe  }
0x1e7: {  	s0 =	spop (v2sf)  }
0x1e8: {  	s6 =	sshll.u32 s0, $0x2;
	s8 =	sand.u32 $0x7F, s0;
	s15 =	sadd.s32 $0x10, s0  }
0x1e9: {  	s3 =	sand.u32 $0xFFFFFE00, s6;
	s6 =	sshll.u32 s8, $0x2;
	s18 =	sand.u32 $0x7F, s15  }
0x1ea: {  	s8 =	sshll.u32 s15, $0x2;
	s15 =	sadd.s32 $0x20, s0;
	s0 =	sadd.s32 $0x30, s0  }
0x1eb: {  	s3 =	sor.u32 s6, s3;
	s8 =	sand.u32 $0xFFFFFE00, s8;
	s18 =	sshll.u32 s18, $0x2  }
0x1ec: {  	s3 =	sshra.s32 s3, $0x2;
	s6 =	sor.u32 s18, s8;
	s18 =	sand.u32 $0x7F, s15  }
0x1ed: {  	s8 =	sshll.u32 s15, $0x2;
	s3 =	sadd.s32 s22, s3;
	s6 =	sshra.s32 s6, $0x2  }
0x1ee: {  	s8 =	sand.u32 $0xFFFFFE00, s8;
	s15 =	sshll.u32 s18, $0x2;
	s6 =	sadd.s32 s22, s6  }
0x1ef: {  	v40 =	vld [tilespmem:s3+$0x3A80];
	s8 =	sor.u32 s15, s8;
	s15 =	sand.u32 $0x7F, s0;
	s0 =	sshll.u32 s0, $0x2  }
0x1f0: {  	v41 =	vld [tilespmem:s6+$0x3A80];
	s3 =	sshra.s32 s8, $0x2;
	s0 =	sand.u32 $0xFFFFFE00, s0;
	s18 =	sshll.u32 s15, $0x2  }
0x1f1: {  	s3 =	sadd.s32 s22, s3;
	s0 =	sor.u32 s18, s0  }
0x1f2: {  	v42 =	vld [tilespmem:s3+$0x3A80];
	s0 =	sshra.s32 s0, $0x2  }
0x1f3: {  	s0 =	sadd.s32 s22, s0  }
0x1f4: {  	v43 =	vld [tilespmem:s0+$0x3A80]  }
0x1f5: {  	v4 =	vmul.f32 v40, v0;
	v5 =	vmul.f32 v41, v1;
	_ =	sdelay $0x1  }
0x1f6: {  	v4 =	vadd.f32 v5, v4;
	v44 =	vmul.f32 v42, v2  }
0x1f7: {  	s6 =	sshrl.u32 s4, $0x3  }
0x1f8: {  	s0 =	sadd.s32 s9, s6;
	v4 =	vadd.f32 v44, v4;
	v45 =	vmul.f32 v43, v3  }
0x1f9: {  	s0 =	sshll.u32 s0, $0x7  }
0x1fa: {  	s8 =	sadd.s32 $0x291, s23;
	s3 =	sadd.s32 $0x11, s19;
	s0 =	sand.u32 $0x3FFFFF80, s0;
	v4 =	vadd.f32 v45, v4  }
0x1fb: {  	s15 =	sand.u32 $0x1F80, s8;
	s18 =	sand.u32 $0x7D, s3;
	s0 =	sor.u32 s2, s0  }
0x1fc: {  	s4 =	sor.u32 s18, s15;
	[tilespmem:s0+$0x19280] =	vst v4  }
0x1fd: {  	v4 =	vld [tilespmem:s4+$0x800];
	_ =	sdelay $0x4  }
0x1fe: {  	(v2sf) =	vpush v4, $0x0;
	_ =	sdelay $0xe  }
0x1ff: {  	s0 =	spop (v2sf)  }
0x200: {  	s6 =	sshll.u32 s0, $0x2;
	s8 =	sand.u32 $0x7F, s0;
	s15 =	sadd.s32 $0x10, s0  }
0x201: {  	s2 =	sand.u32 $0xFFFFFE00, s6;
	s4 =	sshll.u32 s8, $0x2;
	s18 =	sand.u32 $0x7F, s15  }
0x202: {  	s6 =	sshll.u32 s15, $0x2;
	s15 =	sadd.s32 $0x20, s0;
	s0 =	sadd.s32 $0x30, s0  }
0x203: {  	s2 =	sor.u32 s4, s2;
	s6 =	sand.u32 $0xFFFFFE00, s6;
	s8 =	sshll.u32 s18, $0x2  }
0x204: {  	s18 =	sand.u32 $0x7F, s15;
	s2 =	sshra.s32 s2, $0x2;
	s4 =	sor.u32 s8, s6  }
0x205: {  	s6 =	sshll.u32 s15, $0x2;
	s8 =	sshll.u32 s18, $0x2;
	s15 =	sand.u32 $0x7F, s0  }
0x206: {  	s2 =	sadd.s32 s22, s2;
	s4 =	sshra.s32 s4, $0x2;
	s6 =	sand.u32 $0xFFFFFE00, s6  }
0x207: {  	s0 =	sshll.u32 s0, $0x2;
	s4 =	sadd.s32 s22, s4;
	v46 =	vld [tilespmem:s2+$0x3B00];
	s8 =	sor.u32 s8, s6  }
0x208: {  	s0 =	sand.u32 $0xFFFFFE00, s0;
	s18 =	sshll.u32 s15, $0x2;
	v47 =	vld [tilespmem:s4+$0x3B00];
	s2 =	sshra.s32 s8, $0x2  }
0x209: {  	s0 =	sor.u32 s18, s0;
	s2 =	sadd.s32 s22, s2  }
0x20a: {  	s0 =	sshra.s32 s0, $0x2;
	v48 =	vld [tilespmem:s2+$0x3B00]  }
0x20b: {  	s0 =	sadd.s32 s22, s0  }
0x20c: {  	v49 =	vld [tilespmem:s0+$0x3B00]  }
0x20d: {  	v4 =	vmul.f32 v46, v0;
	v5 =	vmul.f32 v47, v1;
	_ =	sdelay $0x1  }
0x20e: {  	v4 =	vadd.f32 v5, v4;
	v50 =	vmul.f32 v48, v2  }
0x20f: {  	s6 =	sshrl.u32 s3, $0x3  }
0x210: {  	s0 =	sadd.s32 s9, s6;
	v51 =	vmul.f32 v49, v3;
	v4 =	vadd.f32 v50, v4  }
0x211: {  	s15 =	sadd.s32 $0x292, s23;
	s8 =	sadd.s32 $0xFFFFFFE0, s12;
	s0 =	sshll.u32 s0, $0x7  }
0x212: {  	s3 =	sadd.s32 $0x12, s19;
	s2 =	sand.u32 $0x50, s8;
	s0 =	sand.u32 $0x3FFFFF80, s0;
	v4 =	vadd.f32 v51, v4  }
0x213: {  	s18 =	sand.u32 $0x1F80, s15;
	s23 =	sand.u32 $0x7E, s3;
	s0 =	sor.u32 s2, s0  }
0x214: {  	s6 =	sor.u32 s23, s18;
	[tilespmem:s0+$0x19280] =	vst v4  }
0x215: {  	v4 =	vld [tilespmem:s6+$0x800];
	_ =	sdelay $0x4  }
0x216: {  	(v2sf) =	vpush v4, $0x0;
	_ =	sdelay $0xe  }
0x217: {  	s0 =	spop (v2sf)  }
0x218: {  	s8 =	sshll.u32 s0, $0x2;
	s15 =	sand.u32 $0x7F, s0;
	s18 =	sadd.s32 $0x10, s0  }
0x219: {  	s2 =	sand.u32 $0xFFFFFE00, s8;
	s4 =	sshll.u32 s15, $0x2;
	s23 =	sand.u32 $0x7F, s18  }
0x21a: {  	s6 =	sshll.u32 s18, $0x2;
	s18 =	sadd.s32 $0x20, s0;
	s0 =	sadd.s32 $0x30, s0  }
0x21b: {  	s2 =	sor.u32 s4, s2;
	s6 =	sand.u32 $0xFFFFFE00, s6;
	s15 =	sshll.u32 s23, $0x2  }
0x21c: {  	s23 =	sand.u32 $0x7F, s18;
	s2 =	sshra.s32 s2, $0x2;
	s4 =	sor.u32 s15, s6  }
0x21d: {  	s6 =	sshll.u32 s18, $0x2;
	s8 =	sshll.u32 s23, $0x2;
	s18 =	sand.u32 $0x7F, s0  }
0x21e: {  	s2 =	sadd.s32 s22, s2;
	s4 =	sshra.s32 s4, $0x2;
	s6 =	sand.u32 $0xFFFFFE00, s6  }
0x21f: {  	s0 =	sshll.u32 s0, $0x2;
	s4 =	sadd.s32 s22, s4;
	v52 =	vld [tilespmem:s2+$0x3B80];
	s15 =	sor.u32 s8, s6  }
0x220: {  	s0 =	sand.u32 $0xFFFFFE00, s0;
	s23 =	sshll.u32 s18, $0x2;
	v53 =	vld [tilespmem:s4+$0x3B80];
	s2 =	sshra.s32 s15, $0x2  }
0x221: {  	s0 =	sor.u32 s23, s0;
	s2 =	sadd.s32 s22, s2  }
0x222: {  	s0 =	sshra.s32 s0, $0x2;
	v54 =	vld [tilespmem:s2+$0x3B80]  }
0x223: {  	s0 =	sadd.s32 s22, s0  }
0x224: {  	v55 =	vld [tilespmem:s0+$0x3B80]  }
0x225: {  	v4 =	vmul.f32 v52, v0;
	v5 =	vmul.f32 v53, v1;
	_ =	sdelay $0x1  }
0x226: {  	v4 =	vadd.f32 v5, v4;
	v56 =	vmul.f32 v54, v2  }
0x227: {  	s4 =	sshrl.u32 s3, $0x3  }
0x228: {  	s0 =	sadd.s32 s9, s4;
	v57 =	vmul.f32 v55, v3;
	v4 =	vadd.f32 v56, v4  }
0x229: {  	s6 =	sadd.s32 $0xFFFFFFF0, s12;
	s0 =	sshll.u32 s0, $0x7  }
0x22a: {  	s2 =	sand.u32 $0x60, s6;
	s0 =	sand.u32 $0x3FFFFF80, s0;
	v4 =	vadd.f32 v57, v4  }
0x22b: {  	s0 =	sor.u32 s2, s0  }
0x22c: {  	[tilespmem:s0+$0x19280] =	vst v4  }
0x22d: {  	v4 =	vld [tilespmem:s11+$0x0];
	_ =	sdelay $0x4  }
0x22e: {  	(v2sf) =	vpush v4, $0x0;
	_ =	sdelay $0xe  }
0x22f: {  	s0 =	spop (v2sf)  }
0x230: {  	s8 =	sshll.u32 s0, $0x2;
	s15 =	sand.u32 $0x7F, s0;
	s18 =	sadd.s32 $0x10, s0  }
0x231: {  	s2 =	sand.u32 $0xFFFFFE00, s8;
	s3 =	sshll.u32 s15, $0x2;
	s23 =	sand.u32 $0x7F, s18  }
0x232: {  	s4 =	sshll.u32 s18, $0x2;
	s18 =	sadd.s32 $0x20, s0;
	s0 =	sadd.s32 $0x30, s0  }
0x233: {  	s2 =	sor.u32 s3, s2;
	s8 =	sand.u32 $0xFFFFFE00, s4;
	s15 =	sshll.u32 s23, $0x2  }
0x234: {  	s23 =	sand.u32 $0x7F, s18;
	s4 =	sshll.u32 s18, $0x2;
	s2 =	sshra.s32 s2, $0x2  }
0x235: {  	s3 =	sor.u32 s15, s8;
	s4 =	sand.u32 $0xFFFFFE00, s4;
	s6 =	sshll.u32 s23, $0x2  }
0x236: {  	s15 =	sand.u32 $0x7F, s0;
	s2 =	sadd.s32 s22, s2;
	s3 =	sshra.s32 s3, $0x2  }
0x237: {  	s0 =	sshll.u32 s0, $0x2;
	s8 =	sor.u32 s6, s4;
	s3 =	sadd.s32 s22, s3;
	v58 =	vld [tilespmem:s2+$0x3C00]  }
0x238: {  	s0 =	sand.u32 $0xFFFFFE00, s0;
	s18 =	sshll.u32 s15, $0x2;
	s2 =	sshra.s32 s8, $0x2;
	v59 =	vld [tilespmem:s3+$0x3C00]  }
0x239: {  	s0 =	sor.u32 s18, s0;
	s2 =	sadd.s32 s22, s2  }
0x23a: {  	s0 =	sshra.s32 s0, $0x2;
	v60 =	vld [tilespmem:s2+$0x3C00]  }
0x23b: {  	s0 =	sadd.s32 s22, s0  }
0x23c: {  	v61 =	vld [tilespmem:s0+$0x3C00]  }
0x23d: {  	v0 =	vmul.f32 v58, v0;
	v1 =	vmul.f32 v59, v1;
	_ =	sdelay $0x1  }
0x23e: {  	s22 =	sadd.s32 $0x13, s19;
	v62 =	vmul.f32 v60, v2;
	v0 =	vadd.f32 v1, v0  }
0x23f: {  	p2 =	sne.s32 s20, $0x2D000;
	s0 =	sshrl.u32 s22, $0x3  }
.Ltmp0:
0x240: {  	s16 =	sadd.s32 $0x200, s16;
	s0 =	sadd.s32 s9, s0;
	v63 =	vmul.f32 v61, v3;
	v0 =	vadd.f32 v62, v0;
	(pc) =	sbr.rel @p2 .LBB2_3-.Ltmp0, $4  }
0x241: {  	s28 =	sadd.s32 $0x1, s28;
	s21 =	sadd.s32 $0x1, s21;
	s0 =	sshll.u32 s0, $0x7  }
0x242: {  	s26 =	sadd.s32 $0x10, s26;
	s23 =	sand.u32 $0x70, s12;
	s0 =	sand.u32 $0x3FFFFF80, s0;
	v0 =	vadd.f32 v63, v0  }
0x243: {  	s20 =	sadd.s32 $0x2800, s20;
	s24 =	sadd.s32 $0x40, s24;
	s0 =	sor.u32 s23, s0  }
0x244: {  	s11 =	sadd.s32 $0x14, s11;
	s12 =	sadd.s32 $0x140, s12;
	s19 =	sadd.s32 $0x14, s19;
	[tilespmem:s0+$0x19280] =	vst v0  }
0x245: {  	_ =	swait.ge [sflag:s14], $0x4000;
	s0 =	sshll.u32 s1, $0x9  }
0x246: {  	s1 =	simm.s32 $0x185;
	s11 =	simm.s32 $0x17D0;
	[sflag:s14] =	ssyncset.done $0x0  }
0x247: {  	s12 =	simm.s32 $0x0;
	s16 =	simm.s32 $0x4C0;
	[sflag:s14] =	ssyncadd.s32 $0xFFFFC000  }
0x248: {  	s19 =	simm.s32 $0x130;
	s0 =	sand.u32 $0x3FFFFE00, s0;
	_ =	swait.ge [sflag:s14], $0x4000  }
0x249: {  	s20 =	smov.u32 s29;
	s0 =	sadd.s32 $0x17280, s0;
	[sflag:s14] =	ssyncset.done $0x0  }
0x24a: {  	s21 =	simm.s32 $0x0;
	[dreg:$0x2] =	wrdreg s0;
	[sflag:s14] =	ssyncadd.s32 $0xFFFFC000  }
.LBB2_5:
0x24b: {  	v0 =	vld [tilespmem:s20+$0xFFFFFFC0]  }
0x24c: {  	v1 =	vld [tilespmem:s20+$0x0];
	_ =	sdelay $0x3  }
0x24d: {  	(v2sf) =	vpush v0, $0x0  }
0x24e: {  	(v2sf) =	vpush v1, $0x0;
	_ =	sdelay $0xd  }
0x24f: {  	s6 =	sshra.s32 s12, $0x2;
	s0 =	spop (v2sf)  }
0x250: {  	s2 =	sand.u32 $0x7F, s0;
	s3 =	sshll.u32 s0, $0x2;
	s4 =	spop (v2sf)  }
0x251: {  	s18 =	sadd.s32 $0x10, s0;
	s15 =	sadd.s32 $0x20, s0;
	s0 =	sadd.s32 $0x30, s0  }
0x252: {  	s3 =	sand.u32 $0xFFFFFE00, s3;
	s2 =	sshll.u32 s2, $0x2;
	s8 =	sshll.u32 s18, $0x2  }
0x253: {  	s24 =	sand.u32 $0x7F, s0;
	s0 =	sshll.u32 s0, $0x2;
	s26 =	sand.u32 $0x7F, s4  }
0x254: {  	s2 =	sor.u32 s2, s3;
	s3 =	sand.u32 $0x7F, s18;
	s8 =	sand.u32 $0xFFFFFE00, s8  }
0x255: {  	s18 =	sand.u32 $0x7F, s15;
	s15 =	sshll.u32 s15, $0x2;
	s0 =	sand.u32 $0xFFFFFE00, s0  }
0x256: {  	s2 =	sshra.s32 s2, $0x2;
	s3 =	sshll.u32 s3, $0x2;
	s22 =	sand.u32 $0xFFFFFE00, s15  }
0x257: {  	s23 =	sshll.u32 s18, $0x2;
	s18 =	sshll.u32 s26, $0x2;
	s15 =	sshll.u32 s24, $0x2  }
0x258: {  	s24 =	sadd.s32 $0x20, s4;
	s3 =	sor.u32 s3, s8;
	s2 =	sadd.s32 s6, s2  }
0x259: {  	s8 =	sor.u32 s23, s22;
	s22 =	sshll.u32 s4, $0x2;
	s23 =	sadd.s32 $0x10, s4  }
0x25a: {  	s0 =	sor.u32 s15, s0;
	s4 =	sadd.s32 $0x30, s4;
	s3 =	sshra.s32 s3, $0x2  }
0x25b: {  	s8 =	sshra.s32 s8, $0x2;
	s22 =	sand.u32 $0xFFFFFE00, s22;
	s28 =	sand.u32 $0x7F, s23  }
0x25c: {  	s23 =	sshll.u32 s23, $0x2;
	s3 =	sadd.s32 s6, s3;
	s8 =	sadd.s32 s6, s8  }
0x25d: {  	s18 =	sor.u32 s18, s22;
	s23 =	sand.u32 $0xFFFFFE00, s23;
	s22 =	sshll.u32 s28, $0x2  }
0x25e: {  	s28 =	sand.u32 $0x7F, s24;
	s18 =	sshra.s32 s18, $0x2;
	s23 =	sor.u32 s22, s23  }
0x25f: {  	v0 =	vld [tilespmem:s2+$0x1C00];
	s22 =	sshll.u32 s24, $0x2;
	s15 =	sadd.s32 s6, s18;
	s18 =	sshra.s32 s23, $0x2  }
0x260: {  	v1 =	vld [tilespmem:s3+$0x1C00];
	s22 =	sand.u32 $0xFFFFFE00, s22;
	s26 =	sadd.s32 s6, s18;
	s18 =	sshll.u32 s28, $0x2  }
0x261: {  	s23 =	sand.u32 $0x7F, s4;
	s4 =	sshll.u32 s4, $0x2;
	v4 =	vld [tilespmem:s15+$0x2C00];
	s3 =	sor.u32 s18, s22  }
0x262: {  	s28 =	sshll.u32 s23, $0x2;
	v5 =	vld [tilespmem:s26+$0x2C00];
	s26 =	sand.u32 $0xFFFFFE00, s4;
	s24 =	sshra.s32 s3, $0x2  }
0x263: {  	s0 =	sshra.s32 s0, $0x2;
	v2 =	vld [tilespmem:s8+$0x1C00];
	s3 =	sor.u32 s28, s26;
	s2 =	sadd.s32 s6, s24  }
0x264: {  	s0 =	sadd.s32 s6, s0;
	s8 =	sshra.s32 s3, $0x2;
	v6 =	vld [tilespmem:s2+$0x2C00]  }
0x265: {  	v3 =	vld [tilespmem:s0+$0x1C00];
	s15 =	sadd.s32 s6, s8  }
0x266: {  	v7 =	vld [tilespmem:s15+$0x2C00]  }
0x267: {  	v4 =	vmul.f32 v4, v0;
	v5 =	vmul.f32 v5, v1;
	_ =	sdelay $0x1  }
0x268: {  	v4 =	vadd.f32 v5, v4;
	v53 =	vmul.f32 v6, v2;
	_ =	sdelay $0x1  }
0x269: {  	s23 =	sadd.s32 s1, s7;
	s18 =	rddreg [dreg:$0x2];
	s22 =	sand.u32 $0x600, s16;
	v54 =	vmul.f32 v7, v3;
	v4 =	vadd.f32 v53, v4  }
0x26a: {  	s26 =	sadd.s32 $0x277, s23;
	s24 =	sand.u32 $0x70, s19;
	s2 =	sshrl.u32 s22, $0x2  }
0x26b: {  	s4 =	sand.u32 $0x1F80, s26;
	s0 =	sadd.s32 s2, s18;
	s2 =	sadd.s32 $0xFFFFFFF7, s1;
	v4 =	vadd.f32 v54, v4  }
0x26c: {  	s3 =	sadd.s32 $0x800, s4;
	s0 =	sadd.s32 s24, s0;
	s28 =	sand.u32 $0x7C, s2  }
0x26d: {  	s8 =	sor.u32 s28, s3;
	[tilespmem:s0+$0x0] =	vst v4  }
0x26e: {  	v4 =	vld [tilespmem:s8+$0x0];
	_ =	sdelay $0x4  }
0x26f: {  	(v2sf) =	vpush v4, $0x0;
	_ =	sdelay $0xe  }
0x270: {  	s0 =	spop (v2sf)  }
0x271: {  	s15 =	sshll.u32 s0, $0x2  }
0x272: {  	s18 =	sand.u32 $0x7F, s0;
	s22 =	sadd.s32 $0x10, s0;
	s4 =	sand.u32 $0xFFFFFE00, s15  }
0x273: {  	s6 =	sshll.u32 s18, $0x2;
	s24 =	sand.u32 $0x7F, s22;
	s8 =	sshll.u32 s22, $0x2  }
0x274: {  	s22 =	sshra.s32 s21, $0x2;
	s15 =	sadd.s32 $0x20, s0;
	s0 =	sadd.s32 $0x30, s0  }
0x275: {  	s4 =	sor.u32 s6, s4;
	s26 =	sand.u32 $0xFFFFFE00, s8;
	s28 =	sshll.u32 s24, $0x2  }
0x276: {  	s18 =	sand.u32 $0x7F, s15;
	s8 =	sshll.u32 s15, $0x2;
	s4 =	sshra.s32 s4, $0x2  }
0x277: {  	s6 =	sor.u32 s28, s26;
	s8 =	sand.u32 $0xFFFFFE00, s8;
	s15 =	sshll.u32 s18, $0x2  }
0x278: {  	s26 =	sand.u32 $0x7F, s0;
	s4 =	sadd.s32 s22, s4;
	s6 =	sshra.s32 s6, $0x2  }
0x279: {  	s0 =	sshll.u32 s0, $0x2;
	s24 =	sor.u32 s15, s8;
	s6 =	sadd.s32 s22, s6;
	v55 =	vld [tilespmem:s4+$0xF080]  }
0x27a: {  	s0 =	sand.u32 $0xFFFFFE00, s0;
	s28 =	sshll.u32 s26, $0x2;
	s4 =	sshra.s32 s24, $0x2;
	v56 =	vld [tilespmem:s6+$0xF080]  }
0x27b: {  	s0 =	sor.u32 s28, s0;
	s4 =	sadd.s32 s22, s4  }
0x27c: {  	s0 =	sshra.s32 s0, $0x2;
	v57 =	vld [tilespmem:s4+$0xF080]  }
0x27d: {  	s0 =	sadd.s32 s22, s0  }
0x27e: {  	v58 =	vld [tilespmem:s0+$0xF080]  }
0x27f: {  	v4 =	vmul.f32 v55, v0;
	v5 =	vmul.f32 v56, v1;
	_ =	sdelay $0x1  }
0x280: {  	s6 =	sshrl.u32 s2, $0x3;
	v59 =	vmul.f32 v57, v2;
	v4 =	vadd.f32 v5, v4  }
0x281: {  	s0 =	sadd.s32 s9, s6  }
0x282: {  	s0 =	sshll.u32 s0, $0x7;
	v60 =	vmul.f32 v58, v3;
	v4 =	vadd.f32 v59, v4  }
0x283: {  	s0 =	sand.u32 $0x3FFFFF80, s0  }
0x284: {  	s8 =	sadd.s32 $0xFFFFFFF8, s1;
	s2 =	sand.u32 $0x40, s16;
	s4 =	sadd.s32 $0x19280, s0;
	v4 =	vadd.f32 v60, v4  }
0x285: {  	s0 =	sand.u32 $0x7D, s8;
	s15 =	sor.u32 s2, s4  }
0x286: {  	s0 =	sor.u32 s0, s3;
	[tilespmem:s15+$0x0] =	vst v4  }
0x287: {  	v4 =	vld [tilespmem:s0+$0x0];
	_ =	sdelay $0x4  }
0x288: {  	(v2sf) =	vpush v4, $0x0;
	_ =	sdelay $0xe  }
0x289: {  	s0 =	spop (v2sf)  }
0x28a: {  	s18 =	sshll.u32 s0, $0x2;
	s24 =	sand.u32 $0x7F, s0;
	s26 =	sadd.s32 $0x10, s0  }
0x28b: {  	s6 =	sand.u32 $0xFFFFFE00, s18;
	s8 =	sshll.u32 s24, $0x2;
	s28 =	sand.u32 $0x7F, s26  }
0x28c: {  	s15 =	sshll.u32 s26, $0x2;
	s26 =	sadd.s32 $0x20, s0;
	s0 =	sadd.s32 $0x30, s0  }
0x28d: {  	s6 =	sor.u32 s8, s6;
	s15 =	sand.u32 $0xFFFFFE00, s15;
	s24 =	sshll.u32 s28, $0x2  }
0x28e: {  	s28 =	sand.u32 $0x7F, s26;
	s6 =	sshra.s32 s6, $0x2;
	s8 =	sor.u32 s24, s15  }
0x28f: {  	s15 =	sshll.u32 s26, $0x2;
	s18 =	sshll.u32 s28, $0x2;
	s26 =	sand.u32 $0x7F, s0  }
0x290: {  	s6 =	sadd.s32 s22, s6;
	s8 =	sshra.s32 s8, $0x2;
	s15 =	sand.u32 $0xFFFFFE00, s15  }
0x291: {  	s0 =	sshll.u32 s0, $0x2;
	s8 =	sadd.s32 s22, s8;
	v61 =	vld [tilespmem:s6+$0xF100];
	s24 =	sor.u32 s18, s15  }
0x292: {  	s0 =	sand.u32 $0xFFFFFE00, s0;
	s28 =	sshll.u32 s26, $0x2;
	v62 =	vld [tilespmem:s8+$0xF100];
	s6 =	sshra.s32 s24, $0x2  }
0x293: {  	s0 =	sor.u32 s28, s0;
	s6 =	sadd.s32 s22, s6  }
0x294: {  	s0 =	sshra.s32 s0, $0x2;
	v63 =	vld [tilespmem:s6+$0xF100]  }
0x295: {  	s0 =	sadd.s32 s22, s0  }
0x296: {  	v9 =	vld [tilespmem:s0+$0xF100]  }
0x297: {  	v4 =	vmul.f32 v61, v0;
	v5 =	vmul.f32 v62, v1;
	_ =	sdelay $0x1  }
0x298: {  	v4 =	vadd.f32 v5, v4;
	v10 =	vmul.f32 v63, v2;
	_ =	sdelay $0x1  }
0x299: {  	v11 =	vmul.f32 v9, v3;
	v4 =	vadd.f32 v10, v4;
	_ =	sdelay $0x1  }
0x29a: {  	s8 =	sadd.s32 $0xFFFFFFF9, s1;
	s6 =	sand.u32 $0x50, s11;
	v4 =	vadd.f32 v11, v4  }
0x29b: {  	s0 =	sor.u32 s6, s4;
	s6 =	sand.u32 $0x7E, s8  }
0x29c: {  	s15 =	sor.u32 s6, s3;
	[tilespmem:s0+$0x0] =	vst v4  }
0x29d: {  	v4 =	vld [tilespmem:s15+$0x0];
	_ =	sdelay $0x4  }
0x29e: {  	(v2sf) =	vpush v4, $0x0;
	_ =	sdelay $0xe  }
0x29f: {  	s0 =	spop (v2sf)  }
0x2a0: {  	s18 =	sshll.u32 s0, $0x2;
	s24 =	sand.u32 $0x7F, s0;
	s26 =	sadd.s32 $0x10, s0  }
0x2a1: {  	s3 =	sand.u32 $0xFFFFFE00, s18;
	s6 =	sshll.u32 s24, $0x2;
	s28 =	sand.u32 $0x7F, s26  }
0x2a2: {  	s8 =	sshll.u32 s26, $0x2;
	s18 =	sadd.s32 $0x20, s0;
	s0 =	sadd.s32 $0x30, s0  }
0x2a3: {  	s3 =	sor.u32 s6, s3;
	s8 =	sand.u32 $0xFFFFFE00, s8;
	s15 =	sshll.u32 s28, $0x2  }
0x2a4: {  	s24 =	sand.u32 $0x7F, s18;
	s28 =	sand.u32 $0x7F, s0;
	s3 =	sshra.s32 s3, $0x2  }
0x2a5: {  	s6 =	sor.u32 s15, s8;
	s8 =	sshll.u32 s18, $0x2;
	s15 =	sshll.u32 s24, $0x2  }
0x2a6: {  	s3 =	sadd.s32 s22, s3;
	s6 =	sshra.s32 s6, $0x2;
	s8 =	sand.u32 $0xFFFFFE00, s8  }
0x2a7: {  	s0 =	sshll.u32 s0, $0x2;
	s6 =	sadd.s32 s22, s6;
	v12 =	vld [tilespmem:s3+$0xF180];
	s26 =	sor.u32 s15, s8  }
0x2a8: {  	s0 =	sand.u32 $0xFFFFFE00, s0;
	s8 =	sshll.u32 s28, $0x2;
	v13 =	vld [tilespmem:s6+$0xF180];
	s3 =	sshra.s32 s26, $0x2  }
0x2a9: {  	s0 =	sor.u32 s8, s0;
	s3 =	sadd.s32 s22, s3  }
0x2aa: {  	s0 =	sshra.s32 s0, $0x2;
	v14 =	vld [tilespmem:s3+$0xF180]  }
0x2ab: {  	s0 =	sadd.s32 s22, s0  }
0x2ac: {  	v15 =	vld [tilespmem:s0+$0xF180]  }
0x2ad: {  	v4 =	vmul.f32 v12, v0;
	v5 =	vmul.f32 v13, v1;
	_ =	sdelay $0x1  }
0x2ae: {  	v4 =	vadd.f32 v5, v4;
	v16 =	vmul.f32 v14, v2;
	_ =	sdelay $0x1  }
0x2af: {  	v17 =	vmul.f32 v15, v3;
	v4 =	vadd.f32 v16, v4  }
0x2b0: {  	s15 =	sadd.s32 $0x10, s11  }
0x2b1: {  	s0 =	sand.u32 $0x60, s15;
	v4 =	vadd.f32 v17, v4  }
0x2b2: {  	s0 =	sor.u32 s0, s4  }
0x2b3: {  	[tilespmem:s0+$0x0] =	vst v4  }
0x2b4: {  	v4 =	vld [tilespmem:s25+$0xFFFFFFF0];
	_ =	sdelay $0x4  }
0x2b5: {  	(v2sf) =	vpush v4, $0x0;
	_ =	sdelay $0xe  }
0x2b6: {  	s0 =	spop (v2sf)  }
0x2b7: {  	s18 =	sshll.u32 s0, $0x2;
	s24 =	sand.u32 $0x7F, s0;
	s26 =	sadd.s32 $0x10, s0  }
0x2b8: {  	s3 =	sand.u32 $0xFFFFFE00, s18;
	s6 =	sshll.u32 s24, $0x2;
	s28 =	sand.u32 $0x7F, s26  }
0x2b9: {  	s8 =	sshll.u32 s26, $0x2;
	s26 =	sadd.s32 $0x20, s0;
	s0 =	sadd.s32 $0x30, s0  }
0x2ba: {  	s3 =	sor.u32 s6, s3;
	s18 =	sand.u32 $0xFFFFFE00, s8;
	s24 =	sshll.u32 s28, $0x2  }
0x2bb: {  	s28 =	sand.u32 $0x7F, s26;
	s8 =	sshll.u32 s26, $0x2;
	s3 =	sshra.s32 s3, $0x2  }
0x2bc: {  	s6 =	sor.u32 s24, s18;
	s8 =	sand.u32 $0xFFFFFE00, s8;
	s15 =	sshll.u32 s28, $0x2  }
0x2bd: {  	s18 =	sand.u32 $0x7F, s0;
	s3 =	sadd.s32 s22, s3;
	s6 =	sshra.s32 s6, $0x2  }
0x2be: {  	s0 =	sshll.u32 s0, $0x2;
	s15 =	sor.u32 s15, s8;
	s6 =	sadd.s32 s22, s6;
	v18 =	vld [tilespmem:s3+$0xF200]  }
0x2bf: {  	s0 =	sand.u32 $0xFFFFFE00, s0;
	s24 =	sshll.u32 s18, $0x2;
	s3 =	sshra.s32 s15, $0x2;
	v19 =	vld [tilespmem:s6+$0xF200]  }
0x2c0: {  	s0 =	sor.u32 s24, s0;
	s3 =	sadd.s32 s22, s3  }
0x2c1: {  	s0 =	sshra.s32 s0, $0x2;
	v20 =	vld [tilespmem:s3+$0xF200]  }
0x2c2: {  	s0 =	sadd.s32 s22, s0  }
0x2c3: {  	v21 =	vld [tilespmem:s0+$0xF200]  }
0x2c4: {  	v4 =	vmul.f32 v18, v0;
	v5 =	vmul.f32 v19, v1;
	_ =	sdelay $0x1  }
0x2c5: {  	v22 =	vmul.f32 v20, v2;
	v4 =	vadd.f32 v5, v4;
	_ =	sdelay $0x1  }
0x2c6: {  	v23 =	vmul.f32 v21, v3;
	v4 =	vadd.f32 v22, v4  }
0x2c7: {  	s26 =	sadd.s32 $0x20, s11  }
0x2c8: {  	s28 =	sadd.s32 $0x27B, s23;
	s3 =	sadd.s32 $0xFFFFFFFB, s1;
	s0 =	sand.u32 $0x70, s26;
	v4 =	vadd.f32 v23, v4  }
0x2c9: {  	s6 =	sand.u32 $0x1F80, s28;
	s8 =	sand.u32 $0x7C, s3;
	s0 =	sor.u32 s0, s4  }
0x2ca: {  	s15 =	sor.u32 s8, s6;
	[tilespmem:s0+$0x0] =	vst v4  }
0x2cb: {  	v4 =	vld [tilespmem:s15+$0x800];
	_ =	sdelay $0x4  }
0x2cc: {  	(v2sf) =	vpush v4, $0x0;
	_ =	sdelay $0xe  }
0x2cd: {  	s0 =	spop (v2sf)  }
0x2ce: {  	s18 =	sshll.u32 s0, $0x2;
	s24 =	sand.u32 $0x7F, s0;
	s26 =	sadd.s32 $0x10, s0  }
0x2cf: {  	s4 =	sand.u32 $0xFFFFFE00, s18;
	s6 =	sshll.u32 s24, $0x2;
	s28 =	sand.u32 $0x7F, s26  }
0x2d0: {  	s8 =	sshll.u32 s26, $0x2;
	s26 =	sadd.s32 $0x20, s0;
	s0 =	sadd.s32 $0x30, s0  }
0x2d1: {  	s4 =	sor.u32 s6, s4;
	s18 =	sand.u32 $0xFFFFFE00, s8;
	s24 =	sshll.u32 s28, $0x2  }
0x2d2: {  	s28 =	sand.u32 $0x7F, s26;
	s8 =	sshll.u32 s26, $0x2;
	s4 =	sshra.s32 s4, $0x2  }
0x2d3: {  	s6 =	sor.u32 s24, s18;
	s8 =	sand.u32 $0xFFFFFE00, s8;
	s15 =	sshll.u32 s28, $0x2  }
0x2d4: {  	s4 =	sadd.s32 s22, s4;
	s6 =	sshra.s32 s6, $0x2;
	s8 =	sor.u32 s15, s8  }
0x2d5: {  	s15 =	sand.u32 $0x7F, s0;
	s0 =	sshll.u32 s0, $0x2;
	s6 =	sadd.s32 s22, s6;
	v24 =	vld [tilespmem:s4+$0xF280]  }
0x2d6: {  	s4 =	sshra.s32 s8, $0x2;
	s0 =	sand.u32 $0xFFFFFE00, s0;
	s18 =	sshll.u32 s15, $0x2;
	v25 =	vld [tilespmem:s6+$0xF280]  }
0x2d7: {  	s4 =	sadd.s32 s22, s4;
	s0 =	sor.u32 s18, s0  }
0x2d8: {  	v26 =	vld [tilespmem:s4+$0xF280];
	s0 =	sshra.s32 s0, $0x2  }
0x2d9: {  	s0 =	sadd.s32 s22, s0  }
0x2da: {  	v27 =	vld [tilespmem:s0+$0xF280]  }
0x2db: {  	v4 =	vmul.f32 v24, v0;
	v5 =	vmul.f32 v25, v1;
	_ =	sdelay $0x1  }
0x2dc: {  	v28 =	vmul.f32 v26, v2;
	v4 =	vadd.f32 v5, v4  }
0x2dd: {  	s24 =	sshrl.u32 s3, $0x3  }
0x2de: {  	s26 =	sadd.s32 $0x30, s11;
	s0 =	sadd.s32 s9, s24;
	v29 =	vmul.f32 v27, v3;
	v4 =	vadd.f32 v28, v4  }
0x2df: {  	s3 =	sand.u32 $0x40, s26;
	s0 =	sshll.u32 s0, $0x7  }
0x2e0: {  	s28 =	sadd.s32 $0x27C, s23;
	s4 =	sadd.s32 $0xFFFFFFFC, s1;
	s0 =	sand.u32 $0x3FFFFF80, s0;
	v4 =	vadd.f32 v29, v4  }
0x2e1: {  	s6 =	sand.u32 $0x1F80, s28;
	s8 =	sand.u32 $0x7D, s4;
	s0 =	sor.u32 s3, s0  }
0x2e2: {  	s15 =	sor.u32 s8, s6;
	[tilespmem:s0+$0x19280] =	vst v4  }
0x2e3: {  	v4 =	vld [tilespmem:s15+$0x800];
	_ =	sdelay $0x4  }
0x2e4: {  	(v2sf) =	vpush v4, $0x0;
	_ =	sdelay $0xe  }
0x2e5: {  	s0 =	spop (v2sf)  }
0x2e6: {  	s18 =	sshll.u32 s0, $0x2;
	s24 =	sand.u32 $0x7F, s0;
	s26 =	sadd.s32 $0x10, s0  }
0x2e7: {  	s3 =	sand.u32 $0xFFFFFE00, s18;
	s6 =	sshll.u32 s24, $0x2;
	s28 =	sand.u32 $0x7F, s26  }
0x2e8: {  	s8 =	sshll.u32 s26, $0x2;
	s26 =	sadd.s32 $0x20, s0;
	s0 =	sadd.s32 $0x30, s0  }
0x2e9: {  	s3 =	sor.u32 s6, s3;
	s18 =	sand.u32 $0xFFFFFE00, s8;
	s24 =	sshll.u32 s28, $0x2  }
0x2ea: {  	s28 =	sand.u32 $0x7F, s26;
	s8 =	sshll.u32 s26, $0x2;
	s3 =	sshra.s32 s3, $0x2  }
0x2eb: {  	s6 =	sor.u32 s24, s18;
	s8 =	sand.u32 $0xFFFFFE00, s8;
	s15 =	sshll.u32 s28, $0x2  }
0x2ec: {  	s3 =	sadd.s32 s22, s3;
	s6 =	sshra.s32 s6, $0x2;
	s8 =	sor.u32 s15, s8  }
0x2ed: {  	s15 =	sand.u32 $0x7F, s0;
	s0 =	sshll.u32 s0, $0x2;
	s6 =	sadd.s32 s22, s6;
	v30 =	vld [tilespmem:s3+$0xF300]  }
0x2ee: {  	s3 =	sshra.s32 s8, $0x2;
	s0 =	sand.u32 $0xFFFFFE00, s0;
	s18 =	sshll.u32 s15, $0x2;
	v31 =	vld [tilespmem:s6+$0xF300]  }
0x2ef: {  	s3 =	sadd.s32 s22, s3;
	s0 =	sor.u32 s18, s0  }
0x2f0: {  	v32 =	vld [tilespmem:s3+$0xF300];
	s0 =	sshra.s32 s0, $0x2  }
0x2f1: {  	s0 =	sadd.s32 s22, s0  }
0x2f2: {  	v33 =	vld [tilespmem:s0+$0xF300]  }
0x2f3: {  	v4 =	vmul.f32 v30, v0;
	v5 =	vmul.f32 v31, v1;
	_ =	sdelay $0x1  }
0x2f4: {  	v34 =	vmul.f32 v32, v2;
	v4 =	vadd.f32 v5, v4  }
0x2f5: {  	s24 =	sshrl.u32 s4, $0x3  }
0x2f6: {  	s0 =	sadd.s32 s9, s24;
	v35 =	vmul.f32 v33, v3;
	v4 =	vadd.f32 v34, v4  }
0x2f7: {  	s26 =	sadd.s32 $0x40, s11;
	s4 =	sadd.s32 $0xFFFFFFFD, s1;
	s0 =	sshll.u32 s0, $0x7  }
0x2f8: {  	s28 =	sadd.s32 $0x27D, s23;
	s3 =	sand.u32 $0x50, s26;
	s0 =	sand.u32 $0x3FFFFF80, s0;
	v4 =	vadd.f32 v35, v4  }
0x2f9: {  	s8 =	sand.u32 $0x7E, s4;
	s6 =	sand.u32 $0x1F80, s28;
	s0 =	sor.u32 s3, s0  }
0x2fa: {  	s15 =	sor.u32 s8, s6;
	[tilespmem:s0+$0x19280] =	vst v4  }
0x2fb: {  	v4 =	vld [tilespmem:s15+$0x800];
	_ =	sdelay $0x4  }
0x2fc: {  	(v2sf) =	vpush v4, $0x0;
	_ =	sdelay $0xe  }
0x2fd: {  	s0 =	spop (v2sf)  }
0x2fe: {  	s18 =	sshll.u32 s0, $0x2;
	s24 =	sand.u32 $0x7F, s0;
	s26 =	sadd.s32 $0x10, s0  }
0x2ff: {  	s3 =	sand.u32 $0xFFFFFE00, s18;
	s6 =	sshll.u32 s24, $0x2;
	s28 =	sand.u32 $0x7F, s26  }
0x300: {  	s8 =	sshll.u32 s26, $0x2;
	s26 =	sadd.s32 $0x20, s0;
	s0 =	sadd.s32 $0x30, s0  }
0x301: {  	s3 =	sor.u32 s6, s3;
	s18 =	sand.u32 $0xFFFFFE00, s8;
	s24 =	sshll.u32 s28, $0x2  }
0x302: {  	s28 =	sand.u32 $0x7F, s26;
	s8 =	sshll.u32 s26, $0x2;
	s3 =	sshra.s32 s3, $0x2  }
0x303: {  	s6 =	sor.u32 s24, s18;
	s8 =	sand.u32 $0xFFFFFE00, s8;
	s15 =	sshll.u32 s28, $0x2  }
0x304: {  	s18 =	sand.u32 $0x7F, s0;
	s3 =	sadd.s32 s22, s3;
	s6 =	sshra.s32 s6, $0x2  }
0x305: {  	s0 =	sshll.u32 s0, $0x2;
	s15 =	sor.u32 s15, s8;
	s6 =	sadd.s32 s22, s6;
	v36 =	vld [tilespmem:s3+$0xF380]  }
0x306: {  	s0 =	sand.u32 $0xFFFFFE00, s0;
	s24 =	sshll.u32 s18, $0x2;
	s3 =	sshra.s32 s15, $0x2;
	v37 =	vld [tilespmem:s6+$0xF380]  }
0x307: {  	s0 =	sor.u32 s24, s0;
	s3 =	sadd.s32 s22, s3  }
0x308: {  	s0 =	sshra.s32 s0, $0x2;
	v38 =	vld [tilespmem:s3+$0xF380]  }
0x309: {  	s0 =	sadd.s32 s22, s0  }
0x30a: {  	v39 =	vld [tilespmem:s0+$0xF380]  }
0x30b: {  	v4 =	vmul.f32 v36, v0;
	v5 =	vmul.f32 v37, v1;
	_ =	sdelay $0x1  }
0x30c: {  	v40 =	vmul.f32 v38, v2;
	v4 =	vadd.f32 v5, v4  }
0x30d: {  	s26 =	sshrl.u32 s4, $0x3  }
0x30e: {  	s0 =	sadd.s32 s9, s26;
	v41 =	vmul.f32 v39, v3;
	v4 =	vadd.f32 v40, v4  }
0x30f: {  	s28 =	sadd.s32 $0x50, s11;
	s0 =	sshll.u32 s0, $0x7  }
0x310: {  	s3 =	sand.u32 $0x60, s28;
	s0 =	sand.u32 $0x3FFFFF80, s0;
	v4 =	vadd.f32 v41, v4  }
0x311: {  	s0 =	sor.u32 s3, s0  }
0x312: {  	[tilespmem:s0+$0x19280] =	vst v4  }
0x313: {  	v4 =	vld [tilespmem:s25+$0xFFFFFFF4];
	_ =	sdelay $0x4  }
0x314: {  	(v2sf) =	vpush v4, $0x0;
	_ =	sdelay $0xe  }
0x315: {  	s0 =	spop (v2sf)  }
0x316: {  	s4 =	sshll.u32 s0, $0x2;
	s6 =	sand.u32 $0x7F, s0;
	s8 =	sadd.s32 $0x10, s0  }
0x317: {  	s26 =	sadd.s32 $0x20, s0;
	s0 =	sadd.s32 $0x30, s0;
	s3 =	sand.u32 $0xFFFFFE00, s4  }
0x318: {  	s4 =	sshll.u32 s6, $0x2;
	s15 =	sand.u32 $0x7F, s8;
	s6 =	sshll.u32 s8, $0x2  }
0x319: {  	s28 =	sand.u32 $0x7F, s26;
	s3 =	sor.u32 s4, s3;
	s18 =	sand.u32 $0xFFFFFE00, s6  }
0x31a: {  	s24 =	sshll.u32 s15, $0x2;
	s6 =	sshll.u32 s26, $0x2;
	s8 =	sshll.u32 s28, $0x2  }
0x31b: {  	s15 =	sand.u32 $0x7F, s0;
	s3 =	sshra.s32 s3, $0x2;
	s4 =	sor.u32 s24, s18  }
0x31c: {  	s6 =	sand.u32 $0xFFFFFE00, s6;
	s3 =	sadd.s32 s22, s3;
	s4 =	sshra.s32 s4, $0x2  }
0x31d: {  	s0 =	sshll.u32 s0, $0x2;
	s8 =	sor.u32 s8, s6;
	s4 =	sadd.s32 s22, s4;
	v42 =	vld [tilespmem:s3+$0xF400]  }
0x31e: {  	s0 =	sand.u32 $0xFFFFFE00, s0;
	s18 =	sshll.u32 s15, $0x2;
	s3 =	sshra.s32 s8, $0x2;
	v43 =	vld [tilespmem:s4+$0xF400]  }
0x31f: {  	s0 =	sor.u32 s18, s0;
	s3 =	sadd.s32 s22, s3  }
0x320: {  	s0 =	sshra.s32 s0, $0x2;
	v44 =	vld [tilespmem:s3+$0xF400]  }
0x321: {  	s0 =	sadd.s32 s22, s0  }
0x322: {  	v45 =	vld [tilespmem:s0+$0xF400]  }
0x323: {  	v4 =	vmul.f32 v42, v0;
	v5 =	vmul.f32 v43, v1;
	_ =	sdelay $0x1  }
0x324: {  	s24 =	sadd.s32 $0xFFFFFFFE, s1;
	v46 =	vmul.f32 v44, v2;
	v4 =	vadd.f32 v5, v4  }
0x325: {  	s0 =	sshrl.u32 s24, $0x3  }
0x326: {  	s0 =	sadd.s32 s9, s0;
	v47 =	vmul.f32 v45, v3;
	v4 =	vadd.f32 v46, v4  }
0x327: {  	s26 =	sadd.s32 $0x60, s11;
	s28 =	sadd.s32 $0x27F, s23;
	s0 =	sshll.u32 s0, $0x7  }
0x328: {  	s4 =	sadd.s32 $0xFFFFFFFF, s1;
	s3 =	sand.u32 $0x70, s26;
	s0 =	sand.u32 $0x3FFFFF80, s0;
	v4 =	vadd.f32 v47, v4  }
0x329: {  	s6 =	sand.u32 $0x1F80, s28;
	s8 =	sand.u32 $0x7C, s4;
	s0 =	sor.u32 s3, s0  }
0x32a: {  	s15 =	sor.u32 s8, s6;
	[tilespmem:s0+$0x19280] =	vst v4  }
0x32b: {  	v4 =	vld [tilespmem:s15+$0x800];
	_ =	sdelay $0x4  }
0x32c: {  	(v2sf) =	vpush v4, $0x0;
	_ =	sdelay $0xe  }
0x32d: {  	s0 =	spop (v2sf)  }
0x32e: {  	s18 =	sshll.u32 s0, $0x2;
	s24 =	sand.u32 $0x7F, s0;
	s26 =	sadd.s32 $0x10, s0  }
0x32f: {  	s3 =	sand.u32 $0xFFFFFE00, s18;
	s6 =	sshll.u32 s24, $0x2;
	s28 =	sand.u32 $0x7F, s26  }
0x330: {  	s8 =	sshll.u32 s26, $0x2;
	s26 =	sadd.s32 $0x20, s0;
	s0 =	sadd.s32 $0x30, s0  }
0x331: {  	s3 =	sor.u32 s6, s3;
	s18 =	sand.u32 $0xFFFFFE00, s8;
	s24 =	sshll.u32 s28, $0x2  }
0x332: {  	s28 =	sand.u32 $0x7F, s26;
	s8 =	sshll.u32 s26, $0x2;
	s3 =	sshra.s32 s3, $0x2  }
0x333: {  	s6 =	sor.u32 s24, s18;
	s8 =	sand.u32 $0xFFFFFE00, s8;
	s15 =	sshll.u32 s28, $0x2  }
0x334: {  	s3 =	sadd.s32 s22, s3;
	s6 =	sshra.s32 s6, $0x2;
	s8 =	sor.u32 s15, s8  }
0x335: {  	s15 =	sand.u32 $0x7F, s0;
	s0 =	sshll.u32 s0, $0x2;
	s6 =	sadd.s32 s22, s6;
	v48 =	vld [tilespmem:s3+$0xF480]  }
0x336: {  	s3 =	sshra.s32 s8, $0x2;
	s0 =	sand.u32 $0xFFFFFE00, s0;
	s18 =	sshll.u32 s15, $0x2;
	v49 =	vld [tilespmem:s6+$0xF480]  }
0x337: {  	s3 =	sadd.s32 s22, s3;
	s0 =	sor.u32 s18, s0  }
0x338: {  	v50 =	vld [tilespmem:s3+$0xF480];
	s0 =	sshra.s32 s0, $0x2  }
0x339: {  	s0 =	sadd.s32 s22, s0  }
0x33a: {  	v51 =	vld [tilespmem:s0+$0xF480]  }
0x33b: {  	v4 =	vmul.f32 v48, v0;
	v5 =	vmul.f32 v49, v1;
	_ =	sdelay $0x1  }
0x33c: {  	v52 =	vmul.f32 v50, v2;
	v4 =	vadd.f32 v5, v4  }
0x33d: {  	s24 =	sshrl.u32 s4, $0x3  }
0x33e: {  	s0 =	sadd.s32 s9, s24;
	v53 =	vmul.f32 v51, v3;
	v4 =	vadd.f32 v52, v4  }
0x33f: {  	s0 =	sshll.u32 s0, $0x7  }
0x340: {  	s26 =	sadd.s32 $0x280, s23;
	s0 =	sand.u32 $0x3FFFFF80, s0;
	v4 =	vadd.f32 v53, v4  }
0x341: {  	s28 =	sand.u32 $0x7D, s1;
	s3 =	sand.u32 $0x1F80, s26;
	s0 =	sor.u32 s2, s0  }
0x342: {  	s3 =	sor.u32 s28, s3;
	[tilespmem:s0+$0x19280] =	vst v4  }
0x343: {  	v4 =	vld [tilespmem:s3+$0x800];
	_ =	sdelay $0x4  }
0x344: {  	(v2sf) =	vpush v4, $0x0;
	_ =	sdelay $0xe  }
0x345: {  	s0 =	spop (v2sf)  }
0x346: {  	s4 =	sshll.u32 s0, $0x2;
	s6 =	sand.u32 $0x7F, s0;
	s8 =	sadd.s32 $0x10, s0  }
0x347: {  	s26 =	sadd.s32 $0x20, s0;
	s0 =	sadd.s32 $0x30, s0;
	s3 =	sand.u32 $0xFFFFFE00, s4  }
0x348: {  	s4 =	sshll.u32 s6, $0x2;
	s15 =	sand.u32 $0x7F, s8;
	s6 =	sshll.u32 s8, $0x2  }
0x349: {  	s28 =	sand.u32 $0x7F, s26;
	s3 =	sor.u32 s4, s3;
	s18 =	sand.u32 $0xFFFFFE00, s6  }
0x34a: {  	s24 =	sshll.u32 s15, $0x2;
	s6 =	sshll.u32 s26, $0x2;
	s8 =	sshll.u32 s28, $0x2  }
0x34b: {  	s15 =	sand.u32 $0x7F, s0;
	s3 =	sshra.s32 s3, $0x2;
	s4 =	sor.u32 s24, s18  }
0x34c: {  	s6 =	sand.u32 $0xFFFFFE00, s6;
	s3 =	sadd.s32 s22, s3;
	s4 =	sshra.s32 s4, $0x2  }
0x34d: {  	s0 =	sshll.u32 s0, $0x2;
	s8 =	sor.u32 s8, s6;
	s4 =	sadd.s32 s22, s4;
	v54 =	vld [tilespmem:s3+$0xF500]  }
0x34e: {  	s0 =	sand.u32 $0xFFFFFE00, s0;
	s18 =	sshll.u32 s15, $0x2;
	s3 =	sshra.s32 s8, $0x2;
	v55 =	vld [tilespmem:s4+$0xF500]  }
0x34f: {  	s0 =	sor.u32 s18, s0;
	s3 =	sadd.s32 s22, s3  }
0x350: {  	s0 =	sshra.s32 s0, $0x2;
	v56 =	vld [tilespmem:s3+$0xF500]  }
0x351: {  	s0 =	sadd.s32 s22, s0  }
0x352: {  	v57 =	vld [tilespmem:s0+$0xF500]  }
0x353: {  	v4 =	vmul.f32 v54, v0;
	v5 =	vmul.f32 v55, v1;
	_ =	sdelay $0x1  }
0x354: {  	v58 =	vmul.f32 v56, v2;
	v4 =	vadd.f32 v5, v4  }
0x355: {  	s24 =	sshrl.u32 s1, $0x3  }
0x356: {  	s0 =	sadd.s32 s9, s24;
	v59 =	vmul.f32 v57, v3;
	v4 =	vadd.f32 v58, v4  }
0x357: {  	s26 =	sadd.s32 $0x80, s11;
	s28 =	sadd.s32 $0x281, s23;
	s0 =	sshll.u32 s0, $0x7  }
0x358: {  	s4 =	sadd.s32 $0x1, s1;
	s3 =	sand.u32 $0x50, s26;
	s0 =	sand.u32 $0x3FFFFF80, s0;
	v4 =	vadd.f32 v59, v4  }
0x359: {  	s6 =	sand.u32 $0x1F80, s28;
	s8 =	sand.u32 $0x7E, s4;
	s0 =	sor.u32 s3, s0  }
0x35a: {  	s15 =	sor.u32 s8, s6;
	[tilespmem:s0+$0x19280] =	vst v4  }
0x35b: {  	v4 =	vld [tilespmem:s15+$0x800];
	_ =	sdelay $0x4  }
0x35c: {  	(v2sf) =	vpush v4, $0x0;
	_ =	sdelay $0xe  }
0x35d: {  	s0 =	spop (v2sf)  }
0x35e: {  	s18 =	sshll.u32 s0, $0x2;
	s24 =	sand.u32 $0x7F, s0;
	s26 =	sadd.s32 $0x10, s0  }
0x35f: {  	s3 =	sand.u32 $0xFFFFFE00, s18;
	s6 =	sshll.u32 s24, $0x2;
	s28 =	sand.u32 $0x7F, s26  }
0x360: {  	s8 =	sshll.u32 s26, $0x2;
	s26 =	sadd.s32 $0x20, s0;
	s0 =	sadd.s32 $0x30, s0  }
0x361: {  	s3 =	sor.u32 s6, s3;
	s18 =	sand.u32 $0xFFFFFE00, s8;
	s24 =	sshll.u32 s28, $0x2  }
0x362: {  	s28 =	sand.u32 $0x7F, s26;
	s8 =	sshll.u32 s26, $0x2;
	s3 =	sshra.s32 s3, $0x2  }
0x363: {  	s6 =	sor.u32 s24, s18;
	s8 =	sand.u32 $0xFFFFFE00, s8;
	s15 =	sshll.u32 s28, $0x2  }
0x364: {  	s18 =	sand.u32 $0x7F, s0;
	s3 =	sadd.s32 s22, s3;
	s6 =	sshra.s32 s6, $0x2  }
0x365: {  	s0 =	sshll.u32 s0, $0x2;
	s15 =	sor.u32 s15, s8;
	s6 =	sadd.s32 s22, s6;
	v60 =	vld [tilespmem:s3+$0xF580]  }
0x366: {  	s0 =	sand.u32 $0xFFFFFE00, s0;
	s24 =	sshll.u32 s18, $0x2;
	s3 =	sshra.s32 s15, $0x2;
	v61 =	vld [tilespmem:s6+$0xF580]  }
0x367: {  	s0 =	sor.u32 s24, s0;
	s3 =	sadd.s32 s22, s3  }
0x368: {  	s0 =	sshra.s32 s0, $0x2;
	v62 =	vld [tilespmem:s3+$0xF580]  }
0x369: {  	s0 =	sadd.s32 s22, s0  }
0x36a: {  	v63 =	vld [tilespmem:s0+$0xF580]  }
0x36b: {  	v4 =	vmul.f32 v60, v0;
	v5 =	vmul.f32 v61, v1;
	_ =	sdelay $0x1  }
0x36c: {  	v8 =	vmul.f32 v62, v2;
	v4 =	vadd.f32 v5, v4  }
0x36d: {  	s26 =	sshrl.u32 s4, $0x3  }
0x36e: {  	s0 =	sadd.s32 s9, s26;
	v9 =	vmul.f32 v63, v3;
	v4 =	vadd.f32 v8, v4  }
0x36f: {  	s28 =	sadd.s32 $0x90, s11;
	s0 =	sshll.u32 s0, $0x7  }
0x370: {  	s3 =	sand.u32 $0x60, s28;
	s0 =	sand.u32 $0x3FFFFF80, s0;
	v4 =	vadd.f32 v9, v4  }
0x371: {  	s0 =	sor.u32 s3, s0  }
0x372: {  	[tilespmem:s0+$0x19280] =	vst v4  }
0x373: {  	v4 =	vld [tilespmem:s25+$0xFFFFFFF8];
	_ =	sdelay $0x4  }
0x374: {  	(v2sf) =	vpush v4, $0x0;
	_ =	sdelay $0xe  }
0x375: {  	s0 =	spop (v2sf)  }
0x376: {  	s4 =	sshll.u32 s0, $0x2;
	s6 =	sand.u32 $0x7F, s0;
	s8 =	sadd.s32 $0x10, s0  }
0x377: {  	s26 =	sadd.s32 $0x20, s0;
	s0 =	sadd.s32 $0x30, s0;
	s3 =	sand.u32 $0xFFFFFE00, s4  }
0x378: {  	s4 =	sshll.u32 s6, $0x2;
	s15 =	sand.u32 $0x7F, s8;
	s6 =	sshll.u32 s8, $0x2  }
0x379: {  	s28 =	sand.u32 $0x7F, s26;
	s3 =	sor.u32 s4, s3;
	s18 =	sand.u32 $0xFFFFFE00, s6  }
0x37a: {  	s24 =	sshll.u32 s15, $0x2;
	s6 =	sshll.u32 s26, $0x2;
	s8 =	sshll.u32 s28, $0x2  }
0x37b: {  	s15 =	sand.u32 $0x7F, s0;
	s3 =	sshra.s32 s3, $0x2;
	s4 =	sor.u32 s24, s18  }
0x37c: {  	s6 =	sand.u32 $0xFFFFFE00, s6;
	s3 =	sadd.s32 s22, s3;
	s4 =	sshra.s32 s4, $0x2  }
0x37d: {  	s0 =	sshll.u32 s0, $0x2;
	s8 =	sor.u32 s8, s6;
	s4 =	sadd.s32 s22, s4;
	v10 =	vld [tilespmem:s3+$0xF600]  }
0x37e: {  	s0 =	sand.u32 $0xFFFFFE00, s0;
	s18 =	sshll.u32 s15, $0x2;
	s3 =	sshra.s32 s8, $0x2;
	v11 =	vld [tilespmem:s4+$0xF600]  }
0x37f: {  	s0 =	sor.u32 s18, s0;
	s3 =	sadd.s32 s22, s3  }
0x380: {  	s0 =	sshra.s32 s0, $0x2;
	v12 =	vld [tilespmem:s3+$0xF600]  }
0x381: {  	s0 =	sadd.s32 s22, s0  }
0x382: {  	v13 =	vld [tilespmem:s0+$0xF600]  }
0x383: {  	v4 =	vmul.f32 v10, v0;
	v5 =	vmul.f32 v11, v1;
	_ =	sdelay $0x1  }
0x384: {  	s24 =	sadd.s32 $0x2, s1;
	v14 =	vmul.f32 v12, v2;
	v4 =	vadd.f32 v5, v4  }
0x385: {  	s0 =	sshrl.u32 s24, $0x3  }
0x386: {  	s0 =	sadd.s32 s9, s0;
	v15 =	vmul.f32 v13, v3;
	v4 =	vadd.f32 v14, v4  }
0x387: {  	s26 =	sadd.s32 $0xA0, s11;
	s28 =	sadd.s32 $0x283, s23;
	s0 =	sshll.u32 s0, $0x7  }
0x388: {  	s4 =	sadd.s32 $0x3, s1;
	s3 =	sand.u32 $0x70, s26;
	s0 =	sand.u32 $0x3FFFFF80, s0;
	v4 =	vadd.f32 v15, v4  }
0x389: {  	s6 =	sand.u32 $0x1F80, s28;
	s8 =	sand.u32 $0x7C, s4;
	s0 =	sor.u32 s3, s0  }
0x38a: {  	s15 =	sor.u32 s8, s6;
	[tilespmem:s0+$0x19280] =	vst v4  }
0x38b: {  	v4 =	vld [tilespmem:s15+$0x800];
	_ =	sdelay $0x4  }
0x38c: {  	(v2sf) =	vpush v4, $0x0;
	_ =	sdelay $0xe  }
0x38d: {  	s0 =	spop (v2sf)  }
0x38e: {  	s18 =	sshll.u32 s0, $0x2;
	s24 =	sand.u32 $0x7F, s0;
	s26 =	sadd.s32 $0x10, s0  }
0x38f: {  	s3 =	sand.u32 $0xFFFFFE00, s18;
	s6 =	sshll.u32 s24, $0x2;
	s28 =	sand.u32 $0x7F, s26  }
0x390: {  	s8 =	sshll.u32 s26, $0x2;
	s26 =	sadd.s32 $0x20, s0;
	s0 =	sadd.s32 $0x30, s0  }
0x391: {  	s3 =	sor.u32 s6, s3;
	s18 =	sand.u32 $0xFFFFFE00, s8;
	s24 =	sshll.u32 s28, $0x2  }
0x392: {  	s28 =	sand.u32 $0x7F, s26;
	s8 =	sshll.u32 s26, $0x2;
	s3 =	sshra.s32 s3, $0x2  }
0x393: {  	s6 =	sor.u32 s24, s18;
	s8 =	sand.u32 $0xFFFFFE00, s8;
	s15 =	sshll.u32 s28, $0x2  }
0x394: {  	s3 =	sadd.s32 s22, s3;
	s6 =	sshra.s32 s6, $0x2;
	s8 =	sor.u32 s15, s8  }
0x395: {  	s15 =	sand.u32 $0x7F, s0;
	s0 =	sshll.u32 s0, $0x2;
	s6 =	sadd.s32 s22, s6;
	v16 =	vld [tilespmem:s3+$0xF680]  }
0x396: {  	s3 =	sshra.s32 s8, $0x2;
	s0 =	sand.u32 $0xFFFFFE00, s0;
	s18 =	sshll.u32 s15, $0x2;
	v17 =	vld [tilespmem:s6+$0xF680]  }
0x397: {  	s3 =	sadd.s32 s22, s3;
	s0 =	sor.u32 s18, s0  }
0x398: {  	v18 =	vld [tilespmem:s3+$0xF680];
	s0 =	sshra.s32 s0, $0x2  }
0x399: {  	s0 =	sadd.s32 s22, s0  }
0x39a: {  	v19 =	vld [tilespmem:s0+$0xF680]  }
0x39b: {  	v4 =	vmul.f32 v16, v0;
	v5 =	vmul.f32 v17, v1;
	_ =	sdelay $0x1  }
0x39c: {  	v20 =	vmul.f32 v18, v2;
	v4 =	vadd.f32 v5, v4  }
0x39d: {  	s24 =	sshrl.u32 s4, $0x3  }
0x39e: {  	s0 =	sadd.s32 s9, s24;
	v21 =	vmul.f32 v19, v3;
	v4 =	vadd.f32 v20, v4  }
0x39f: {  	s26 =	sadd.s32 $0xB0, s11;
	s4 =	sadd.s32 $0x4, s1;
	s0 =	sshll.u32 s0, $0x7  }
0x3a0: {  	s28 =	sadd.s32 $0x284, s23;
	s3 =	sand.u32 $0x40, s26;
	s0 =	sand.u32 $0x3FFFFF80, s0;
	v4 =	vadd.f32 v21, v4  }
0x3a1: {  	s8 =	sand.u32 $0x7D, s4;
	s6 =	sand.u32 $0x1F80, s28;
	s0 =	sor.u32 s3, s0  }
0x3a2: {  	s15 =	sor.u32 s8, s6;
	[tilespmem:s0+$0x19280] =	vst v4  }
0x3a3: {  	v4 =	vld [tilespmem:s15+$0x800];
	_ =	sdelay $0x4  }
0x3a4: {  	(v2sf) =	vpush v4, $0x0;
	_ =	sdelay $0xe  }
0x3a5: {  	s0 =	spop (v2sf)  }
0x3a6: {  	s18 =	sshll.u32 s0, $0x2;
	s24 =	sand.u32 $0x7F, s0;
	s26 =	sadd.s32 $0x10, s0  }
0x3a7: {  	s3 =	sand.u32 $0xFFFFFE00, s18;
	s6 =	sshll.u32 s24, $0x2;
	s28 =	sand.u32 $0x7F, s26  }
0x3a8: {  	s8 =	sshll.u32 s26, $0x2;
	s26 =	sadd.s32 $0x20, s0;
	s0 =	sadd.s32 $0x30, s0  }
0x3a9: {  	s3 =	sor.u32 s6, s3;
	s18 =	sand.u32 $0xFFFFFE00, s8;
	s24 =	sshll.u32 s28, $0x2  }
0x3aa: {  	s28 =	sand.u32 $0x7F, s26;
	s8 =	sshll.u32 s26, $0x2;
	s3 =	sshra.s32 s3, $0x2  }
0x3ab: {  	s6 =	sor.u32 s24, s18;
	s8 =	sand.u32 $0xFFFFFE00, s8;
	s15 =	sshll.u32 s28, $0x2  }
0x3ac: {  	s3 =	sadd.s32 s22, s3;
	s6 =	sshra.s32 s6, $0x2;
	s8 =	sor.u32 s15, s8  }
0x3ad: {  	s15 =	sand.u32 $0x7F, s0;
	s0 =	sshll.u32 s0, $0x2;
	s6 =	sadd.s32 s22, s6;
	v22 =	vld [tilespmem:s3+$0xF700]  }
0x3ae: {  	s3 =	sshra.s32 s8, $0x2;
	s0 =	sand.u32 $0xFFFFFE00, s0;
	s18 =	sshll.u32 s15, $0x2;
	v23 =	vld [tilespmem:s6+$0xF700]  }
0x3af: {  	s3 =	sadd.s32 s22, s3;
	s0 =	sor.u32 s18, s0  }
0x3b0: {  	v24 =	vld [tilespmem:s3+$0xF700];
	s0 =	sshra.s32 s0, $0x2  }
0x3b1: {  	s0 =	sadd.s32 s22, s0  }
0x3b2: {  	v25 =	vld [tilespmem:s0+$0xF700]  }
0x3b3: {  	v4 =	vmul.f32 v22, v0;
	v5 =	vmul.f32 v23, v1;
	_ =	sdelay $0x1  }
0x3b4: {  	v26 =	vmul.f32 v24, v2;
	v4 =	vadd.f32 v5, v4  }
0x3b5: {  	s24 =	sshrl.u32 s4, $0x3  }
0x3b6: {  	s0 =	sadd.s32 s9, s24;
	v27 =	vmul.f32 v25, v3;
	v4 =	vadd.f32 v26, v4  }
0x3b7: {  	s26 =	sadd.s32 $0xC0, s11;
	s4 =	sadd.s32 $0x5, s1;
	s0 =	sshll.u32 s0, $0x7  }
0x3b8: {  	s28 =	sadd.s32 $0x285, s23;
	s3 =	sand.u32 $0x50, s26;
	s0 =	sand.u32 $0x3FFFFF80, s0;
	v4 =	vadd.f32 v27, v4  }
0x3b9: {  	s8 =	sand.u32 $0x7E, s4;
	s6 =	sand.u32 $0x1F80, s28;
	s0 =	sor.u32 s3, s0  }
0x3ba: {  	s15 =	sor.u32 s8, s6;
	[tilespmem:s0+$0x19280] =	vst v4  }
0x3bb: {  	v4 =	vld [tilespmem:s15+$0x800];
	_ =	sdelay $0x4  }
0x3bc: {  	(v2sf) =	vpush v4, $0x0;
	_ =	sdelay $0xe  }
0x3bd: {  	s0 =	spop (v2sf)  }
0x3be: {  	s18 =	sshll.u32 s0, $0x2;
	s24 =	sand.u32 $0x7F, s0;
	s26 =	sadd.s32 $0x10, s0  }
0x3bf: {  	s3 =	sand.u32 $0xFFFFFE00, s18;
	s6 =	sshll.u32 s24, $0x2;
	s28 =	sand.u32 $0x7F, s26  }
0x3c0: {  	s8 =	sshll.u32 s26, $0x2;
	s26 =	sadd.s32 $0x20, s0;
	s0 =	sadd.s32 $0x30, s0  }
0x3c1: {  	s3 =	sor.u32 s6, s3;
	s18 =	sand.u32 $0xFFFFFE00, s8;
	s24 =	sshll.u32 s28, $0x2  }
0x3c2: {  	s28 =	sand.u32 $0x7F, s26;
	s8 =	sshll.u32 s26, $0x2;
	s3 =	sshra.s32 s3, $0x2  }
0x3c3: {  	s6 =	sor.u32 s24, s18;
	s8 =	sand.u32 $0xFFFFFE00, s8;
	s15 =	sshll.u32 s28, $0x2  }
0x3c4: {  	s18 =	sand.u32 $0x7F, s0;
	s3 =	sadd.s32 s22, s3;
	s6 =	sshra.s32 s6, $0x2  }
0x3c5: {  	s0 =	sshll.u32 s0, $0x2;
	s15 =	sor.u32 s15, s8;
	s6 =	sadd.s32 s22, s6;
	v28 =	vld [tilespmem:s3+$0xF780]  }
0x3c6: {  	s0 =	sand.u32 $0xFFFFFE00, s0;
	s24 =	sshll.u32 s18, $0x2;
	s3 =	sshra.s32 s15, $0x2;
	v29 =	vld [tilespmem:s6+$0xF780]  }
0x3c7: {  	s0 =	sor.u32 s24, s0;
	s3 =	sadd.s32 s22, s3  }
0x3c8: {  	s0 =	sshra.s32 s0, $0x2;
	v30 =	vld [tilespmem:s3+$0xF780]  }
0x3c9: {  	s0 =	sadd.s32 s22, s0  }
0x3ca: {  	v31 =	vld [tilespmem:s0+$0xF780]  }
0x3cb: {  	v4 =	vmul.f32 v28, v0;
	v5 =	vmul.f32 v29, v1;
	_ =	sdelay $0x1  }
0x3cc: {  	v32 =	vmul.f32 v30, v2;
	v4 =	vadd.f32 v5, v4  }
0x3cd: {  	s26 =	sshrl.u32 s4, $0x3  }
0x3ce: {  	s0 =	sadd.s32 s9, s26;
	v33 =	vmul.f32 v31, v3;
	v4 =	vadd.f32 v32, v4  }
0x3cf: {  	s28 =	sadd.s32 $0xD0, s11;
	s0 =	sshll.u32 s0, $0x7  }
0x3d0: {  	s3 =	sand.u32 $0x60, s28;
	s0 =	sand.u32 $0x3FFFFF80, s0;
	v4 =	vadd.f32 v33, v4  }
0x3d1: {  	s0 =	sor.u32 s3, s0  }
0x3d2: {  	[tilespmem:s0+$0x19280] =	vst v4  }
0x3d3: {  	v4 =	vld [tilespmem:s25+$0xFFFFFFFC];
	_ =	sdelay $0x4  }
0x3d4: {  	(v2sf) =	vpush v4, $0x0;
	_ =	sdelay $0xe  }
0x3d5: {  	s0 =	spop (v2sf)  }
0x3d6: {  	s4 =	sshll.u32 s0, $0x2;
	s6 =	sand.u32 $0x7F, s0;
	s8 =	sadd.s32 $0x10, s0  }
0x3d7: {  	s26 =	sadd.s32 $0x20, s0;
	s0 =	sadd.s32 $0x30, s0;
	s3 =	sand.u32 $0xFFFFFE00, s4  }
0x3d8: {  	s4 =	sshll.u32 s6, $0x2;
	s15 =	sand.u32 $0x7F, s8;
	s6 =	sshll.u32 s8, $0x2  }
0x3d9: {  	s28 =	sand.u32 $0x7F, s26;
	s3 =	sor.u32 s4, s3;
	s18 =	sand.u32 $0xFFFFFE00, s6  }
0x3da: {  	s24 =	sshll.u32 s15, $0x2;
	s6 =	sshll.u32 s26, $0x2;
	s8 =	sshll.u32 s28, $0x2  }
0x3db: {  	s15 =	sand.u32 $0x7F, s0;
	s3 =	sshra.s32 s3, $0x2;
	s4 =	sor.u32 s24, s18  }
0x3dc: {  	s6 =	sand.u32 $0xFFFFFE00, s6;
	s3 =	sadd.s32 s22, s3;
	s4 =	sshra.s32 s4, $0x2  }
0x3dd: {  	s0 =	sshll.u32 s0, $0x2;
	s8 =	sor.u32 s8, s6;
	s4 =	sadd.s32 s22, s4;
	v34 =	vld [tilespmem:s3+$0xF800]  }
0x3de: {  	s0 =	sand.u32 $0xFFFFFE00, s0;
	s18 =	sshll.u32 s15, $0x2;
	s3 =	sshra.s32 s8, $0x2;
	v35 =	vld [tilespmem:s4+$0xF800]  }
0x3df: {  	s0 =	sor.u32 s18, s0;
	s3 =	sadd.s32 s22, s3  }
0x3e0: {  	s0 =	sshra.s32 s0, $0x2;
	v36 =	vld [tilespmem:s3+$0xF800]  }
0x3e1: {  	s0 =	sadd.s32 s22, s0  }
0x3e2: {  	v37 =	vld [tilespmem:s0+$0xF800]  }
0x3e3: {  	v4 =	vmul.f32 v34, v0;
	v5 =	vmul.f32 v35, v1;
	_ =	sdelay $0x1  }
0x3e4: {  	s24 =	sadd.s32 $0x6, s1;
	v38 =	vmul.f32 v36, v2;
	v4 =	vadd.f32 v5, v4  }
0x3e5: {  	s0 =	sshrl.u32 s24, $0x3  }
0x3e6: {  	s0 =	sadd.s32 s9, s0;
	v39 =	vmul.f32 v37, v3;
	v4 =	vadd.f32 v38, v4  }
0x3e7: {  	s26 =	sadd.s32 $0xE0, s11;
	s28 =	sadd.s32 $0x287, s23;
	s0 =	sshll.u32 s0, $0x7  }
0x3e8: {  	s4 =	sadd.s32 $0x7, s1;
	s3 =	sand.u32 $0x70, s26;
	s0 =	sand.u32 $0x3FFFFF80, s0;
	v4 =	vadd.f32 v39, v4  }
0x3e9: {  	s6 =	sand.u32 $0x1F80, s28;
	s8 =	sand.u32 $0x7C, s4;
	s0 =	sor.u32 s3, s0  }
0x3ea: {  	s15 =	sor.u32 s8, s6;
	[tilespmem:s0+$0x19280] =	vst v4  }
0x3eb: {  	v4 =	vld [tilespmem:s15+$0x800];
	_ =	sdelay $0x4  }
0x3ec: {  	(v2sf) =	vpush v4, $0x0;
	_ =	sdelay $0xe  }
0x3ed: {  	s0 =	spop (v2sf)  }
0x3ee: {  	s18 =	sshll.u32 s0, $0x2;
	s24 =	sand.u32 $0x7F, s0;
	s26 =	sadd.s32 $0x10, s0  }
0x3ef: {  	s3 =	sand.u32 $0xFFFFFE00, s18;
	s6 =	sshll.u32 s24, $0x2;
	s28 =	sand.u32 $0x7F, s26  }
0x3f0: {  	s8 =	sshll.u32 s26, $0x2;
	s26 =	sadd.s32 $0x20, s0;
	s0 =	sadd.s32 $0x30, s0  }
0x3f1: {  	s3 =	sor.u32 s6, s3;
	s18 =	sand.u32 $0xFFFFFE00, s8;
	s24 =	sshll.u32 s28, $0x2  }
0x3f2: {  	s28 =	sand.u32 $0x7F, s26;
	s8 =	sshll.u32 s26, $0x2;
	s3 =	sshra.s32 s3, $0x2  }
0x3f3: {  	s6 =	sor.u32 s24, s18;
	s8 =	sand.u32 $0xFFFFFE00, s8;
	s15 =	sshll.u32 s28, $0x2  }
0x3f4: {  	s18 =	sand.u32 $0x7F, s0;
	s3 =	sadd.s32 s22, s3;
	s6 =	sshra.s32 s6, $0x2  }
0x3f5: {  	s0 =	sshll.u32 s0, $0x2;
	s15 =	sor.u32 s15, s8;
	s6 =	sadd.s32 s22, s6;
	v40 =	vld [tilespmem:s3+$0xF880]  }
0x3f6: {  	s0 =	sand.u32 $0xFFFFFE00, s0;
	s24 =	sshll.u32 s18, $0x2;
	s3 =	sshra.s32 s15, $0x2;
	v41 =	vld [tilespmem:s6+$0xF880]  }
0x3f7: {  	s0 =	sor.u32 s24, s0;
	s3 =	sadd.s32 s22, s3  }
0x3f8: {  	s0 =	sshra.s32 s0, $0x2;
	v42 =	vld [tilespmem:s3+$0xF880]  }
0x3f9: {  	s0 =	sadd.s32 s22, s0  }
0x3fa: {  	v43 =	vld [tilespmem:s0+$0xF880]  }
0x3fb: {  	v4 =	vmul.f32 v40, v0;
	v5 =	vmul.f32 v41, v1;
	_ =	sdelay $0x1  }
0x3fc: {  	v44 =	vmul.f32 v42, v2;
	v4 =	vadd.f32 v5, v4  }
0x3fd: {  	s26 =	sshrl.u32 s4, $0x3  }
0x3fe: {  	s0 =	sadd.s32 s9, s26;
	v45 =	vmul.f32 v43, v3;
	v4 =	vadd.f32 v44, v4  }
0x3ff: {  	s0 =	sshll.u32 s0, $0x7  }
0x400: {  	s28 =	sadd.s32 $0x288, s23;
	s3 =	sadd.s32 $0x8, s1;
	s0 =	sand.u32 $0x3FFFFF80, s0;
	v4 =	vadd.f32 v45, v4  }
0x401: {  	s6 =	sand.u32 $0x1F80, s28;
	s8 =	sand.u32 $0x7D, s3;
	s0 =	sor.u32 s2, s0  }
0x402: {  	s15 =	sor.u32 s8, s6;
	[tilespmem:s0+$0x19280] =	vst v4  }
0x403: {  	v4 =	vld [tilespmem:s15+$0x800];
	_ =	sdelay $0x4  }
0x404: {  	(v2sf) =	vpush v4, $0x0;
	_ =	sdelay $0xe  }
0x405: {  	s0 =	spop (v2sf)  }
0x406: {  	s18 =	sshll.u32 s0, $0x2;
	s24 =	sand.u32 $0x7F, s0;
	s26 =	sadd.s32 $0x10, s0  }
0x407: {  	s15 =	sadd.s32 $0x20, s0;
	s0 =	sadd.s32 $0x30, s0;
	s2 =	sand.u32 $0xFFFFFE00, s18  }
0x408: {  	s4 =	sshll.u32 s24, $0x2;
	s28 =	sand.u32 $0x7F, s26;
	s6 =	sshll.u32 s26, $0x2  }
0x409: {  	s18 =	sand.u32 $0x7F, s15;
	s26 =	sand.u32 $0x7F, s0;
	s2 =	sor.u32 s4, s2  }
0x40a: {  	s6 =	sand.u32 $0xFFFFFE00, s6;
	s8 =	sshll.u32 s28, $0x2;
	s2 =	sshra.s32 s2, $0x2  }
0x40b: {  	s4 =	sor.u32 s8, s6;
	s6 =	sshll.u32 s15, $0x2;
	s8 =	sshll.u32 s18, $0x2  }
0x40c: {  	s2 =	sadd.s32 s22, s2;
	s4 =	sshra.s32 s4, $0x2;
	s6 =	sand.u32 $0xFFFFFE00, s6  }
0x40d: {  	s0 =	sshll.u32 s0, $0x2;
	s4 =	sadd.s32 s22, s4;
	v46 =	vld [tilespmem:s2+$0xF900];
	s24 =	sor.u32 s8, s6  }
0x40e: {  	s0 =	sand.u32 $0xFFFFFE00, s0;
	s28 =	sshll.u32 s26, $0x2;
	v47 =	vld [tilespmem:s4+$0xF900];
	s2 =	sshra.s32 s24, $0x2  }
0x40f: {  	s0 =	sor.u32 s28, s0;
	s2 =	sadd.s32 s22, s2  }
0x410: {  	s0 =	sshra.s32 s0, $0x2;
	v48 =	vld [tilespmem:s2+$0xF900]  }
0x411: {  	s0 =	sadd.s32 s22, s0  }
0x412: {  	v49 =	vld [tilespmem:s0+$0xF900]  }
0x413: {  	v4 =	vmul.f32 v46, v0;
	v5 =	vmul.f32 v47, v1;
	_ =	sdelay $0x1  }
0x414: {  	v4 =	vadd.f32 v5, v4;
	v50 =	vmul.f32 v48, v2  }
0x415: {  	s3 =	sshrl.u32 s3, $0x3  }
0x416: {  	s0 =	sadd.s32 s9, s3;
	v51 =	vmul.f32 v49, v3;
	v4 =	vadd.f32 v50, v4  }
0x417: {  	s6 =	sadd.s32 $0x289, s23;
	s4 =	sadd.s32 $0x100, s11;
	s0 =	sshll.u32 s0, $0x7  }
0x418: {  	s3 =	sadd.s32 $0x9, s1;
	s2 =	sand.u32 $0x50, s4;
	s0 =	sand.u32 $0x3FFFFF80, s0;
	v4 =	vadd.f32 v51, v4  }
0x419: {  	s8 =	sand.u32 $0x1F80, s6;
	s15 =	sand.u32 $0x7E, s3;
	s0 =	sor.u32 s2, s0  }
0x41a: {  	s18 =	sor.u32 s15, s8;
	[tilespmem:s0+$0x19280] =	vst v4  }
0x41b: {  	v4 =	vld [tilespmem:s18+$0x800];
	_ =	sdelay $0x4  }
0x41c: {  	(v2sf) =	vpush v4, $0x0;
	_ =	sdelay $0xe  }
0x41d: {  	s0 =	spop (v2sf)  }
0x41e: {  	s23 =	sshll.u32 s0, $0x2;
	s24 =	sand.u32 $0x7F, s0;
	s26 =	sadd.s32 $0x10, s0  }
0x41f: {  	s2 =	sand.u32 $0xFFFFFE00, s23;
	s4 =	sshll.u32 s24, $0x2;
	s28 =	sand.u32 $0x7F, s26  }
0x420: {  	s6 =	sshll.u32 s26, $0x2;
	s23 =	sadd.s32 $0x20, s0;
	s0 =	sadd.s32 $0x30, s0  }
0x421: {  	s2 =	sor.u32 s4, s2;
	s15 =	sand.u32 $0xFFFFFE00, s6;
	s18 =	sshll.u32 s28, $0x2  }
0x422: {  	s24 =	sand.u32 $0x7F, s23;
	s6 =	sshll.u32 s23, $0x2;
	s28 =	sand.u32 $0x7F, s0  }
0x423: {  	s2 =	sshra.s32 s2, $0x2;
	s4 =	sor.u32 s18, s15;
	s6 =	sand.u32 $0xFFFFFE00, s6  }
0x424: {  	s8 =	sshll.u32 s24, $0x2;
	s2 =	sadd.s32 s22, s2;
	s4 =	sshra.s32 s4, $0x2  }
0x425: {  	s0 =	sshll.u32 s0, $0x2;
	s26 =	sor.u32 s8, s6;
	s4 =	sadd.s32 s22, s4;
	v52 =	vld [tilespmem:s2+$0xF980]  }
0x426: {  	s0 =	sand.u32 $0xFFFFFE00, s0;
	s6 =	sshll.u32 s28, $0x2;
	s2 =	sshra.s32 s26, $0x2;
	v53 =	vld [tilespmem:s4+$0xF980]  }
0x427: {  	s0 =	sor.u32 s6, s0;
	s2 =	sadd.s32 s22, s2  }
0x428: {  	s0 =	sshra.s32 s0, $0x2;
	v54 =	vld [tilespmem:s2+$0xF980]  }
0x429: {  	s0 =	sadd.s32 s22, s0  }
0x42a: {  	v55 =	vld [tilespmem:s0+$0xF980]  }
0x42b: {  	v4 =	vmul.f32 v52, v0;
	v5 =	vmul.f32 v53, v1;
	_ =	sdelay $0x1  }
0x42c: {  	v56 =	vmul.f32 v54, v2;
	v4 =	vadd.f32 v5, v4  }
0x42d: {  	s8 =	sshrl.u32 s3, $0x3  }
0x42e: {  	s0 =	sadd.s32 s9, s8;
	v57 =	vmul.f32 v55, v3;
	v4 =	vadd.f32 v56, v4  }
0x42f: {  	s15 =	sadd.s32 $0x110, s11;
	s0 =	sshll.u32 s0, $0x7  }
0x430: {  	s2 =	sand.u32 $0x60, s15;
	s0 =	sand.u32 $0x3FFFFF80, s0;
	v4 =	vadd.f32 v57, v4  }
0x431: {  	s0 =	sor.u32 s2, s0  }
0x432: {  	[tilespmem:s0+$0x19280] =	vst v4  }
0x433: {  	v4 =	vld [tilespmem:s25+$0x0];
	_ =	sdelay $0x4  }
0x434: {  	(v2sf) =	vpush v4, $0x0;
	_ =	sdelay $0xe  }
0x435: {  	s18 =	spop (v2sf)  }
0x436: {  	s23 =	sshll.u32 s18, $0x2;
	s24 =	sand.u32 $0x7F, s18;
	s26 =	sadd.s32 $0x10, s18  }
0x437: {  	s8 =	sadd.s32 $0x20, s18;
	s0 =	sadd.s32 $0x30, s18;
	s2 =	sand.u32 $0xFFFFFE00, s23  }
0x438: {  	s3 =	sshll.u32 s24, $0x2;
	s28 =	sand.u32 $0x7F, s26;
	s4 =	sshll.u32 s26, $0x2  }
0x439: {  	s15 =	sand.u32 $0x7F, s8;
	s23 =	sand.u32 $0x7F, s0;
	s2 =	sor.u32 s3, s2  }
0x43a: {  	s4 =	sand.u32 $0xFFFFFE00, s4;
	s6 =	sshll.u32 s28, $0x2;
	s2 =	sshra.s32 s2, $0x2  }
0x43b: {  	s3 =	sor.u32 s6, s4;
	s4 =	sshll.u32 s8, $0x2;
	s6 =	sshll.u32 s15, $0x2  }
0x43c: {  	s2 =	sadd.s32 s22, s2;
	s3 =	sshra.s32 s3, $0x2;
	s4 =	sand.u32 $0xFFFFFE00, s4  }
0x43d: {  	s0 =	sshll.u32 s0, $0x2;
	s3 =	sadd.s32 s22, s3;
	v58 =	vld [tilespmem:s2+$0xFA00];
	s18 =	sor.u32 s6, s4  }
0x43e: {  	s0 =	sand.u32 $0xFFFFFE00, s0;
	s24 =	sshll.u32 s23, $0x2;
	v59 =	vld [tilespmem:s3+$0xFA00];
	s2 =	sshra.s32 s18, $0x2  }
0x43f: {  	s0 =	sor.u32 s24, s0;
	s2 =	sadd.s32 s22, s2  }
0x440: {  	s0 =	sshra.s32 s0, $0x2;
	v60 =	vld [tilespmem:s2+$0xFA00]  }
0x441: {  	s0 =	sadd.s32 s22, s0  }
0x442: {  	v61 =	vld [tilespmem:s0+$0xFA00]  }
0x443: {  	v0 =	vmul.f32 v58, v0;
	v1 =	vmul.f32 v59, v1;
	_ =	sdelay $0x1  }
0x444: {  	s26 =	sadd.s32 $0xA, s1;
	v0 =	vadd.f32 v1, v0;
	v62 =	vmul.f32 v60, v2  }
0x445: {  	p2 =	sne.s32 s21, $0x1E000;
	s0 =	sshrl.u32 s26, $0x3  }
.Ltmp1:
0x446: {  	s12 =	sadd.s32 $0x200, s12;
	s0 =	sadd.s32 s9, s0;
	v63 =	vmul.f32 v61, v3;
	v0 =	vadd.f32 v62, v0;
	(pc) =	sbr.rel @p2 .LBB2_5-.Ltmp1, $4  }
0x447: {  	s20 =	sadd.s32 $0x1, s20;
	s28 =	sadd.s32 $0x120, s11;
	s0 =	sshll.u32 s0, $0x7  }
0x448: {  	s19 =	sadd.s32 $0x10, s19;
	s2 =	sand.u32 $0x70, s28;
	s0 =	sand.u32 $0x3FFFFF80, s0;
	v0 =	vadd.f32 v63, v0  }
0x449: {  	s21 =	sadd.s32 $0x2800, s21;
	s16 =	sadd.s32 $0x40, s16;
	s0 =	sor.u32 s2, s0  }
0x44a: {  	s25 =	sadd.s32 $0x14, s25;
	s1 =	sadd.s32 $0x14, s1;
	s11 =	sadd.s32 $0x140, s11;
	[tilespmem:s0+$0x19280] =	vst v0  }
0x44b: {  	s0 =	smul.u32 $0xA000, s13;
	s1 =	rddreg [dreg:$0xc]  }
0x44c: {  	s2 =	rddreg [dreg:$0x5];
	s1 =	smul.u32 $0x500, s1  }
0x44d: {  	s6 =	simm.s32 $0x0;
	p2 =	sne.s32 @!p1 s10, $0x10;
	s0 =	sshrl.u32 s0, $0x2  }
0x44e: {  	p2 =	por p1, !p2;
	s0 =	sadd.s32 $0x19280, s0;
	s1 =	sadd.s32 s2, s1  }
0x44f: {  	[hbm4b:s1+s6] =	stream.linear.scatter [tilespmem:s0], [sflag:$0x3], $0x2800, $0x38;
	[tilespmem:$0x1E280] =	vst v63  }
.Ltmp2:
0x450: {  	_ = 	snop;
	(pc) =	sbr.rel @!p2 .LBB2_2-.Ltmp2, $4  }
0x451: {  	s0 =	simm.s32 @!p1 $0x2  }
0x452: {  	s31 =	sadd.s32 @!p1 $0xFFFB0000, s31;
	p0 =	por @!p1 !p0, !p0;
	_ =	swait.ge @!p1 [sflag:s0], $0x500  }
0x453: {  	s30 =	sadd.s32 @!p1 $0x20, s30;
	s17 =	sadd.s32 @!p1 $0x80, s17;
	[sflag:s0] =	ssyncset.done @!p1 $0x0  }
0x454: {  	s29 =	sadd.s32 @!p1 $0x80, s29;
	s1 =	smov.u32 s10;
	[sflag:s0] =	ssyncadd.s32 @!p1 $0xFFFFFB00  }
0x455: {  	s0 =	simm.s32 $0x3  }
0x456: {  	_ =	swait.ge [sflag:s0], $0x2800  }
0x457: {  	[sflag:s0] =	ssyncset.done $0x0  }
0x458: {  	[sflag:s0] =	ssyncadd.s32 $0xFFFFD800  }
0x459: {  	_ =	swait.ge [sflag:s0], $0x2800  }
0x45a: {  	[sflag:s0] =	ssyncset.done $0x0  }
0x45b: {  	s1 =	simm.s32 $0x17280;
	s29 =	rddreg [dreg:$0x9];
	[sflag:s0] =	ssyncadd.s32 $0xFFFFD800  }
0x45c: {  	[hbm4b:s29+s6] =	stream.linear.scatter [tilespmem:s1], [sflag:$0x1], $0x2000, $0x38;
	[tilespmem:$0x1E280] =	vst v63  }
0x45d: {  	_ =	swait.ge [sflag:s14], $0x2000  }
0x45e: {  	s30 =	rddreg [dreg:$0xb]  }
0x45f: {  	s31 =	rddreg [dreg:$0xa];
	s1 =	sadd.s32 $0x1, s30  }
0x460: {  	p0 =	sne.s32 s1, s31  }
.Ltmp3:
0x461: {  	_ = 	snop;
	(pc) =	sbr.rel @p0 .LBB2_1-.Ltmp3, $3  }
0x462: {  	_ =	sdelay $0x1  }
0x463: {  	[sflag:s14] =	ssyncset.done $0x0  }
0x464: {  	[sflag:s14] =	ssyncadd.s32 $0xFFFFE000  }
0x465: {  	_ =	sfence.sel $0x180000  }
0x466: {  	[bflag:$0x0] =	sbarrier.arrive $0xFFFF  }
0x467: {  	_ =	strace $0x90000047  }
0x468: {  	s0 =	stileid.u32;
	[bflag:$0x2] =	sbarrier.arrive $0xFFFF  }
0x469: {  	p0 =	sne.s32 s0, $0x0;
	s0 =	rddreg [dreg:$0x1]  }
0x46a: {  	s0 =	sadd.s32 @!p0 $0x100000, s0  }
0x46b: {  	[sflag:s0] =	ssyncadd.tile.s32 @!p0 $0x1;
	_ =	shalt  }
.Lfunc_end2:
_tile_overlayer_lowered:
.L_overlay_start_2:
0x46c: {  	(tag) =	ssettag $0x2  }
0x46d: {  	s0 =	rddreg [dreg:$0x0];
	s2 =	stileid.u32  }
0x46e: {  	s1 =	rddreg [dreg:$0x1];
	p0 =	sne.s32 s2, $0x0  }
0x46f: {  	s3 =	rddreg [dreg:$0x2];
	[bflag:$0x3] =	sbarrier.arrive $0xFFFF;
	s2 =	simm.s32 @!p0 $0x1C04  }
0x470: {  	[timem:s3], [sflag:s2] =	dma.local @!p0 [hbm:s0], s1  }
0x471: {  	s0 =	simm.s32 @!p0 $0x4  }
0x472: {  	_ =	swait.ge @!p0 [sflag:s0], s1  }
0x473: {  	s1 =	ssub.s32 @!p0 $0x0, s1;
	[sflag:s0] =	ssyncset.done @!p0 $0x0  }
0x474: {  	[sflag:s0] =	ssyncadd.s32 @!p0 s1  }
0x475: {  	[bflag:$0x3] =	sbarrier.arrive $0xFFFF  }
0x476: {  	_ =	shalt  }

</sc_bundles>
